<compile_context>
chip_gen: v7x
topology: tpu7x:2x2x1
jax: 0.10.2.dev20260603
libtpu: 0.0.44.dev20260713+nightly
codegen_flags: <defaults>
</compile_context>

<pallas_src>
import functools

import jax
import jax.numpy as jnp
from jax import lax
from jax.experimental import pallas as pl
from jax.experimental.pallas import tpu as pltpu
from jax.experimental.pallas import tpu_sc as plsc

FEAT = 128
EMBED = 128
NSAMP = 10

NC = 2
NSUB = 16
B_PAD = 51200
CHUNK = 32
CH_SID = 100
K0 = 76
KMAX = 76
NIDX = CHUNK * NSAMP

_SC_MESH = plsc.VectorSubcoreMesh(core_axis_name="c", subcore_axis_name="s")


def _sc_body(feat, nodes, neigh, self_out, sum_out,
             self_idx, neigh_idx, self_rows, neigh_rows, sum_rows,
             gsem, ssem):
    cid = lax.axis_index("c")
    sid = lax.axis_index("s")
    n_ch = jnp.where(cid == 0, K0, CH_SID - K0)
    start = jnp.where(cid == 0, 0, K0)
    base = pl.multiple_of((sid * CH_SID + start) * CHUNK, 8)

    pltpu.sync_copy(nodes.at[pl.ds(base, KMAX * CHUNK)], self_idx)
    pltpu.sync_copy(neigh.at[pl.ds(base * NSAMP, KMAX * NIDX)], neigh_idx)

    def issue_gather(c, s):
        coff = pl.multiple_of(c * CHUNK, 8)
        noff = pl.multiple_of(c * NIDX, 8)
        pltpu.async_copy(feat.at[self_idx.at[pl.ds(coff, CHUNK)]],
                         self_rows.at[s], gsem.at[s])
        pltpu.async_copy(feat.at[neigh_idx.at[pl.ds(noff, 128)]],
                         neigh_rows.at[s, pl.ds(0, 128)], gsem.at[s])
        pltpu.async_copy(feat.at[neigh_idx.at[pl.ds(noff + 128, 128)]],
                         neigh_rows.at[s, pl.ds(128, 128)], gsem.at[s])
        pltpu.async_copy(feat.at[neigh_idx.at[pl.ds(noff + 256, 64)]],
                         neigh_rows.at[s, pl.ds(256, 64)], gsem.at[s])

    def wait_gather(s):
        pltpu.make_async_copy(feat.at[pl.ds(0, NIDX)], neigh_rows.at[s],
                              gsem.at[s]).wait()
        pltpu.make_async_copy(feat.at[pl.ds(0, CHUNK)], self_rows.at[s],
                              gsem.at[s]).wait()

    def compute(s):
        def elem_body(e, carry2):
            rb = e * NSAMP
            for v in range(FEAT // 16):
                sl = pl.ds(v * 16, 16)
                r = [neigh_rows[s, rb + j, sl] for j in range(NSAMP)]
                t01, t23 = r[0] + r[1], r[2] + r[3]
                t45, t67 = r[4] + r[5], r[6] + r[7]
                t89 = r[8] + r[9]
                sum_rows[s, e, sl] = ((t01 + t23) + (t45 + t67)) + t89
            return carry2

        lax.fori_loop(0, CHUNK, elem_body, 0)

    def issue_scatter(c, s):
        off = pl.multiple_of(base + c * CHUNK, 8)
        pltpu.async_copy(self_rows.at[s], self_out.at[pl.ds(off, CHUNK)],
                         ssem.at[s])
        pltpu.async_copy(sum_rows.at[s], sum_out.at[pl.ds(off, CHUNK)],
                         ssem.at[s])

    def wait_scatter(s):
        pltpu.make_async_copy(self_rows.at[s], self_out.at[pl.ds(0, CHUNK)],
                              ssem.at[s]).wait()
        pltpu.make_async_copy(sum_rows.at[s], sum_out.at[pl.ds(0, CHUNK)],
                              ssem.at[s]).wait()

    n_pair = n_ch // 2
    issue_gather(0, 0)

    def pair_body(t, carry):
        c0 = t * 2

        @pl.when(t > 0)
        def _():
            wait_scatter(1)

        issue_gather(c0 + 1, 1)
        wait_gather(0)
        compute(0)
        issue_scatter(c0, 0)
        wait_gather(1)

        @pl.when(t < n_pair - 1)
        def _():
            wait_scatter(0)
            issue_gather(c0 + 2, 0)

        compute(1)
        issue_scatter(c0 + 1, 1)
        return carry

    lax.fori_loop(0, n_pair, pair_body, 0)
    wait_scatter(0)
    wait_scatter(1)


@functools.partial(
    pl.kernel,
    out_type=(jax.ShapeDtypeStruct((B_PAD, FEAT), jnp.float32),
              jax.ShapeDtypeStruct((B_PAD, FEAT), jnp.float32)),
    mesh=_SC_MESH,
    scratch_types=[
        pltpu.VMEM((KMAX * CHUNK,), jnp.int32),
        pltpu.VMEM((KMAX * NIDX,), jnp.int32),
        pltpu.VMEM((2, CHUNK, FEAT), jnp.float32),
        pltpu.VMEM((2, NIDX, FEAT), jnp.float32),
        pltpu.VMEM((2, CHUNK, FEAT), jnp.float32),
        pltpu.SemaphoreType.DMA((2,)),
        pltpu.SemaphoreType.DMA((2,)),
    ],
)
def _sc_gather(feat, nodes, neigh, self_out, sum_out,
               self_idx, neigh_idx, self_rows, neigh_rows, sum_rows,
               gsem, ssem):
    _sc_body(feat, nodes, neigh, self_out, sum_out,
             self_idx, neigh_idx, self_rows, neigh_rows, sum_rows,
             gsem, ssem)


def _tc_matmul_body(w1_ref, w2_ref, s_ref, n_ref, o_ref):
    a = lax.dot_general(w1_ref[...], s_ref[...], (((1,), (1,)), ((), ())),
                        preferred_element_type=jnp.float32)
    b = lax.dot_general(w2_ref[...], n_ref[...], (((1,), (1,)), ((), ())),
                        preferred_element_type=jnp.float32)
    o_ref[...] = jnp.maximum(a + b, 0.0)


def _tc_matmul(w1, w2, self_rows, sum_rows, b_out, tb):
    nb = pl.cdiv(b_out, tb)
    return pl.pallas_call(
        _tc_matmul_body,
        grid=(nb,),
        in_specs=[
            pl.BlockSpec((EMBED, FEAT), lambda i: (0, 0)),
            pl.BlockSpec((EMBED, FEAT), lambda i: (0, 0)),
            pl.BlockSpec((tb, FEAT), lambda i: (i, 0)),
            pl.BlockSpec((tb, FEAT), lambda i: (i, 0)),
        ],
        out_specs=pl.BlockSpec((EMBED, tb), lambda i: (0, i)),
        out_shape=jax.ShapeDtypeStruct((EMBED, b_out), jnp.float32),
    )(w1, w2, self_rows, sum_rows)


def kernel(nodes, neigh_idx, features, weight):
    b = nodes.shape[0]
    pad = B_PAD - b
    slack = KMAX * CHUNK
    nodes_p = jnp.concatenate([nodes, jnp.zeros((pad + slack,), jnp.int32)])
    neigh_p = jnp.concatenate(
        [neigh_idx.reshape(-1),
         jnp.zeros(((pad + slack) * NSAMP,), jnp.int32)])
    self_rows, sum_rows = _sc_gather(features, nodes_p, neigh_p)
    w1 = weight[:, :FEAT]
    w2 = weight[:, FEAT:] * (1.0 / NSAMP)
    return _tc_matmul(w1, w2, self_rows, sum_rows, b, 1024)

# --- scband reference (transcript-rebuilt; emitter-appended) ---
"""Pipeline reference for scband-encoder-36103495090679 (READ-ONLY COPY).

The authoritative reference and input builder live on the scoring server;
editing this copy changes nothing except your own understanding.
"""

import jax, jax.numpy as jnp
import numpy as np

N_NODES = 100000
FEAT_DIM = 128
EMBED_DIM = 128
BATCH = 50000
NUM_SAMPLE = 10


def setup_inputs(seed: int = 0) -> dict:
    key = jax.random.key(seed)
    k1, k2, k3, k4 = jax.random.split(key, 4)
    # forward args
    nodes = jax.random.randint(k1, (BATCH,), 0, N_NODES, dtype=jnp.int32)
    # adj_lists + aggregator neighbor sampling materialized as a fixed
    # [BATCH, NUM_SAMPLE] table of sampled neighbor ids (constants w.r.t. grad)
    neigh_idx = jax.random.randint(k2, (BATCH, NUM_SAMPLE), 0, N_NODES, dtype=jnp.int32)
    # learned parameters
    features = jax.random.normal(k3, (N_NODES, FEAT_DIM), dtype=jnp.float32)
    # xavier_uniform for weight[EMBED_DIM, 2*FEAT_DIM]
    fan_in = 2 * FEAT_DIM
    fan_out = EMBED_DIM
    bound = float(np.sqrt(6.0 / (fan_in + fan_out)))
    weight = jax.random.uniform(k4, (EMBED_DIM, 2 * FEAT_DIM), dtype=jnp.float32,
                                minval=-bound, maxval=bound)
    return {"nodes": nodes, "neigh_idx": neigh_idx, "features": features, "weight": weight}


def reference(nodes, neigh_idx, features, weight):
    # aggregator.forward: mean of sampled neighbor features (MeanAggregator)
    neigh_feats = jnp.take(features, neigh_idx, axis=0).mean(axis=1)  # [B, FEAT_DIM]
    # self features: embedding lookup features(nodes)
    self_feats = jnp.take(features, nodes, axis=0)  # [B, FEAT_DIM]
    combined = jnp.concatenate([self_feats, neigh_feats], axis=1)  # [B, 2*FEAT_DIM]
    # dropout is identity in eval mode
    out = jax.nn.relu(weight @ combined.T)  # [EMBED_DIM, B]
    return out

if __name__ == "__main__":
    import jax
    _d = setup_inputs()
    print(jax.jit(kernel)(*tuple(_d.values())))

</pallas_src>

<mosaic_0001>
#map = affine_map<(d0, d1) -> (0, 0)>
#map1 = affine_map<(d0, d1) -> (0)>
module attributes {stable_mosaic.version = 14 : i64} {
  func.func @_sc_gather(%arg0: i32, %arg1: i32, %arg2: memref<100000x128xf32, #tpu.memory_space<hbm>>, %arg3: memref<53632xi32, #tpu.memory_space<hbm>>, %arg4: memref<536320xi32, #tpu.memory_space<hbm>>, %arg5: memref<51200x128xf32, #tpu.memory_space<hbm>>, %arg6: memref<51200x128xf32, #tpu.memory_space<hbm>>, %arg7: memref<2432xi32, #tpu.memory_space<vmem>>, %arg8: memref<24320xi32, #tpu.memory_space<vmem>>, %arg9: memref<2x32x128xf32, #tpu.memory_space<vmem>>, %arg10: memref<2x320x128xf32, #tpu.memory_space<vmem>>, %arg11: memref<2x32x128xf32, #tpu.memory_space<vmem>>, %arg12: memref<2x!tpu.dma_semaphore, #tpu.memory_space<semaphore_mem>>, %arg13: memref<2x!tpu.dma_semaphore, #tpu.memory_space<semaphore_mem>>) attributes {dimension_semantics = [#tpu.dimension_semantics<core_parallel>, #tpu.dimension_semantics<subcore_parallel>], iteration_bounds = array<i64: 2, 16>, scalar_prefetch = 0 : i64, scratch_operands = 7 : i64, tpu.core_type = #tpu.core_type<sc_vector_subcore>, window_params = [{transform_indices = #map}, {transform_indices = #map1}, {transform_indices = #map1}, {transform_indices = #map}, {transform_indices = #map}]} {
    %eq3A = arith.constant 0 : i32
    %eq3A_0 = arith.cmpi eq, %arg0, %eq3A : i32
    %jit3A = arith.constant 76 : i32
    %jit3A_1 = arith.constant 24 : i32
    %select_n3A = arith.select %eq3A_0, %jit3A, %jit3A_1 : i32
    %eq3A_2 = arith.constant 0 : i32
    %eq3A_3 = arith.cmpi eq, %arg0, %eq3A_2 : i32
    %jit3A_4 = arith.constant 0 : i32
    %jit3A_5 = arith.constant 76 : i32
    %select_n3A_6 = arith.select %eq3A_3, %jit3A_4, %jit3A_5 : i32
    %mul3A = arith.constant 100 : i32
    %mul3A_7 = arith.muli %arg1, %mul3A : i32
    %add3A = arith.addi %mul3A_7, %select_n3A_6 : i32
    %mul3A_8 = arith.constant 32 : i32
    %mul3A_9 = arith.muli %add3A, %mul3A_8 : i32
    %multiple_of3A = tpu.assume_multiple %mul3A_9, 8 : i32
    "tpu.region"() ({
      %run_scoped3A = tpu.sem_alloc : memref<!tpu.dma_semaphore, #tpu.memory_space<semaphore_mem>>
      %dma_start3A_165 = tpu.memref_slice %arg3[%multiple_of3A] : memref<53632xi32, #tpu.memory_space<hbm>> -> memref<2432xi32, #tpu.memory_space<hbm>>
      %dma_start3A_166 = tpu.memref_slice %arg3[%multiple_of3A] : memref<53632xi32, #tpu.memory_space<hbm>> -> memref<2432xi32, #tpu.memory_space<hbm>>
      tpu.enqueue_dma source(%dma_start3A_166 : memref<2432xi32, #tpu.memory_space<hbm>>) target(%arg7 : memref<2432xi32, #tpu.memory_space<vmem>>) target_semaphore(%run_scoped3A : memref<!tpu.dma_semaphore, #tpu.memory_space<semaphore_mem>>)
      %dma_wait3A_167 = tpu.memref_slice %arg3[%multiple_of3A] : memref<53632xi32, #tpu.memory_space<hbm>> -> memref<2432xi32, #tpu.memory_space<hbm>>
      %dma_wait3A_168 = tpu.memref_slice %arg3[%multiple_of3A] : memref<53632xi32, #tpu.memory_space<hbm>> -> memref<2432xi32, #tpu.memory_space<hbm>>
      tpu.wait_dma2 semaphore(%run_scoped3A : memref<!tpu.dma_semaphore, #tpu.memory_space<semaphore_mem>>) src(%dma_wait3A_168 : memref<2432xi32, #tpu.memory_space<hbm>>) dst(%arg7 : memref<2432xi32, #tpu.memory_space<vmem>>)
      tpu.yield
    }) : () -> ()
    %mul3A_10 = arith.constant 10 : i32
    %mul3A_11 = arith.muli %multiple_of3A, %mul3A_10 : i32
    "tpu.region"() ({
      %run_scoped3A = tpu.sem_alloc : memref<!tpu.dma_semaphore, #tpu.memory_space<semaphore_mem>>
      %dma_start3A_165 = tpu.memref_slice %arg4[%mul3A_11] : memref<536320xi32, #tpu.memory_space<hbm>> -> memref<24320xi32, #tpu.memory_space<hbm>>
      %dma_start3A_166 = tpu.memref_slice %arg4[%mul3A_11] : memref<536320xi32, #tpu.memory_space<hbm>> -> memref<24320xi32, #tpu.memory_space<hbm>>
      tpu.enqueue_dma source(%dma_start3A_166 : memref<24320xi32, #tpu.memory_space<hbm>>) target(%arg8 : memref<24320xi32, #tpu.memory_space<vmem>>) target_semaphore(%run_scoped3A : memref<!tpu.dma_semaphore, #tpu.memory_space<semaphore_mem>>)
      %dma_wait3A_167 = tpu.memref_slice %arg4[%mul3A_11] : memref<536320xi32, #tpu.memory_space<hbm>> -> memref<24320xi32, #tpu.memory_space<hbm>>
      %dma_wait3A_168 = tpu.memref_slice %arg4[%mul3A_11] : memref<536320xi32, #tpu.memory_space<hbm>> -> memref<24320xi32, #tpu.memory_space<hbm>>
      tpu.wait_dma2 semaphore(%run_scoped3A : memref<!tpu.dma_semaphore, #tpu.memory_space<semaphore_mem>>) src(%dma_wait3A_168 : memref<24320xi32, #tpu.memory_space<hbm>>) dst(%arg8 : memref<24320xi32, #tpu.memory_space<vmem>>)
      tpu.yield
    }) : () -> ()
    %jit3A_12 = arith.constant 2 : i32
    %div3A = arith.divsi %select_n3A, %jit3A_12 : i32
    %sign3A = arith.constant 0 : i32
    %sign3A_13 = arith.cmpi sgt, %select_n3A, %sign3A : i32
    %sign3A_14 = arith.extui %sign3A_13 : i1 to i32
    %sign3A_15 = arith.constant 0 : i32
    %sign3A_16 = arith.cmpi slt, %select_n3A, %sign3A_15 : i32
    %sign3A_17 = arith.extui %sign3A_16 : i1 to i32
    %sign3A_18 = arith.subi %sign3A_14, %sign3A_17 : i32
    %sign3A_19 = arith.constant 0 : i32
    %sign3A_20 = arith.cmpi sgt, %jit3A_12, %sign3A_19 : i32
    %sign3A_21 = arith.extui %sign3A_20 : i1 to i32
    %sign3A_22 = arith.constant 0 : i32
    %sign3A_23 = arith.cmpi slt, %jit3A_12, %sign3A_22 : i32
    %sign3A_24 = arith.extui %sign3A_23 : i1 to i32
    %sign3A_25 = arith.subi %sign3A_21, %sign3A_24 : i32
    %ne3A = arith.cmpi ne, %sign3A_18, %sign3A_25 : i32
    %rem3A = arith.remsi %select_n3A, %jit3A_12 : i32
    %ne3A_26 = arith.constant 0 : i32
    %ne3A_27 = arith.cmpi ne, %rem3A, %ne3A_26 : i32
    %and3A = arith.andi %ne3A, %ne3A_27 : i1
    %sub3A = arith.constant 1 : i32
    %sub3A_28 = arith.subi %div3A, %sub3A : i32
    %select_n3A_29 = arith.select %and3A, %sub3A_28, %div3A : i32
    %multiple_of3A_30 = arith.constant 0 : i32
    %multiple_of3A_31 = tpu.assume_multiple %multiple_of3A_30, 8 : i32
    %multiple_of3A_32 = arith.constant 0 : i32
    %multiple_of3A_33 = tpu.assume_multiple %multiple_of3A_32, 8 : i32
    %dma_start3A = arith.constant 0 : i32
    %dma_start3A_34 = arith.constant 0 : i32
    %dma_start3A_35 = arith.constant 0 : i32
    %dma_start3A_36 = arith.constant 0 : i32
    %dma_start3A_37 = tpu.memref_slice %arg9[%dma_start3A, %dma_start3A_35, %dma_start3A_36] : memref<2x32x128xf32, #tpu.memory_space<vmem>> -> memref<1x32x128xf32, #tpu.memory_space<vmem>>
    %dma_start3A_38 = tpu.memref_squeeze %dma_start3A_37 : memref<1x32x128xf32, #tpu.memory_space<vmem>> -> memref<32x128xf32, #tpu.memory_space<vmem>>
    %dma_start3A_39 = tpu.memref_slice %arg7[%multiple_of3A_31] : memref<2432xi32, #tpu.memory_space<vmem>> -> memref<32xi32, #tpu.memory_space<vmem>>
    %dma_start3A_40 = arith.constant 0 : i32
    %dma_start3A_41 = arith.constant 0 : i32
    %dma_start3A_42 = tpu.memref_slice %arg2[%dma_start3A_40, %dma_start3A_41] : memref<100000x128xf32, #tpu.memory_space<hbm>> -> memref<100000x128xf32, #tpu.memory_space<hbm>>
    %dma_start3A_43 = tpu.memref_slice %arg12[%dma_start3A_34] : memref<2x!tpu.dma_semaphore, #tpu.memory_space<semaphore_mem>> -> memref<1x!tpu.dma_semaphore, #tpu.memory_space<semaphore_mem>>
    %dma_start3A_44 = tpu.memref_squeeze %dma_start3A_43 : memref<1x!tpu.dma_semaphore, #tpu.memory_space<semaphore_mem>> -> memref<!tpu.dma_semaphore, #tpu.memory_space<semaphore_mem>>
    tpu.enqueue_indirect_dma source(%dma_start3A_42 : memref<100000x128xf32, #tpu.memory_space<hbm>>) target(%dma_start3A_38 : memref<32x128xf32, #tpu.memory_space<vmem>>) offsets(%dma_start3A_39 : memref<32xi32, #tpu.memory_space<vmem>>) semaphore(%dma_start3A_44 : memref<!tpu.dma_semaphore, #tpu.memory_space<semaphore_mem>>)
    %dma_start3A_45 = arith.constant 0 : i32
    %dma_start3A_46 = arith.constant 0 : i32
    %dma_start3A_47 = arith.constant 0 : i32
    %dma_start3A_48 = arith.constant 0 : i32
    %dma_start3A_49 = tpu.memref_slice %arg10[%dma_start3A_45, %dma_start3A_47, %dma_start3A_48] : memref<2x320x128xf32, #tpu.memory_space<vmem>> -> memref<1x128x128xf32, #tpu.memory_space<vmem>>
    %dma_start3A_50 = tpu.memref_squeeze %dma_start3A_49 : memref<1x128x128xf32, #tpu.memory_space<vmem>> -> memref<128x128xf32, #tpu.memory_space<vmem>>
    %dma_start3A_51 = tpu.memref_slice %arg8[%multiple_of3A_33] : memref<24320xi32, #tpu.memory_space<vmem>> -> memref<128xi32, #tpu.memory_space<vmem>>
    %dma_start3A_52 = arith.constant 0 : i32
    %dma_start3A_53 = arith.constant 0 : i32
    %dma_start3A_54 = tpu.memref_slice %arg2[%dma_start3A_52, %dma_start3A_53] : memref<100000x128xf32, #tpu.memory_space<hbm>> -> memref<100000x128xf32, #tpu.memory_space<hbm>>
    %dma_start3A_55 = tpu.memref_slice %arg12[%dma_start3A_46] : memref<2x!tpu.dma_semaphore, #tpu.memory_space<semaphore_mem>> -> memref<1x!tpu.dma_semaphore, #tpu.memory_space<semaphore_mem>>
    %dma_start3A_56 = tpu.memref_squeeze %dma_start3A_55 : memref<1x!tpu.dma_semaphore, #tpu.memory_space<semaphore_mem>> -> memref<!tpu.dma_semaphore, #tpu.memory_space<semaphore_mem>>
    tpu.enqueue_indirect_dma source(%dma_start3A_54 : memref<100000x128xf32, #tpu.memory_space<hbm>>) target(%dma_start3A_50 : memref<128x128xf32, #tpu.memory_space<vmem>>) offsets(%dma_start3A_51 : memref<128xi32, #tpu.memory_space<vmem>>) semaphore(%dma_start3A_56 : memref<!tpu.dma_semaphore, #tpu.memory_space<semaphore_mem>>)
    %add3A_57 = arith.constant 128 : i32
    %add3A_58 = arith.addi %multiple_of3A_33, %add3A_57 : i32
    %dma_start3A_59 = arith.constant 0 : i32
    %dma_start3A_60 = arith.constant 0 : i32
    %dma_start3A_61 = arith.constant 128 : i32
    %dma_start3A_62 = arith.constant 0 : i32
    %dma_start3A_63 = tpu.memref_slice %arg10[%dma_start3A_59, %dma_start3A_61, %dma_start3A_62] : memref<2x320x128xf32, #tpu.memory_space<vmem>> -> memref<1x128x128xf32, #tpu.memory_space<vmem>>
    %dma_start3A_64 = tpu.memref_squeeze %dma_start3A_63 : memref<1x128x128xf32, #tpu.memory_space<vmem>> -> memref<128x128xf32, #tpu.memory_space<vmem>>
    %dma_start3A_65 = tpu.memref_slice %arg8[%add3A_58] : memref<24320xi32, #tpu.memory_space<vmem>> -> memref<128xi32, #tpu.memory_space<vmem>>
    %dma_start3A_66 = arith.constant 0 : i32
    %dma_start3A_67 = arith.constant 0 : i32
    %dma_start3A_68 = tpu.memref_slice %arg2[%dma_start3A_66, %dma_start3A_67] : memref<100000x128xf32, #tpu.memory_space<hbm>> -> memref<100000x128xf32, #tpu.memory_space<hbm>>
    %dma_start3A_69 = tpu.memref_slice %arg12[%dma_start3A_60] : memref<2x!tpu.dma_semaphore, #tpu.memory_space<semaphore_mem>> -> memref<1x!tpu.dma_semaphore, #tpu.memory_space<semaphore_mem>>
    %dma_start3A_70 = tpu.memref_squeeze %dma_start3A_69 : memref<1x!tpu.dma_semaphore, #tpu.memory_space<semaphore_mem>> -> memref<!tpu.dma_semaphore, #tpu.memory_space<semaphore_mem>>
    tpu.enqueue_indirect_dma source(%dma_start3A_68 : memref<100000x128xf32, #tpu.memory_space<hbm>>) target(%dma_start3A_64 : memref<128x128xf32, #tpu.memory_space<vmem>>) offsets(%dma_start3A_65 : memref<128xi32, #tpu.memory_space<vmem>>) semaphore(%dma_start3A_70 : memref<!tpu.dma_semaphore, #tpu.memory_space<semaphore_mem>>)
    %add3A_71 = arith.constant 256 : i32
    %add3A_72 = arith.addi %multiple_of3A_33, %add3A_71 : i32
    %dma_start3A_73 = arith.constant 0 : i32
    %dma_start3A_74 = arith.constant 0 : i32
    %dma_start3A_75 = arith.constant 256 : i32
    %dma_start3A_76 = arith.constant 0 : i32
    %dma_start3A_77 = tpu.memref_slice %arg10[%dma_start3A_73, %dma_start3A_75, %dma_start3A_76] : memref<2x320x128xf32, #tpu.memory_space<vmem>> -> memref<1x64x128xf32, #tpu.memory_space<vmem>>
    %dma_start3A_78 = tpu.memref_squeeze %dma_start3A_77 : memref<1x64x128xf32, #tpu.memory_space<vmem>> -> memref<64x128xf32, #tpu.memory_space<vmem>>
    %dma_start3A_79 = tpu.memref_slice %arg8[%add3A_72] : memref<24320xi32, #tpu.memory_space<vmem>> -> memref<64xi32, #tpu.memory_space<vmem>>
    %dma_start3A_80 = arith.constant 0 : i32
    %dma_start3A_81 = arith.constant 0 : i32
    %dma_start3A_82 = tpu.memref_slice %arg2[%dma_start3A_80, %dma_start3A_81] : memref<100000x128xf32, #tpu.memory_space<hbm>> -> memref<100000x128xf32, #tpu.memory_space<hbm>>
    %dma_start3A_83 = tpu.memref_slice %arg12[%dma_start3A_74] : memref<2x!tpu.dma_semaphore, #tpu.memory_space<semaphore_mem>> -> memref<1x!tpu.dma_semaphore, #tpu.memory_space<semaphore_mem>>
    %dma_start3A_84 = tpu.memref_squeeze %dma_start3A_83 : memref<1x!tpu.dma_semaphore, #tpu.memory_space<semaphore_mem>> -> memref<!tpu.dma_semaphore, #tpu.memory_space<semaphore_mem>>
    tpu.enqueue_indirect_dma source(%dma_start3A_82 : memref<100000x128xf32, #tpu.memory_space<hbm>>) target(%dma_start3A_78 : memref<64x128xf32, #tpu.memory_space<vmem>>) offsets(%dma_start3A_79 : memref<64xi32, #tpu.memory_space<vmem>>) semaphore(%dma_start3A_84 : memref<!tpu.dma_semaphore, #tpu.memory_space<semaphore_mem>>)
    %while3A = arith.constant 0 : i32
    %while3A_85 = arith.constant 0 : i32
    %while3A_86 = arith.subi %select_n3A_29, %while3A_85 : i32
    %while3A_87 = arith.addi %while3A_85, %while3A_86 : i32
    %while3A_88 = arith.constant 1 : i32
    %while3A_89 = arith.divsi %while3A_86, %while3A_88 : i32
    %while3A_90 = arith.muli %while3A_89, %while3A_88 : i32
    %while3A_91 = arith.addi %while3A_85, %while3A_90 : i32
    %while3A_92 = arith.constant 1 : i32
    scf.for %while3A_165 = %while3A_85 to %while3A_91 step %while3A_92  : i32 {
      %mul3A_166 = arith.constant 2 : i32
      %mul3A_167 = arith.muli %while3A_165, %mul3A_166 : i32
      %gt3A = arith.constant 0 : i32
      %gt3A_168 = arith.cmpi sgt, %while3A_165, %gt3A : i32
      %convert_element_type3A = arith.extui %gt3A_168 : i1 to i32
      %cond3A = arith.constant 0 : i32
      %cond3A_169 = arith.cmpi ne, %convert_element_type3A, %cond3A : i32
      scf.if %cond3A_169 {
        %dma_wait3A_392 = arith.constant 1 : i32
        %dma_wait3A_393 = arith.constant 1 : i32
        %dma_wait3A_394 = arith.constant 0 : i32
        %dma_wait3A_395 = arith.constant 0 : i32
        %dma_wait3A_396 = tpu.memref_slice %arg9[%dma_wait3A_392, %dma_wait3A_394, %dma_wait3A_395] : memref<2x32x128xf32, #tpu.memory_space<vmem>> -> memref<1x32x128xf32, #tpu.memory_space<vmem>>
        %dma_wait3A_397 = tpu.memref_squeeze %dma_wait3A_396 : memref<1x32x128xf32, #tpu.memory_space<vmem>> -> memref<32x128xf32, #tpu.memory_space<vmem>>
        %dma_wait3A_398 = arith.constant 0 : i32
        %dma_wait3A_399 = arith.constant 0 : i32
        %dma_wait3A_400 = tpu.memref_slice %arg5[%dma_wait3A_398, %dma_wait3A_399] : memref<51200x128xf32, #tpu.memory_space<hbm>> -> memref<32x128xf32, #tpu.memory_space<hbm>>
        %dma_wait3A_401 = tpu.memref_slice %arg13[%dma_wait3A_393] : memref<2x!tpu.dma_semaphore, #tpu.memory_space<semaphore_mem>> -> memref<1x!tpu.dma_semaphore, #tpu.memory_space<semaphore_mem>>
        %dma_wait3A_402 = tpu.memref_squeeze %dma_wait3A_401 : memref<1x!tpu.dma_semaphore, #tpu.memory_space<semaphore_mem>> -> memref<!tpu.dma_semaphore, #tpu.memory_space<semaphore_mem>>
        %dma_wait3A_403 = arith.constant 0 : i32
        %dma_wait3A_404 = arith.constant 0 : i32
        %dma_wait3A_405 = tpu.memref_slice %arg5[%dma_wait3A_403, %dma_wait3A_404] : memref<51200x128xf32, #tpu.memory_space<hbm>> -> memref<32x128xf32, #tpu.memory_space<hbm>>
        %dma_wait3A_406 = arith.constant 0 : i32
        %dma_wait3A_407 = arith.constant 0 : i32
        %dma_wait3A_408 = tpu.memref_slice %arg9[%dma_wait3A_392, %dma_wait3A_406, %dma_wait3A_407] : memref<2x32x128xf32, #tpu.memory_space<vmem>> -> memref<1x32x128xf32, #tpu.memory_space<vmem>>
        %dma_wait3A_409 = tpu.memref_squeeze %dma_wait3A_408 : memref<1x32x128xf32, #tpu.memory_space<vmem>> -> memref<32x128xf32, #tpu.memory_space<vmem>>
        tpu.wait_dma2 semaphore(%dma_wait3A_402 : memref<!tpu.dma_semaphore, #tpu.memory_space<semaphore_mem>>) src(%dma_wait3A_409 : memref<32x128xf32, #tpu.memory_space<vmem>>) dst(%dma_wait3A_405 : memref<32x128xf32, #tpu.memory_space<hbm>>)
        %dma_wait3A_410 = arith.constant 1 : i32
        %dma_wait3A_411 = arith.constant 1 : i32
        %dma_wait3A_412 = arith.constant 0 : i32
        %dma_wait3A_413 = arith.constant 0 : i32
        %dma_wait3A_414 = tpu.memref_slice %arg11[%dma_wait3A_410, %dma_wait3A_412, %dma_wait3A_413] : memref<2x32x128xf32, #tpu.memory_space<vmem>> -> memref<1x32x128xf32, #tpu.memory_space<vmem>>
        %dma_wait3A_415 = tpu.memref_squeeze %dma_wait3A_414 : memref<1x32x128xf32, #tpu.memory_space<vmem>> -> memref<32x128xf32, #tpu.memory_space<vmem>>
        %dma_wait3A_416 = arith.constant 0 : i32
        %dma_wait3A_417 = arith.constant 0 : i32
        %dma_wait3A_418 = tpu.memref_slice %arg6[%dma_wait3A_416, %dma_wait3A_417] : memref<51200x128xf32, #tpu.memory_space<hbm>> -> memref<32x128xf32, #tpu.memory_space<hbm>>
        %dma_wait3A_419 = tpu.memref_slice %arg13[%dma_wait3A_411] : memref<2x!tpu.dma_semaphore, #tpu.memory_space<semaphore_mem>> -> memref<1x!tpu.dma_semaphore, #tpu.memory_space<semaphore_mem>>
        %dma_wait3A_420 = tpu.memref_squeeze %dma_wait3A_419 : memref<1x!tpu.dma_semaphore, #tpu.memory_space<semaphore_mem>> -> memref<!tpu.dma_semaphore, #tpu.memory_space<semaphore_mem>>
        %dma_wait3A_421 = arith.constant 0 : i32
        %dma_wait3A_422 = arith.constant 0 : i32
        %dma_wait3A_423 = tpu.memref_slice %arg6[%dma_wait3A_421, %dma_wait3A_422] : memref<51200x128xf32, #tpu.memory_space<hbm>> -> memref<32x128xf32, #tpu.memory_space<hbm>>
        %dma_wait3A_424 = arith.constant 0 : i32
        %dma_wait3A_425 = arith.constant 0 : i32
        %dma_wait3A_426 = tpu.memref_slice %arg11[%dma_wait3A_410, %dma_wait3A_424, %dma_wait3A_425] : memref<2x32x128xf32, #tpu.memory_space<vmem>> -> memref<1x32x128xf32, #tpu.memory_space<vmem>>
        %dma_wait3A_427 = tpu.memref_squeeze %dma_wait3A_426 : memref<1x32x128xf32, #tpu.memory_space<vmem>> -> memref<32x128xf32, #tpu.memory_space<vmem>>
        tpu.wait_dma2 semaphore(%dma_wait3A_420 : memref<!tpu.dma_semaphore, #tpu.memory_space<semaphore_mem>>) src(%dma_wait3A_427 : memref<32x128xf32, #tpu.memory_space<vmem>>) dst(%dma_wait3A_423 : memref<32x128xf32, #tpu.memory_space<hbm>>)
      } else {
      }
      %add3A_170 = arith.constant 1 : i32
      %add3A_171 = arith.addi %mul3A_167, %add3A_170 : i32
      %mul3A_172 = arith.constant 32 : i32
      %mul3A_173 = arith.muli %add3A_171, %mul3A_172 : i32
      %multiple_of3A_174 = tpu.assume_multiple %mul3A_173, 8 : i32
      %mul3A_175 = arith.constant 320 : i32
      %mul3A_176 = arith.muli %add3A_171, %mul3A_175 : i32
      %multiple_of3A_177 = tpu.assume_multiple %mul3A_176, 8 : i32
      %dma_start3A_178 = arith.constant 1 : i32
      %dma_start3A_179 = arith.constant 1 : i32
      %dma_start3A_180 = arith.constant 0 : i32
      %dma_start3A_181 = arith.constant 0 : i32
      %dma_start3A_182 = tpu.memref_slice %arg9[%dma_start3A_178, %dma_start3A_180, %dma_start3A_181] : memref<2x32x128xf32, #tpu.memory_space<vmem>> -> memref<1x32x128xf32, #tpu.memory_space<vmem>>
      %dma_start3A_183 = tpu.memref_squeeze %dma_start3A_182 : memref<1x32x128xf32, #tpu.memory_space<vmem>> -> memref<32x128xf32, #tpu.memory_space<vmem>>
      %dma_start3A_184 = tpu.memref_slice %arg7[%multiple_of3A_174] : memref<2432xi32, #tpu.memory_space<vmem>> -> memref<32xi32, #tpu.memory_space<vmem>>
      %dma_start3A_185 = arith.constant 0 : i32
      %dma_start3A_186 = arith.constant 0 : i32
      %dma_start3A_187 = tpu.memref_slice %arg2[%dma_start3A_185, %dma_start3A_186] : memref<100000x128xf32, #tpu.memory_space<hbm>> -> memref<100000x128xf32, #tpu.memory_space<hbm>>
      %dma_start3A_188 = tpu.memref_slice %arg12[%dma_start3A_179] : memref<2x!tpu.dma_semaphore, #tpu.memory_space<semaphore_mem>> -> memref<1x!tpu.dma_semaphore, #tpu.memory_space<semaphore_mem>>
      %dma_start3A_189 = tpu.memref_squeeze %dma_start3A_188 : memref<1x!tpu.dma_semaphore, #tpu.memory_space<semaphore_mem>> -> memref<!tpu.dma_semaphore, #tpu.memory_space<semaphore_mem>>
      tpu.enqueue_indirect_dma source(%dma_start3A_187 : memref<100000x128xf32, #tpu.memory_space<hbm>>) target(%dma_start3A_183 : memref<32x128xf32, #tpu.memory_space<vmem>>) offsets(%dma_start3A_184 : memref<32xi32, #tpu.memory_space<vmem>>) semaphore(%dma_start3A_189 : memref<!tpu.dma_semaphore, #tpu.memory_space<semaphore_mem>>)
      %dma_start3A_190 = arith.constant 1 : i32
      %dma_start3A_191 = arith.constant 1 : i32
      %dma_start3A_192 = arith.constant 0 : i32
      %dma_start3A_193 = arith.constant 0 : i32
      %dma_start3A_194 = tpu.memref_slice %arg10[%dma_start3A_190, %dma_start3A_192, %dma_start3A_193] : memref<2x320x128xf32, #tpu.memory_space<vmem>> -> memref<1x128x128xf32, #tpu.memory_space<vmem>>
      %dma_start3A_195 = tpu.memref_squeeze %dma_start3A_194 : memref<1x128x128xf32, #tpu.memory_space<vmem>> -> memref<128x128xf32, #tpu.memory_space<vmem>>
      %dma_start3A_196 = tpu.memref_slice %arg8[%multiple_of3A_177] : memref<24320xi32, #tpu.memory_space<vmem>> -> memref<128xi32, #tpu.memory_space<vmem>>
      %dma_start3A_197 = arith.constant 0 : i32
      %dma_start3A_198 = arith.constant 0 : i32
      %dma_start3A_199 = tpu.memref_slice %arg2[%dma_start3A_197, %dma_start3A_198] : memref<100000x128xf32, #tpu.memory_space<hbm>> -> memref<100000x128xf32, #tpu.memory_space<hbm>>
      %dma_start3A_200 = tpu.memref_slice %arg12[%dma_start3A_191] : memref<2x!tpu.dma_semaphore, #tpu.memory_space<semaphore_mem>> -> memref<1x!tpu.dma_semaphore, #tpu.memory_space<semaphore_mem>>
      %dma_start3A_201 = tpu.memref_squeeze %dma_start3A_200 : memref<1x!tpu.dma_semaphore, #tpu.memory_space<semaphore_mem>> -> memref<!tpu.dma_semaphore, #tpu.memory_space<semaphore_mem>>
      tpu.enqueue_indirect_dma source(%dma_start3A_199 : memref<100000x128xf32, #tpu.memory_space<hbm>>) target(%dma_start3A_195 : memref<128x128xf32, #tpu.memory_space<vmem>>) offsets(%dma_start3A_196 : memref<128xi32, #tpu.memory_space<vmem>>) semaphore(%dma_start3A_201 : memref<!tpu.dma_semaphore, #tpu.memory_space<semaphore_mem>>)
      %add3A_202 = arith.constant 128 : i32
      %add3A_203 = arith.addi %multiple_of3A_177, %add3A_202 : i32
      %dma_start3A_204 = arith.constant 1 : i32
      %dma_start3A_205 = arith.constant 1 : i32
      %dma_start3A_206 = arith.constant 128 : i32
      %dma_start3A_207 = arith.constant 0 : i32
      %dma_start3A_208 = tpu.memref_slice %arg10[%dma_start3A_204, %dma_start3A_206, %dma_start3A_207] : memref<2x320x128xf32, #tpu.memory_space<vmem>> -> memref<1x128x128xf32, #tpu.memory_space<vmem>>
      %dma_start3A_209 = tpu.memref_squeeze %dma_start3A_208 : memref<1x128x128xf32, #tpu.memory_space<vmem>> -> memref<128x128xf32, #tpu.memory_space<vmem>>
      %dma_start3A_210 = tpu.memref_slice %arg8[%add3A_203] : memref<24320xi32, #tpu.memory_space<vmem>> -> memref<128xi32, #tpu.memory_space<vmem>>
      %dma_start3A_211 = arith.constant 0 : i32
      %dma_start3A_212 = arith.constant 0 : i32
      %dma_start3A_213 = tpu.memref_slice %arg2[%dma_start3A_211, %dma_start3A_212] : memref<100000x128xf32, #tpu.memory_space<hbm>> -> memref<100000x128xf32, #tpu.memory_space<hbm>>
      %dma_start3A_214 = tpu.memref_slice %arg12[%dma_start3A_205] : memref<2x!tpu.dma_semaphore, #tpu.memory_space<semaphore_mem>> -> memref<1x!tpu.dma_semaphore, #tpu.memory_space<semaphore_mem>>
      %dma_start3A_215 = tpu.memref_squeeze %dma_start3A_214 : memref<1x!tpu.dma_semaphore, #tpu.memory_space<semaphore_mem>> -> memref<!tpu.dma_semaphore, #tpu.memory_space<semaphore_mem>>
      tpu.enqueue_indirect_dma source(%dma_start3A_213 : memref<100000x128xf32, #tpu.memory_space<hbm>>) target(%dma_start3A_209 : memref<128x128xf32, #tpu.memory_space<vmem>>) offsets(%dma_start3A_210 : memref<128xi32, #tpu.memory_space<vmem>>) semaphore(%dma_start3A_215 : memref<!tpu.dma_semaphore, #tpu.memory_space<semaphore_mem>>)
      %add3A_216 = arith.constant 256 : i32
      %add3A_217 = arith.addi %multiple_of3A_177, %add3A_216 : i32
      %dma_start3A_218 = arith.constant 1 : i32
      %dma_start3A_219 = arith.constant 1 : i32
      %dma_start3A_220 = arith.constant 256 : i32
      %dma_start3A_221 = arith.constant 0 : i32
      %dma_start3A_222 = tpu.memref_slice %arg10[%dma_start3A_218, %dma_start3A_220, %dma_start3A_221] : memref<2x320x128xf32, #tpu.memory_space<vmem>> -> memref<1x64x128xf32, #tpu.memory_space<vmem>>
      %dma_start3A_223 = tpu.memref_squeeze %dma_start3A_222 : memref<1x64x128xf32, #tpu.memory_space<vmem>> -> memref<64x128xf32, #tpu.memory_space<vmem>>
      %dma_start3A_224 = tpu.memref_slice %arg8[%add3A_217] : memref<24320xi32, #tpu.memory_space<vmem>> -> memref<64xi32, #tpu.memory_space<vmem>>
      %dma_start3A_225 = arith.constant 0 : i32
      %dma_start3A_226 = arith.constant 0 : i32
      %dma_start3A_227 = tpu.memref_slice %arg2[%dma_start3A_225, %dma_start3A_226] : memref<100000x128xf32, #tpu.memory_space<hbm>> -> memref<100000x128xf32, #tpu.memory_space<hbm>>
      %dma_start3A_228 = tpu.memref_slice %arg12[%dma_start3A_219] : memref<2x!tpu.dma_semaphore, #tpu.memory_space<semaphore_mem>> -> memref<1x!tpu.dma_semaphore, #tpu.memory_space<semaphore_mem>>
      %dma_start3A_229 = tpu.memref_squeeze %dma_start3A_228 : memref<1x!tpu.dma_semaphore, #tpu.memory_space<semaphore_mem>> -> memref<!tpu.dma_semaphore, #tpu.memory_space<semaphore_mem>>
      tpu.enqueue_indirect_dma source(%dma_start3A_227 : memref<100000x128xf32, #tpu.memory_space<hbm>>) target(%dma_start3A_223 : memref<64x128xf32, #tpu.memory_space<vmem>>) offsets(%dma_start3A_224 : memref<64xi32, #tpu.memory_space<vmem>>) semaphore(%dma_start3A_229 : memref<!tpu.dma_semaphore, #tpu.memory_space<semaphore_mem>>)
      %dma_wait3A_230 = arith.constant 0 : i32
      %dma_wait3A_231 = arith.constant 0 : i32
      %dma_wait3A_232 = arith.constant 0 : i32
      %dma_wait3A_233 = arith.constant 0 : i32
      %dma_wait3A_234 = tpu.memref_slice %arg10[%dma_wait3A_230, %dma_wait3A_232, %dma_wait3A_233] : memref<2x320x128xf32, #tpu.memory_space<vmem>> -> memref<1x320x128xf32, #tpu.memory_space<vmem>>
      %dma_wait3A_235 = tpu.memref_squeeze %dma_wait3A_234 : memref<1x320x128xf32, #tpu.memory_space<vmem>> -> memref<320x128xf32, #tpu.memory_space<vmem>>
      %dma_wait3A_236 = arith.constant 0 : i32
      %dma_wait3A_237 = arith.constant 0 : i32
      %dma_wait3A_238 = tpu.memref_slice %arg2[%dma_wait3A_236, %dma_wait3A_237] : memref<100000x128xf32, #tpu.memory_space<hbm>> -> memref<320x128xf32, #tpu.memory_space<hbm>>
      %dma_wait3A_239 = tpu.memref_slice %arg12[%dma_wait3A_231] : memref<2x!tpu.dma_semaphore, #tpu.memory_space<semaphore_mem>> -> memref<1x!tpu.dma_semaphore, #tpu.memory_space<semaphore_mem>>
      %dma_wait3A_240 = tpu.memref_squeeze %dma_wait3A_239 : memref<1x!tpu.dma_semaphore, #tpu.memory_space<semaphore_mem>> -> memref<!tpu.dma_semaphore, #tpu.memory_space<semaphore_mem>>
      %dma_wait3A_241 = arith.constant 0 : i32
      %dma_wait3A_242 = arith.constant 0 : i32
      %dma_wait3A_243 = tpu.memref_slice %arg10[%dma_wait3A_230, %dma_wait3A_241, %dma_wait3A_242] : memref<2x320x128xf32, #tpu.memory_space<vmem>> -> memref<1x320x128xf32, #tpu.memory_space<vmem>>
      %dma_wait3A_244 = tpu.memref_squeeze %dma_wait3A_243 : memref<1x320x128xf32, #tpu.memory_space<vmem>> -> memref<320x128xf32, #tpu.memory_space<vmem>>
      %dma_wait3A_245 = arith.constant 0 : i32
      %dma_wait3A_246 = arith.constant 0 : i32
      %dma_wait3A_247 = tpu.memref_slice %arg2[%dma_wait3A_245, %dma_wait3A_246] : memref<100000x128xf32, #tpu.memory_space<hbm>> -> memref<320x128xf32, #tpu.memory_space<hbm>>
      tpu.wait_dma2 semaphore(%dma_wait3A_240 : memref<!tpu.dma_semaphore, #tpu.memory_space<semaphore_mem>>) src(%dma_wait3A_247 : memref<320x128xf32, #tpu.memory_space<hbm>>) dst(%dma_wait3A_244 : memref<320x128xf32, #tpu.memory_space<vmem>>)
      %dma_wait3A_248 = arith.constant 0 : i32
      %dma_wait3A_249 = arith.constant 0 : i32
      %dma_wait3A_250 = arith.constant 0 : i32
      %dma_wait3A_251 = arith.constant 0 : i32
      %dma_wait3A_252 = tpu.memref_slice %arg9[%dma_wait3A_248, %dma_wait3A_250, %dma_wait3A_251] : memref<2x32x128xf32, #tpu.memory_space<vmem>> -> memref<1x32x128xf32, #tpu.memory_space<vmem>>
      %dma_wait3A_253 = tpu.memref_squeeze %dma_wait3A_252 : memref<1x32x128xf32, #tpu.memory_space<vmem>> -> memref<32x128xf32, #tpu.memory_space<vmem>>
      %dma_wait3A_254 = arith.constant 0 : i32
      %dma_wait3A_255 = arith.constant 0 : i32
      %dma_wait3A_256 = tpu.memref_slice %arg2[%dma_wait3A_254, %dma_wait3A_255] : memref<100000x128xf32, #tpu.memory_space<hbm>> -> memref<32x128xf32, #tpu.memory_space<hbm>>
      %dma_wait3A_257 = tpu.memref_slice %arg12[%dma_wait3A_249] : memref<2x!tpu.dma_semaphore, #tpu.memory_space<semaphore_mem>> -> memref<1x!tpu.dma_semaphore, #tpu.memory_space<semaphore_mem>>
      %dma_wait3A_258 = tpu.memref_squeeze %dma_wait3A_257 : memref<1x!tpu.dma_semaphore, #tpu.memory_space<semaphore_mem>> -> memref<!tpu.dma_semaphore, #tpu.memory_space<semaphore_mem>>
      %dma_wait3A_259 = arith.constant 0 : i32
      %dma_wait3A_260 = arith.constant 0 : i32
      %dma_wait3A_261 = tpu.memref_slice %arg9[%dma_wait3A_248, %dma_wait3A_259, %dma_wait3A_260] : memref<2x32x128xf32, #tpu.memory_space<vmem>> -> memref<1x32x128xf32, #tpu.memory_space<vmem>>
      %dma_wait3A_262 = tpu.memref_squeeze %dma_wait3A_261 : memref<1x32x128xf32, #tpu.memory_space<vmem>> -> memref<32x128xf32, #tpu.memory_space<vmem>>
      %dma_wait3A_263 = arith.constant 0 : i32
      %dma_wait3A_264 = arith.constant 0 : i32
      %dma_wait3A_265 = tpu.memref_slice %arg2[%dma_wait3A_263, %dma_wait3A_264] : memref<100000x128xf32, #tpu.memory_space<hbm>> -> memref<32x128xf32, #tpu.memory_space<hbm>>
      tpu.wait_dma2 semaphore(%dma_wait3A_258 : memref<!tpu.dma_semaphore, #tpu.memory_space<semaphore_mem>>) src(%dma_wait3A_265 : memref<32x128xf32, #tpu.memory_space<hbm>>) dst(%dma_wait3A_262 : memref<32x128xf32, #tpu.memory_space<vmem>>)
      %scan3A = arith.constant 0 : i32
      %scan3A_266 = arith.constant 0 : i32
      %scan3A_267 = arith.constant 32 : i32
      %scan3A_268 = arith.addi %scan3A_266, %scan3A_267 : i32
      %scan3A_269 = arith.constant 1 : i32
      scf.for %scan3A_392 = %scan3A_266 to %scan3A_268 step %scan3A_269  : i32 {
        %mul3A_393 = arith.constant 10 : i32
        %mul3A_394 = arith.muli %scan3A_392, %mul3A_393 : i32
        %add3A_395 = arith.constant 0 : i32
        %add3A_396 = arith.addi %mul3A_394, %add3A_395 : i32
        %get3A = arith.constant 0 : i32
        %get3A_397 = arith.index_cast %get3A : i32 to index
        %get3A_398 = arith.index_cast %add3A_396 : i32 to index
        %get3A_399 = arith.constant 0 : index
        %get3A_400 = tpu.vector_load %arg10[%get3A_397, %get3A_398, %get3A_399] {strides = array<i32>} : memref<2x320x128xf32, #tpu.memory_space<vmem>>, vector<1x1x16xf32>,
        %get3A_401 = vector.shape_cast %get3A_400 : vector<1x1x16xf32> to vector<16xf32>
        %add3A_402 = arith.constant 1 : i32
        %add3A_403 = arith.addi %mul3A_394, %add3A_402 : i32
        %get3A_404 = arith.constant 0 : i32
        %get3A_405 = arith.index_cast %get3A_404 : i32 to index
        %get3A_406 = arith.index_cast %add3A_403 : i32 to index
        %get3A_407 = arith.constant 0 : index
        %get3A_408 = tpu.vector_load %arg10[%get3A_405, %get3A_406, %get3A_407] {strides = array<i32>} : memref<2x320x128xf32, #tpu.memory_space<vmem>>, vector<1x1x16xf32>,
        %get3A_409 = vector.shape_cast %get3A_408 : vector<1x1x16xf32> to vector<16xf32>
        %add3A_410 = arith.constant 2 : i32
        %add3A_411 = arith.addi %mul3A_394, %add3A_410 : i32
        %get3A_412 = arith.constant 0 : i32
        %get3A_413 = arith.index_cast %get3A_412 : i32 to index
        %get3A_414 = arith.index_cast %add3A_411 : i32 to index
        %get3A_415 = arith.constant 0 : index
        %get3A_416 = tpu.vector_load %arg10[%get3A_413, %get3A_414, %get3A_415] {strides = array<i32>} : memref<2x320x128xf32, #tpu.memory_space<vmem>>, vector<1x1x16xf32>,
        %get3A_417 = vector.shape_cast %get3A_416 : vector<1x1x16xf32> to vector<16xf32>
        %add3A_418 = arith.constant 3 : i32
        %add3A_419 = arith.addi %mul3A_394, %add3A_418 : i32
        %get3A_420 = arith.constant 0 : i32
        %get3A_421 = arith.index_cast %get3A_420 : i32 to index
        %get3A_422 = arith.index_cast %add3A_419 : i32 to index
        %get3A_423 = arith.constant 0 : index
        %get3A_424 = tpu.vector_load %arg10[%get3A_421, %get3A_422, %get3A_423] {strides = array<i32>} : memref<2x320x128xf32, #tpu.memory_space<vmem>>, vector<1x1x16xf32>,
        %get3A_425 = vector.shape_cast %get3A_424 : vector<1x1x16xf32> to vector<16xf32>
        %add3A_426 = arith.constant 4 : i32
        %add3A_427 = arith.addi %mul3A_394, %add3A_426 : i32
        %get3A_428 = arith.constant 0 : i32
        %get3A_429 = arith.index_cast %get3A_428 : i32 to index
        %get3A_430 = arith.index_cast %add3A_427 : i32 to index
        %get3A_431 = arith.constant 0 : index
        %get3A_432 = tpu.vector_load %arg10[%get3A_429, %get3A_430, %get3A_431] {strides = array<i32>} : memref<2x320x128xf32, #tpu.memory_space<vmem>>, vector<1x1x16xf32>,
        %get3A_433 = vector.shape_cast %get3A_432 : vector<1x1x16xf32> to vector<16xf32>
        %add3A_434 = arith.constant 5 : i32
        %add3A_435 = arith.addi %mul3A_394, %add3A_434 : i32
        %get3A_436 = arith.constant 0 : i32
        %get3A_437 = arith.index_cast %get3A_436 : i32 to index
        %get3A_438 = arith.index_cast %add3A_435 : i32 to index
        %get3A_439 = arith.constant 0 : index
        %get3A_440 = tpu.vector_load %arg10[%get3A_437, %get3A_438, %get3A_439] {strides = array<i32>} : memref<2x320x128xf32, #tpu.memory_space<vmem>>, vector<1x1x16xf32>,
        %get3A_441 = vector.shape_cast %get3A_440 : vector<1x1x16xf32> to vector<16xf32>
        %add3A_442 = arith.constant 6 : i32
        %add3A_443 = arith.addi %mul3A_394, %add3A_442 : i32
        %get3A_444 = arith.constant 0 : i32
        %get3A_445 = arith.index_cast %get3A_444 : i32 to index
        %get3A_446 = arith.index_cast %add3A_443 : i32 to index
        %get3A_447 = arith.constant 0 : index
        %get3A_448 = tpu.vector_load %arg10[%get3A_445, %get3A_446, %get3A_447] {strides = array<i32>} : memref<2x320x128xf32, #tpu.memory_space<vmem>>, vector<1x1x16xf32>,
        %get3A_449 = vector.shape_cast %get3A_448 : vector<1x1x16xf32> to vector<16xf32>
        %add3A_450 = arith.constant 7 : i32
        %add3A_451 = arith.addi %mul3A_394, %add3A_450 : i32
        %get3A_452 = arith.constant 0 : i32
        %get3A_453 = arith.index_cast %get3A_452 : i32 to index
        %get3A_454 = arith.index_cast %add3A_451 : i32 to index
        %get3A_455 = arith.constant 0 : index
        %get3A_456 = tpu.vector_load %arg10[%get3A_453, %get3A_454, %get3A_455] {strides = array<i32>} : memref<2x320x128xf32, #tpu.memory_space<vmem>>, vector<1x1x16xf32>,
        %get3A_457 = vector.shape_cast %get3A_456 : vector<1x1x16xf32> to vector<16xf32>
        %add3A_458 = arith.constant 8 : i32
        %add3A_459 = arith.addi %mul3A_394, %add3A_458 : i32
        %get3A_460 = arith.constant 0 : i32
        %get3A_461 = arith.index_cast %get3A_460 : i32 to index
        %get3A_462 = arith.index_cast %add3A_459 : i32 to index
        %get3A_463 = arith.constant 0 : index
        %get3A_464 = tpu.vector_load %arg10[%get3A_461, %get3A_462, %get3A_463] {strides = array<i32>} : memref<2x320x128xf32, #tpu.memory_space<vmem>>, vector<1x1x16xf32>,
        %get3A_465 = vector.shape_cast %get3A_464 : vector<1x1x16xf32> to vector<16xf32>
        %add3A_466 = arith.constant 9 : i32
        %add3A_467 = arith.addi %mul3A_394, %add3A_466 : i32
        %get3A_468 = arith.constant 0 : i32
        %get3A_469 = arith.index_cast %get3A_468 : i32 to index
        %get3A_470 = arith.index_cast %add3A_467 : i32 to index
        %get3A_471 = arith.constant 0 : index
        %get3A_472 = tpu.vector_load %arg10[%get3A_469, %get3A_470, %get3A_471] {strides = array<i32>} : memref<2x320x128xf32, #tpu.memory_space<vmem>>, vector<1x1x16xf32>,
        %get3A_473 = vector.shape_cast %get3A_472 : vector<1x1x16xf32> to vector<16xf32>
        %add3A_474 = arith.addf %get3A_401, %get3A_409 : vector<16xf32>
        %add3A_475 = arith.addf %get3A_417, %get3A_425 : vector<16xf32>
        %add3A_476 = arith.addf %get3A_433, %get3A_441 : vector<16xf32>
        %add3A_477 = arith.addf %get3A_449, %get3A_457 : vector<16xf32>
        %add3A_478 = arith.addf %get3A_465, %get3A_473 : vector<16xf32>
        %add3A_479 = arith.addf %add3A_474, %add3A_475 : vector<16xf32>
        %add3A_480 = arith.addf %add3A_476, %add3A_477 : vector<16xf32>
        %add3A_481 = arith.addf %add3A_479, %add3A_480 : vector<16xf32>
        %add3A_482 = arith.addf %add3A_481, %add3A_478 : vector<16xf32>
        %swap3A = arith.constant 0 : i32
        %swap3A_483 = arith.index_cast %swap3A : i32 to index
        %swap3A_484 = arith.index_cast %scan3A_392 : i32 to index
        %swap3A_485 = arith.constant 0 : index
        %swap3A_486 = tpu.vector_load %arg11[%swap3A_483, %swap3A_484, %swap3A_485] {strides = array<i32>} : memref<2x32x128xf32, #tpu.memory_space<vmem>>, vector<1x1x16xf32>,
        %swap3A_487 = vector.shape_cast %swap3A_486 : vector<1x1x16xf32> to vector<16xf32>
        %swap3A_488 = vector.shape_cast %add3A_482 : vector<16xf32> to vector<1x1x16xf32>
        tpu.vector_store %arg11[%swap3A_483, %swap3A_484, %swap3A_485], %swap3A_488 {strides = array<i32>} : memref<2x32x128xf32, #tpu.memory_space<vmem>>, vector<1x1x16xf32>,
        %add3A_489 = arith.constant 0 : i32
        %add3A_490 = arith.addi %mul3A_394, %add3A_489 : i32
        %get3A_491 = arith.constant 0 : i32
        %get3A_492 = arith.index_cast %get3A_491 : i32 to index
        %get3A_493 = arith.index_cast %add3A_490 : i32 to index
        %get3A_494 = arith.constant 16 : index
        %get3A_495 = tpu.vector_load %arg10[%get3A_492, %get3A_493, %get3A_494] {strides = array<i32>} : memref<2x320x128xf32, #tpu.memory_space<vmem>>, vector<1x1x16xf32>,
        %get3A_496 = vector.shape_cast %get3A_495 : vector<1x1x16xf32> to vector<16xf32>
        %add3A_497 = arith.constant 1 : i32
        %add3A_498 = arith.addi %mul3A_394, %add3A_497 : i32
        %get3A_499 = arith.constant 0 : i32
        %get3A_500 = arith.index_cast %get3A_499 : i32 to index
        %get3A_501 = arith.index_cast %add3A_498 : i32 to index
        %get3A_502 = arith.constant 16 : index
        %get3A_503 = tpu.vector_load %arg10[%get3A_500, %get3A_501, %get3A_502] {strides = array<i32>} : memref<2x320x128xf32, #tpu.memory_space<vmem>>, vector<1x1x16xf32>,
        %get3A_504 = vector.shape_cast %get3A_503 : vector<1x1x16xf32> to vector<16xf32>
        %add3A_505 = arith.constant 2 : i32
        %add3A_506 = arith.addi %mul3A_394, %add3A_505 : i32
        %get3A_507 = arith.constant 0 : i32
        %get3A_508 = arith.index_cast %get3A_507 : i32 to index
        %get3A_509 = arith.index_cast %add3A_506 : i32 to index
        %get3A_510 = arith.constant 16 : index
        %get3A_511 = tpu.vector_load %arg10[%get3A_508, %get3A_509, %get3A_510] {strides = array<i32>} : memref<2x320x128xf32, #tpu.memory_space<vmem>>, vector<1x1x16xf32>,
        %get3A_512 = vector.shape_cast %get3A_511 : vector<1x1x16xf32> to vector<16xf32>
        %add3A_513 = arith.constant 3 : i32
        %add3A_514 = arith.addi %mul3A_394, %add3A_513 : i32
        %get3A_515 = arith.constant 0 : i32
        %get3A_516 = arith.index_cast %get3A_515 : i32 to index
        %get3A_517 = arith.index_cast %add3A_514 : i32 to index
        %get3A_518 = arith.constant 16 : index
        %get3A_519 = tpu.vector_load %arg10[%get3A_516, %get3A_517, %get3A_518] {strides = array<i32>} : memref<2x320x128xf32, #tpu.memory_space<vmem>>, vector<1x1x16xf32>,
        %get3A_520 = vector.shape_cast %get3A_519 : vector<1x1x16xf32> to vector<16xf32>
        %add3A_521 = arith.constant 4 : i32
        %add3A_522 = arith.addi %mul3A_394, %add3A_521 : i32
        %get3A_523 = arith.constant 0 : i32
        %get3A_524 = arith.index_cast %get3A_523 : i32 to index
        %get3A_525 = arith.index_cast %add3A_522 : i32 to index
        %get3A_526 = arith.constant 16 : index
        %get3A_527 = tpu.vector_load %arg10[%get3A_524, %get3A_525, %get3A_526] {strides = array<i32>} : memref<2x320x128xf32, #tpu.memory_space<vmem>>, vector<1x1x16xf32>,
        %get3A_528 = vector.shape_cast %get3A_527 : vector<1x1x16xf32> to vector<16xf32>
        %add3A_529 = arith.constant 5 : i32
        %add3A_530 = arith.addi %mul3A_394, %add3A_529 : i32
        %get3A_531 = arith.constant 0 : i32
        %get3A_532 = arith.index_cast %get3A_531 : i32 to index
        %get3A_533 = arith.index_cast %add3A_530 : i32 to index
        %get3A_534 = arith.constant 16 : index
        %get3A_535 = tpu.vector_load %arg10[%get3A_532, %get3A_533, %get3A_534] {strides = array<i32>} : memref<2x320x128xf32, #tpu.memory_space<vmem>>, vector<1x1x16xf32>,
        %get3A_536 = vector.shape_cast %get3A_535 : vector<1x1x16xf32> to vector<16xf32>
        %add3A_537 = arith.constant 6 : i32
        %add3A_538 = arith.addi %mul3A_394, %add3A_537 : i32
        %get3A_539 = arith.constant 0 : i32
        %get3A_540 = arith.index_cast %get3A_539 : i32 to index
        %get3A_541 = arith.index_cast %add3A_538 : i32 to index
        %get3A_542 = arith.constant 16 : index
        %get3A_543 = tpu.vector_load %arg10[%get3A_540, %get3A_541, %get3A_542] {strides = array<i32>} : memref<2x320x128xf32, #tpu.memory_space<vmem>>, vector<1x1x16xf32>,
        %get3A_544 = vector.shape_cast %get3A_543 : vector<1x1x16xf32> to vector<16xf32>
        %add3A_545 = arith.constant 7 : i32
        %add3A_546 = arith.addi %mul3A_394, %add3A_545 : i32
        %get3A_547 = arith.constant 0 : i32
        %get3A_548 = arith.index_cast %get3A_547 : i32 to index
        %get3A_549 = arith.index_cast %add3A_546 : i32 to index
        %get3A_550 = arith.constant 16 : index
        %get3A_551 = tpu.vector_load %arg10[%get3A_548, %get3A_549, %get3A_550] {strides = array<i32>} : memref<2x320x128xf32, #tpu.memory_space<vmem>>, vector<1x1x16xf32>,
        %get3A_552 = vector.shape_cast %get3A_551 : vector<1x1x16xf32> to vector<16xf32>
        %add3A_553 = arith.constant 8 : i32
        %add3A_554 = arith.addi %mul3A_394, %add3A_553 : i32
        %get3A_555 = arith.constant 0 : i32
        %get3A_556 = arith.index_cast %get3A_555 : i32 to index
        %get3A_557 = arith.index_cast %add3A_554 : i32 to index
        %get3A_558 = arith.constant 16 : index
        %get3A_559 = tpu.vector_load %arg10[%get3A_556, %get3A_557, %get3A_558] {strides = array<i32>} : memref<2x320x128xf32, #tpu.memory_space<vmem>>, vector<1x1x16xf32>,
        %get3A_560 = vector.shape_cast %get3A_559 : vector<1x1x16xf32> to vector<16xf32>
        %add3A_561 = arith.constant 9 : i32
        %add3A_562 = arith.addi %mul3A_394, %add3A_561 : i32
        %get3A_563 = arith.constant 0 : i32
        %get3A_564 = arith.index_cast %get3A_563 : i32 to index
        %get3A_565 = arith.index_cast %add3A_562 : i32 to index
        %get3A_566 = arith.constant 16 : index
        %get3A_567 = tpu.vector_load %arg10[%get3A_564, %get3A_565, %get3A_566] {strides = array<i32>} : memref<2x320x128xf32, #tpu.memory_space<vmem>>, vector<1x1x16xf32>,
        %get3A_568 = vector.shape_cast %get3A_567 : vector<1x1x16xf32> to vector<16xf32>
        %add3A_569 = arith.addf %get3A_496, %get3A_504 : vector<16xf32>
        %add3A_570 = arith.addf %get3A_512, %get3A_520 : vector<16xf32>
        %add3A_571 = arith.addf %get3A_528, %get3A_536 : vector<16xf32>
        %add3A_572 = arith.addf %get3A_544, %get3A_552 : vector<16xf32>
        %add3A_573 = arith.addf %get3A_560, %get3A_568 : vector<16xf32>
        %add3A_574 = arith.addf %add3A_569, %add3A_570 : vector<16xf32>
        %add3A_575 = arith.addf %add3A_571, %add3A_572 : vector<16xf32>
        %add3A_576 = arith.addf %add3A_574, %add3A_575 : vector<16xf32>
        %add3A_577 = arith.addf %add3A_576, %add3A_573 : vector<16xf32>
        %swap3A_578 = arith.constant 0 : i32
        %swap3A_579 = arith.index_cast %swap3A_578 : i32 to index
        %swap3A_580 = arith.index_cast %scan3A_392 : i32 to index
        %swap3A_581 = arith.constant 16 : index
        %swap3A_582 = tpu.vector_load %arg11[%swap3A_579, %swap3A_580, %swap3A_581] {strides = array<i32>} : memref<2x32x128xf32, #tpu.memory_space<vmem>>, vector<1x1x16xf32>,
        %swap3A_583 = vector.shape_cast %swap3A_582 : vector<1x1x16xf32> to vector<16xf32>
        %swap3A_584 = vector.shape_cast %add3A_577 : vector<16xf32> to vector<1x1x16xf32>
        tpu.vector_store %arg11[%swap3A_579, %swap3A_580, %swap3A_581], %swap3A_584 {strides = array<i32>} : memref<2x32x128xf32, #tpu.memory_space<vmem>>, vector<1x1x16xf32>,
        %add3A_585 = arith.constant 0 : i32
        %add3A_586 = arith.addi %mul3A_394, %add3A_585 : i32
        %get3A_587 = arith.constant 0 : i32
        %get3A_588 = arith.index_cast %get3A_587 : i32 to index
        %get3A_589 = arith.index_cast %add3A_586 : i32 to index
        %get3A_590 = arith.constant 32 : index
        %get3A_591 = tpu.vector_load %arg10[%get3A_588, %get3A_589, %get3A_590] {strides = array<i32>} : memref<2x320x128xf32, #tpu.memory_space<vmem>>, vector<1x1x16xf32>,
        %get3A_592 = vector.shape_cast %get3A_591 : vector<1x1x16xf32> to vector<16xf32>
        %add3A_593 = arith.constant 1 : i32
        %add3A_594 = arith.addi %mul3A_394, %add3A_593 : i32
        %get3A_595 = arith.constant 0 : i32
        %get3A_596 = arith.index_cast %get3A_595 : i32 to index
        %get3A_597 = arith.index_cast %add3A_594 : i32 to index
        %get3A_598 = arith.constant 32 : index
        %get3A_599 = tpu.vector_load %arg10[%get3A_596, %get3A_597, %get3A_598] {strides = array<i32>} : memref<2x320x128xf32, #tpu.memory_space<vmem>>, vector<1x1x16xf32>,
        %get3A_600 = vector.shape_cast %get3A_599 : vector<1x1x16xf32> to vector<16xf32>
        %add3A_601 = arith.constant 2 : i32
        %add3A_602 = arith.addi %mul3A_394, %add3A_601 : i32
        %get3A_603 = arith.constant 0 : i32
        %get3A_604 = arith.index_cast %get3A_603 : i32 to index
        %get3A_605 = arith.index_cast %add3A_602 : i32 to index
        %get3A_606 = arith.constant 32 : index
        %get3A_607 = tpu.vector_load %arg10[%get3A_604, %get3A_605, %get3A_606] {strides = array<i32>} : memref<2x320x128xf32, #tpu.memory_space<vmem>>, vector<1x1x16xf32>,
        %get3A_608 = vector.shape_cast %get3A_607 : vector<1x1x16xf32> to vector<16xf32>
        %add3A_609 = arith.constant 3 : i32
        %add3A_610 = arith.addi %mul3A_394, %add3A_609 : i32
        %get3A_611 = arith.constant 0 : i32
        %get3A_612 = arith.index_cast %get3A_611 : i32 to index
        %get3A_613 = arith.index_cast %add3A_610 : i32 to index
        %get3A_614 = arith.constant 32 : index
        %get3A_615 = tpu.vector_load %arg10[%get3A_612, %get3A_613, %get3A_614] {strides = array<i32>} : memref<2x320x128xf32, #tpu.memory_space<vmem>>, vector<1x1x16xf32>,
        %get3A_616 = vector.shape_cast %get3A_615 : vector<1x1x16xf32> to vector<16xf32>
        %add3A_617 = arith.constant 4 : i32
        %add3A_618 = arith.addi %mul3A_394, %add3A_617 : i32
        %get3A_619 = arith.constant 0 : i32
        %get3A_620 = arith.index_cast %get3A_619 : i32 to index
        %get3A_621 = arith.index_cast %add3A_618 : i32 to index
        %get3A_622 = arith.constant 32 : index
        %get3A_623 = tpu.vector_load %arg10[%get3A_620, %get3A_621, %get3A_622] {strides = array<i32>} : memref<2x320x128xf32, #tpu.memory_space<vmem>>, vector<1x1x16xf32>,
        %get3A_624 = vector.shape_cast %get3A_623 : vector<1x1x16xf32> to vector<16xf32>
        %add3A_625 = arith.constant 5 : i32
        %add3A_626 = arith.addi %mul3A_394, %add3A_625 : i32
        %get3A_627 = arith.constant 0 : i32
        %get3A_628 = arith.index_cast %get3A_627 : i32 to index
        %get3A_629 = arith.index_cast %add3A_626 : i32 to index
        %get3A_630 = arith.constant 32 : index
        %get3A_631 = tpu.vector_load %arg10[%get3A_628, %get3A_629, %get3A_630] {strides = array<i32>} : memref<2x320x128xf32, #tpu.memory_space<vmem>>, vector<1x1x16xf32>,
        %get3A_632 = vector.shape_cast %get3A_631 : vector<1x1x16xf32> to vector<16xf32>
        %add3A_633 = arith.constant 6 : i32
        %add3A_634 = arith.addi %mul3A_394, %add3A_633 : i32
        %get3A_635 = arith.constant 0 : i32
        %get3A_636 = arith.index_cast %get3A_635 : i32 to index
        %get3A_637 = arith.index_cast %add3A_634 : i32 to index
        %get3A_638 = arith.constant 32 : index
        %get3A_639 = tpu.vector_load %arg10[%get3A_636, %get3A_637, %get3A_638] {strides = array<i32>} : memref<2x320x128xf32, #tpu.memory_space<vmem>>, vector<1x1x16xf32>,
        %get3A_640 = vector.shape_cast %get3A_639 : vector<1x1x16xf32> to vector<16xf32>
        %add3A_641 = arith.constant 7 : i32
        %add3A_642 = arith.addi %mul3A_394, %add3A_641 : i32
        %get3A_643 = arith.constant 0 : i32
        %get3A_644 = arith.index_cast %get3A_643 : i32 to index
        %get3A_645 = arith.index_cast %add3A_642 : i32 to index
        %get3A_646 = arith.constant 32 : index
        %get3A_647 = tpu.vector_load %arg10[%get3A_644, %get3A_645, %get3A_646] {strides = array<i32>} : memref<2x320x128xf32, #tpu.memory_space<vmem>>, vector<1x1x16xf32>,
        %get3A_648 = vector.shape_cast %get3A_647 : vector<1x1x16xf32> to vector<16xf32>
        %add3A_649 = arith.constant 8 : i32
        %add3A_650 = arith.addi %mul3A_394, %add3A_649 : i32
        %get3A_651 = arith.constant 0 : i32
        %get3A_652 = arith.index_cast %get3A_651 : i32 to index
        %get3A_653 = arith.index_cast %add3A_650 : i32 to index
        %get3A_654 = arith.constant 32 : index
        %get3A_655 = tpu.vector_load %arg10[%get3A_652, %get3A_653, %get3A_654] {strides = array<i32>} : memref<2x320x128xf32, #tpu.memory_space<vmem>>, vector<1x1x16xf32>,
        %get3A_656 = vector.shape_cast %get3A_655 : vector<1x1x16xf32> to vector<16xf32>
        %add3A_657 = arith.constant 9 : i32
        %add3A_658 = arith.addi %mul3A_394, %add3A_657 : i32
        %get3A_659 = arith.constant 0 : i32
        %get3A_660 = arith.index_cast %get3A_659 : i32 to index
        %get3A_661 = arith.index_cast %add3A_658 : i32 to index
        %get3A_662 = arith.constant 32 : index
        %get3A_663 = tpu.vector_load %arg10[%get3A_660, %get3A_661, %get3A_662] {strides = array<i32>} : memref<2x320x128xf32, #tpu.memory_space<vmem>>, vector<1x1x16xf32>,
        %get3A_664 = vector.shape_cast %get3A_663 : vector<1x1x16xf32> to vector<16xf32>
        %add3A_665 = arith.addf %get3A_592, %get3A_600 : vector<16xf32>
        %add3A_666 = arith.addf %get3A_608, %get3A_616 : vector<16xf32>
        %add3A_667 = arith.addf %get3A_624, %get3A_632 : vector<16xf32>
        %add3A_668 = arith.addf %get3A_640, %get3A_648 : vector<16xf32>
        %add3A_669 = arith.addf %get3A_656, %get3A_664 : vector<16xf32>
        %add3A_670 = arith.addf %add3A_665, %add3A_666 : vector<16xf32>
        %add3A_671 = arith.addf %add3A_667, %add3A_668 : vector<16xf32>
        %add3A_672 = arith.addf %add3A_670, %add3A_671 : vector<16xf32>
        %add3A_673 = arith.addf %add3A_672, %add3A_669 : vector<16xf32>
        %swap3A_674 = arith.constant 0 : i32
        %swap3A_675 = arith.index_cast %swap3A_674 : i32 to index
        %swap3A_676 = arith.index_cast %scan3A_392 : i32 to index
        %swap3A_677 = arith.constant 32 : index
        %swap3A_678 = tpu.vector_load %arg11[%swap3A_675, %swap3A_676, %swap3A_677] {strides = array<i32>} : memref<2x32x128xf32, #tpu.memory_space<vmem>>, vector<1x1x16xf32>,
        %swap3A_679 = vector.shape_cast %swap3A_678 : vector<1x1x16xf32> to vector<16xf32>
        %swap3A_680 = vector.shape_cast %add3A_673 : vector<16xf32> to vector<1x1x16xf32>
        tpu.vector_store %arg11[%swap3A_675, %swap3A_676, %swap3A_677], %swap3A_680 {strides = array<i32>} : memref<2x32x128xf32, #tpu.memory_space<vmem>>, vector<1x1x16xf32>,
        %add3A_681 = arith.constant 0 : i32
        %add3A_682 = arith.addi %mul3A_394, %add3A_681 : i32
        %get3A_683 = arith.constant 0 : i32
        %get3A_684 = arith.index_cast %get3A_683 : i32 to index
        %get3A_685 = arith.index_cast %add3A_682 : i32 to index
        %get3A_686 = arith.constant 48 : index
        %get3A_687 = tpu.vector_load %arg10[%get3A_684, %get3A_685, %get3A_686] {strides = array<i32>} : memref<2x320x128xf32, #tpu.memory_space<vmem>>, vector<1x1x16xf32>,
        %get3A_688 = vector.shape_cast %get3A_687 : vector<1x1x16xf32> to vector<16xf32>
        %add3A_689 = arith.constant 1 : i32
        %add3A_690 = arith.addi %mul3A_394, %add3A_689 : i32
        %get3A_691 = arith.constant 0 : i32
        %get3A_692 = arith.index_cast %get3A_691 : i32 to index
        %get3A_693 = arith.index_cast %add3A_690 : i32 to index
        %get3A_694 = arith.constant 48 : index
        %get3A_695 = tpu.vector_load %arg10[%get3A_692, %get3A_693, %get3A_694] {strides = array<i32>} : memref<2x320x128xf32, #tpu.memory_space<vmem>>, vector<1x1x16xf32>,
        %get3A_696 = vector.shape_cast %get3A_695 : vector<1x1x16xf32> to vector<16xf32>
        %add3A_697 = arith.constant 2 : i32
        %add3A_698 = arith.addi %mul3A_394, %add3A_697 : i32
        %get3A_699 = arith.constant 0 : i32
        %get3A_700 = arith.index_cast %get3A_699 : i32 to index
        %get3A_701 = arith.index_cast %add3A_698 : i32 to index
        %get3A_702 = arith.constant 48 : index
        %get3A_703 = tpu.vector_load %arg10[%get3A_700, %get3A_701, %get3A_702] {strides = array<i32>} : memref<2x320x128xf32, #tpu.memory_space<vmem>>, vector<1x1x16xf32>,
        %get3A_704 = vector.shape_cast %get3A_703 : vector<1x1x16xf32> to vector<16xf32>
        %add3A_705 = arith.constant 3 : i32
        %add3A_706 = arith.addi %mul3A_394, %add3A_705 : i32
        %get3A_707 = arith.constant 0 : i32
        %get3A_708 = arith.index_cast %get3A_707 : i32 to index
        %get3A_709 = arith.index_cast %add3A_706 : i32 to index
        %get3A_710 = arith.constant 48 : index
        %get3A_711 = tpu.vector_load %arg10[%get3A_708, %get3A_709, %get3A_710] {strides = array<i32>} : memref<2x320x128xf32, #tpu.memory_space<vmem>>, vector<1x1x16xf32>,
        %get3A_712 = vector.shape_cast %get3A_711 : vector<1x1x16xf32> to vector<16xf32>
        %add3A_713 = arith.constant 4 : i32
        %add3A_714 = arith.addi %mul3A_394, %add3A_713 : i32
        %get3A_715 = arith.constant 0 : i32
        %get3A_716 = arith.index_cast %get3A_715 : i32 to index
        %get3A_717 = arith.index_cast %add3A_714 : i32 to index
        %get3A_718 = arith.constant 48 : index
        %get3A_719 = tpu.vector_load %arg10[%get3A_716, %get3A_717, %get3A_718] {strides = array<i32>} : memref<2x320x128xf32, #tpu.memory_space<vmem>>, vector<1x1x16xf32>,
        %get3A_720 = vector.shape_cast %get3A_719 : vector<1x1x16xf32> to vector<16xf32>
        %add3A_721 = arith.constant 5 : i32
        %add3A_722 = arith.addi %mul3A_394, %add3A_721 : i32
        %get3A_723 = arith.constant 0 : i32
        %get3A_724 = arith.index_cast %get3A_723 : i32 to index
        %get3A_725 = arith.index_cast %add3A_722 : i32 to index
        %get3A_726 = arith.constant 48 : index
        %get3A_727 = tpu.vector_load %arg10[%get3A_724, %get3A_725, %get3A_726] {strides = array<i32>} : memref<2x320x128xf32, #tpu.memory_space<vmem>>, vector<1x1x16xf32>,
        %get3A_728 = vector.shape_cast %get3A_727 : vector<1x1x16xf32> to vector<16xf32>
        %add3A_729 = arith.constant 6 : i32
        %add3A_730 = arith.addi %mul3A_394, %add3A_729 : i32
        %get3A_731 = arith.constant 0 : i32
        %get3A_732 = arith.index_cast %get3A_731 : i32 to index
        %get3A_733 = arith.index_cast %add3A_730 : i32 to index
        %get3A_734 = arith.constant 48 : index
        %get3A_735 = tpu.vector_load %arg10[%get3A_732, %get3A_733, %get3A_734] {strides = array<i32>} : memref<2x320x128xf32, #tpu.memory_space<vmem>>, vector<1x1x16xf32>,
        %get3A_736 = vector.shape_cast %get3A_735 : vector<1x1x16xf32> to vector<16xf32>
        %add3A_737 = arith.constant 7 : i32
        %add3A_738 = arith.addi %mul3A_394, %add3A_737 : i32
        %get3A_739 = arith.constant 0 : i32
        %get3A_740 = arith.index_cast %get3A_739 : i32 to index
        %get3A_741 = arith.index_cast %add3A_738 : i32 to index
        %get3A_742 = arith.constant 48 : index
        %get3A_743 = tpu.vector_load %arg10[%get3A_740, %get3A_741, %get3A_742] {strides = array<i32>} : memref<2x320x128xf32, #tpu.memory_space<vmem>>, vector<1x1x16xf32>,
        %get3A_744 = vector.shape_cast %get3A_743 : vector<1x1x16xf32> to vector<16xf32>
        %add3A_745 = arith.constant 8 : i32
        %add3A_746 = arith.addi %mul3A_394, %add3A_745 : i32
        %get3A_747 = arith.constant 0 : i32
        %get3A_748 = arith.index_cast %get3A_747 : i32 to index
        %get3A_749 = arith.index_cast %add3A_746 : i32 to index
        %get3A_750 = arith.constant 48 : index
        %get3A_751 = tpu.vector_load %arg10[%get3A_748, %get3A_749, %get3A_750] {strides = array<i32>} : memref<2x320x128xf32, #tpu.memory_space<vmem>>, vector<1x1x16xf32>,
        %get3A_752 = vector.shape_cast %get3A_751 : vector<1x1x16xf32> to vector<16xf32>
        %add3A_753 = arith.constant 9 : i32
        %add3A_754 = arith.addi %mul3A_394, %add3A_753 : i32
        %get3A_755 = arith.constant 0 : i32
        %get3A_756 = arith.index_cast %get3A_755 : i32 to index
        %get3A_757 = arith.index_cast %add3A_754 : i32 to index
        %get3A_758 = arith.constant 48 : index
        %get3A_759 = tpu.vector_load %arg10[%get3A_756, %get3A_757, %get3A_758] {strides = array<i32>} : memref<2x320x128xf32, #tpu.memory_space<vmem>>, vector<1x1x16xf32>,
        %get3A_760 = vector.shape_cast %get3A_759 : vector<1x1x16xf32> to vector<16xf32>
        %add3A_761 = arith.addf %get3A_688, %get3A_696 : vector<16xf32>
        %add3A_762 = arith.addf %get3A_704, %get3A_712 : vector<16xf32>
        %add3A_763 = arith.addf %get3A_720, %get3A_728 : vector<16xf32>
        %add3A_764 = arith.addf %get3A_736, %get3A_744 : vector<16xf32>
        %add3A_765 = arith.addf %get3A_752, %get3A_760 : vector<16xf32>
        %add3A_766 = arith.addf %add3A_761, %add3A_762 : vector<16xf32>
        %add3A_767 = arith.addf %add3A_763, %add3A_764 : vector<16xf32>
        %add3A_768 = arith.addf %add3A_766, %add3A_767 : vector<16xf32>
        %add3A_769 = arith.addf %add3A_768, %add3A_765 : vector<16xf32>
        %swap3A_770 = arith.constant 0 : i32
        %swap3A_771 = arith.index_cast %swap3A_770 : i32 to index
        %swap3A_772 = arith.index_cast %scan3A_392 : i32 to index
        %swap3A_773 = arith.constant 48 : index
        %swap3A_774 = tpu.vector_load %arg11[%swap3A_771, %swap3A_772, %swap3A_773] {strides = array<i32>} : memref<2x32x128xf32, #tpu.memory_space<vmem>>, vector<1x1x16xf32>,
        %swap3A_775 = vector.shape_cast %swap3A_774 : vector<1x1x16xf32> to vector<16xf32>
        %swap3A_776 = vector.shape_cast %add3A_769 : vector<16xf32> to vector<1x1x16xf32>
        tpu.vector_store %arg11[%swap3A_771, %swap3A_772, %swap3A_773], %swap3A_776 {strides = array<i32>} : memref<2x32x128xf32, #tpu.memory_space<vmem>>, vector<1x1x16xf32>,
        %add3A_777 = arith.constant 0 : i32
        %add3A_778 = arith.addi %mul3A_394, %add3A_777 : i32
        %get3A_779 = arith.constant 0 : i32
        %get3A_780 = arith.index_cast %get3A_779 : i32 to index
        %get3A_781 = arith.index_cast %add3A_778 : i32 to index
        %get3A_782 = arith.constant 64 : index
        %get3A_783 = tpu.vector_load %arg10[%get3A_780, %get3A_781, %get3A_782] {strides = array<i32>} : memref<2x320x128xf32, #tpu.memory_space<vmem>>, vector<1x1x16xf32>,
        %get3A_784 = vector.shape_cast %get3A_783 : vector<1x1x16xf32> to vector<16xf32>
        %add3A_785 = arith.constant 1 : i32
        %add3A_786 = arith.addi %mul3A_394, %add3A_785 : i32
        %get3A_787 = arith.constant 0 : i32
        %get3A_788 = arith.index_cast %get3A_787 : i32 to index
        %get3A_789 = arith.index_cast %add3A_786 : i32 to index
        %get3A_790 = arith.constant 64 : index
        %get3A_791 = tpu.vector_load %arg10[%get3A_788, %get3A_789, %get3A_790] {strides = array<i32>} : memref<2x320x128xf32, #tpu.memory_space<vmem>>, vector<1x1x16xf32>,
        %get3A_792 = vector.shape_cast %get3A_791 : vector<1x1x16xf32> to vector<16xf32>
        %add3A_793 = arith.constant 2 : i32
        %add3A_794 = arith.addi %mul3A_394, %add3A_793 : i32
        %get3A_795 = arith.constant 0 : i32
        %get3A_796 = arith.index_cast %get3A_795 : i32 to index
        %get3A_797 = arith.index_cast %add3A_794 : i32 to index
        %get3A_798 = arith.constant 64 : index
        %get3A_799 = tpu.vector_load %arg10[%get3A_796, %get3A_797, %get3A_798] {strides = array<i32>} : memref<2x320x128xf32, #tpu.memory_space<vmem>>, vector<1x1x16xf32>,
        %get3A_800 = vector.shape_cast %get3A_799 : vector<1x1x16xf32> to vector<16xf32>
        %add3A_801 = arith.constant 3 : i32
        %add3A_802 = arith.addi %mul3A_394, %add3A_801 : i32
        %get3A_803 = arith.constant 0 : i32
        %get3A_804 = arith.index_cast %get3A_803 : i32 to index
        %get3A_805 = arith.index_cast %add3A_802 : i32 to index
        %get3A_806 = arith.constant 64 : index
        %get3A_807 = tpu.vector_load %arg10[%get3A_804, %get3A_805, %get3A_806] {strides = array<i32>} : memref<2x320x128xf32, #tpu.memory_space<vmem>>, vector<1x1x16xf32>,
        %get3A_808 = vector.shape_cast %get3A_807 : vector<1x1x16xf32> to vector<16xf32>
        %add3A_809 = arith.constant 4 : i32
        %add3A_810 = arith.addi %mul3A_394, %add3A_809 : i32
        %get3A_811 = arith.constant 0 : i32
        %get3A_812 = arith.index_cast %get3A_811 : i32 to index
        %get3A_813 = arith.index_cast %add3A_810 : i32 to index
        %get3A_814 = arith.constant 64 : index
        %get3A_815 = tpu.vector_load %arg10[%get3A_812, %get3A_813, %get3A_814] {strides = array<i32>} : memref<2x320x128xf32, #tpu.memory_space<vmem>>, vector<1x1x16xf32>,
        %get3A_816 = vector.shape_cast %get3A_815 : vector<1x1x16xf32> to vector<16xf32>
        %add3A_817 = arith.constant 5 : i32
        %add3A_818 = arith.addi %mul3A_394, %add3A_817 : i32
        %get3A_819 = arith.constant 0 : i32
        %get3A_820 = arith.index_cast %get3A_819 : i32 to index
        %get3A_821 = arith.index_cast %add3A_818 : i32 to index
        %get3A_822 = arith.constant 64 : index
        %get3A_823 = tpu.vector_load %arg10[%get3A_820, %get3A_821, %get3A_822] {strides = array<i32>} : memref<2x320x128xf32, #tpu.memory_space<vmem>>, vector<1x1x16xf32>,
        %get3A_824 = vector.shape_cast %get3A_823 : vector<1x1x16xf32> to vector<16xf32>
        %add3A_825 = arith.constant 6 : i32
        %add3A_826 = arith.addi %mul3A_394, %add3A_825 : i32
        %get3A_827 = arith.constant 0 : i32
        %get3A_828 = arith.index_cast %get3A_827 : i32 to index
        %get3A_829 = arith.index_cast %add3A_826 : i32 to index
        %get3A_830 = arith.constant 64 : index
        %get3A_831 = tpu.vector_load %arg10[%get3A_828, %get3A_829, %get3A_830] {strides = array<i32>} : memref<2x320x128xf32, #tpu.memory_space<vmem>>, vector<1x1x16xf32>,
        %get3A_832 = vector.shape_cast %get3A_831 : vector<1x1x16xf32> to vector<16xf32>
        %add3A_833 = arith.constant 7 : i32
        %add3A_834 = arith.addi %mul3A_394, %add3A_833 : i32
        %get3A_835 = arith.constant 0 : i32
        %get3A_836 = arith.index_cast %get3A_835 : i32 to index
        %get3A_837 = arith.index_cast %add3A_834 : i32 to index
        %get3A_838 = arith.constant 64 : index
        %get3A_839 = tpu.vector_load %arg10[%get3A_836, %get3A_837, %get3A_838] {strides = array<i32>} : memref<2x320x128xf32, #tpu.memory_space<vmem>>, vector<1x1x16xf32>,
        %get3A_840 = vector.shape_cast %get3A_839 : vector<1x1x16xf32> to vector<16xf32>
        %add3A_841 = arith.constant 8 : i32
        %add3A_842 = arith.addi %mul3A_394, %add3A_841 : i32
        %get3A_843 = arith.constant 0 : i32
        %get3A_844 = arith.index_cast %get3A_843 : i32 to index
        %get3A_845 = arith.index_cast %add3A_842 : i32 to index
        %get3A_846 = arith.constant 64 : index
        %get3A_847 = tpu.vector_load %arg10[%get3A_844, %get3A_845, %get3A_846] {strides = array<i32>} : memref<2x320x128xf32, #tpu.memory_space<vmem>>, vector<1x1x16xf32>,
        %get3A_848 = vector.shape_cast %get3A_847 : vector<1x1x16xf32> to vector<16xf32>
        %add3A_849 = arith.constant 9 : i32
        %add3A_850 = arith.addi %mul3A_394, %add3A_849 : i32
        %get3A_851 = arith.constant 0 : i32
        %get3A_852 = arith.index_cast %get3A_851 : i32 to index
        %get3A_853 = arith.index_cast %add3A_850 : i32 to index
        %get3A_854 = arith.constant 64 : index
        %get3A_855 = tpu.vector_load %arg10[%get3A_852, %get3A_853, %get3A_854] {strides = array<i32>} : memref<2x320x128xf32, #tpu.memory_space<vmem>>, vector<1x1x16xf32>,
        %get3A_856 = vector.shape_cast %get3A_855 : vector<1x1x16xf32> to vector<16xf32>
        %add3A_857 = arith.addf %get3A_784, %get3A_792 : vector<16xf32>
        %add3A_858 = arith.addf %get3A_800, %get3A_808 : vector<16xf32>
        %add3A_859 = arith.addf %get3A_816, %get3A_824 : vector<16xf32>
        %add3A_860 = arith.addf %get3A_832, %get3A_840 : vector<16xf32>
        %add3A_861 = arith.addf %get3A_848, %get3A_856 : vector<16xf32>
        %add3A_862 = arith.addf %add3A_857, %add3A_858 : vector<16xf32>
        %add3A_863 = arith.addf %add3A_859, %add3A_860 : vector<16xf32>
        %add3A_864 = arith.addf %add3A_862, %add3A_863 : vector<16xf32>
        %add3A_865 = arith.addf %add3A_864, %add3A_861 : vector<16xf32>
        %swap3A_866 = arith.constant 0 : i32
        %swap3A_867 = arith.index_cast %swap3A_866 : i32 to index
        %swap3A_868 = arith.index_cast %scan3A_392 : i32 to index
        %swap3A_869 = arith.constant 64 : index
        %swap3A_870 = tpu.vector_load %arg11[%swap3A_867, %swap3A_868, %swap3A_869] {strides = array<i32>} : memref<2x32x128xf32, #tpu.memory_space<vmem>>, vector<1x1x16xf32>,
        %swap3A_871 = vector.shape_cast %swap3A_870 : vector<1x1x16xf32> to vector<16xf32>
        %swap3A_872 = vector.shape_cast %add3A_865 : vector<16xf32> to vector<1x1x16xf32>
        tpu.vector_store %arg11[%swap3A_867, %swap3A_868, %swap3A_869], %swap3A_872 {strides = array<i32>} : memref<2x32x128xf32, #tpu.memory_space<vmem>>, vector<1x1x16xf32>,
        %add3A_873 = arith.constant 0 : i32
        %add3A_874 = arith.addi %mul3A_394, %add3A_873 : i32
        %get3A_875 = arith.constant 0 : i32
        %get3A_876 = arith.index_cast %get3A_875 : i32 to index
        %get3A_877 = arith.index_cast %add3A_874 : i32 to index
        %get3A_878 = arith.constant 80 : index
        %get3A_879 = tpu.vector_load %arg10[%get3A_876, %get3A_877, %get3A_878] {strides = array<i32>} : memref<2x320x128xf32, #tpu.memory_space<vmem>>, vector<1x1x16xf32>,
        %get3A_880 = vector.shape_cast %get3A_879 : vector<1x1x16xf32> to vector<16xf32>
        %add3A_881 = arith.constant 1 : i32
        %add3A_882 = arith.addi %mul3A_394, %add3A_881 : i32
        %get3A_883 = arith.constant 0 : i32
        %get3A_884 = arith.index_cast %get3A_883 : i32 to index
        %get3A_885 = arith.index_cast %add3A_882 : i32 to index
        %get3A_886 = arith.constant 80 : index
        %get3A_887 = tpu.vector_load %arg10[%get3A_884, %get3A_885, %get3A_886] {strides = array<i32>} : memref<2x320x128xf32, #tpu.memory_space<vmem>>, vector<1x1x16xf32>,
        %get3A_888 = vector.shape_cast %get3A_887 : vector<1x1x16xf32> to vector<16xf32>
        %add3A_889 = arith.constant 2 : i32
        %add3A_890 = arith.addi %mul3A_394, %add3A_889 : i32
        %get3A_891 = arith.constant 0 : i32
        %get3A_892 = arith.index_cast %get3A_891 : i32 to index
        %get3A_893 = arith.index_cast %add3A_890 : i32 to index
        %get3A_894 = arith.constant 80 : index
        %get3A_895 = tpu.vector_load %arg10[%get3A_892, %get3A_893, %get3A_894] {strides = array<i32>} : memref<2x320x128xf32, #tpu.memory_space<vmem>>, vector<1x1x16xf32>,
        %get3A_896 = vector.shape_cast %get3A_895 : vector<1x1x16xf32> to vector<16xf32>
        %add3A_897 = arith.constant 3 : i32
        %add3A_898 = arith.addi %mul3A_394, %add3A_897 : i32
        %get3A_899 = arith.constant 0 : i32
        %get3A_900 = arith.index_cast %get3A_899 : i32 to index
        %get3A_901 = arith.index_cast %add3A_898 : i32 to index
        %get3A_902 = arith.constant 80 : index
        %get3A_903 = tpu.vector_load %arg10[%get3A_900, %get3A_901, %get3A_902] {strides = array<i32>} : memref<2x320x128xf32, #tpu.memory_space<vmem>>, vector<1x1x16xf32>,
        %get3A_904 = vector.shape_cast %get3A_903 : vector<1x1x16xf32> to vector<16xf32>
        %add3A_905 = arith.constant 4 : i32
        %add3A_906 = arith.addi %mul3A_394, %add3A_905 : i32
        %get3A_907 = arith.constant 0 : i32
        %get3A_908 = arith.index_cast %get3A_907 : i32 to index
        %get3A_909 = arith.index_cast %add3A_906 : i32 to index
        %get3A_910 = arith.constant 80 : index
        %get3A_911 = tpu.vector_load %arg10[%get3A_908, %get3A_909, %get3A_910] {strides = array<i32>} : memref<2x320x128xf32, #tpu.memory_space<vmem>>, vector<1x1x16xf32>,
        %get3A_912 = vector.shape_cast %get3A_911 : vector<1x1x16xf32> to vector<16xf32>
        %add3A_913 = arith.constant 5 : i32
        %add3A_914 = arith.addi %mul3A_394, %add3A_913 : i32
        %get3A_915 = arith.constant 0 : i32
        %get3A_916 = arith.index_cast %get3A_915 : i32 to index
        %get3A_917 = arith.index_cast %add3A_914 : i32 to index
        %get3A_918 = arith.constant 80 : index
        %get3A_919 = tpu.vector_load %arg10[%get3A_916, %get3A_917, %get3A_918] {strides = array<i32>} : memref<2x320x128xf32, #tpu.memory_space<vmem>>, vector<1x1x16xf32>,
        %get3A_920 = vector.shape_cast %get3A_919 : vector<1x1x16xf32> to vector<16xf32>
        %add3A_921 = arith.constant 6 : i32
        %add3A_922 = arith.addi %mul3A_394, %add3A_921 : i32
        %get3A_923 = arith.constant 0 : i32
        %get3A_924 = arith.index_cast %get3A_923 : i32 to index
        %get3A_925 = arith.index_cast %add3A_922 : i32 to index
        %get3A_926 = arith.constant 80 : index
        %get3A_927 = tpu.vector_load %arg10[%get3A_924, %get3A_925, %get3A_926] {strides = array<i32>} : memref<2x320x128xf32, #tpu.memory_space<vmem>>, vector<1x1x16xf32>,
        %get3A_928 = vector.shape_cast %get3A_927 : vector<1x1x16xf32> to vector<16xf32>
        %add3A_929 = arith.constant 7 : i32
        %add3A_930 = arith.addi %mul3A_394, %add3A_929 : i32
        %get3A_931 = arith.constant 0 : i32
        %get3A_932 = arith.index_cast %get3A_931 : i32 to index
        %get3A_933 = arith.index_cast %add3A_930 : i32 to index
        %get3A_934 = arith.constant 80 : index
        %get3A_935 = tpu.vector_load %arg10[%get3A_932, %get3A_933, %get3A_934] {strides = array<i32>} : memref<2x320x128xf32, #tpu.memory_space<vmem>>, vector<1x1x16xf32>,
        %get3A_936 = vector.shape_cast %get3A_935 : vector<1x1x16xf32> to vector<16xf32>
        %add3A_937 = arith.constant 8 : i32
        %add3A_938 = arith.addi %mul3A_394, %add3A_937 : i32
        %get3A_939 = arith.constant 0 : i32
        %get3A_940 = arith.index_cast %get3A_939 : i32 to index
        %get3A_941 = arith.index_cast %add3A_938 : i32 to index
        %get3A_942 = arith.constant 80 : index
        %get3A_943 = tpu.vector_load %arg10[%get3A_940, %get3A_941, %get3A_942] {strides = array<i32>} : memref<2x320x128xf32, #tpu.memory_space<vmem>>, vector<1x1x16xf32>,
        %get3A_944 = vector.shape_cast %get3A_943 : vector<1x1x16xf32> to vector<16xf32>
        %add3A_945 = arith.constant 9 : i32
        %add3A_946 = arith.addi %mul3A_394, %add3A_945 : i32
        %get3A_947 = arith.constant 0 : i32
        %get3A_948 = arith.index_cast %get3A_947 : i32 to index
        %get3A_949 = arith.index_cast %add3A_946 : i32 to index
        %get3A_950 = arith.constant 80 : index
        %get3A_951 = tpu.vector_load %arg10[%get3A_948, %get3A_949, %get3A_950] {strides = array<i32>} : memref<2x320x128xf32, #tpu.memory_space<vmem>>, vector<1x1x16xf32>,
        %get3A_952 = vector.shape_cast %get3A_951 : vector<1x1x16xf32> to vector<16xf32>
        %add3A_953 = arith.addf %get3A_880, %get3A_888 : vector<16xf32>
        %add3A_954 = arith.addf %get3A_896, %get3A_904 : vector<16xf32>
        %add3A_955 = arith.addf %get3A_912, %get3A_920 : vector<16xf32>
        %add3A_956 = arith.addf %get3A_928, %get3A_936 : vector<16xf32>
        %add3A_957 = arith.addf %get3A_944, %get3A_952 : vector<16xf32>
        %add3A_958 = arith.addf %add3A_953, %add3A_954 : vector<16xf32>
        %add3A_959 = arith.addf %add3A_955, %add3A_956 : vector<16xf32>
        %add3A_960 = arith.addf %add3A_958, %add3A_959 : vector<16xf32>
        %add3A_961 = arith.addf %add3A_960, %add3A_957 : vector<16xf32>
        %swap3A_962 = arith.constant 0 : i32
        %swap3A_963 = arith.index_cast %swap3A_962 : i32 to index
        %swap3A_964 = arith.index_cast %scan3A_392 : i32 to index
        %swap3A_965 = arith.constant 80 : index
        %swap3A_966 = tpu.vector_load %arg11[%swap3A_963, %swap3A_964, %swap3A_965] {strides = array<i32>} : memref<2x32x128xf32, #tpu.memory_space<vmem>>, vector<1x1x16xf32>,
        %swap3A_967 = vector.shape_cast %swap3A_966 : vector<1x1x16xf32> to vector<16xf32>
        %swap3A_968 = vector.shape_cast %add3A_961 : vector<16xf32> to vector<1x1x16xf32>
        tpu.vector_store %arg11[%swap3A_963, %swap3A_964, %swap3A_965], %swap3A_968 {strides = array<i32>} : memref<2x32x128xf32, #tpu.memory_space<vmem>>, vector<1x1x16xf32>,
        %add3A_969 = arith.constant 0 : i32
        %add3A_970 = arith.addi %mul3A_394, %add3A_969 : i32
        %get3A_971 = arith.constant 0 : i32
        %get3A_972 = arith.index_cast %get3A_971 : i32 to index
        %get3A_973 = arith.index_cast %add3A_970 : i32 to index
        %get3A_974 = arith.constant 96 : index
        %get3A_975 = tpu.vector_load %arg10[%get3A_972, %get3A_973, %get3A_974] {strides = array<i32>} : memref<2x320x128xf32, #tpu.memory_space<vmem>>, vector<1x1x16xf32>,
        %get3A_976 = vector.shape_cast %get3A_975 : vector<1x1x16xf32> to vector<16xf32>
        %add3A_977 = arith.constant 1 : i32
        %add3A_978 = arith.addi %mul3A_394, %add3A_977 : i32
        %get3A_979 = arith.constant 0 : i32
        %get3A_980 = arith.index_cast %get3A_979 : i32 to index
        %get3A_981 = arith.index_cast %add3A_978 : i32 to index
        %get3A_982 = arith.constant 96 : index
        %get3A_983 = tpu.vector_load %arg10[%get3A_980, %get3A_981, %get3A_982] {strides = array<i32>} : memref<2x320x128xf32, #tpu.memory_space<vmem>>, vector<1x1x16xf32>,
        %get3A_984 = vector.shape_cast %get3A_983 : vector<1x1x16xf32> to vector<16xf32>
        %add3A_985 = arith.constant 2 : i32
        %add3A_986 = arith.addi %mul3A_394, %add3A_985 : i32
        %get3A_987 = arith.constant 0 : i32
        %get3A_988 = arith.index_cast %get3A_987 : i32 to index
        %get3A_989 = arith.index_cast %add3A_986 : i32 to index
        %get3A_990 = arith.constant 96 : index
        %get3A_991 = tpu.vector_load %arg10[%get3A_988, %get3A_989, %get3A_990] {strides = array<i32>} : memref<2x320x128xf32, #tpu.memory_space<vmem>>, vector<1x1x16xf32>,
        %get3A_992 = vector.shape_cast %get3A_991 : vector<1x1x16xf32> to vector<16xf32>
        %add3A_993 = arith.constant 3 : i32
        %add3A_994 = arith.addi %mul3A_394, %add3A_993 : i32
        %get3A_995 = arith.constant 0 : i32
        %get3A_996 = arith.index_cast %get3A_995 : i32 to index
        %get3A_997 = arith.index_cast %add3A_994 : i32 to index
        %get3A_998 = arith.constant 96 : index
        %get3A_999 = tpu.vector_load %arg10[%get3A_996, %get3A_997, %get3A_998] {strides = array<i32>} : memref<2x320x128xf32, #tpu.memory_space<vmem>>, vector<1x1x16xf32>,
        %get3A_1000 = vector.shape_cast %get3A_999 : vector<1x1x16xf32> to vector<16xf32>
        %add3A_1001 = arith.constant 4 : i32
        %add3A_1002 = arith.addi %mul3A_394, %add3A_1001 : i32
        %get3A_1003 = arith.constant 0 : i32
        %get3A_1004 = arith.index_cast %get3A_1003 : i32 to index
        %get3A_1005 = arith.index_cast %add3A_1002 : i32 to index
        %get3A_1006 = arith.constant 96 : index
        %get3A_1007 = tpu.vector_load %arg10[%get3A_1004, %get3A_1005, %get3A_1006] {strides = array<i32>} : memref<2x320x128xf32, #tpu.memory_space<vmem>>, vector<1x1x16xf32>,
        %get3A_1008 = vector.shape_cast %get3A_1007 : vector<1x1x16xf32> to vector<16xf32>
        %add3A_1009 = arith.constant 5 : i32
        %add3A_1010 = arith.addi %mul3A_394, %add3A_1009 : i32
        %get3A_1011 = arith.constant 0 : i32
        %get3A_1012 = arith.index_cast %get3A_1011 : i32 to index
        %get3A_1013 = arith.index_cast %add3A_1010 : i32 to index
        %get3A_1014 = arith.constant 96 : index
        %get3A_1015 = tpu.vector_load %arg10[%get3A_1012, %get3A_1013, %get3A_1014] {strides = array<i32>} : memref<2x320x128xf32, #tpu.memory_space<vmem>>, vector<1x1x16xf32>,
        %get3A_1016 = vector.shape_cast %get3A_1015 : vector<1x1x16xf32> to vector<16xf32>
        %add3A_1017 = arith.constant 6 : i32
        %add3A_1018 = arith.addi %mul3A_394, %add3A_1017 : i32
        %get3A_1019 = arith.constant 0 : i32
        %get3A_1020 = arith.index_cast %get3A_1019 : i32 to index
        %get3A_1021 = arith.index_cast %add3A_1018 : i32 to index
        %get3A_1022 = arith.constant 96 : index
        %get3A_1023 = tpu.vector_load %arg10[%get3A_1020, %get3A_1021, %get3A_1022] {strides = array<i32>} : memref<2x320x128xf32, #tpu.memory_space<vmem>>, vector<1x1x16xf32>,
        %get3A_1024 = vector.shape_cast %get3A_1023 : vector<1x1x16xf32> to vector<16xf32>
        %add3A_1025 = arith.constant 7 : i32
        %add3A_1026 = arith.addi %mul3A_394, %add3A_1025 : i32
        %get3A_1027 = arith.constant 0 : i32
        %get3A_1028 = arith.index_cast %get3A_1027 : i32 to index
        %get3A_1029 = arith.index_cast %add3A_1026 : i32 to index
        %get3A_1030 = arith.constant 96 : index
        %get3A_1031 = tpu.vector_load %arg10[%get3A_1028, %get3A_1029, %get3A_1030] {strides = array<i32>} : memref<2x320x128xf32, #tpu.memory_space<vmem>>, vector<1x1x16xf32>,
        %get3A_1032 = vector.shape_cast %get3A_1031 : vector<1x1x16xf32> to vector<16xf32>
        %add3A_1033 = arith.constant 8 : i32
        %add3A_1034 = arith.addi %mul3A_394, %add3A_1033 : i32
        %get3A_1035 = arith.constant 0 : i32
        %get3A_1036 = arith.index_cast %get3A_1035 : i32 to index
        %get3A_1037 = arith.index_cast %add3A_1034 : i32 to index
        %get3A_1038 = arith.constant 96 : index
        %get3A_1039 = tpu.vector_load %arg10[%get3A_1036, %get3A_1037, %get3A_1038] {strides = array<i32>} : memref<2x320x128xf32, #tpu.memory_space<vmem>>, vector<1x1x16xf32>,
        %get3A_1040 = vector.shape_cast %get3A_1039 : vector<1x1x16xf32> to vector<16xf32>
        %add3A_1041 = arith.constant 9 : i32
        %add3A_1042 = arith.addi %mul3A_394, %add3A_1041 : i32
        %get3A_1043 = arith.constant 0 : i32
        %get3A_1044 = arith.index_cast %get3A_1043 : i32 to index
        %get3A_1045 = arith.index_cast %add3A_1042 : i32 to index
        %get3A_1046 = arith.constant 96 : index
        %get3A_1047 = tpu.vector_load %arg10[%get3A_1044, %get3A_1045, %get3A_1046] {strides = array<i32>} : memref<2x320x128xf32, #tpu.memory_space<vmem>>, vector<1x1x16xf32>,
        %get3A_1048 = vector.shape_cast %get3A_1047 : vector<1x1x16xf32> to vector<16xf32>
        %add3A_1049 = arith.addf %get3A_976, %get3A_984 : vector<16xf32>
        %add3A_1050 = arith.addf %get3A_992, %get3A_1000 : vector<16xf32>
        %add3A_1051 = arith.addf %get3A_1008, %get3A_1016 : vector<16xf32>
        %add3A_1052 = arith.addf %get3A_1024, %get3A_1032 : vector<16xf32>
        %add3A_1053 = arith.addf %get3A_1040, %get3A_1048 : vector<16xf32>
        %add3A_1054 = arith.addf %add3A_1049, %add3A_1050 : vector<16xf32>
        %add3A_1055 = arith.addf %add3A_1051, %add3A_1052 : vector<16xf32>
        %add3A_1056 = arith.addf %add3A_1054, %add3A_1055 : vector<16xf32>
        %add3A_1057 = arith.addf %add3A_1056, %add3A_1053 : vector<16xf32>
        %swap3A_1058 = arith.constant 0 : i32
        %swap3A_1059 = arith.index_cast %swap3A_1058 : i32 to index
        %swap3A_1060 = arith.index_cast %scan3A_392 : i32 to index
        %swap3A_1061 = arith.constant 96 : index
        %swap3A_1062 = tpu.vector_load %arg11[%swap3A_1059, %swap3A_1060, %swap3A_1061] {strides = array<i32>} : memref<2x32x128xf32, #tpu.memory_space<vmem>>, vector<1x1x16xf32>,
        %swap3A_1063 = vector.shape_cast %swap3A_1062 : vector<1x1x16xf32> to vector<16xf32>
        %swap3A_1064 = vector.shape_cast %add3A_1057 : vector<16xf32> to vector<1x1x16xf32>
        tpu.vector_store %arg11[%swap3A_1059, %swap3A_1060, %swap3A_1061], %swap3A_1064 {strides = array<i32>} : memref<2x32x128xf32, #tpu.memory_space<vmem>>, vector<1x1x16xf32>,
        %add3A_1065 = arith.constant 0 : i32
        %add3A_1066 = arith.addi %mul3A_394, %add3A_1065 : i32
        %get3A_1067 = arith.constant 0 : i32
        %get3A_1068 = arith.index_cast %get3A_1067 : i32 to index
        %get3A_1069 = arith.index_cast %add3A_1066 : i32 to index
        %get3A_1070 = arith.constant 112 : index
        %get3A_1071 = tpu.vector_load %arg10[%get3A_1068, %get3A_1069, %get3A_1070] {strides = array<i32>} : memref<2x320x128xf32, #tpu.memory_space<vmem>>, vector<1x1x16xf32>,
        %get3A_1072 = vector.shape_cast %get3A_1071 : vector<1x1x16xf32> to vector<16xf32>
        %add3A_1073 = arith.constant 1 : i32
        %add3A_1074 = arith.addi %mul3A_394, %add3A_1073 : i32
        %get3A_1075 = arith.constant 0 : i32
        %get3A_1076 = arith.index_cast %get3A_1075 : i32 to index
        %get3A_1077 = arith.index_cast %add3A_1074 : i32 to index
        %get3A_1078 = arith.constant 112 : index
        %get3A_1079 = tpu.vector_load %arg10[%get3A_1076, %get3A_1077, %get3A_1078] {strides = array<i32>} : memref<2x320x128xf32, #tpu.memory_space<vmem>>, vector<1x1x16xf32>,
        %get3A_1080 = vector.shape_cast %get3A_1079 : vector<1x1x16xf32> to vector<16xf32>
        %add3A_1081 = arith.constant 2 : i32
        %add3A_1082 = arith.addi %mul3A_394, %add3A_1081 : i32
        %get3A_1083 = arith.constant 0 : i32
        %get3A_1084 = arith.index_cast %get3A_1083 : i32 to index
        %get3A_1085 = arith.index_cast %add3A_1082 : i32 to index
        %get3A_1086 = arith.constant 112 : index
        %get3A_1087 = tpu.vector_load %arg10[%get3A_1084, %get3A_1085, %get3A_1086] {strides = array<i32>} : memref<2x320x128xf32, #tpu.memory_space<vmem>>, vector<1x1x16xf32>,
        %get3A_1088 = vector.shape_cast %get3A_1087 : vector<1x1x16xf32> to vector<16xf32>
        %add3A_1089 = arith.constant 3 : i32
        %add3A_1090 = arith.addi %mul3A_394, %add3A_1089 : i32
        %get3A_1091 = arith.constant 0 : i32
        %get3A_1092 = arith.index_cast %get3A_1091 : i32 to index
        %get3A_1093 = arith.index_cast %add3A_1090 : i32 to index
        %get3A_1094 = arith.constant 112 : index
        %get3A_1095 = tpu.vector_load %arg10[%get3A_1092, %get3A_1093, %get3A_1094] {strides = array<i32>} : memref<2x320x128xf32, #tpu.memory_space<vmem>>, vector<1x1x16xf32>,
        %get3A_1096 = vector.shape_cast %get3A_1095 : vector<1x1x16xf32> to vector<16xf32>
        %add3A_1097 = arith.constant 4 : i32
        %add3A_1098 = arith.addi %mul3A_394, %add3A_1097 : i32
        %get3A_1099 = arith.constant 0 : i32
        %get3A_1100 = arith.index_cast %get3A_1099 : i32 to index
        %get3A_1101 = arith.index_cast %add3A_1098 : i32 to index
        %get3A_1102 = arith.constant 112 : index
        %get3A_1103 = tpu.vector_load %arg10[%get3A_1100, %get3A_1101, %get3A_1102] {strides = array<i32>} : memref<2x320x128xf32, #tpu.memory_space<vmem>>, vector<1x1x16xf32>,
        %get3A_1104 = vector.shape_cast %get3A_1103 : vector<1x1x16xf32> to vector<16xf32>
        %add3A_1105 = arith.constant 5 : i32
        %add3A_1106 = arith.addi %mul3A_394, %add3A_1105 : i32
        %get3A_1107 = arith.constant 0 : i32
        %get3A_1108 = arith.index_cast %get3A_1107 : i32 to index
        %get3A_1109 = arith.index_cast %add3A_1106 : i32 to index
        %get3A_1110 = arith.constant 112 : index
        %get3A_1111 = tpu.vector_load %arg10[%get3A_1108, %get3A_1109, %get3A_1110] {strides = array<i32>} : memref<2x320x128xf32, #tpu.memory_space<vmem>>, vector<1x1x16xf32>,
        %get3A_1112 = vector.shape_cast %get3A_1111 : vector<1x1x16xf32> to vector<16xf32>
        %add3A_1113 = arith.constant 6 : i32
        %add3A_1114 = arith.addi %mul3A_394, %add3A_1113 : i32
        %get3A_1115 = arith.constant 0 : i32
        %get3A_1116 = arith.index_cast %get3A_1115 : i32 to index
        %get3A_1117 = arith.index_cast %add3A_1114 : i32 to index
        %get3A_1118 = arith.constant 112 : index
        %get3A_1119 = tpu.vector_load %arg10[%get3A_1116, %get3A_1117, %get3A_1118] {strides = array<i32>} : memref<2x320x128xf32, #tpu.memory_space<vmem>>, vector<1x1x16xf32>,
        %get3A_1120 = vector.shape_cast %get3A_1119 : vector<1x1x16xf32> to vector<16xf32>
        %add3A_1121 = arith.constant 7 : i32
        %add3A_1122 = arith.addi %mul3A_394, %add3A_1121 : i32
        %get3A_1123 = arith.constant 0 : i32
        %get3A_1124 = arith.index_cast %get3A_1123 : i32 to index
        %get3A_1125 = arith.index_cast %add3A_1122 : i32 to index
        %get3A_1126 = arith.constant 112 : index
        %get3A_1127 = tpu.vector_load %arg10[%get3A_1124, %get3A_1125, %get3A_1126] {strides = array<i32>} : memref<2x320x128xf32, #tpu.memory_space<vmem>>, vector<1x1x16xf32>,
        %get3A_1128 = vector.shape_cast %get3A_1127 : vector<1x1x16xf32> to vector<16xf32>
        %add3A_1129 = arith.constant 8 : i32
        %add3A_1130 = arith.addi %mul3A_394, %add3A_1129 : i32
        %get3A_1131 = arith.constant 0 : i32
        %get3A_1132 = arith.index_cast %get3A_1131 : i32 to index
        %get3A_1133 = arith.index_cast %add3A_1130 : i32 to index
        %get3A_1134 = arith.constant 112 : index
        %get3A_1135 = tpu.vector_load %arg10[%get3A_1132, %get3A_1133, %get3A_1134] {strides = array<i32>} : memref<2x320x128xf32, #tpu.memory_space<vmem>>, vector<1x1x16xf32>,
        %get3A_1136 = vector.shape_cast %get3A_1135 : vector<1x1x16xf32> to vector<16xf32>
        %add3A_1137 = arith.constant 9 : i32
        %add3A_1138 = arith.addi %mul3A_394, %add3A_1137 : i32
        %get3A_1139 = arith.constant 0 : i32
        %get3A_1140 = arith.index_cast %get3A_1139 : i32 to index
        %get3A_1141 = arith.index_cast %add3A_1138 : i32 to index
        %get3A_1142 = arith.constant 112 : index
        %get3A_1143 = tpu.vector_load %arg10[%get3A_1140, %get3A_1141, %get3A_1142] {strides = array<i32>} : memref<2x320x128xf32, #tpu.memory_space<vmem>>, vector<1x1x16xf32>,
        %get3A_1144 = vector.shape_cast %get3A_1143 : vector<1x1x16xf32> to vector<16xf32>
        %add3A_1145 = arith.addf %get3A_1072, %get3A_1080 : vector<16xf32>
        %add3A_1146 = arith.addf %get3A_1088, %get3A_1096 : vector<16xf32>
        %add3A_1147 = arith.addf %get3A_1104, %get3A_1112 : vector<16xf32>
        %add3A_1148 = arith.addf %get3A_1120, %get3A_1128 : vector<16xf32>
        %add3A_1149 = arith.addf %get3A_1136, %get3A_1144 : vector<16xf32>
        %add3A_1150 = arith.addf %add3A_1145, %add3A_1146 : vector<16xf32>
        %add3A_1151 = arith.addf %add3A_1147, %add3A_1148 : vector<16xf32>
        %add3A_1152 = arith.addf %add3A_1150, %add3A_1151 : vector<16xf32>
        %add3A_1153 = arith.addf %add3A_1152, %add3A_1149 : vector<16xf32>
        %swap3A_1154 = arith.constant 0 : i32
        %swap3A_1155 = arith.index_cast %swap3A_1154 : i32 to index
        %swap3A_1156 = arith.index_cast %scan3A_392 : i32 to index
        %swap3A_1157 = arith.constant 112 : index
        %swap3A_1158 = tpu.vector_load %arg11[%swap3A_1155, %swap3A_1156, %swap3A_1157] {strides = array<i32>} : memref<2x32x128xf32, #tpu.memory_space<vmem>>, vector<1x1x16xf32>,
        %swap3A_1159 = vector.shape_cast %swap3A_1158 : vector<1x1x16xf32> to vector<16xf32>
        %swap3A_1160 = vector.shape_cast %add3A_1153 : vector<16xf32> to vector<1x1x16xf32>
        tpu.vector_store %arg11[%swap3A_1155, %swap3A_1156, %swap3A_1157], %swap3A_1160 {strides = array<i32>} : memref<2x32x128xf32, #tpu.memory_space<vmem>>, vector<1x1x16xf32>,
      }
      %scan3A_270 = arith.constant 32 : i32
      %mul3A_271 = arith.constant 32 : i32
      %mul3A_272 = arith.muli %mul3A_167, %mul3A_271 : i32
      %add3A_273 = arith.addi %multiple_of3A, %mul3A_272 : i32
      %multiple_of3A_274 = tpu.assume_multiple %add3A_273, 8 : i32
      %dma_start3A_275 = arith.constant 0 : i32
      %dma_start3A_276 = arith.constant 0 : i32
      %dma_start3A_277 = arith.constant 0 : i32
      %dma_start3A_278 = arith.constant 0 : i32
      %dma_start3A_279 = tpu.memref_slice %arg9[%dma_start3A_275, %dma_start3A_277, %dma_start3A_278] : memref<2x32x128xf32, #tpu.memory_space<vmem>> -> memref<1x32x128xf32, #tpu.memory_space<vmem>>
      %dma_start3A_280 = tpu.memref_squeeze %dma_start3A_279 : memref<1x32x128xf32, #tpu.memory_space<vmem>> -> memref<32x128xf32, #tpu.memory_space<vmem>>
      %dma_start3A_281 = arith.constant 0 : i32
      %dma_start3A_282 = tpu.memref_slice %arg5[%multiple_of3A_274, %dma_start3A_281] : memref<51200x128xf32, #tpu.memory_space<hbm>> -> memref<32x128xf32, #tpu.memory_space<hbm>>
      %dma_start3A_283 = tpu.memref_slice %arg13[%dma_start3A_276] : memref<2x!tpu.dma_semaphore, #tpu.memory_space<semaphore_mem>> -> memref<1x!tpu.dma_semaphore, #tpu.memory_space<semaphore_mem>>
      %dma_start3A_284 = tpu.memref_squeeze %dma_start3A_283 : memref<1x!tpu.dma_semaphore, #tpu.memory_space<semaphore_mem>> -> memref<!tpu.dma_semaphore, #tpu.memory_space<semaphore_mem>>
      %dma_start3A_285 = arith.constant 0 : i32
      %dma_start3A_286 = tpu.memref_slice %arg5[%multiple_of3A_274, %dma_start3A_285] : memref<51200x128xf32, #tpu.memory_space<hbm>> -> memref<32x128xf32, #tpu.memory_space<hbm>>
      %dma_start3A_287 = arith.constant 0 : i32
      %dma_start3A_288 = arith.constant 0 : i32
      %dma_start3A_289 = tpu.memref_slice %arg9[%dma_start3A_275, %dma_start3A_287, %dma_start3A_288] : memref<2x32x128xf32, #tpu.memory_space<vmem>> -> memref<1x32x128xf32, #tpu.memory_space<vmem>>
      %dma_start3A_290 = tpu.memref_squeeze %dma_start3A_289 : memref<1x32x128xf32, #tpu.memory_space<vmem>> -> memref<32x128xf32, #tpu.memory_space<vmem>>
      tpu.enqueue_dma source(%dma_start3A_290 : memref<32x128xf32, #tpu.memory_space<vmem>>) target(%dma_start3A_286 : memref<32x128xf32, #tpu.memory_space<hbm>>) target_semaphore(%dma_start3A_284 : memref<!tpu.dma_semaphore, #tpu.memory_space<semaphore_mem>>)
      %dma_start3A_291 = arith.constant 0 : i32
      %dma_start3A_292 = arith.constant 0 : i32
      %dma_start3A_293 = arith.constant 0 : i32
      %dma_start3A_294 = arith.constant 0 : i32
      %dma_start3A_295 = tpu.memref_slice %arg11[%dma_start3A_291, %dma_start3A_293, %dma_start3A_294] : memref<2x32x128xf32, #tpu.memory_space<vmem>> -> memref<1x32x128xf32, #tpu.memory_space<vmem>>
      %dma_start3A_296 = tpu.memref_squeeze %dma_start3A_295 : memref<1x32x128xf32, #tpu.memory_space<vmem>> -> memref<32x128xf32, #tpu.memory_space<vmem>>
      %dma_start3A_297 = arith.constant 0 : i32
      %dma_start3A_298 = tpu.memref_slice %arg6[%multiple_of3A_274, %dma_start3A_297] : memref<51200x128xf32, #tpu.memory_space<hbm>> -> memref<32x128xf32, #tpu.memory_space<hbm>>
      %dma_start3A_299 = tpu.memref_slice %arg13[%dma_start3A_292] : memref<2x!tpu.dma_semaphore, #tpu.memory_space<semaphore_mem>> -> memref<1x!tpu.dma_semaphore, #tpu.memory_space<semaphore_mem>>
      %dma_start3A_300 = tpu.memref_squeeze %dma_start3A_299 : memref<1x!tpu.dma_semaphore, #tpu.memory_space<semaphore_mem>> -> memref<!tpu.dma_semaphore, #tpu.memory_space<semaphore_mem>>
      %dma_start3A_301 = arith.constant 0 : i32
      %dma_start3A_302 = tpu.memref_slice %arg6[%multiple_of3A_274, %dma_start3A_301] : memref<51200x128xf32, #tpu.memory_space<hbm>> -> memref<32x128xf32, #tpu.memory_space<hbm>>
      %dma_start3A_303 = arith.constant 0 : i32
      %dma_start3A_304 = arith.constant 0 : i32
      %dma_start3A_305 = tpu.memref_slice %arg11[%dma_start3A_291, %dma_start3A_303, %dma_start3A_304] : memref<2x32x128xf32, #tpu.memory_space<vmem>> -> memref<1x32x128xf32, #tpu.memory_space<vmem>>
      %dma_start3A_306 = tpu.memref_squeeze %dma_start3A_305 : memref<1x32x128xf32, #tpu.memory_space<vmem>> -> memref<32x128xf32, #tpu.memory_space<vmem>>
      tpu.enqueue_dma source(%dma_start3A_306 : memref<32x128xf32, #tpu.memory_space<vmem>>) target(%dma_start3A_302 : memref<32x128xf32, #tpu.memory_space<hbm>>) target_semaphore(%dma_start3A_300 : memref<!tpu.dma_semaphore, #tpu.memory_space<semaphore_mem>>)
      %dma_wait3A_307 = arith.constant 1 : i32
      %dma_wait3A_308 = arith.constant 1 : i32
      %dma_wait3A_309 = arith.constant 0 : i32
      %dma_wait3A_310 = arith.constant 0 : i32
      %dma_wait3A_311 = tpu.memref_slice %arg10[%dma_wait3A_307, %dma_wait3A_309, %dma_wait3A_310] : memref<2x320x128xf32, #tpu.memory_space<vmem>> -> memref<1x320x128xf32, #tpu.memory_space<vmem>>
      %dma_wait3A_312 = tpu.memref_squeeze %dma_wait3A_311 : memref<1x320x128xf32, #tpu.memory_space<vmem>> -> memref<320x128xf32, #tpu.memory_space<vmem>>
      %dma_wait3A_313 = arith.constant 0 : i32
      %dma_wait3A_314 = arith.constant 0 : i32
      %dma_wait3A_315 = tpu.memref_slice %arg2[%dma_wait3A_313, %dma_wait3A_314] : memref<100000x128xf32, #tpu.memory_space<hbm>> -> memref<320x128xf32, #tpu.memory_space<hbm>>
      %dma_wait3A_316 = tpu.memref_slice %arg12[%dma_wait3A_308] : memref<2x!tpu.dma_semaphore, #tpu.memory_space<semaphore_mem>> -> memref<1x!tpu.dma_semaphore, #tpu.memory_space<semaphore_mem>>
      %dma_wait3A_317 = tpu.memref_squeeze %dma_wait3A_316 : memref<1x!tpu.dma_semaphore, #tpu.memory_space<semaphore_mem>> -> memref<!tpu.dma_semaphore, #tpu.memory_space<semaphore_mem>>
      %dma_wait3A_318 = arith.constant 0 : i32
      %dma_wait3A_319 = arith.constant 0 : i32
      %dma_wait3A_320 = tpu.memref_slice %arg10[%dma_wait3A_307, %dma_wait3A_318, %dma_wait3A_319] : memref<2x320x128xf32, #tpu.memory_space<vmem>> -> memref<1x320x128xf32, #tpu.memory_space<vmem>>
      %dma_wait3A_321 = tpu.memref_squeeze %dma_wait3A_320 : memref<1x320x128xf32, #tpu.memory_space<vmem>> -> memref<320x128xf32, #tpu.memory_space<vmem>>
      %dma_wait3A_322 = arith.constant 0 : i32
      %dma_wait3A_323 = arith.constant 0 : i32
      %dma_wait3A_324 = tpu.memref_slice %arg2[%dma_wait3A_322, %dma_wait3A_323] : memref<100000x128xf32, #tpu.memory_space<hbm>> -> memref<320x128xf32, #tpu.memory_space<hbm>>
      tpu.wait_dma2 semaphore(%dma_wait3A_317 : memref<!tpu.dma_semaphore, #tpu.memory_space<semaphore_mem>>) src(%dma_wait3A_324 : memref<320x128xf32, #tpu.memory_space<hbm>>) dst(%dma_wait3A_321 : memref<320x128xf32, #tpu.memory_space<vmem>>)
      %dma_wait3A_325 = arith.constant 1 : i32
      %dma_wait3A_326 = arith.constant 1 : i32
      %dma_wait3A_327 = arith.constant 0 : i32
      %dma_wait3A_328 = arith.constant 0 : i32
      %dma_wait3A_329 = tpu.memref_slice %arg9[%dma_wait3A_325, %dma_wait3A_327, %dma_wait3A_328] : memref<2x32x128xf32, #tpu.memory_space<vmem>> -> memref<1x32x128xf32, #tpu.memory_space<vmem>>
      %dma_wait3A_330 = tpu.memref_squeeze %dma_wait3A_329 : memref<1x32x128xf32, #tpu.memory_space<vmem>> -> memref<32x128xf32, #tpu.memory_space<vmem>>
      %dma_wait3A_331 = arith.constant 0 : i32
      %dma_wait3A_332 = arith.constant 0 : i32
      %dma_wait3A_333 = tpu.memref_slice %arg2[%dma_wait3A_331, %dma_wait3A_332] : memref<100000x128xf32, #tpu.memory_space<hbm>> -> memref<32x128xf32, #tpu.memory_space<hbm>>
      %dma_wait3A_334 = tpu.memref_slice %arg12[%dma_wait3A_326] : memref<2x!tpu.dma_semaphore, #tpu.memory_space<semaphore_mem>> -> memref<1x!tpu.dma_semaphore, #tpu.memory_space<semaphore_mem>>
      %dma_wait3A_335 = tpu.memref_squeeze %dma_wait3A_334 : memref<1x!tpu.dma_semaphore, #tpu.memory_space<semaphore_mem>> -> memref<!tpu.dma_semaphore, #tpu.memory_space<semaphore_mem>>
      %dma_wait3A_336 = arith.constant 0 : i32
      %dma_wait3A_337 = arith.constant 0 : i32
      %dma_wait3A_338 = tpu.memref_slice %arg9[%dma_wait3A_325, %dma_wait3A_336, %dma_wait3A_337] : memref<2x32x128xf32, #tpu.memory_space<vmem>> -> memref<1x32x128xf32, #tpu.memory_space<vmem>>
      %dma_wait3A_339 = tpu.memref_squeeze %dma_wait3A_338 : memref<1x32x128xf32, #tpu.memory_space<vmem>> -> memref<32x128xf32, #tpu.memory_space<vmem>>
      %dma_wait3A_340 = arith.constant 0 : i32
      %dma_wait3A_341 = arith.constant 0 : i32
      %dma_wait3A_342 = tpu.memref_slice %arg2[%dma_wait3A_340, %dma_wait3A_341] : memref<100000x128xf32, #tpu.memory_space<hbm>> -> memref<32x128xf32, #tpu.memory_space<hbm>>
      tpu.wait_dma2 semaphore(%dma_wait3A_335 : memref<!tpu.dma_semaphore, #tpu.memory_space<semaphore_mem>>) src(%dma_wait3A_342 : memref<32x128xf32, #tpu.memory_space<hbm>>) dst(%dma_wait3A_339 : memref<32x128xf32, #tpu.memory_space<vmem>>)
      %sub3A_343 = arith.constant 1 : i32
      %sub3A_344 = arith.subi %select_n3A_29, %sub3A_343 : i32
      %lt3A = arith.cmpi slt, %while3A_165, %sub3A_344 : i32
      %convert_element_type3A_345 = arith.extui %lt3A : i1 to i32
      %cond3A_346 = arith.constant 0 : i32
      %cond3A_347 = arith.cmpi ne, %convert_element_type3A_345, %cond3A_346 : i32
      scf.if %cond3A_347 {
        %dma_wait3A_392 = arith.constant 0 : i32
        %dma_wait3A_393 = arith.constant 0 : i32
        %dma_wait3A_394 = arith.constant 0 : i32
        %dma_wait3A_395 = arith.constant 0 : i32
        %dma_wait3A_396 = tpu.memref_slice %arg9[%dma_wait3A_392, %dma_wait3A_394, %dma_wait3A_395] : memref<2x32x128xf32, #tpu.memory_space<vmem>> -> memref<1x32x128xf32, #tpu.memory_space<vmem>>
        %dma_wait3A_397 = tpu.memref_squeeze %dma_wait3A_396 : memref<1x32x128xf32, #tpu.memory_space<vmem>> -> memref<32x128xf32, #tpu.memory_space<vmem>>
        %dma_wait3A_398 = arith.constant 0 : i32
        %dma_wait3A_399 = arith.constant 0 : i32
        %dma_wait3A_400 = tpu.memref_slice %arg5[%dma_wait3A_398, %dma_wait3A_399] : memref<51200x128xf32, #tpu.memory_space<hbm>> -> memref<32x128xf32, #tpu.memory_space<hbm>>
        %dma_wait3A_401 = tpu.memref_slice %arg13[%dma_wait3A_393] : memref<2x!tpu.dma_semaphore, #tpu.memory_space<semaphore_mem>> -> memref<1x!tpu.dma_semaphore, #tpu.memory_space<semaphore_mem>>
        %dma_wait3A_402 = tpu.memref_squeeze %dma_wait3A_401 : memref<1x!tpu.dma_semaphore, #tpu.memory_space<semaphore_mem>> -> memref<!tpu.dma_semaphore, #tpu.memory_space<semaphore_mem>>
        %dma_wait3A_403 = arith.constant 0 : i32
        %dma_wait3A_404 = arith.constant 0 : i32
        %dma_wait3A_405 = tpu.memref_slice %arg5[%dma_wait3A_403, %dma_wait3A_404] : memref<51200x128xf32, #tpu.memory_space<hbm>> -> memref<32x128xf32, #tpu.memory_space<hbm>>
        %dma_wait3A_406 = arith.constant 0 : i32
        %dma_wait3A_407 = arith.constant 0 : i32
        %dma_wait3A_408 = tpu.memref_slice %arg9[%dma_wait3A_392, %dma_wait3A_406, %dma_wait3A_407] : memref<2x32x128xf32, #tpu.memory_space<vmem>> -> memref<1x32x128xf32, #tpu.memory_space<vmem>>
        %dma_wait3A_409 = tpu.memref_squeeze %dma_wait3A_408 : memref<1x32x128xf32, #tpu.memory_space<vmem>> -> memref<32x128xf32, #tpu.memory_space<vmem>>
        tpu.wait_dma2 semaphore(%dma_wait3A_402 : memref<!tpu.dma_semaphore, #tpu.memory_space<semaphore_mem>>) src(%dma_wait3A_409 : memref<32x128xf32, #tpu.memory_space<vmem>>) dst(%dma_wait3A_405 : memref<32x128xf32, #tpu.memory_space<hbm>>)
        %dma_wait3A_410 = arith.constant 0 : i32
        %dma_wait3A_411 = arith.constant 0 : i32
        %dma_wait3A_412 = arith.constant 0 : i32
        %dma_wait3A_413 = arith.constant 0 : i32
        %dma_wait3A_414 = tpu.memref_slice %arg11[%dma_wait3A_410, %dma_wait3A_412, %dma_wait3A_413] : memref<2x32x128xf32, #tpu.memory_space<vmem>> -> memref<1x32x128xf32, #tpu.memory_space<vmem>>
        %dma_wait3A_415 = tpu.memref_squeeze %dma_wait3A_414 : memref<1x32x128xf32, #tpu.memory_space<vmem>> -> memref<32x128xf32, #tpu.memory_space<vmem>>
        %dma_wait3A_416 = arith.constant 0 : i32
        %dma_wait3A_417 = arith.constant 0 : i32
        %dma_wait3A_418 = tpu.memref_slice %arg6[%dma_wait3A_416, %dma_wait3A_417] : memref<51200x128xf32, #tpu.memory_space<hbm>> -> memref<32x128xf32, #tpu.memory_space<hbm>>
        %dma_wait3A_419 = tpu.memref_slice %arg13[%dma_wait3A_411] : memref<2x!tpu.dma_semaphore, #tpu.memory_space<semaphore_mem>> -> memref<1x!tpu.dma_semaphore, #tpu.memory_space<semaphore_mem>>
        %dma_wait3A_420 = tpu.memref_squeeze %dma_wait3A_419 : memref<1x!tpu.dma_semaphore, #tpu.memory_space<semaphore_mem>> -> memref<!tpu.dma_semaphore, #tpu.memory_space<semaphore_mem>>
        %dma_wait3A_421 = arith.constant 0 : i32
        %dma_wait3A_422 = arith.constant 0 : i32
        %dma_wait3A_423 = tpu.memref_slice %arg6[%dma_wait3A_421, %dma_wait3A_422] : memref<51200x128xf32, #tpu.memory_space<hbm>> -> memref<32x128xf32, #tpu.memory_space<hbm>>
        %dma_wait3A_424 = arith.constant 0 : i32
        %dma_wait3A_425 = arith.constant 0 : i32
        %dma_wait3A_426 = tpu.memref_slice %arg11[%dma_wait3A_410, %dma_wait3A_424, %dma_wait3A_425] : memref<2x32x128xf32, #tpu.memory_space<vmem>> -> memref<1x32x128xf32, #tpu.memory_space<vmem>>
        %dma_wait3A_427 = tpu.memref_squeeze %dma_wait3A_426 : memref<1x32x128xf32, #tpu.memory_space<vmem>> -> memref<32x128xf32, #tpu.memory_space<vmem>>
        tpu.wait_dma2 semaphore(%dma_wait3A_420 : memref<!tpu.dma_semaphore, #tpu.memory_space<semaphore_mem>>) src(%dma_wait3A_427 : memref<32x128xf32, #tpu.memory_space<vmem>>) dst(%dma_wait3A_423 : memref<32x128xf32, #tpu.memory_space<hbm>>)
        %add3A_428 = arith.constant 2 : i32
        %add3A_429 = arith.addi %mul3A_167, %add3A_428 : i32
        %mul3A_430 = arith.constant 32 : i32
        %mul3A_431 = arith.muli %add3A_429, %mul3A_430 : i32
        %multiple_of3A_432 = tpu.assume_multiple %mul3A_431, 8 : i32
        %mul3A_433 = arith.constant 320 : i32
        %mul3A_434 = arith.muli %add3A_429, %mul3A_433 : i32
        %multiple_of3A_435 = tpu.assume_multiple %mul3A_434, 8 : i32
        %dma_start3A_436 = arith.constant 0 : i32
        %dma_start3A_437 = arith.constant 0 : i32
        %dma_start3A_438 = arith.constant 0 : i32
        %dma_start3A_439 = arith.constant 0 : i32
        %dma_start3A_440 = tpu.memref_slice %arg9[%dma_start3A_436, %dma_start3A_438, %dma_start3A_439] : memref<2x32x128xf32, #tpu.memory_space<vmem>> -> memref<1x32x128xf32, #tpu.memory_space<vmem>>
        %dma_start3A_441 = tpu.memref_squeeze %dma_start3A_440 : memref<1x32x128xf32, #tpu.memory_space<vmem>> -> memref<32x128xf32, #tpu.memory_space<vmem>>
        %dma_start3A_442 = tpu.memref_slice %arg7[%multiple_of3A_432] : memref<2432xi32, #tpu.memory_space<vmem>> -> memref<32xi32, #tpu.memory_space<vmem>>
        %dma_start3A_443 = arith.constant 0 : i32
        %dma_start3A_444 = arith.constant 0 : i32
        %dma_start3A_445 = tpu.memref_slice %arg2[%dma_start3A_443, %dma_start3A_444] : memref<100000x128xf32, #tpu.memory_space<hbm>> -> memref<100000x128xf32, #tpu.memory_space<hbm>>
        %dma_start3A_446 = tpu.memref_slice %arg12[%dma_start3A_437] : memref<2x!tpu.dma_semaphore, #tpu.memory_space<semaphore_mem>> -> memref<1x!tpu.dma_semaphore, #tpu.memory_space<semaphore_mem>>
        %dma_start3A_447 = tpu.memref_squeeze %dma_start3A_446 : memref<1x!tpu.dma_semaphore, #tpu.memory_space<semaphore_mem>> -> memref<!tpu.dma_semaphore, #tpu.memory_space<semaphore_mem>>
        tpu.enqueue_indirect_dma source(%dma_start3A_445 : memref<100000x128xf32, #tpu.memory_space<hbm>>) target(%dma_start3A_441 : memref<32x128xf32, #tpu.memory_space<vmem>>) offsets(%dma_start3A_442 : memref<32xi32, #tpu.memory_space<vmem>>) semaphore(%dma_start3A_447 : memref<!tpu.dma_semaphore, #tpu.memory_space<semaphore_mem>>)
        %dma_start3A_448 = arith.constant 0 : i32
        %dma_start3A_449 = arith.constant 0 : i32
        %dma_start3A_450 = arith.constant 0 : i32
        %dma_start3A_451 = arith.constant 0 : i32
        %dma_start3A_452 = tpu.memref_slice %arg10[%dma_start3A_448, %dma_start3A_450, %dma_start3A_451] : memref<2x320x128xf32, #tpu.memory_space<vmem>> -> memref<1x128x128xf32, #tpu.memory_space<vmem>>
        %dma_start3A_453 = tpu.memref_squeeze %dma_start3A_452 : memref<1x128x128xf32, #tpu.memory_space<vmem>> -> memref<128x128xf32, #tpu.memory_space<vmem>>
        %dma_start3A_454 = tpu.memref_slice %arg8[%multiple_of3A_435] : memref<24320xi32, #tpu.memory_space<vmem>> -> memref<128xi32, #tpu.memory_space<vmem>>
        %dma_start3A_455 = arith.constant 0 : i32
        %dma_start3A_456 = arith.constant 0 : i32
        %dma_start3A_457 = tpu.memref_slice %arg2[%dma_start3A_455, %dma_start3A_456] : memref<100000x128xf32, #tpu.memory_space<hbm>> -> memref<100000x128xf32, #tpu.memory_space<hbm>>
        %dma_start3A_458 = tpu.memref_slice %arg12[%dma_start3A_449] : memref<2x!tpu.dma_semaphore, #tpu.memory_space<semaphore_mem>> -> memref<1x!tpu.dma_semaphore, #tpu.memory_space<semaphore_mem>>
        %dma_start3A_459 = tpu.memref_squeeze %dma_start3A_458 : memref<1x!tpu.dma_semaphore, #tpu.memory_space<semaphore_mem>> -> memref<!tpu.dma_semaphore, #tpu.memory_space<semaphore_mem>>
        tpu.enqueue_indirect_dma source(%dma_start3A_457 : memref<100000x128xf32, #tpu.memory_space<hbm>>) target(%dma_start3A_453 : memref<128x128xf32, #tpu.memory_space<vmem>>) offsets(%dma_start3A_454 : memref<128xi32, #tpu.memory_space<vmem>>) semaphore(%dma_start3A_459 : memref<!tpu.dma_semaphore, #tpu.memory_space<semaphore_mem>>)
        %add3A_460 = arith.constant 128 : i32
        %add3A_461 = arith.addi %multiple_of3A_435, %add3A_460 : i32
        %dma_start3A_462 = arith.constant 0 : i32
        %dma_start3A_463 = arith.constant 0 : i32
        %dma_start3A_464 = arith.constant 128 : i32
        %dma_start3A_465 = arith.constant 0 : i32
        %dma_start3A_466 = tpu.memref_slice %arg10[%dma_start3A_462, %dma_start3A_464, %dma_start3A_465] : memref<2x320x128xf32, #tpu.memory_space<vmem>> -> memref<1x128x128xf32, #tpu.memory_space<vmem>>
        %dma_start3A_467 = tpu.memref_squeeze %dma_start3A_466 : memref<1x128x128xf32, #tpu.memory_space<vmem>> -> memref<128x128xf32, #tpu.memory_space<vmem>>
        %dma_start3A_468 = tpu.memref_slice %arg8[%add3A_461] : memref<24320xi32, #tpu.memory_space<vmem>> -> memref<128xi32, #tpu.memory_space<vmem>>
        %dma_start3A_469 = arith.constant 0 : i32
        %dma_start3A_470 = arith.constant 0 : i32
        %dma_start3A_471 = tpu.memref_slice %arg2[%dma_start3A_469, %dma_start3A_470] : memref<100000x128xf32, #tpu.memory_space<hbm>> -> memref<100000x128xf32, #tpu.memory_space<hbm>>
        %dma_start3A_472 = tpu.memref_slice %arg12[%dma_start3A_463] : memref<2x!tpu.dma_semaphore, #tpu.memory_space<semaphore_mem>> -> memref<1x!tpu.dma_semaphore, #tpu.memory_space<semaphore_mem>>
        %dma_start3A_473 = tpu.memref_squeeze %dma_start3A_472 : memref<1x!tpu.dma_semaphore, #tpu.memory_space<semaphore_mem>> -> memref<!tpu.dma_semaphore, #tpu.memory_space<semaphore_mem>>
        tpu.enqueue_indirect_dma source(%dma_start3A_471 : memref<100000x128xf32, #tpu.memory_space<hbm>>) target(%dma_start3A_467 : memref<128x128xf32, #tpu.memory_space<vmem>>) offsets(%dma_start3A_468 : memref<128xi32, #tpu.memory_space<vmem>>) semaphore(%dma_start3A_473 : memref<!tpu.dma_semaphore, #tpu.memory_space<semaphore_mem>>)
        %add3A_474 = arith.constant 256 : i32
        %add3A_475 = arith.addi %multiple_of3A_435, %add3A_474 : i32
        %dma_start3A_476 = arith.constant 0 : i32
        %dma_start3A_477 = arith.constant 0 : i32
        %dma_start3A_478 = arith.constant 256 : i32
        %dma_start3A_479 = arith.constant 0 : i32
        %dma_start3A_480 = tpu.memref_slice %arg10[%dma_start3A_476, %dma_start3A_478, %dma_start3A_479] : memref<2x320x128xf32, #tpu.memory_space<vmem>> -> memref<1x64x128xf32, #tpu.memory_space<vmem>>
        %dma_start3A_481 = tpu.memref_squeeze %dma_start3A_480 : memref<1x64x128xf32, #tpu.memory_space<vmem>> -> memref<64x128xf32, #tpu.memory_space<vmem>>
        %dma_start3A_482 = tpu.memref_slice %arg8[%add3A_475] : memref<24320xi32, #tpu.memory_space<vmem>> -> memref<64xi32, #tpu.memory_space<vmem>>
        %dma_start3A_483 = arith.constant 0 : i32
        %dma_start3A_484 = arith.constant 0 : i32
        %dma_start3A_485 = tpu.memref_slice %arg2[%dma_start3A_483, %dma_start3A_484] : memref<100000x128xf32, #tpu.memory_space<hbm>> -> memref<100000x128xf32, #tpu.memory_space<hbm>>
        %dma_start3A_486 = tpu.memref_slice %arg12[%dma_start3A_477] : memref<2x!tpu.dma_semaphore, #tpu.memory_space<semaphore_mem>> -> memref<1x!tpu.dma_semaphore, #tpu.memory_space<semaphore_mem>>
        %dma_start3A_487 = tpu.memref_squeeze %dma_start3A_486 : memref<1x!tpu.dma_semaphore, #tpu.memory_space<semaphore_mem>> -> memref<!tpu.dma_semaphore, #tpu.memory_space<semaphore_mem>>
        tpu.enqueue_indirect_dma source(%dma_start3A_485 : memref<100000x128xf32, #tpu.memory_space<hbm>>) target(%dma_start3A_481 : memref<64x128xf32, #tpu.memory_space<vmem>>) offsets(%dma_start3A_482 : memref<64xi32, #tpu.memory_space<vmem>>) semaphore(%dma_start3A_487 : memref<!tpu.dma_semaphore, #tpu.memory_space<semaphore_mem>>)
      } else {
      }
      %scan3A_348 = arith.constant 0 : i32
      %scan3A_349 = arith.constant 0 : i32
      %scan3A_350 = arith.constant 32 : i32
      %scan3A_351 = arith.addi %scan3A_349, %scan3A_350 : i32
      %scan3A_352 = arith.constant 1 : i32
      scf.for %scan3A_392 = %scan3A_349 to %scan3A_351 step %scan3A_352  : i32 {
        %mul3A_393 = arith.constant 10 : i32
        %mul3A_394 = arith.muli %scan3A_392, %mul3A_393 : i32
        %add3A_395 = arith.constant 0 : i32
        %add3A_396 = arith.addi %mul3A_394, %add3A_395 : i32
        %get3A = arith.constant 1 : i32
        %get3A_397 = arith.index_cast %get3A : i32 to index
        %get3A_398 = arith.index_cast %add3A_396 : i32 to index
        %get3A_399 = arith.constant 0 : index
        %get3A_400 = tpu.vector_load %arg10[%get3A_397, %get3A_398, %get3A_399] {strides = array<i32>} : memref<2x320x128xf32, #tpu.memory_space<vmem>>, vector<1x1x16xf32>,
        %get3A_401 = vector.shape_cast %get3A_400 : vector<1x1x16xf32> to vector<16xf32>
        %add3A_402 = arith.constant 1 : i32
        %add3A_403 = arith.addi %mul3A_394, %add3A_402 : i32
        %get3A_404 = arith.constant 1 : i32
        %get3A_405 = arith.index_cast %get3A_404 : i32 to index
        %get3A_406 = arith.index_cast %add3A_403 : i32 to index
        %get3A_407 = arith.constant 0 : index
        %get3A_408 = tpu.vector_load %arg10[%get3A_405, %get3A_406, %get3A_407] {strides = array<i32>} : memref<2x320x128xf32, #tpu.memory_space<vmem>>, vector<1x1x16xf32>,
        %get3A_409 = vector.shape_cast %get3A_408 : vector<1x1x16xf32> to vector<16xf32>
        %add3A_410 = arith.constant 2 : i32
        %add3A_411 = arith.addi %mul3A_394, %add3A_410 : i32
        %get3A_412 = arith.constant 1 : i32
        %get3A_413 = arith.index_cast %get3A_412 : i32 to index
        %get3A_414 = arith.index_cast %add3A_411 : i32 to index
        %get3A_415 = arith.constant 0 : index
        %get3A_416 = tpu.vector_load %arg10[%get3A_413, %get3A_414, %get3A_415] {strides = array<i32>} : memref<2x320x128xf32, #tpu.memory_space<vmem>>, vector<1x1x16xf32>,
        %get3A_417 = vector.shape_cast %get3A_416 : vector<1x1x16xf32> to vector<16xf32>
        %add3A_418 = arith.constant 3 : i32
        %add3A_419 = arith.addi %mul3A_394, %add3A_418 : i32
        %get3A_420 = arith.constant 1 : i32
        %get3A_421 = arith.index_cast %get3A_420 : i32 to index
        %get3A_422 = arith.index_cast %add3A_419 : i32 to index
        %get3A_423 = arith.constant 0 : index
        %get3A_424 = tpu.vector_load %arg10[%get3A_421, %get3A_422, %get3A_423] {strides = array<i32>} : memref<2x320x128xf32, #tpu.memory_space<vmem>>, vector<1x1x16xf32>,
        %get3A_425 = vector.shape_cast %get3A_424 : vector<1x1x16xf32> to vector<16xf32>
        %add3A_426 = arith.constant 4 : i32
        %add3A_427 = arith.addi %mul3A_394, %add3A_426 : i32
        %get3A_428 = arith.constant 1 : i32
        %get3A_429 = arith.index_cast %get3A_428 : i32 to index
        %get3A_430 = arith.index_cast %add3A_427 : i32 to index
        %get3A_431 = arith.constant 0 : index
        %get3A_432 = tpu.vector_load %arg10[%get3A_429, %get3A_430, %get3A_431] {strides = array<i32>} : memref<2x320x128xf32, #tpu.memory_space<vmem>>, vector<1x1x16xf32>,
        %get3A_433 = vector.shape_cast %get3A_432 : vector<1x1x16xf32> to vector<16xf32>
        %add3A_434 = arith.constant 5 : i32
        %add3A_435 = arith.addi %mul3A_394, %add3A_434 : i32
        %get3A_436 = arith.constant 1 : i32
        %get3A_437 = arith.index_cast %get3A_436 : i32 to index
        %get3A_438 = arith.index_cast %add3A_435 : i32 to index
        %get3A_439 = arith.constant 0 : index
        %get3A_440 = tpu.vector_load %arg10[%get3A_437, %get3A_438, %get3A_439] {strides = array<i32>} : memref<2x320x128xf32, #tpu.memory_space<vmem>>, vector<1x1x16xf32>,
        %get3A_441 = vector.shape_cast %get3A_440 : vector<1x1x16xf32> to vector<16xf32>
        %add3A_442 = arith.constant 6 : i32
        %add3A_443 = arith.addi %mul3A_394, %add3A_442 : i32
        %get3A_444 = arith.constant 1 : i32
        %get3A_445 = arith.index_cast %get3A_444 : i32 to index
        %get3A_446 = arith.index_cast %add3A_443 : i32 to index
        %get3A_447 = arith.constant 0 : index
        %get3A_448 = tpu.vector_load %arg10[%get3A_445, %get3A_446, %get3A_447] {strides = array<i32>} : memref<2x320x128xf32, #tpu.memory_space<vmem>>, vector<1x1x16xf32>,
        %get3A_449 = vector.shape_cast %get3A_448 : vector<1x1x16xf32> to vector<16xf32>
        %add3A_450 = arith.constant 7 : i32
        %add3A_451 = arith.addi %mul3A_394, %add3A_450 : i32
        %get3A_452 = arith.constant 1 : i32
        %get3A_453 = arith.index_cast %get3A_452 : i32 to index
        %get3A_454 = arith.index_cast %add3A_451 : i32 to index
        %get3A_455 = arith.constant 0 : index
        %get3A_456 = tpu.vector_load %arg10[%get3A_453, %get3A_454, %get3A_455] {strides = array<i32>} : memref<2x320x128xf32, #tpu.memory_space<vmem>>, vector<1x1x16xf32>,
        %get3A_457 = vector.shape_cast %get3A_456 : vector<1x1x16xf32> to vector<16xf32>
        %add3A_458 = arith.constant 8 : i32
        %add3A_459 = arith.addi %mul3A_394, %add3A_458 : i32
        %get3A_460 = arith.constant 1 : i32
        %get3A_461 = arith.index_cast %get3A_460 : i32 to index
        %get3A_462 = arith.index_cast %add3A_459 : i32 to index
        %get3A_463 = arith.constant 0 : index
        %get3A_464 = tpu.vector_load %arg10[%get3A_461, %get3A_462, %get3A_463] {strides = array<i32>} : memref<2x320x128xf32, #tpu.memory_space<vmem>>, vector<1x1x16xf32>,
        %get3A_465 = vector.shape_cast %get3A_464 : vector<1x1x16xf32> to vector<16xf32>
        %add3A_466 = arith.constant 9 : i32
        %add3A_467 = arith.addi %mul3A_394, %add3A_466 : i32
        %get3A_468 = arith.constant 1 : i32
        %get3A_469 = arith.index_cast %get3A_468 : i32 to index
        %get3A_470 = arith.index_cast %add3A_467 : i32 to index
        %get3A_471 = arith.constant 0 : index
        %get3A_472 = tpu.vector_load %arg10[%get3A_469, %get3A_470, %get3A_471] {strides = array<i32>} : memref<2x320x128xf32, #tpu.memory_space<vmem>>, vector<1x1x16xf32>,
        %get3A_473 = vector.shape_cast %get3A_472 : vector<1x1x16xf32> to vector<16xf32>
        %add3A_474 = arith.addf %get3A_401, %get3A_409 : vector<16xf32>
        %add3A_475 = arith.addf %get3A_417, %get3A_425 : vector<16xf32>
        %add3A_476 = arith.addf %get3A_433, %get3A_441 : vector<16xf32>
        %add3A_477 = arith.addf %get3A_449, %get3A_457 : vector<16xf32>
        %add3A_478 = arith.addf %get3A_465, %get3A_473 : vector<16xf32>
        %add3A_479 = arith.addf %add3A_474, %add3A_475 : vector<16xf32>
        %add3A_480 = arith.addf %add3A_476, %add3A_477 : vector<16xf32>
        %add3A_481 = arith.addf %add3A_479, %add3A_480 : vector<16xf32>
        %add3A_482 = arith.addf %add3A_481, %add3A_478 : vector<16xf32>
        %swap3A = arith.constant 1 : i32
        %swap3A_483 = arith.index_cast %swap3A : i32 to index
        %swap3A_484 = arith.index_cast %scan3A_392 : i32 to index
        %swap3A_485 = arith.constant 0 : index
        %swap3A_486 = tpu.vector_load %arg11[%swap3A_483, %swap3A_484, %swap3A_485] {strides = array<i32>} : memref<2x32x128xf32, #tpu.memory_space<vmem>>, vector<1x1x16xf32>,
        %swap3A_487 = vector.shape_cast %swap3A_486 : vector<1x1x16xf32> to vector<16xf32>
        %swap3A_488 = vector.shape_cast %add3A_482 : vector<16xf32> to vector<1x1x16xf32>
        tpu.vector_store %arg11[%swap3A_483, %swap3A_484, %swap3A_485], %swap3A_488 {strides = array<i32>} : memref<2x32x128xf32, #tpu.memory_space<vmem>>, vector<1x1x16xf32>,
        %add3A_489 = arith.constant 0 : i32
        %add3A_490 = arith.addi %mul3A_394, %add3A_489 : i32
        %get3A_491 = arith.constant 1 : i32
        %get3A_492 = arith.index_cast %get3A_491 : i32 to index
        %get3A_493 = arith.index_cast %add3A_490 : i32 to index
        %get3A_494 = arith.constant 16 : index
        %get3A_495 = tpu.vector_load %arg10[%get3A_492, %get3A_493, %get3A_494] {strides = array<i32>} : memref<2x320x128xf32, #tpu.memory_space<vmem>>, vector<1x1x16xf32>,
        %get3A_496 = vector.shape_cast %get3A_495 : vector<1x1x16xf32> to vector<16xf32>
        %add3A_497 = arith.constant 1 : i32
        %add3A_498 = arith.addi %mul3A_394, %add3A_497 : i32
        %get3A_499 = arith.constant 1 : i32
        %get3A_500 = arith.index_cast %get3A_499 : i32 to index
        %get3A_501 = arith.index_cast %add3A_498 : i32 to index
        %get3A_502 = arith.constant 16 : index
        %get3A_503 = tpu.vector_load %arg10[%get3A_500, %get3A_501, %get3A_502] {strides = array<i32>} : memref<2x320x128xf32, #tpu.memory_space<vmem>>, vector<1x1x16xf32>,
        %get3A_504 = vector.shape_cast %get3A_503 : vector<1x1x16xf32> to vector<16xf32>
        %add3A_505 = arith.constant 2 : i32
        %add3A_506 = arith.addi %mul3A_394, %add3A_505 : i32
        %get3A_507 = arith.constant 1 : i32
        %get3A_508 = arith.index_cast %get3A_507 : i32 to index
        %get3A_509 = arith.index_cast %add3A_506 : i32 to index
        %get3A_510 = arith.constant 16 : index
        %get3A_511 = tpu.vector_load %arg10[%get3A_508, %get3A_509, %get3A_510] {strides = array<i32>} : memref<2x320x128xf32, #tpu.memory_space<vmem>>, vector<1x1x16xf32>,
        %get3A_512 = vector.shape_cast %get3A_511 : vector<1x1x16xf32> to vector<16xf32>
        %add3A_513 = arith.constant 3 : i32
        %add3A_514 = arith.addi %mul3A_394, %add3A_513 : i32
        %get3A_515 = arith.constant 1 : i32
        %get3A_516 = arith.index_cast %get3A_515 : i32 to index
        %get3A_517 = arith.index_cast %add3A_514 : i32 to index
        %get3A_518 = arith.constant 16 : index
        %get3A_519 = tpu.vector_load %arg10[%get3A_516, %get3A_517, %get3A_518] {strides = array<i32>} : memref<2x320x128xf32, #tpu.memory_space<vmem>>, vector<1x1x16xf32>,
        %get3A_520 = vector.shape_cast %get3A_519 : vector<1x1x16xf32> to vector<16xf32>
        %add3A_521 = arith.constant 4 : i32
        %add3A_522 = arith.addi %mul3A_394, %add3A_521 : i32
        %get3A_523 = arith.constant 1 : i32
        %get3A_524 = arith.index_cast %get3A_523 : i32 to index
        %get3A_525 = arith.index_cast %add3A_522 : i32 to index
        %get3A_526 = arith.constant 16 : index
        %get3A_527 = tpu.vector_load %arg10[%get3A_524, %get3A_525, %get3A_526] {strides = array<i32>} : memref<2x320x128xf32, #tpu.memory_space<vmem>>, vector<1x1x16xf32>,
        %get3A_528 = vector.shape_cast %get3A_527 : vector<1x1x16xf32> to vector<16xf32>
        %add3A_529 = arith.constant 5 : i32
        %add3A_530 = arith.addi %mul3A_394, %add3A_529 : i32
        %get3A_531 = arith.constant 1 : i32
        %get3A_532 = arith.index_cast %get3A_531 : i32 to index
        %get3A_533 = arith.index_cast %add3A_530 : i32 to index
        %get3A_534 = arith.constant 16 : index
        %get3A_535 = tpu.vector_load %arg10[%get3A_532, %get3A_533, %get3A_534] {strides = array<i32>} : memref<2x320x128xf32, #tpu.memory_space<vmem>>, vector<1x1x16xf32>,
        %get3A_536 = vector.shape_cast %get3A_535 : vector<1x1x16xf32> to vector<16xf32>
        %add3A_537 = arith.constant 6 : i32
        %add3A_538 = arith.addi %mul3A_394, %add3A_537 : i32
        %get3A_539 = arith.constant 1 : i32
        %get3A_540 = arith.index_cast %get3A_539 : i32 to index
        %get3A_541 = arith.index_cast %add3A_538 : i32 to index
        %get3A_542 = arith.constant 16 : index
        %get3A_543 = tpu.vector_load %arg10[%get3A_540, %get3A_541, %get3A_542] {strides = array<i32>} : memref<2x320x128xf32, #tpu.memory_space<vmem>>, vector<1x1x16xf32>,
        %get3A_544 = vector.shape_cast %get3A_543 : vector<1x1x16xf32> to vector<16xf32>
        %add3A_545 = arith.constant 7 : i32
        %add3A_546 = arith.addi %mul3A_394, %add3A_545 : i32
        %get3A_547 = arith.constant 1 : i32
        %get3A_548 = arith.index_cast %get3A_547 : i32 to index
        %get3A_549 = arith.index_cast %add3A_546 : i32 to index
        %get3A_550 = arith.constant 16 : index
        %get3A_551 = tpu.vector_load %arg10[%get3A_548, %get3A_549, %get3A_550] {strides = array<i32>} : memref<2x320x128xf32, #tpu.memory_space<vmem>>, vector<1x1x16xf32>,
        %get3A_552 = vector.shape_cast %get3A_551 : vector<1x1x16xf32> to vector<16xf32>
        %add3A_553 = arith.constant 8 : i32
        %add3A_554 = arith.addi %mul3A_394, %add3A_553 : i32
        %get3A_555 = arith.constant 1 : i32
        %get3A_556 = arith.index_cast %get3A_555 : i32 to index
        %get3A_557 = arith.index_cast %add3A_554 : i32 to index
        %get3A_558 = arith.constant 16 : index
        %get3A_559 = tpu.vector_load %arg10[%get3A_556, %get3A_557, %get3A_558] {strides = array<i32>} : memref<2x320x128xf32, #tpu.memory_space<vmem>>, vector<1x1x16xf32>,
        %get3A_560 = vector.shape_cast %get3A_559 : vector<1x1x16xf32> to vector<16xf32>
        %add3A_561 = arith.constant 9 : i32
        %add3A_562 = arith.addi %mul3A_394, %add3A_561 : i32
        %get3A_563 = arith.constant 1 : i32
        %get3A_564 = arith.index_cast %get3A_563 : i32 to index
        %get3A_565 = arith.index_cast %add3A_562 : i32 to index
        %get3A_566 = arith.constant 16 : index
        %get3A_567 = tpu.vector_load %arg10[%get3A_564, %get3A_565, %get3A_566] {strides = array<i32>} : memref<2x320x128xf32, #tpu.memory_space<vmem>>, vector<1x1x16xf32>,
        %get3A_568 = vector.shape_cast %get3A_567 : vector<1x1x16xf32> to vector<16xf32>
        %add3A_569 = arith.addf %get3A_496, %get3A_504 : vector<16xf32>
        %add3A_570 = arith.addf %get3A_512, %get3A_520 : vector<16xf32>
        %add3A_571 = arith.addf %get3A_528, %get3A_536 : vector<16xf32>
        %add3A_572 = arith.addf %get3A_544, %get3A_552 : vector<16xf32>
        %add3A_573 = arith.addf %get3A_560, %get3A_568 : vector<16xf32>
        %add3A_574 = arith.addf %add3A_569, %add3A_570 : vector<16xf32>
        %add3A_575 = arith.addf %add3A_571, %add3A_572 : vector<16xf32>
        %add3A_576 = arith.addf %add3A_574, %add3A_575 : vector<16xf32>
        %add3A_577 = arith.addf %add3A_576, %add3A_573 : vector<16xf32>
        %swap3A_578 = arith.constant 1 : i32
        %swap3A_579 = arith.index_cast %swap3A_578 : i32 to index
        %swap3A_580 = arith.index_cast %scan3A_392 : i32 to index
        %swap3A_581 = arith.constant 16 : index
        %swap3A_582 = tpu.vector_load %arg11[%swap3A_579, %swap3A_580, %swap3A_581] {strides = array<i32>} : memref<2x32x128xf32, #tpu.memory_space<vmem>>, vector<1x1x16xf32>,
        %swap3A_583 = vector.shape_cast %swap3A_582 : vector<1x1x16xf32> to vector<16xf32>
        %swap3A_584 = vector.shape_cast %add3A_577 : vector<16xf32> to vector<1x1x16xf32>
        tpu.vector_store %arg11[%swap3A_579, %swap3A_580, %swap3A_581], %swap3A_584 {strides = array<i32>} : memref<2x32x128xf32, #tpu.memory_space<vmem>>, vector<1x1x16xf32>,
        %add3A_585 = arith.constant 0 : i32
        %add3A_586 = arith.addi %mul3A_394, %add3A_585 : i32
        %get3A_587 = arith.constant 1 : i32
        %get3A_588 = arith.index_cast %get3A_587 : i32 to index
        %get3A_589 = arith.index_cast %add3A_586 : i32 to index
        %get3A_590 = arith.constant 32 : index
        %get3A_591 = tpu.vector_load %arg10[%get3A_588, %get3A_589, %get3A_590] {strides = array<i32>} : memref<2x320x128xf32, #tpu.memory_space<vmem>>, vector<1x1x16xf32>,
        %get3A_592 = vector.shape_cast %get3A_591 : vector<1x1x16xf32> to vector<16xf32>
        %add3A_593 = arith.constant 1 : i32
        %add3A_594 = arith.addi %mul3A_394, %add3A_593 : i32
        %get3A_595 = arith.constant 1 : i32
        %get3A_596 = arith.index_cast %get3A_595 : i32 to index
        %get3A_597 = arith.index_cast %add3A_594 : i32 to index
        %get3A_598 = arith.constant 32 : index
        %get3A_599 = tpu.vector_load %arg10[%get3A_596, %get3A_597, %get3A_598] {strides = array<i32>} : memref<2x320x128xf32, #tpu.memory_space<vmem>>, vector<1x1x16xf32>,
        %get3A_600 = vector.shape_cast %get3A_599 : vector<1x1x16xf32> to vector<16xf32>
        %add3A_601 = arith.constant 2 : i32
        %add3A_602 = arith.addi %mul3A_394, %add3A_601 : i32
        %get3A_603 = arith.constant 1 : i32
        %get3A_604 = arith.index_cast %get3A_603 : i32 to index
        %get3A_605 = arith.index_cast %add3A_602 : i32 to index
        %get3A_606 = arith.constant 32 : index
        %get3A_607 = tpu.vector_load %arg10[%get3A_604, %get3A_605, %get3A_606] {strides = array<i32>} : memref<2x320x128xf32, #tpu.memory_space<vmem>>, vector<1x1x16xf32>,
        %get3A_608 = vector.shape_cast %get3A_607 : vector<1x1x16xf32> to vector<16xf32>
        %add3A_609 = arith.constant 3 : i32
        %add3A_610 = arith.addi %mul3A_394, %add3A_609 : i32
        %get3A_611 = arith.constant 1 : i32
        %get3A_612 = arith.index_cast %get3A_611 : i32 to index
        %get3A_613 = arith.index_cast %add3A_610 : i32 to index
        %get3A_614 = arith.constant 32 : index
        %get3A_615 = tpu.vector_load %arg10[%get3A_612, %get3A_613, %get3A_614] {strides = array<i32>} : memref<2x320x128xf32, #tpu.memory_space<vmem>>, vector<1x1x16xf32>,
        %get3A_616 = vector.shape_cast %get3A_615 : vector<1x1x16xf32> to vector<16xf32>
        %add3A_617 = arith.constant 4 : i32
        %add3A_618 = arith.addi %mul3A_394, %add3A_617 : i32
        %get3A_619 = arith.constant 1 : i32
        %get3A_620 = arith.index_cast %get3A_619 : i32 to index
        %get3A_621 = arith.index_cast %add3A_618 : i32 to index
        %get3A_622 = arith.constant 32 : index
        %get3A_623 = tpu.vector_load %arg10[%get3A_620, %get3A_621, %get3A_622] {strides = array<i32>} : memref<2x320x128xf32, #tpu.memory_space<vmem>>, vector<1x1x16xf32>,
        %get3A_624 = vector.shape_cast %get3A_623 : vector<1x1x16xf32> to vector<16xf32>
        %add3A_625 = arith.constant 5 : i32
        %add3A_626 = arith.addi %mul3A_394, %add3A_625 : i32
        %get3A_627 = arith.constant 1 : i32
        %get3A_628 = arith.index_cast %get3A_627 : i32 to index
        %get3A_629 = arith.index_cast %add3A_626 : i32 to index
        %get3A_630 = arith.constant 32 : index
        %get3A_631 = tpu.vector_load %arg10[%get3A_628, %get3A_629, %get3A_630] {strides = array<i32>} : memref<2x320x128xf32, #tpu.memory_space<vmem>>, vector<1x1x16xf32>,
        %get3A_632 = vector.shape_cast %get3A_631 : vector<1x1x16xf32> to vector<16xf32>
        %add3A_633 = arith.constant 6 : i32
        %add3A_634 = arith.addi %mul3A_394, %add3A_633 : i32
        %get3A_635 = arith.constant 1 : i32
        %get3A_636 = arith.index_cast %get3A_635 : i32 to index
        %get3A_637 = arith.index_cast %add3A_634 : i32 to index
        %get3A_638 = arith.constant 32 : index
        %get3A_639 = tpu.vector_load %arg10[%get3A_636, %get3A_637, %get3A_638] {strides = array<i32>} : memref<2x320x128xf32, #tpu.memory_space<vmem>>, vector<1x1x16xf32>,
        %get3A_640 = vector.shape_cast %get3A_639 : vector<1x1x16xf32> to vector<16xf32>
        %add3A_641 = arith.constant 7 : i32
        %add3A_642 = arith.addi %mul3A_394, %add3A_641 : i32
        %get3A_643 = arith.constant 1 : i32
        %get3A_644 = arith.index_cast %get3A_643 : i32 to index
        %get3A_645 = arith.index_cast %add3A_642 : i32 to index
        %get3A_646 = arith.constant 32 : index
        %get3A_647 = tpu.vector_load %arg10[%get3A_644, %get3A_645, %get3A_646] {strides = array<i32>} : memref<2x320x128xf32, #tpu.memory_space<vmem>>, vector<1x1x16xf32>,
        %get3A_648 = vector.shape_cast %get3A_647 : vector<1x1x16xf32> to vector<16xf32>
        %add3A_649 = arith.constant 8 : i32
        %add3A_650 = arith.addi %mul3A_394, %add3A_649 : i32
        %get3A_651 = arith.constant 1 : i32
        %get3A_652 = arith.index_cast %get3A_651 : i32 to index
        %get3A_653 = arith.index_cast %add3A_650 : i32 to index
        %get3A_654 = arith.constant 32 : index
        %get3A_655 = tpu.vector_load %arg10[%get3A_652, %get3A_653, %get3A_654] {strides = array<i32>} : memref<2x320x128xf32, #tpu.memory_space<vmem>>, vector<1x1x16xf32>,
        %get3A_656 = vector.shape_cast %get3A_655 : vector<1x1x16xf32> to vector<16xf32>
        %add3A_657 = arith.constant 9 : i32
        %add3A_658 = arith.addi %mul3A_394, %add3A_657 : i32
        %get3A_659 = arith.constant 1 : i32
        %get3A_660 = arith.index_cast %get3A_659 : i32 to index
        %get3A_661 = arith.index_cast %add3A_658 : i32 to index
        %get3A_662 = arith.constant 32 : index
        %get3A_663 = tpu.vector_load %arg10[%get3A_660, %get3A_661, %get3A_662] {strides = array<i32>} : memref<2x320x128xf32, #tpu.memory_space<vmem>>, vector<1x1x16xf32>,
        %get3A_664 = vector.shape_cast %get3A_663 : vector<1x1x16xf32> to vector<16xf32>
        %add3A_665 = arith.addf %get3A_592, %get3A_600 : vector<16xf32>
        %add3A_666 = arith.addf %get3A_608, %get3A_616 : vector<16xf32>
        %add3A_667 = arith.addf %get3A_624, %get3A_632 : vector<16xf32>
        %add3A_668 = arith.addf %get3A_640, %get3A_648 : vector<16xf32>
        %add3A_669 = arith.addf %get3A_656, %get3A_664 : vector<16xf32>
        %add3A_670 = arith.addf %add3A_665, %add3A_666 : vector<16xf32>
        %add3A_671 = arith.addf %add3A_667, %add3A_668 : vector<16xf32>
        %add3A_672 = arith.addf %add3A_670, %add3A_671 : vector<16xf32>
        %add3A_673 = arith.addf %add3A_672, %add3A_669 : vector<16xf32>
        %swap3A_674 = arith.constant 1 : i32
        %swap3A_675 = arith.index_cast %swap3A_674 : i32 to index
        %swap3A_676 = arith.index_cast %scan3A_392 : i32 to index
        %swap3A_677 = arith.constant 32 : index
        %swap3A_678 = tpu.vector_load %arg11[%swap3A_675, %swap3A_676, %swap3A_677] {strides = array<i32>} : memref<2x32x128xf32, #tpu.memory_space<vmem>>, vector<1x1x16xf32>,
        %swap3A_679 = vector.shape_cast %swap3A_678 : vector<1x1x16xf32> to vector<16xf32>
        %swap3A_680 = vector.shape_cast %add3A_673 : vector<16xf32> to vector<1x1x16xf32>
        tpu.vector_store %arg11[%swap3A_675, %swap3A_676, %swap3A_677], %swap3A_680 {strides = array<i32>} : memref<2x32x128xf32, #tpu.memory_space<vmem>>, vector<1x1x16xf32>,
        %add3A_681 = arith.constant 0 : i32
        %add3A_682 = arith.addi %mul3A_394, %add3A_681 : i32
        %get3A_683 = arith.constant 1 : i32
        %get3A_684 = arith.index_cast %get3A_683 : i32 to index
        %get3A_685 = arith.index_cast %add3A_682 : i32 to index
        %get3A_686 = arith.constant 48 : index
        %get3A_687 = tpu.vector_load %arg10[%get3A_684, %get3A_685, %get3A_686] {strides = array<i32>} : memref<2x320x128xf32, #tpu.memory_space<vmem>>, vector<1x1x16xf32>,
        %get3A_688 = vector.shape_cast %get3A_687 : vector<1x1x16xf32> to vector<16xf32>
        %add3A_689 = arith.constant 1 : i32
        %add3A_690 = arith.addi %mul3A_394, %add3A_689 : i32
        %get3A_691 = arith.constant 1 : i32
        %get3A_692 = arith.index_cast %get3A_691 : i32 to index
        %get3A_693 = arith.index_cast %add3A_690 : i32 to index
        %get3A_694 = arith.constant 48 : index
        %get3A_695 = tpu.vector_load %arg10[%get3A_692, %get3A_693, %get3A_694] {strides = array<i32>} : memref<2x320x128xf32, #tpu.memory_space<vmem>>, vector<1x1x16xf32>,
        %get3A_696 = vector.shape_cast %get3A_695 : vector<1x1x16xf32> to vector<16xf32>
        %add3A_697 = arith.constant 2 : i32
        %add3A_698 = arith.addi %mul3A_394, %add3A_697 : i32
        %get3A_699 = arith.constant 1 : i32
        %get3A_700 = arith.index_cast %get3A_699 : i32 to index
        %get3A_701 = arith.index_cast %add3A_698 : i32 to index
        %get3A_702 = arith.constant 48 : index
        %get3A_703 = tpu.vector_load %arg10[%get3A_700, %get3A_701, %get3A_702] {strides = array<i32>} : memref<2x320x128xf32, #tpu.memory_space<vmem>>, vector<1x1x16xf32>,
        %get3A_704 = vector.shape_cast %get3A_703 : vector<1x1x16xf32> to vector<16xf32>
        %add3A_705 = arith.constant 3 : i32
        %add3A_706 = arith.addi %mul3A_394, %add3A_705 : i32
        %get3A_707 = arith.constant 1 : i32
        %get3A_708 = arith.index_cast %get3A_707 : i32 to index
        %get3A_709 = arith.index_cast %add3A_706 : i32 to index
        %get3A_710 = arith.constant 48 : index
        %get3A_711 = tpu.vector_load %arg10[%get3A_708, %get3A_709, %get3A_710] {strides = array<i32>} : memref<2x320x128xf32, #tpu.memory_space<vmem>>, vector<1x1x16xf32>,
        %get3A_712 = vector.shape_cast %get3A_711 : vector<1x1x16xf32> to vector<16xf32>
        %add3A_713 = arith.constant 4 : i32
        %add3A_714 = arith.addi %mul3A_394, %add3A_713 : i32
        %get3A_715 = arith.constant 1 : i32
        %get3A_716 = arith.index_cast %get3A_715 : i32 to index
        %get3A_717 = arith.index_cast %add3A_714 : i32 to index
        %get3A_718 = arith.constant 48 : index
        %get3A_719 = tpu.vector_load %arg10[%get3A_716, %get3A_717, %get3A_718] {strides = array<i32>} : memref<2x320x128xf32, #tpu.memory_space<vmem>>, vector<1x1x16xf32>,
        %get3A_720 = vector.shape_cast %get3A_719 : vector<1x1x16xf32> to vector<16xf32>
        %add3A_721 = arith.constant 5 : i32
        %add3A_722 = arith.addi %mul3A_394, %add3A_721 : i32
        %get3A_723 = arith.constant 1 : i32
        %get3A_724 = arith.index_cast %get3A_723 : i32 to index
        %get3A_725 = arith.index_cast %add3A_722 : i32 to index
        %get3A_726 = arith.constant 48 : index
        %get3A_727 = tpu.vector_load %arg10[%get3A_724, %get3A_725, %get3A_726] {strides = array<i32>} : memref<2x320x128xf32, #tpu.memory_space<vmem>>, vector<1x1x16xf32>,
        %get3A_728 = vector.shape_cast %get3A_727 : vector<1x1x16xf32> to vector<16xf32>
        %add3A_729 = arith.constant 6 : i32
        %add3A_730 = arith.addi %mul3A_394, %add3A_729 : i32
        %get3A_731 = arith.constant 1 : i32
        %get3A_732 = arith.index_cast %get3A_731 : i32 to index
        %get3A_733 = arith.index_cast %add3A_730 : i32 to index
        %get3A_734 = arith.constant 48 : index
        %get3A_735 = tpu.vector_load %arg10[%get3A_732, %get3A_733, %get3A_734] {strides = array<i32>} : memref<2x320x128xf32, #tpu.memory_space<vmem>>, vector<1x1x16xf32>,
        %get3A_736 = vector.shape_cast %get3A_735 : vector<1x1x16xf32> to vector<16xf32>
        %add3A_737 = arith.constant 7 : i32
        %add3A_738 = arith.addi %mul3A_394, %add3A_737 : i32
        %get3A_739 = arith.constant 1 : i32
        %get3A_740 = arith.index_cast %get3A_739 : i32 to index
        %get3A_741 = arith.index_cast %add3A_738 : i32 to index
        %get3A_742 = arith.constant 48 : index
        %get3A_743 = tpu.vector_load %arg10[%get3A_740, %get3A_741, %get3A_742] {strides = array<i32>} : memref<2x320x128xf32, #tpu.memory_space<vmem>>, vector<1x1x16xf32>,
        %get3A_744 = vector.shape_cast %get3A_743 : vector<1x1x16xf32> to vector<16xf32>
        %add3A_745 = arith.constant 8 : i32
        %add3A_746 = arith.addi %mul3A_394, %add3A_745 : i32
        %get3A_747 = arith.constant 1 : i32
        %get3A_748 = arith.index_cast %get3A_747 : i32 to index
        %get3A_749 = arith.index_cast %add3A_746 : i32 to index
        %get3A_750 = arith.constant 48 : index
        %get3A_751 = tpu.vector_load %arg10[%get3A_748, %get3A_749, %get3A_750] {strides = array<i32>} : memref<2x320x128xf32, #tpu.memory_space<vmem>>, vector<1x1x16xf32>,
        %get3A_752 = vector.shape_cast %get3A_751 : vector<1x1x16xf32> to vector<16xf32>
        %add3A_753 = arith.constant 9 : i32
        %add3A_754 = arith.addi %mul3A_394, %add3A_753 : i32
        %get3A_755 = arith.constant 1 : i32
        %get3A_756 = arith.index_cast %get3A_755 : i32 to index
        %get3A_757 = arith.index_cast %add3A_754 : i32 to index
        %get3A_758 = arith.constant 48 : index
        %get3A_759 = tpu.vector_load %arg10[%get3A_756, %get3A_757, %get3A_758] {strides = array<i32>} : memref<2x320x128xf32, #tpu.memory_space<vmem>>, vector<1x1x16xf32>,
        %get3A_760 = vector.shape_cast %get3A_759 : vector<1x1x16xf32> to vector<16xf32>
        %add3A_761 = arith.addf %get3A_688, %get3A_696 : vector<16xf32>
        %add3A_762 = arith.addf %get3A_704, %get3A_712 : vector<16xf32>
        %add3A_763 = arith.addf %get3A_720, %get3A_728 : vector<16xf32>
        %add3A_764 = arith.addf %get3A_736, %get3A_744 : vector<16xf32>
        %add3A_765 = arith.addf %get3A_752, %get3A_760 : vector<16xf32>
        %add3A_766 = arith.addf %add3A_761, %add3A_762 : vector<16xf32>
        %add3A_767 = arith.addf %add3A_763, %add3A_764 : vector<16xf32>
        %add3A_768 = arith.addf %add3A_766, %add3A_767 : vector<16xf32>
        %add3A_769 = arith.addf %add3A_768, %add3A_765 : vector<16xf32>
        %swap3A_770 = arith.constant 1 : i32
        %swap3A_771 = arith.index_cast %swap3A_770 : i32 to index
        %swap3A_772 = arith.index_cast %scan3A_392 : i32 to index
        %swap3A_773 = arith.constant 48 : index
        %swap3A_774 = tpu.vector_load %arg11[%swap3A_771, %swap3A_772, %swap3A_773] {strides = array<i32>} : memref<2x32x128xf32, #tpu.memory_space<vmem>>, vector<1x1x16xf32>,
        %swap3A_775 = vector.shape_cast %swap3A_774 : vector<1x1x16xf32> to vector<16xf32>
        %swap3A_776 = vector.shape_cast %add3A_769 : vector<16xf32> to vector<1x1x16xf32>
        tpu.vector_store %arg11[%swap3A_771, %swap3A_772, %swap3A_773], %swap3A_776 {strides = array<i32>} : memref<2x32x128xf32, #tpu.memory_space<vmem>>, vector<1x1x16xf32>,
        %add3A_777 = arith.constant 0 : i32
        %add3A_778 = arith.addi %mul3A_394, %add3A_777 : i32
        %get3A_779 = arith.constant 1 : i32
        %get3A_780 = arith.index_cast %get3A_779 : i32 to index
        %get3A_781 = arith.index_cast %add3A_778 : i32 to index
        %get3A_782 = arith.constant 64 : index
        %get3A_783 = tpu.vector_load %arg10[%get3A_780, %get3A_781, %get3A_782] {strides = array<i32>} : memref<2x320x128xf32, #tpu.memory_space<vmem>>, vector<1x1x16xf32>,
        %get3A_784 = vector.shape_cast %get3A_783 : vector<1x1x16xf32> to vector<16xf32>
        %add3A_785 = arith.constant 1 : i32
        %add3A_786 = arith.addi %mul3A_394, %add3A_785 : i32
        %get3A_787 = arith.constant 1 : i32
        %get3A_788 = arith.index_cast %get3A_787 : i32 to index
        %get3A_789 = arith.index_cast %add3A_786 : i32 to index
        %get3A_790 = arith.constant 64 : index
        %get3A_791 = tpu.vector_load %arg10[%get3A_788, %get3A_789, %get3A_790] {strides = array<i32>} : memref<2x320x128xf32, #tpu.memory_space<vmem>>, vector<1x1x16xf32>,
        %get3A_792 = vector.shape_cast %get3A_791 : vector<1x1x16xf32> to vector<16xf32>
        %add3A_793 = arith.constant 2 : i32
        %add3A_794 = arith.addi %mul3A_394, %add3A_793 : i32
        %get3A_795 = arith.constant 1 : i32
        %get3A_796 = arith.index_cast %get3A_795 : i32 to index
        %get3A_797 = arith.index_cast %add3A_794 : i32 to index
        %get3A_798 = arith.constant 64 : index
        %get3A_799 = tpu.vector_load %arg10[%get3A_796, %get3A_797, %get3A_798] {strides = array<i32>} : memref<2x320x128xf32, #tpu.memory_space<vmem>>, vector<1x1x16xf32>,
        %get3A_800 = vector.shape_cast %get3A_799 : vector<1x1x16xf32> to vector<16xf32>
        %add3A_801 = arith.constant 3 : i32
        %add3A_802 = arith.addi %mul3A_394, %add3A_801 : i32
        %get3A_803 = arith.constant 1 : i32
        %get3A_804 = arith.index_cast %get3A_803 : i32 to index
        %get3A_805 = arith.index_cast %add3A_802 : i32 to index
        %get3A_806 = arith.constant 64 : index
        %get3A_807 = tpu.vector_load %arg10[%get3A_804, %get3A_805, %get3A_806] {strides = array<i32>} : memref<2x320x128xf32, #tpu.memory_space<vmem>>, vector<1x1x16xf32>,
        %get3A_808 = vector.shape_cast %get3A_807 : vector<1x1x16xf32> to vector<16xf32>
        %add3A_809 = arith.constant 4 : i32
        %add3A_810 = arith.addi %mul3A_394, %add3A_809 : i32
        %get3A_811 = arith.constant 1 : i32
        %get3A_812 = arith.index_cast %get3A_811 : i32 to index
        %get3A_813 = arith.index_cast %add3A_810 : i32 to index
        %get3A_814 = arith.constant 64 : index
        %get3A_815 = tpu.vector_load %arg10[%get3A_812, %get3A_813, %get3A_814] {strides = array<i32>} : memref<2x320x128xf32, #tpu.memory_space<vmem>>, vector<1x1x16xf32>,
        %get3A_816 = vector.shape_cast %get3A_815 : vector<1x1x16xf32> to vector<16xf32>
        %add3A_817 = arith.constant 5 : i32
        %add3A_818 = arith.addi %mul3A_394, %add3A_817 : i32
        %get3A_819 = arith.constant 1 : i32
        %get3A_820 = arith.index_cast %get3A_819 : i32 to index
        %get3A_821 = arith.index_cast %add3A_818 : i32 to index
        %get3A_822 = arith.constant 64 : index
        %get3A_823 = tpu.vector_load %arg10[%get3A_820, %get3A_821, %get3A_822] {strides = array<i32>} : memref<2x320x128xf32, #tpu.memory_space<vmem>>, vector<1x1x16xf32>,
        %get3A_824 = vector.shape_cast %get3A_823 : vector<1x1x16xf32> to vector<16xf32>
        %add3A_825 = arith.constant 6 : i32
        %add3A_826 = arith.addi %mul3A_394, %add3A_825 : i32
        %get3A_827 = arith.constant 1 : i32
        %get3A_828 = arith.index_cast %get3A_827 : i32 to index
        %get3A_829 = arith.index_cast %add3A_826 : i32 to index
        %get3A_830 = arith.constant 64 : index
        %get3A_831 = tpu.vector_load %arg10[%get3A_828, %get3A_829, %get3A_830] {strides = array<i32>} : memref<2x320x128xf32, #tpu.memory_space<vmem>>, vector<1x1x16xf32>,
        %get3A_832 = vector.shape_cast %get3A_831 : vector<1x1x16xf32> to vector<16xf32>
        %add3A_833 = arith.constant 7 : i32
        %add3A_834 = arith.addi %mul3A_394, %add3A_833 : i32
        %get3A_835 = arith.constant 1 : i32
        %get3A_836 = arith.index_cast %get3A_835 : i32 to index
        %get3A_837 = arith.index_cast %add3A_834 : i32 to index
        %get3A_838 = arith.constant 64 : index
        %get3A_839 = tpu.vector_load %arg10[%get3A_836, %get3A_837, %get3A_838] {strides = array<i32>} : memref<2x320x128xf32, #tpu.memory_space<vmem>>, vector<1x1x16xf32>,
        %get3A_840 = vector.shape_cast %get3A_839 : vector<1x1x16xf32> to vector<16xf32>
        %add3A_841 = arith.constant 8 : i32
        %add3A_842 = arith.addi %mul3A_394, %add3A_841 : i32
        %get3A_843 = arith.constant 1 : i32
        %get3A_844 = arith.index_cast %get3A_843 : i32 to index
        %get3A_845 = arith.index_cast %add3A_842 : i32 to index
        %get3A_846 = arith.constant 64 : index
        %get3A_847 = tpu.vector_load %arg10[%get3A_844, %get3A_845, %get3A_846] {strides = array<i32>} : memref<2x320x128xf32, #tpu.memory_space<vmem>>, vector<1x1x16xf32>,
        %get3A_848 = vector.shape_cast %get3A_847 : vector<1x1x16xf32> to vector<16xf32>
        %add3A_849 = arith.constant 9 : i32
        %add3A_850 = arith.addi %mul3A_394, %add3A_849 : i32
        %get3A_851 = arith.constant 1 : i32
        %get3A_852 = arith.index_cast %get3A_851 : i32 to index
        %get3A_853 = arith.index_cast %add3A_850 : i32 to index
        %get3A_854 = arith.constant 64 : index
        %get3A_855 = tpu.vector_load %arg10[%get3A_852, %get3A_853, %get3A_854] {strides = array<i32>} : memref<2x320x128xf32, #tpu.memory_space<vmem>>, vector<1x1x16xf32>,
        %get3A_856 = vector.shape_cast %get3A_855 : vector<1x1x16xf32> to vector<16xf32>
        %add3A_857 = arith.addf %get3A_784, %get3A_792 : vector<16xf32>
        %add3A_858 = arith.addf %get3A_800, %get3A_808 : vector<16xf32>
        %add3A_859 = arith.addf %get3A_816, %get3A_824 : vector<16xf32>
        %add3A_860 = arith.addf %get3A_832, %get3A_840 : vector<16xf32>
        %add3A_861 = arith.addf %get3A_848, %get3A_856 : vector<16xf32>
        %add3A_862 = arith.addf %add3A_857, %add3A_858 : vector<16xf32>
        %add3A_863 = arith.addf %add3A_859, %add3A_860 : vector<16xf32>
        %add3A_864 = arith.addf %add3A_862, %add3A_863 : vector<16xf32>
        %add3A_865 = arith.addf %add3A_864, %add3A_861 : vector<16xf32>
        %swap3A_866 = arith.constant 1 : i32
        %swap3A_867 = arith.index_cast %swap3A_866 : i32 to index
        %swap3A_868 = arith.index_cast %scan3A_392 : i32 to index
        %swap3A_869 = arith.constant 64 : index
        %swap3A_870 = tpu.vector_load %arg11[%swap3A_867, %swap3A_868, %swap3A_869] {strides = array<i32>} : memref<2x32x128xf32, #tpu.memory_space<vmem>>, vector<1x1x16xf32>,
        %swap3A_871 = vector.shape_cast %swap3A_870 : vector<1x1x16xf32> to vector<16xf32>
        %swap3A_872 = vector.shape_cast %add3A_865 : vector<16xf32> to vector<1x1x16xf32>
        tpu.vector_store %arg11[%swap3A_867, %swap3A_868, %swap3A_869], %swap3A_872 {strides = array<i32>} : memref<2x32x128xf32, #tpu.memory_space<vmem>>, vector<1x1x16xf32>,
        %add3A_873 = arith.constant 0 : i32
        %add3A_874 = arith.addi %mul3A_394, %add3A_873 : i32
        %get3A_875 = arith.constant 1 : i32
        %get3A_876 = arith.index_cast %get3A_875 : i32 to index
        %get3A_877 = arith.index_cast %add3A_874 : i32 to index
        %get3A_878 = arith.constant 80 : index
        %get3A_879 = tpu.vector_load %arg10[%get3A_876, %get3A_877, %get3A_878] {strides = array<i32>} : memref<2x320x128xf32, #tpu.memory_space<vmem>>, vector<1x1x16xf32>,
        %get3A_880 = vector.shape_cast %get3A_879 : vector<1x1x16xf32> to vector<16xf32>
        %add3A_881 = arith.constant 1 : i32
        %add3A_882 = arith.addi %mul3A_394, %add3A_881 : i32
        %get3A_883 = arith.constant 1 : i32
        %get3A_884 = arith.index_cast %get3A_883 : i32 to index
        %get3A_885 = arith.index_cast %add3A_882 : i32 to index
        %get3A_886 = arith.constant 80 : index
        %get3A_887 = tpu.vector_load %arg10[%get3A_884, %get3A_885, %get3A_886] {strides = array<i32>} : memref<2x320x128xf32, #tpu.memory_space<vmem>>, vector<1x1x16xf32>,
        %get3A_888 = vector.shape_cast %get3A_887 : vector<1x1x16xf32> to vector<16xf32>
        %add3A_889 = arith.constant 2 : i32
        %add3A_890 = arith.addi %mul3A_394, %add3A_889 : i32
        %get3A_891 = arith.constant 1 : i32
        %get3A_892 = arith.index_cast %get3A_891 : i32 to index
        %get3A_893 = arith.index_cast %add3A_890 : i32 to index
        %get3A_894 = arith.constant 80 : index
        %get3A_895 = tpu.vector_load %arg10[%get3A_892, %get3A_893, %get3A_894] {strides = array<i32>} : memref<2x320x128xf32, #tpu.memory_space<vmem>>, vector<1x1x16xf32>,
        %get3A_896 = vector.shape_cast %get3A_895 : vector<1x1x16xf32> to vector<16xf32>
        %add3A_897 = arith.constant 3 : i32
        %add3A_898 = arith.addi %mul3A_394, %add3A_897 : i32
        %get3A_899 = arith.constant 1 : i32
        %get3A_900 = arith.index_cast %get3A_899 : i32 to index
        %get3A_901 = arith.index_cast %add3A_898 : i32 to index
        %get3A_902 = arith.constant 80 : index
        %get3A_903 = tpu.vector_load %arg10[%get3A_900, %get3A_901, %get3A_902] {strides = array<i32>} : memref<2x320x128xf32, #tpu.memory_space<vmem>>, vector<1x1x16xf32>,
        %get3A_904 = vector.shape_cast %get3A_903 : vector<1x1x16xf32> to vector<16xf32>
        %add3A_905 = arith.constant 4 : i32
        %add3A_906 = arith.addi %mul3A_394, %add3A_905 : i32
        %get3A_907 = arith.constant 1 : i32
        %get3A_908 = arith.index_cast %get3A_907 : i32 to index
        %get3A_909 = arith.index_cast %add3A_906 : i32 to index
        %get3A_910 = arith.constant 80 : index
        %get3A_911 = tpu.vector_load %arg10[%get3A_908, %get3A_909, %get3A_910] {strides = array<i32>} : memref<2x320x128xf32, #tpu.memory_space<vmem>>, vector<1x1x16xf32>,
        %get3A_912 = vector.shape_cast %get3A_911 : vector<1x1x16xf32> to vector<16xf32>
        %add3A_913 = arith.constant 5 : i32
        %add3A_914 = arith.addi %mul3A_394, %add3A_913 : i32
        %get3A_915 = arith.constant 1 : i32
        %get3A_916 = arith.index_cast %get3A_915 : i32 to index
        %get3A_917 = arith.index_cast %add3A_914 : i32 to index
        %get3A_918 = arith.constant 80 : index
        %get3A_919 = tpu.vector_load %arg10[%get3A_916, %get3A_917, %get3A_918] {strides = array<i32>} : memref<2x320x128xf32, #tpu.memory_space<vmem>>, vector<1x1x16xf32>,
        %get3A_920 = vector.shape_cast %get3A_919 : vector<1x1x16xf32> to vector<16xf32>
        %add3A_921 = arith.constant 6 : i32
        %add3A_922 = arith.addi %mul3A_394, %add3A_921 : i32
        %get3A_923 = arith.constant 1 : i32
        %get3A_924 = arith.index_cast %get3A_923 : i32 to index
        %get3A_925 = arith.index_cast %add3A_922 : i32 to index
        %get3A_926 = arith.constant 80 : index
        %get3A_927 = tpu.vector_load %arg10[%get3A_924, %get3A_925, %get3A_926] {strides = array<i32>} : memref<2x320x128xf32, #tpu.memory_space<vmem>>, vector<1x1x16xf32>,
        %get3A_928 = vector.shape_cast %get3A_927 : vector<1x1x16xf32> to vector<16xf32>
        %add3A_929 = arith.constant 7 : i32
        %add3A_930 = arith.addi %mul3A_394, %add3A_929 : i32
        %get3A_931 = arith.constant 1 : i32
        %get3A_932 = arith.index_cast %get3A_931 : i32 to index
        %get3A_933 = arith.index_cast %add3A_930 : i32 to index
        %get3A_934 = arith.constant 80 : index
        %get3A_935 = tpu.vector_load %arg10[%get3A_932, %get3A_933, %get3A_934] {strides = array<i32>} : memref<2x320x128xf32, #tpu.memory_space<vmem>>, vector<1x1x16xf32>,
        %get3A_936 = vector.shape_cast %get3A_935 : vector<1x1x16xf32> to vector<16xf32>
        %add3A_937 = arith.constant 8 : i32
        %add3A_938 = arith.addi %mul3A_394, %add3A_937 : i32
        %get3A_939 = arith.constant 1 : i32
        %get3A_940 = arith.index_cast %get3A_939 : i32 to index
        %get3A_941 = arith.index_cast %add3A_938 : i32 to index
        %get3A_942 = arith.constant 80 : index
        %get3A_943 = tpu.vector_load %arg10[%get3A_940, %get3A_941, %get3A_942] {strides = array<i32>} : memref<2x320x128xf32, #tpu.memory_space<vmem>>, vector<1x1x16xf32>,
        %get3A_944 = vector.shape_cast %get3A_943 : vector<1x1x16xf32> to vector<16xf32>
        %add3A_945 = arith.constant 9 : i32
        %add3A_946 = arith.addi %mul3A_394, %add3A_945 : i32
        %get3A_947 = arith.constant 1 : i32
        %get3A_948 = arith.index_cast %get3A_947 : i32 to index
        %get3A_949 = arith.index_cast %add3A_946 : i32 to index
        %get3A_950 = arith.constant 80 : index
        %get3A_951 = tpu.vector_load %arg10[%get3A_948, %get3A_949, %get3A_950] {strides = array<i32>} : memref<2x320x128xf32, #tpu.memory_space<vmem>>, vector<1x1x16xf32>,
        %get3A_952 = vector.shape_cast %get3A_951 : vector<1x1x16xf32> to vector<16xf32>
        %add3A_953 = arith.addf %get3A_880, %get3A_888 : vector<16xf32>
        %add3A_954 = arith.addf %get3A_896, %get3A_904 : vector<16xf32>
        %add3A_955 = arith.addf %get3A_912, %get3A_920 : vector<16xf32>
        %add3A_956 = arith.addf %get3A_928, %get3A_936 : vector<16xf32>
        %add3A_957 = arith.addf %get3A_944, %get3A_952 : vector<16xf32>
        %add3A_958 = arith.addf %add3A_953, %add3A_954 : vector<16xf32>
        %add3A_959 = arith.addf %add3A_955, %add3A_956 : vector<16xf32>
        %add3A_960 = arith.addf %add3A_958, %add3A_959 : vector<16xf32>
        %add3A_961 = arith.addf %add3A_960, %add3A_957 : vector<16xf32>
        %swap3A_962 = arith.constant 1 : i32
        %swap3A_963 = arith.index_cast %swap3A_962 : i32 to index
        %swap3A_964 = arith.index_cast %scan3A_392 : i32 to index
        %swap3A_965 = arith.constant 80 : index
        %swap3A_966 = tpu.vector_load %arg11[%swap3A_963, %swap3A_964, %swap3A_965] {strides = array<i32>} : memref<2x32x128xf32, #tpu.memory_space<vmem>>, vector<1x1x16xf32>,
        %swap3A_967 = vector.shape_cast %swap3A_966 : vector<1x1x16xf32> to vector<16xf32>
        %swap3A_968 = vector.shape_cast %add3A_961 : vector<16xf32> to vector<1x1x16xf32>
        tpu.vector_store %arg11[%swap3A_963, %swap3A_964, %swap3A_965], %swap3A_968 {strides = array<i32>} : memref<2x32x128xf32, #tpu.memory_space<vmem>>, vector<1x1x16xf32>,
        %add3A_969 = arith.constant 0 : i32
        %add3A_970 = arith.addi %mul3A_394, %add3A_969 : i32
        %get3A_971 = arith.constant 1 : i32
        %get3A_972 = arith.index_cast %get3A_971 : i32 to index
        %get3A_973 = arith.index_cast %add3A_970 : i32 to index
        %get3A_974 = arith.constant 96 : index
        %get3A_975 = tpu.vector_load %arg10[%get3A_972, %get3A_973, %get3A_974] {strides = array<i32>} : memref<2x320x128xf32, #tpu.memory_space<vmem>>, vector<1x1x16xf32>,
        %get3A_976 = vector.shape_cast %get3A_975 : vector<1x1x16xf32> to vector<16xf32>
        %add3A_977 = arith.constant 1 : i32
        %add3A_978 = arith.addi %mul3A_394, %add3A_977 : i32
        %get3A_979 = arith.constant 1 : i32
        %get3A_980 = arith.index_cast %get3A_979 : i32 to index
        %get3A_981 = arith.index_cast %add3A_978 : i32 to index
        %get3A_982 = arith.constant 96 : index
        %get3A_983 = tpu.vector_load %arg10[%get3A_980, %get3A_981, %get3A_982] {strides = array<i32>} : memref<2x320x128xf32, #tpu.memory_space<vmem>>, vector<1x1x16xf32>,
        %get3A_984 = vector.shape_cast %get3A_983 : vector<1x1x16xf32> to vector<16xf32>
        %add3A_985 = arith.constant 2 : i32
        %add3A_986 = arith.addi %mul3A_394, %add3A_985 : i32
        %get3A_987 = arith.constant 1 : i32
        %get3A_988 = arith.index_cast %get3A_987 : i32 to index
        %get3A_989 = arith.index_cast %add3A_986 : i32 to index
        %get3A_990 = arith.constant 96 : index
        %get3A_991 = tpu.vector_load %arg10[%get3A_988, %get3A_989, %get3A_990] {strides = array<i32>} : memref<2x320x128xf32, #tpu.memory_space<vmem>>, vector<1x1x16xf32>,
        %get3A_992 = vector.shape_cast %get3A_991 : vector<1x1x16xf32> to vector<16xf32>
        %add3A_993 = arith.constant 3 : i32
        %add3A_994 = arith.addi %mul3A_394, %add3A_993 : i32
        %get3A_995 = arith.constant 1 : i32
        %get3A_996 = arith.index_cast %get3A_995 : i32 to index
        %get3A_997 = arith.index_cast %add3A_994 : i32 to index
        %get3A_998 = arith.constant 96 : index
        %get3A_999 = tpu.vector_load %arg10[%get3A_996, %get3A_997, %get3A_998] {strides = array<i32>} : memref<2x320x128xf32, #tpu.memory_space<vmem>>, vector<1x1x16xf32>,
        %get3A_1000 = vector.shape_cast %get3A_999 : vector<1x1x16xf32> to vector<16xf32>
        %add3A_1001 = arith.constant 4 : i32
        %add3A_1002 = arith.addi %mul3A_394, %add3A_1001 : i32
        %get3A_1003 = arith.constant 1 : i32
        %get3A_1004 = arith.index_cast %get3A_1003 : i32 to index
        %get3A_1005 = arith.index_cast %add3A_1002 : i32 to index
        %get3A_1006 = arith.constant 96 : index
        %get3A_1007 = tpu.vector_load %arg10[%get3A_1004, %get3A_1005, %get3A_1006] {strides = array<i32>} : memref<2x320x128xf32, #tpu.memory_space<vmem>>, vector<1x1x16xf32>,
        %get3A_1008 = vector.shape_cast %get3A_1007 : vector<1x1x16xf32> to vector<16xf32>
        %add3A_1009 = arith.constant 5 : i32
        %add3A_1010 = arith.addi %mul3A_394, %add3A_1009 : i32
        %get3A_1011 = arith.constant 1 : i32
        %get3A_1012 = arith.index_cast %get3A_1011 : i32 to index
        %get3A_1013 = arith.index_cast %add3A_1010 : i32 to index
        %get3A_1014 = arith.constant 96 : index
        %get3A_1015 = tpu.vector_load %arg10[%get3A_1012, %get3A_1013, %get3A_1014] {strides = array<i32>} : memref<2x320x128xf32, #tpu.memory_space<vmem>>, vector<1x1x16xf32>,
        %get3A_1016 = vector.shape_cast %get3A_1015 : vector<1x1x16xf32> to vector<16xf32>
        %add3A_1017 = arith.constant 6 : i32
        %add3A_1018 = arith.addi %mul3A_394, %add3A_1017 : i32
        %get3A_1019 = arith.constant 1 : i32
        %get3A_1020 = arith.index_cast %get3A_1019 : i32 to index
        %get3A_1021 = arith.index_cast %add3A_1018 : i32 to index
        %get3A_1022 = arith.constant 96 : index
        %get3A_1023 = tpu.vector_load %arg10[%get3A_1020, %get3A_1021, %get3A_1022] {strides = array<i32>} : memref<2x320x128xf32, #tpu.memory_space<vmem>>, vector<1x1x16xf32>,
        %get3A_1024 = vector.shape_cast %get3A_1023 : vector<1x1x16xf32> to vector<16xf32>
        %add3A_1025 = arith.constant 7 : i32
        %add3A_1026 = arith.addi %mul3A_394, %add3A_1025 : i32
        %get3A_1027 = arith.constant 1 : i32
        %get3A_1028 = arith.index_cast %get3A_1027 : i32 to index
        %get3A_1029 = arith.index_cast %add3A_1026 : i32 to index
        %get3A_1030 = arith.constant 96 : index
        %get3A_1031 = tpu.vector_load %arg10[%get3A_1028, %get3A_1029, %get3A_1030] {strides = array<i32>} : memref<2x320x128xf32, #tpu.memory_space<vmem>>, vector<1x1x16xf32>,
        %get3A_1032 = vector.shape_cast %get3A_1031 : vector<1x1x16xf32> to vector<16xf32>
        %add3A_1033 = arith.constant 8 : i32
        %add3A_1034 = arith.addi %mul3A_394, %add3A_1033 : i32
        %get3A_1035 = arith.constant 1 : i32
        %get3A_1036 = arith.index_cast %get3A_1035 : i32 to index
        %get3A_1037 = arith.index_cast %add3A_1034 : i32 to index
        %get3A_1038 = arith.constant 96 : index
        %get3A_1039 = tpu.vector_load %arg10[%get3A_1036, %get3A_1037, %get3A_1038] {strides = array<i32>} : memref<2x320x128xf32, #tpu.memory_space<vmem>>, vector<1x1x16xf32>,
        %get3A_1040 = vector.shape_cast %get3A_1039 : vector<1x1x16xf32> to vector<16xf32>
        %add3A_1041 = arith.constant 9 : i32
        %add3A_1042 = arith.addi %mul3A_394, %add3A_1041 : i32
        %get3A_1043 = arith.constant 1 : i32
        %get3A_1044 = arith.index_cast %get3A_1043 : i32 to index
        %get3A_1045 = arith.index_cast %add3A_1042 : i32 to index
        %get3A_1046 = arith.constant 96 : index
        %get3A_1047 = tpu.vector_load %arg10[%get3A_1044, %get3A_1045, %get3A_1046] {strides = array<i32>} : memref<2x320x128xf32, #tpu.memory_space<vmem>>, vector<1x1x16xf32>,
        %get3A_1048 = vector.shape_cast %get3A_1047 : vector<1x1x16xf32> to vector<16xf32>
        %add3A_1049 = arith.addf %get3A_976, %get3A_984 : vector<16xf32>
        %add3A_1050 = arith.addf %get3A_992, %get3A_1000 : vector<16xf32>
        %add3A_1051 = arith.addf %get3A_1008, %get3A_1016 : vector<16xf32>
        %add3A_1052 = arith.addf %get3A_1024, %get3A_1032 : vector<16xf32>
        %add3A_1053 = arith.addf %get3A_1040, %get3A_1048 : vector<16xf32>
        %add3A_1054 = arith.addf %add3A_1049, %add3A_1050 : vector<16xf32>
        %add3A_1055 = arith.addf %add3A_1051, %add3A_1052 : vector<16xf32>
        %add3A_1056 = arith.addf %add3A_1054, %add3A_1055 : vector<16xf32>
        %add3A_1057 = arith.addf %add3A_1056, %add3A_1053 : vector<16xf32>
        %swap3A_1058 = arith.constant 1 : i32
        %swap3A_1059 = arith.index_cast %swap3A_1058 : i32 to index
        %swap3A_1060 = arith.index_cast %scan3A_392 : i32 to index
        %swap3A_1061 = arith.constant 96 : index
        %swap3A_1062 = tpu.vector_load %arg11[%swap3A_1059, %swap3A_1060, %swap3A_1061] {strides = array<i32>} : memref<2x32x128xf32, #tpu.memory_space<vmem>>, vector<1x1x16xf32>,
        %swap3A_1063 = vector.shape_cast %swap3A_1062 : vector<1x1x16xf32> to vector<16xf32>
        %swap3A_1064 = vector.shape_cast %add3A_1057 : vector<16xf32> to vector<1x1x16xf32>
        tpu.vector_store %arg11[%swap3A_1059, %swap3A_1060, %swap3A_1061], %swap3A_1064 {strides = array<i32>} : memref<2x32x128xf32, #tpu.memory_space<vmem>>, vector<1x1x16xf32>,
        %add3A_1065 = arith.constant 0 : i32
        %add3A_1066 = arith.addi %mul3A_394, %add3A_1065 : i32
        %get3A_1067 = arith.constant 1 : i32
        %get3A_1068 = arith.index_cast %get3A_1067 : i32 to index
        %get3A_1069 = arith.index_cast %add3A_1066 : i32 to index
        %get3A_1070 = arith.constant 112 : index
        %get3A_1071 = tpu.vector_load %arg10[%get3A_1068, %get3A_1069, %get3A_1070] {strides = array<i32>} : memref<2x320x128xf32, #tpu.memory_space<vmem>>, vector<1x1x16xf32>,
        %get3A_1072 = vector.shape_cast %get3A_1071 : vector<1x1x16xf32> to vector<16xf32>
        %add3A_1073 = arith.constant 1 : i32
        %add3A_1074 = arith.addi %mul3A_394, %add3A_1073 : i32
        %get3A_1075 = arith.constant 1 : i32
        %get3A_1076 = arith.index_cast %get3A_1075 : i32 to index
        %get3A_1077 = arith.index_cast %add3A_1074 : i32 to index
        %get3A_1078 = arith.constant 112 : index
        %get3A_1079 = tpu.vector_load %arg10[%get3A_1076, %get3A_1077, %get3A_1078] {strides = array<i32>} : memref<2x320x128xf32, #tpu.memory_space<vmem>>, vector<1x1x16xf32>,
        %get3A_1080 = vector.shape_cast %get3A_1079 : vector<1x1x16xf32> to vector<16xf32>
        %add3A_1081 = arith.constant 2 : i32
        %add3A_1082 = arith.addi %mul3A_394, %add3A_1081 : i32
        %get3A_1083 = arith.constant 1 : i32
        %get3A_1084 = arith.index_cast %get3A_1083 : i32 to index
        %get3A_1085 = arith.index_cast %add3A_1082 : i32 to index
        %get3A_1086 = arith.constant 112 : index
        %get3A_1087 = tpu.vector_load %arg10[%get3A_1084, %get3A_1085, %get3A_1086] {strides = array<i32>} : memref<2x320x128xf32, #tpu.memory_space<vmem>>, vector<1x1x16xf32>,
        %get3A_1088 = vector.shape_cast %get3A_1087 : vector<1x1x16xf32> to vector<16xf32>
        %add3A_1089 = arith.constant 3 : i32
        %add3A_1090 = arith.addi %mul3A_394, %add3A_1089 : i32
        %get3A_1091 = arith.constant 1 : i32
        %get3A_1092 = arith.index_cast %get3A_1091 : i32 to index
        %get3A_1093 = arith.index_cast %add3A_1090 : i32 to index
        %get3A_1094 = arith.constant 112 : index
        %get3A_1095 = tpu.vector_load %arg10[%get3A_1092, %get3A_1093, %get3A_1094] {strides = array<i32>} : memref<2x320x128xf32, #tpu.memory_space<vmem>>, vector<1x1x16xf32>,
        %get3A_1096 = vector.shape_cast %get3A_1095 : vector<1x1x16xf32> to vector<16xf32>
        %add3A_1097 = arith.constant 4 : i32
        %add3A_1098 = arith.addi %mul3A_394, %add3A_1097 : i32
        %get3A_1099 = arith.constant 1 : i32
        %get3A_1100 = arith.index_cast %get3A_1099 : i32 to index
        %get3A_1101 = arith.index_cast %add3A_1098 : i32 to index
        %get3A_1102 = arith.constant 112 : index
        %get3A_1103 = tpu.vector_load %arg10[%get3A_1100, %get3A_1101, %get3A_1102] {strides = array<i32>} : memref<2x320x128xf32, #tpu.memory_space<vmem>>, vector<1x1x16xf32>,
        %get3A_1104 = vector.shape_cast %get3A_1103 : vector<1x1x16xf32> to vector<16xf32>
        %add3A_1105 = arith.constant 5 : i32
        %add3A_1106 = arith.addi %mul3A_394, %add3A_1105 : i32
        %get3A_1107 = arith.constant 1 : i32
        %get3A_1108 = arith.index_cast %get3A_1107 : i32 to index
        %get3A_1109 = arith.index_cast %add3A_1106 : i32 to index
        %get3A_1110 = arith.constant 112 : index
        %get3A_1111 = tpu.vector_load %arg10[%get3A_1108, %get3A_1109, %get3A_1110] {strides = array<i32>} : memref<2x320x128xf32, #tpu.memory_space<vmem>>, vector<1x1x16xf32>,
        %get3A_1112 = vector.shape_cast %get3A_1111 : vector<1x1x16xf32> to vector<16xf32>
        %add3A_1113 = arith.constant 6 : i32
        %add3A_1114 = arith.addi %mul3A_394, %add3A_1113 : i32
        %get3A_1115 = arith.constant 1 : i32
        %get3A_1116 = arith.index_cast %get3A_1115 : i32 to index
        %get3A_1117 = arith.index_cast %add3A_1114 : i32 to index
        %get3A_1118 = arith.constant 112 : index
        %get3A_1119 = tpu.vector_load %arg10[%get3A_1116, %get3A_1117, %get3A_1118] {strides = array<i32>} : memref<2x320x128xf32, #tpu.memory_space<vmem>>, vector<1x1x16xf32>,
        %get3A_1120 = vector.shape_cast %get3A_1119 : vector<1x1x16xf32> to vector<16xf32>
        %add3A_1121 = arith.constant 7 : i32
        %add3A_1122 = arith.addi %mul3A_394, %add3A_1121 : i32
        %get3A_1123 = arith.constant 1 : i32
        %get3A_1124 = arith.index_cast %get3A_1123 : i32 to index
        %get3A_1125 = arith.index_cast %add3A_1122 : i32 to index
        %get3A_1126 = arith.constant 112 : index
        %get3A_1127 = tpu.vector_load %arg10[%get3A_1124, %get3A_1125, %get3A_1126] {strides = array<i32>} : memref<2x320x128xf32, #tpu.memory_space<vmem>>, vector<1x1x16xf32>,
        %get3A_1128 = vector.shape_cast %get3A_1127 : vector<1x1x16xf32> to vector<16xf32>
        %add3A_1129 = arith.constant 8 : i32
        %add3A_1130 = arith.addi %mul3A_394, %add3A_1129 : i32
        %get3A_1131 = arith.constant 1 : i32
        %get3A_1132 = arith.index_cast %get3A_1131 : i32 to index
        %get3A_1133 = arith.index_cast %add3A_1130 : i32 to index
        %get3A_1134 = arith.constant 112 : index
        %get3A_1135 = tpu.vector_load %arg10[%get3A_1132, %get3A_1133, %get3A_1134] {strides = array<i32>} : memref<2x320x128xf32, #tpu.memory_space<vmem>>, vector<1x1x16xf32>,
        %get3A_1136 = vector.shape_cast %get3A_1135 : vector<1x1x16xf32> to vector<16xf32>
        %add3A_1137 = arith.constant 9 : i32
        %add3A_1138 = arith.addi %mul3A_394, %add3A_1137 : i32
        %get3A_1139 = arith.constant 1 : i32
        %get3A_1140 = arith.index_cast %get3A_1139 : i32 to index
        %get3A_1141 = arith.index_cast %add3A_1138 : i32 to index
        %get3A_1142 = arith.constant 112 : index
        %get3A_1143 = tpu.vector_load %arg10[%get3A_1140, %get3A_1141, %get3A_1142] {strides = array<i32>} : memref<2x320x128xf32, #tpu.memory_space<vmem>>, vector<1x1x16xf32>,
        %get3A_1144 = vector.shape_cast %get3A_1143 : vector<1x1x16xf32> to vector<16xf32>
        %add3A_1145 = arith.addf %get3A_1072, %get3A_1080 : vector<16xf32>
        %add3A_1146 = arith.addf %get3A_1088, %get3A_1096 : vector<16xf32>
        %add3A_1147 = arith.addf %get3A_1104, %get3A_1112 : vector<16xf32>
        %add3A_1148 = arith.addf %get3A_1120, %get3A_1128 : vector<16xf32>
        %add3A_1149 = arith.addf %get3A_1136, %get3A_1144 : vector<16xf32>
        %add3A_1150 = arith.addf %add3A_1145, %add3A_1146 : vector<16xf32>
        %add3A_1151 = arith.addf %add3A_1147, %add3A_1148 : vector<16xf32>
        %add3A_1152 = arith.addf %add3A_1150, %add3A_1151 : vector<16xf32>
        %add3A_1153 = arith.addf %add3A_1152, %add3A_1149 : vector<16xf32>
        %swap3A_1154 = arith.constant 1 : i32
        %swap3A_1155 = arith.index_cast %swap3A_1154 : i32 to index
        %swap3A_1156 = arith.index_cast %scan3A_392 : i32 to index
        %swap3A_1157 = arith.constant 112 : index
        %swap3A_1158 = tpu.vector_load %arg11[%swap3A_1155, %swap3A_1156, %swap3A_1157] {strides = array<i32>} : memref<2x32x128xf32, #tpu.memory_space<vmem>>, vector<1x1x16xf32>,
        %swap3A_1159 = vector.shape_cast %swap3A_1158 : vector<1x1x16xf32> to vector<16xf32>
        %swap3A_1160 = vector.shape_cast %add3A_1153 : vector<16xf32> to vector<1x1x16xf32>
        tpu.vector_store %arg11[%swap3A_1155, %swap3A_1156, %swap3A_1157], %swap3A_1160 {strides = array<i32>} : memref<2x32x128xf32, #tpu.memory_space<vmem>>, vector<1x1x16xf32>,
      }
      %scan3A_353 = arith.constant 32 : i32
      %add3A_354 = arith.constant 1 : i32
      %add3A_355 = arith.addi %mul3A_167, %add3A_354 : i32
      %mul3A_356 = arith.constant 32 : i32
      %mul3A_357 = arith.muli %add3A_355, %mul3A_356 : i32
      %add3A_358 = arith.addi %multiple_of3A, %mul3A_357 : i32
      %multiple_of3A_359 = tpu.assume_multiple %add3A_358, 8 : i32
      %dma_start3A_360 = arith.constant 1 : i32
      %dma_start3A_361 = arith.constant 1 : i32
      %dma_start3A_362 = arith.constant 0 : i32
      %dma_start3A_363 = arith.constant 0 : i32
      %dma_start3A_364 = tpu.memref_slice %arg9[%dma_start3A_360, %dma_start3A_362, %dma_start3A_363] : memref<2x32x128xf32, #tpu.memory_space<vmem>> -> memref<1x32x128xf32, #tpu.memory_space<vmem>>
      %dma_start3A_365 = tpu.memref_squeeze %dma_start3A_364 : memref<1x32x128xf32, #tpu.memory_space<vmem>> -> memref<32x128xf32, #tpu.memory_space<vmem>>
      %dma_start3A_366 = arith.constant 0 : i32
      %dma_start3A_367 = tpu.memref_slice %arg5[%multiple_of3A_359, %dma_start3A_366] : memref<51200x128xf32, #tpu.memory_space<hbm>> -> memref<32x128xf32, #tpu.memory_space<hbm>>
      %dma_start3A_368 = tpu.memref_slice %arg13[%dma_start3A_361] : memref<2x!tpu.dma_semaphore, #tpu.memory_space<semaphore_mem>> -> memref<1x!tpu.dma_semaphore, #tpu.memory_space<semaphore_mem>>
      %dma_start3A_369 = tpu.memref_squeeze %dma_start3A_368 : memref<1x!tpu.dma_semaphore, #tpu.memory_space<semaphore_mem>> -> memref<!tpu.dma_semaphore, #tpu.memory_space<semaphore_mem>>
      %dma_start3A_370 = arith.constant 0 : i32
      %dma_start3A_371 = tpu.memref_slice %arg5[%multiple_of3A_359, %dma_start3A_370] : memref<51200x128xf32, #tpu.memory_space<hbm>> -> memref<32x128xf32, #tpu.memory_space<hbm>>
      %dma_start3A_372 = arith.constant 0 : i32
      %dma_start3A_373 = arith.constant 0 : i32
      %dma_start3A_374 = tpu.memref_slice %arg9[%dma_start3A_360, %dma_start3A_372, %dma_start3A_373] : memref<2x32x128xf32, #tpu.memory_space<vmem>> -> memref<1x32x128xf32, #tpu.memory_space<vmem>>
      %dma_start3A_375 = tpu.memref_squeeze %dma_start3A_374 : memref<1x32x128xf32, #tpu.memory_space<vmem>> -> memref<32x128xf32, #tpu.memory_space<vmem>>
      tpu.enqueue_dma source(%dma_start3A_375 : memref<32x128xf32, #tpu.memory_space<vmem>>) target(%dma_start3A_371 : memref<32x128xf32, #tpu.memory_space<hbm>>) target_semaphore(%dma_start3A_369 : memref<!tpu.dma_semaphore, #tpu.memory_space<semaphore_mem>>)
      %dma_start3A_376 = arith.constant 1 : i32
      %dma_start3A_377 = arith.constant 1 : i32
      %dma_start3A_378 = arith.constant 0 : i32
      %dma_start3A_379 = arith.constant 0 : i32
      %dma_start3A_380 = tpu.memref_slice %arg11[%dma_start3A_376, %dma_start3A_378, %dma_start3A_379] : memref<2x32x128xf32, #tpu.memory_space<vmem>> -> memref<1x32x128xf32, #tpu.memory_space<vmem>>
      %dma_start3A_381 = tpu.memref_squeeze %dma_start3A_380 : memref<1x32x128xf32, #tpu.memory_space<vmem>> -> memref<32x128xf32, #tpu.memory_space<vmem>>
      %dma_start3A_382 = arith.constant 0 : i32
      %dma_start3A_383 = tpu.memref_slice %arg6[%multiple_of3A_359, %dma_start3A_382] : memref<51200x128xf32, #tpu.memory_space<hbm>> -> memref<32x128xf32, #tpu.memory_space<hbm>>
      %dma_start3A_384 = tpu.memref_slice %arg13[%dma_start3A_377] : memref<2x!tpu.dma_semaphore, #tpu.memory_space<semaphore_mem>> -> memref<1x!tpu.dma_semaphore, #tpu.memory_space<semaphore_mem>>
      %dma_start3A_385 = tpu.memref_squeeze %dma_start3A_384 : memref<1x!tpu.dma_semaphore, #tpu.memory_space<semaphore_mem>> -> memref<!tpu.dma_semaphore, #tpu.memory_space<semaphore_mem>>
      %dma_start3A_386 = arith.constant 0 : i32
      %dma_start3A_387 = tpu.memref_slice %arg6[%multiple_of3A_359, %dma_start3A_386] : memref<51200x128xf32, #tpu.memory_space<hbm>> -> memref<32x128xf32, #tpu.memory_space<hbm>>
      %dma_start3A_388 = arith.constant 0 : i32
      %dma_start3A_389 = arith.constant 0 : i32
      %dma_start3A_390 = tpu.memref_slice %arg11[%dma_start3A_376, %dma_start3A_388, %dma_start3A_389] : memref<2x32x128xf32, #tpu.memory_space<vmem>> -> memref<1x32x128xf32, #tpu.memory_space<vmem>>
      %dma_start3A_391 = tpu.memref_squeeze %dma_start3A_390 : memref<1x32x128xf32, #tpu.memory_space<vmem>> -> memref<32x128xf32, #tpu.memory_space<vmem>>
      tpu.enqueue_dma source(%dma_start3A_391 : memref<32x128xf32, #tpu.memory_space<vmem>>) target(%dma_start3A_387 : memref<32x128xf32, #tpu.memory_space<hbm>>) target_semaphore(%dma_start3A_385 : memref<!tpu.dma_semaphore, #tpu.memory_space<semaphore_mem>>)
    }
    %while3A_93 = arith.constant 1 : i32
    scf.for %while3A_165 = %while3A_91 to %while3A_87 step %while3A_93  : i32 {
      %mul3A_166 = arith.constant 2 : i32
      %mul3A_167 = arith.muli %while3A_165, %mul3A_166 : i32
      %gt3A = arith.constant 0 : i32
      %gt3A_168 = arith.cmpi sgt, %while3A_165, %gt3A : i32
      %convert_element_type3A = arith.extui %gt3A_168 : i1 to i32
      %cond3A = arith.constant 0 : i32
      %cond3A_169 = arith.cmpi ne, %convert_element_type3A, %cond3A : i32
      scf.if %cond3A_169 {
        %dma_wait3A_392 = arith.constant 1 : i32
        %dma_wait3A_393 = arith.constant 1 : i32
        %dma_wait3A_394 = arith.constant 0 : i32
        %dma_wait3A_395 = arith.constant 0 : i32
        %dma_wait3A_396 = tpu.memref_slice %arg9[%dma_wait3A_392, %dma_wait3A_394, %dma_wait3A_395] : memref<2x32x128xf32, #tpu.memory_space<vmem>> -> memref<1x32x128xf32, #tpu.memory_space<vmem>>
        %dma_wait3A_397 = tpu.memref_squeeze %dma_wait3A_396 : memref<1x32x128xf32, #tpu.memory_space<vmem>> -> memref<32x128xf32, #tpu.memory_space<vmem>>
        %dma_wait3A_398 = arith.constant 0 : i32
        %dma_wait3A_399 = arith.constant 0 : i32
        %dma_wait3A_400 = tpu.memref_slice %arg5[%dma_wait3A_398, %dma_wait3A_399] : memref<51200x128xf32, #tpu.memory_space<hbm>> -> memref<32x128xf32, #tpu.memory_space<hbm>>
        %dma_wait3A_401 = tpu.memref_slice %arg13[%dma_wait3A_393] : memref<2x!tpu.dma_semaphore, #tpu.memory_space<semaphore_mem>> -> memref<1x!tpu.dma_semaphore, #tpu.memory_space<semaphore_mem>>
        %dma_wait3A_402 = tpu.memref_squeeze %dma_wait3A_401 : memref<1x!tpu.dma_semaphore, #tpu.memory_space<semaphore_mem>> -> memref<!tpu.dma_semaphore, #tpu.memory_space<semaphore_mem>>
        %dma_wait3A_403 = arith.constant 0 : i32
        %dma_wait3A_404 = arith.constant 0 : i32
        %dma_wait3A_405 = tpu.memref_slice %arg5[%dma_wait3A_403, %dma_wait3A_404] : memref<51200x128xf32, #tpu.memory_space<hbm>> -> memref<32x128xf32, #tpu.memory_space<hbm>>
        %dma_wait3A_406 = arith.constant 0 : i32
        %dma_wait3A_407 = arith.constant 0 : i32
        %dma_wait3A_408 = tpu.memref_slice %arg9[%dma_wait3A_392, %dma_wait3A_406, %dma_wait3A_407] : memref<2x32x128xf32, #tpu.memory_space<vmem>> -> memref<1x32x128xf32, #tpu.memory_space<vmem>>
        %dma_wait3A_409 = tpu.memref_squeeze %dma_wait3A_408 : memref<1x32x128xf32, #tpu.memory_space<vmem>> -> memref<32x128xf32, #tpu.memory_space<vmem>>
        tpu.wait_dma2 semaphore(%dma_wait3A_402 : memref<!tpu.dma_semaphore, #tpu.memory_space<semaphore_mem>>) src(%dma_wait3A_409 : memref<32x128xf32, #tpu.memory_space<vmem>>) dst(%dma_wait3A_405 : memref<32x128xf32, #tpu.memory_space<hbm>>)
        %dma_wait3A_410 = arith.constant 1 : i32
        %dma_wait3A_411 = arith.constant 1 : i32
        %dma_wait3A_412 = arith.constant 0 : i32
        %dma_wait3A_413 = arith.constant 0 : i32
        %dma_wait3A_414 = tpu.memref_slice %arg11[%dma_wait3A_410, %dma_wait3A_412, %dma_wait3A_413] : memref<2x32x128xf32, #tpu.memory_space<vmem>> -> memref<1x32x128xf32, #tpu.memory_space<vmem>>
        %dma_wait3A_415 = tpu.memref_squeeze %dma_wait3A_414 : memref<1x32x128xf32, #tpu.memory_space<vmem>> -> memref<32x128xf32, #tpu.memory_space<vmem>>
        %dma_wait3A_416 = arith.constant 0 : i32
        %dma_wait3A_417 = arith.constant 0 : i32
        %dma_wait3A_418 = tpu.memref_slice %arg6[%dma_wait3A_416, %dma_wait3A_417] : memref<51200x128xf32, #tpu.memory_space<hbm>> -> memref<32x128xf32, #tpu.memory_space<hbm>>
        %dma_wait3A_419 = tpu.memref_slice %arg13[%dma_wait3A_411] : memref<2x!tpu.dma_semaphore, #tpu.memory_space<semaphore_mem>> -> memref<1x!tpu.dma_semaphore, #tpu.memory_space<semaphore_mem>>
        %dma_wait3A_420 = tpu.memref_squeeze %dma_wait3A_419 : memref<1x!tpu.dma_semaphore, #tpu.memory_space<semaphore_mem>> -> memref<!tpu.dma_semaphore, #tpu.memory_space<semaphore_mem>>
        %dma_wait3A_421 = arith.constant 0 : i32
        %dma_wait3A_422 = arith.constant 0 : i32
        %dma_wait3A_423 = tpu.memref_slice %arg6[%dma_wait3A_421, %dma_wait3A_422] : memref<51200x128xf32, #tpu.memory_space<hbm>> -> memref<32x128xf32, #tpu.memory_space<hbm>>
        %dma_wait3A_424 = arith.constant 0 : i32
        %dma_wait3A_425 = arith.constant 0 : i32
        %dma_wait3A_426 = tpu.memref_slice %arg11[%dma_wait3A_410, %dma_wait3A_424, %dma_wait3A_425] : memref<2x32x128xf32, #tpu.memory_space<vmem>> -> memref<1x32x128xf32, #tpu.memory_space<vmem>>
        %dma_wait3A_427 = tpu.memref_squeeze %dma_wait3A_426 : memref<1x32x128xf32, #tpu.memory_space<vmem>> -> memref<32x128xf32, #tpu.memory_space<vmem>>
        tpu.wait_dma2 semaphore(%dma_wait3A_420 : memref<!tpu.dma_semaphore, #tpu.memory_space<semaphore_mem>>) src(%dma_wait3A_427 : memref<32x128xf32, #tpu.memory_space<vmem>>) dst(%dma_wait3A_423 : memref<32x128xf32, #tpu.memory_space<hbm>>)
      } else {
      }
      %add3A_170 = arith.constant 1 : i32
      %add3A_171 = arith.addi %mul3A_167, %add3A_170 : i32
      %mul3A_172 = arith.constant 32 : i32
      %mul3A_173 = arith.muli %add3A_171, %mul3A_172 : i32
      %multiple_of3A_174 = tpu.assume_multiple %mul3A_173, 8 : i32
      %mul3A_175 = arith.constant 320 : i32
      %mul3A_176 = arith.muli %add3A_171, %mul3A_175 : i32
      %multiple_of3A_177 = tpu.assume_multiple %mul3A_176, 8 : i32
      %dma_start3A_178 = arith.constant 1 : i32
      %dma_start3A_179 = arith.constant 1 : i32
      %dma_start3A_180 = arith.constant 0 : i32
      %dma_start3A_181 = arith.constant 0 : i32
      %dma_start3A_182 = tpu.memref_slice %arg9[%dma_start3A_178, %dma_start3A_180, %dma_start3A_181] : memref<2x32x128xf32, #tpu.memory_space<vmem>> -> memref<1x32x128xf32, #tpu.memory_space<vmem>>
      %dma_start3A_183 = tpu.memref_squeeze %dma_start3A_182 : memref<1x32x128xf32, #tpu.memory_space<vmem>> -> memref<32x128xf32, #tpu.memory_space<vmem>>
      %dma_start3A_184 = tpu.memref_slice %arg7[%multiple_of3A_174] : memref<2432xi32, #tpu.memory_space<vmem>> -> memref<32xi32, #tpu.memory_space<vmem>>
      %dma_start3A_185 = arith.constant 0 : i32
      %dma_start3A_186 = arith.constant 0 : i32
      %dma_start3A_187 = tpu.memref_slice %arg2[%dma_start3A_185, %dma_start3A_186] : memref<100000x128xf32, #tpu.memory_space<hbm>> -> memref<100000x128xf32, #tpu.memory_space<hbm>>
      %dma_start3A_188 = tpu.memref_slice %arg12[%dma_start3A_179] : memref<2x!tpu.dma_semaphore, #tpu.memory_space<semaphore_mem>> -> memref<1x!tpu.dma_semaphore, #tpu.memory_space<semaphore_mem>>
      %dma_start3A_189 = tpu.memref_squeeze %dma_start3A_188 : memref<1x!tpu.dma_semaphore, #tpu.memory_space<semaphore_mem>> -> memref<!tpu.dma_semaphore, #tpu.memory_space<semaphore_mem>>
      tpu.enqueue_indirect_dma source(%dma_start3A_187 : memref<100000x128xf32, #tpu.memory_space<hbm>>) target(%dma_start3A_183 : memref<32x128xf32, #tpu.memory_space<vmem>>) offsets(%dma_start3A_184 : memref<32xi32, #tpu.memory_space<vmem>>) semaphore(%dma_start3A_189 : memref<!tpu.dma_semaphore, #tpu.memory_space<semaphore_mem>>)
      %dma_start3A_190 = arith.constant 1 : i32
      %dma_start3A_191 = arith.constant 1 : i32
      %dma_start3A_192 = arith.constant 0 : i32
      %dma_start3A_193 = arith.constant 0 : i32
      %dma_start3A_194 = tpu.memref_slice %arg10[%dma_start3A_190, %dma_start3A_192, %dma_start3A_193] : memref<2x320x128xf32, #tpu.memory_space<vmem>> -> memref<1x128x128xf32, #tpu.memory_space<vmem>>
      %dma_start3A_195 = tpu.memref_squeeze %dma_start3A_194 : memref<1x128x128xf32, #tpu.memory_space<vmem>> -> memref<128x128xf32, #tpu.memory_space<vmem>>
      %dma_start3A_196 = tpu.memref_slice %arg8[%multiple_of3A_177] : memref<24320xi32, #tpu.memory_space<vmem>> -> memref<128xi32, #tpu.memory_space<vmem>>
      %dma_start3A_197 = arith.constant 0 : i32
      %dma_start3A_198 = arith.constant 0 : i32
      %dma_start3A_199 = tpu.memref_slice %arg2[%dma_start3A_197, %dma_start3A_198] : memref<100000x128xf32, #tpu.memory_space<hbm>> -> memref<100000x128xf32, #tpu.memory_space<hbm>>
      %dma_start3A_200 = tpu.memref_slice %arg12[%dma_start3A_191] : memref<2x!tpu.dma_semaphore, #tpu.memory_space<semaphore_mem>> -> memref<1x!tpu.dma_semaphore, #tpu.memory_space<semaphore_mem>>
      %dma_start3A_201 = tpu.memref_squeeze %dma_start3A_200 : memref<1x!tpu.dma_semaphore, #tpu.memory_space<semaphore_mem>> -> memref<!tpu.dma_semaphore, #tpu.memory_space<semaphore_mem>>
      tpu.enqueue_indirect_dma source(%dma_start3A_199 : memref<100000x128xf32, #tpu.memory_space<hbm>>) target(%dma_start3A_195 : memref<128x128xf32, #tpu.memory_space<vmem>>) offsets(%dma_start3A_196 : memref<128xi32, #tpu.memory_space<vmem>>) semaphore(%dma_start3A_201 : memref<!tpu.dma_semaphore, #tpu.memory_space<semaphore_mem>>)
      %add3A_202 = arith.constant 128 : i32
      %add3A_203 = arith.addi %multiple_of3A_177, %add3A_202 : i32
      %dma_start3A_204 = arith.constant 1 : i32
      %dma_start3A_205 = arith.constant 1 : i32
      %dma_start3A_206 = arith.constant 128 : i32
      %dma_start3A_207 = arith.constant 0 : i32
      %dma_start3A_208 = tpu.memref_slice %arg10[%dma_start3A_204, %dma_start3A_206, %dma_start3A_207] : memref<2x320x128xf32, #tpu.memory_space<vmem>> -> memref<1x128x128xf32, #tpu.memory_space<vmem>>
      %dma_start3A_209 = tpu.memref_squeeze %dma_start3A_208 : memref<1x128x128xf32, #tpu.memory_space<vmem>> -> memref<128x128xf32, #tpu.memory_space<vmem>>
      %dma_start3A_210 = tpu.memref_slice %arg8[%add3A_203] : memref<24320xi32, #tpu.memory_space<vmem>> -> memref<128xi32, #tpu.memory_space<vmem>>
      %dma_start3A_211 = arith.constant 0 : i32
      %dma_start3A_212 = arith.constant 0 : i32
      %dma_start3A_213 = tpu.memref_slice %arg2[%dma_start3A_211, %dma_start3A_212] : memref<100000x128xf32, #tpu.memory_space<hbm>> -> memref<100000x128xf32, #tpu.memory_space<hbm>>
      %dma_start3A_214 = tpu.memref_slice %arg12[%dma_start3A_205] : memref<2x!tpu.dma_semaphore, #tpu.memory_space<semaphore_mem>> -> memref<1x!tpu.dma_semaphore, #tpu.memory_space<semaphore_mem>>
      %dma_start3A_215 = tpu.memref_squeeze %dma_start3A_214 : memref<1x!tpu.dma_semaphore, #tpu.memory_space<semaphore_mem>> -> memref<!tpu.dma_semaphore, #tpu.memory_space<semaphore_mem>>
      tpu.enqueue_indirect_dma source(%dma_start3A_213 : memref<100000x128xf32, #tpu.memory_space<hbm>>) target(%dma_start3A_209 : memref<128x128xf32, #tpu.memory_space<vmem>>) offsets(%dma_start3A_210 : memref<128xi32, #tpu.memory_space<vmem>>) semaphore(%dma_start3A_215 : memref<!tpu.dma_semaphore, #tpu.memory_space<semaphore_mem>>)
      %add3A_216 = arith.constant 256 : i32
      %add3A_217 = arith.addi %multiple_of3A_177, %add3A_216 : i32
      %dma_start3A_218 = arith.constant 1 : i32
      %dma_start3A_219 = arith.constant 1 : i32
      %dma_start3A_220 = arith.constant 256 : i32
      %dma_start3A_221 = arith.constant 0 : i32
      %dma_start3A_222 = tpu.memref_slice %arg10[%dma_start3A_218, %dma_start3A_220, %dma_start3A_221] : memref<2x320x128xf32, #tpu.memory_space<vmem>> -> memref<1x64x128xf32, #tpu.memory_space<vmem>>
      %dma_start3A_223 = tpu.memref_squeeze %dma_start3A_222 : memref<1x64x128xf32, #tpu.memory_space<vmem>> -> memref<64x128xf32, #tpu.memory_space<vmem>>
      %dma_start3A_224 = tpu.memref_slice %arg8[%add3A_217] : memref<24320xi32, #tpu.memory_space<vmem>> -> memref<64xi32, #tpu.memory_space<vmem>>
      %dma_start3A_225 = arith.constant 0 : i32
      %dma_start3A_226 = arith.constant 0 : i32
      %dma_start3A_227 = tpu.memref_slice %arg2[%dma_start3A_225, %dma_start3A_226] : memref<100000x128xf32, #tpu.memory_space<hbm>> -> memref<100000x128xf32, #tpu.memory_space<hbm>>
      %dma_start3A_228 = tpu.memref_slice %arg12[%dma_start3A_219] : memref<2x!tpu.dma_semaphore, #tpu.memory_space<semaphore_mem>> -> memref<1x!tpu.dma_semaphore, #tpu.memory_space<semaphore_mem>>
      %dma_start3A_229 = tpu.memref_squeeze %dma_start3A_228 : memref<1x!tpu.dma_semaphore, #tpu.memory_space<semaphore_mem>> -> memref<!tpu.dma_semaphore, #tpu.memory_space<semaphore_mem>>
      tpu.enqueue_indirect_dma source(%dma_start3A_227 : memref<100000x128xf32, #tpu.memory_space<hbm>>) target(%dma_start3A_223 : memref<64x128xf32, #tpu.memory_space<vmem>>) offsets(%dma_start3A_224 : memref<64xi32, #tpu.memory_space<vmem>>) semaphore(%dma_start3A_229 : memref<!tpu.dma_semaphore, #tpu.memory_space<semaphore_mem>>)
      %dma_wait3A_230 = arith.constant 0 : i32
      %dma_wait3A_231 = arith.constant 0 : i32
      %dma_wait3A_232 = arith.constant 0 : i32
      %dma_wait3A_233 = arith.constant 0 : i32
      %dma_wait3A_234 = tpu.memref_slice %arg10[%dma_wait3A_230, %dma_wait3A_232, %dma_wait3A_233] : memref<2x320x128xf32, #tpu.memory_space<vmem>> -> memref<1x320x128xf32, #tpu.memory_space<vmem>>
      %dma_wait3A_235 = tpu.memref_squeeze %dma_wait3A_234 : memref<1x320x128xf32, #tpu.memory_space<vmem>> -> memref<320x128xf32, #tpu.memory_space<vmem>>
      %dma_wait3A_236 = arith.constant 0 : i32
      %dma_wait3A_237 = arith.constant 0 : i32
      %dma_wait3A_238 = tpu.memref_slice %arg2[%dma_wait3A_236, %dma_wait3A_237] : memref<100000x128xf32, #tpu.memory_space<hbm>> -> memref<320x128xf32, #tpu.memory_space<hbm>>
      %dma_wait3A_239 = tpu.memref_slice %arg12[%dma_wait3A_231] : memref<2x!tpu.dma_semaphore, #tpu.memory_space<semaphore_mem>> -> memref<1x!tpu.dma_semaphore, #tpu.memory_space<semaphore_mem>>
      %dma_wait3A_240 = tpu.memref_squeeze %dma_wait3A_239 : memref<1x!tpu.dma_semaphore, #tpu.memory_space<semaphore_mem>> -> memref<!tpu.dma_semaphore, #tpu.memory_space<semaphore_mem>>
      %dma_wait3A_241 = arith.constant 0 : i32
      %dma_wait3A_242 = arith.constant 0 : i32
      %dma_wait3A_243 = tpu.memref_slice %arg10[%dma_wait3A_230, %dma_wait3A_241, %dma_wait3A_242] : memref<2x320x128xf32, #tpu.memory_space<vmem>> -> memref<1x320x128xf32, #tpu.memory_space<vmem>>
      %dma_wait3A_244 = tpu.memref_squeeze %dma_wait3A_243 : memref<1x320x128xf32, #tpu.memory_space<vmem>> -> memref<320x128xf32, #tpu.memory_space<vmem>>
      %dma_wait3A_245 = arith.constant 0 : i32
      %dma_wait3A_246 = arith.constant 0 : i32
      %dma_wait3A_247 = tpu.memref_slice %arg2[%dma_wait3A_245, %dma_wait3A_246] : memref<100000x128xf32, #tpu.memory_space<hbm>> -> memref<320x128xf32, #tpu.memory_space<hbm>>
      tpu.wait_dma2 semaphore(%dma_wait3A_240 : memref<!tpu.dma_semaphore, #tpu.memory_space<semaphore_mem>>) src(%dma_wait3A_247 : memref<320x128xf32, #tpu.memory_space<hbm>>) dst(%dma_wait3A_244 : memref<320x128xf32, #tpu.memory_space<vmem>>)
      %dma_wait3A_248 = arith.constant 0 : i32
      %dma_wait3A_249 = arith.constant 0 : i32
      %dma_wait3A_250 = arith.constant 0 : i32
      %dma_wait3A_251 = arith.constant 0 : i32
      %dma_wait3A_252 = tpu.memref_slice %arg9[%dma_wait3A_248, %dma_wait3A_250, %dma_wait3A_251] : memref<2x32x128xf32, #tpu.memory_space<vmem>> -> memref<1x32x128xf32, #tpu.memory_space<vmem>>
      %dma_wait3A_253 = tpu.memref_squeeze %dma_wait3A_252 : memref<1x32x128xf32, #tpu.memory_space<vmem>> -> memref<32x128xf32, #tpu.memory_space<vmem>>
      %dma_wait3A_254 = arith.constant 0 : i32
      %dma_wait3A_255 = arith.constant 0 : i32
      %dma_wait3A_256 = tpu.memref_slice %arg2[%dma_wait3A_254, %dma_wait3A_255] : memref<100000x128xf32, #tpu.memory_space<hbm>> -> memref<32x128xf32, #tpu.memory_space<hbm>>
      %dma_wait3A_257 = tpu.memref_slice %arg12[%dma_wait3A_249] : memref<2x!tpu.dma_semaphore, #tpu.memory_space<semaphore_mem>> -> memref<1x!tpu.dma_semaphore, #tpu.memory_space<semaphore_mem>>
      %dma_wait3A_258 = tpu.memref_squeeze %dma_wait3A_257 : memref<1x!tpu.dma_semaphore, #tpu.memory_space<semaphore_mem>> -> memref<!tpu.dma_semaphore, #tpu.memory_space<semaphore_mem>>
      %dma_wait3A_259 = arith.constant 0 : i32
      %dma_wait3A_260 = arith.constant 0 : i32
      %dma_wait3A_261 = tpu.memref_slice %arg9[%dma_wait3A_248, %dma_wait3A_259, %dma_wait3A_260] : memref<2x32x128xf32, #tpu.memory_space<vmem>> -> memref<1x32x128xf32, #tpu.memory_space<vmem>>
      %dma_wait3A_262 = tpu.memref_squeeze %dma_wait3A_261 : memref<1x32x128xf32, #tpu.memory_space<vmem>> -> memref<32x128xf32, #tpu.memory_space<vmem>>
      %dma_wait3A_263 = arith.constant 0 : i32
      %dma_wait3A_264 = arith.constant 0 : i32
      %dma_wait3A_265 = tpu.memref_slice %arg2[%dma_wait3A_263, %dma_wait3A_264] : memref<100000x128xf32, #tpu.memory_space<hbm>> -> memref<32x128xf32, #tpu.memory_space<hbm>>
      tpu.wait_dma2 semaphore(%dma_wait3A_258 : memref<!tpu.dma_semaphore, #tpu.memory_space<semaphore_mem>>) src(%dma_wait3A_265 : memref<32x128xf32, #tpu.memory_space<hbm>>) dst(%dma_wait3A_262 : memref<32x128xf32, #tpu.memory_space<vmem>>)
      %scan3A = arith.constant 0 : i32
      %scan3A_266 = arith.constant 0 : i32
      %scan3A_267 = arith.constant 32 : i32
      %scan3A_268 = arith.addi %scan3A_266, %scan3A_267 : i32
      %scan3A_269 = arith.constant 1 : i32
      scf.for %scan3A_392 = %scan3A_266 to %scan3A_268 step %scan3A_269  : i32 {
        %mul3A_393 = arith.constant 10 : i32
        %mul3A_394 = arith.muli %scan3A_392, %mul3A_393 : i32
        %add3A_395 = arith.constant 0 : i32
        %add3A_396 = arith.addi %mul3A_394, %add3A_395 : i32
        %get3A = arith.constant 0 : i32
        %get3A_397 = arith.index_cast %get3A : i32 to index
        %get3A_398 = arith.index_cast %add3A_396 : i32 to index
        %get3A_399 = arith.constant 0 : index
        %get3A_400 = tpu.vector_load %arg10[%get3A_397, %get3A_398, %get3A_399] {strides = array<i32>} : memref<2x320x128xf32, #tpu.memory_space<vmem>>, vector<1x1x16xf32>,
        %get3A_401 = vector.shape_cast %get3A_400 : vector<1x1x16xf32> to vector<16xf32>
        %add3A_402 = arith.constant 1 : i32
        %add3A_403 = arith.addi %mul3A_394, %add3A_402 : i32
        %get3A_404 = arith.constant 0 : i32
        %get3A_405 = arith.index_cast %get3A_404 : i32 to index
        %get3A_406 = arith.index_cast %add3A_403 : i32 to index
        %get3A_407 = arith.constant 0 : index
        %get3A_408 = tpu.vector_load %arg10[%get3A_405, %get3A_406, %get3A_407] {strides = array<i32>} : memref<2x320x128xf32, #tpu.memory_space<vmem>>, vector<1x1x16xf32>,
        %get3A_409 = vector.shape_cast %get3A_408 : vector<1x1x16xf32> to vector<16xf32>
        %add3A_410 = arith.constant 2 : i32
        %add3A_411 = arith.addi %mul3A_394, %add3A_410 : i32
        %get3A_412 = arith.constant 0 : i32
        %get3A_413 = arith.index_cast %get3A_412 : i32 to index
        %get3A_414 = arith.index_cast %add3A_411 : i32 to index
        %get3A_415 = arith.constant 0 : index
        %get3A_416 = tpu.vector_load %arg10[%get3A_413, %get3A_414, %get3A_415] {strides = array<i32>} : memref<2x320x128xf32, #tpu.memory_space<vmem>>, vector<1x1x16xf32>,
        %get3A_417 = vector.shape_cast %get3A_416 : vector<1x1x16xf32> to vector<16xf32>
        %add3A_418 = arith.constant 3 : i32
        %add3A_419 = arith.addi %mul3A_394, %add3A_418 : i32
        %get3A_420 = arith.constant 0 : i32
        %get3A_421 = arith.index_cast %get3A_420 : i32 to index
        %get3A_422 = arith.index_cast %add3A_419 : i32 to index
        %get3A_423 = arith.constant 0 : index
        %get3A_424 = tpu.vector_load %arg10[%get3A_421, %get3A_422, %get3A_423] {strides = array<i32>} : memref<2x320x128xf32, #tpu.memory_space<vmem>>, vector<1x1x16xf32>,
        %get3A_425 = vector.shape_cast %get3A_424 : vector<1x1x16xf32> to vector<16xf32>
        %add3A_426 = arith.constant 4 : i32
        %add3A_427 = arith.addi %mul3A_394, %add3A_426 : i32
        %get3A_428 = arith.constant 0 : i32
        %get3A_429 = arith.index_cast %get3A_428 : i32 to index
        %get3A_430 = arith.index_cast %add3A_427 : i32 to index
        %get3A_431 = arith.constant 0 : index
        %get3A_432 = tpu.vector_load %arg10[%get3A_429, %get3A_430, %get3A_431] {strides = array<i32>} : memref<2x320x128xf32, #tpu.memory_space<vmem>>, vector<1x1x16xf32>,
        %get3A_433 = vector.shape_cast %get3A_432 : vector<1x1x16xf32> to vector<16xf32>
        %add3A_434 = arith.constant 5 : i32
        %add3A_435 = arith.addi %mul3A_394, %add3A_434 : i32
        %get3A_436 = arith.constant 0 : i32
        %get3A_437 = arith.index_cast %get3A_436 : i32 to index
        %get3A_438 = arith.index_cast %add3A_435 : i32 to index
        %get3A_439 = arith.constant 0 : index
        %get3A_440 = tpu.vector_load %arg10[%get3A_437, %get3A_438, %get3A_439] {strides = array<i32>} : memref<2x320x128xf32, #tpu.memory_space<vmem>>, vector<1x1x16xf32>,
        %get3A_441 = vector.shape_cast %get3A_440 : vector<1x1x16xf32> to vector<16xf32>
        %add3A_442 = arith.constant 6 : i32
        %add3A_443 = arith.addi %mul3A_394, %add3A_442 : i32
        %get3A_444 = arith.constant 0 : i32
        %get3A_445 = arith.index_cast %get3A_444 : i32 to index
        %get3A_446 = arith.index_cast %add3A_443 : i32 to index
        %get3A_447 = arith.constant 0 : index
        %get3A_448 = tpu.vector_load %arg10[%get3A_445, %get3A_446, %get3A_447] {strides = array<i32>} : memref<2x320x128xf32, #tpu.memory_space<vmem>>, vector<1x1x16xf32>,
        %get3A_449 = vector.shape_cast %get3A_448 : vector<1x1x16xf32> to vector<16xf32>
        %add3A_450 = arith.constant 7 : i32
        %add3A_451 = arith.addi %mul3A_394, %add3A_450 : i32
        %get3A_452 = arith.constant 0 : i32
        %get3A_453 = arith.index_cast %get3A_452 : i32 to index
        %get3A_454 = arith.index_cast %add3A_451 : i32 to index
        %get3A_455 = arith.constant 0 : index
        %get3A_456 = tpu.vector_load %arg10[%get3A_453, %get3A_454, %get3A_455] {strides = array<i32>} : memref<2x320x128xf32, #tpu.memory_space<vmem>>, vector<1x1x16xf32>,
        %get3A_457 = vector.shape_cast %get3A_456 : vector<1x1x16xf32> to vector<16xf32>
        %add3A_458 = arith.constant 8 : i32
        %add3A_459 = arith.addi %mul3A_394, %add3A_458 : i32
        %get3A_460 = arith.constant 0 : i32
        %get3A_461 = arith.index_cast %get3A_460 : i32 to index
        %get3A_462 = arith.index_cast %add3A_459 : i32 to index
        %get3A_463 = arith.constant 0 : index
        %get3A_464 = tpu.vector_load %arg10[%get3A_461, %get3A_462, %get3A_463] {strides = array<i32>} : memref<2x320x128xf32, #tpu.memory_space<vmem>>, vector<1x1x16xf32>,
        %get3A_465 = vector.shape_cast %get3A_464 : vector<1x1x16xf32> to vector<16xf32>
        %add3A_466 = arith.constant 9 : i32
        %add3A_467 = arith.addi %mul3A_394, %add3A_466 : i32
        %get3A_468 = arith.constant 0 : i32
        %get3A_469 = arith.index_cast %get3A_468 : i32 to index
        %get3A_470 = arith.index_cast %add3A_467 : i32 to index
        %get3A_471 = arith.constant 0 : index
        %get3A_472 = tpu.vector_load %arg10[%get3A_469, %get3A_470, %get3A_471] {strides = array<i32>} : memref<2x320x128xf32, #tpu.memory_space<vmem>>, vector<1x1x16xf32>,
        %get3A_473 = vector.shape_cast %get3A_472 : vector<1x1x16xf32> to vector<16xf32>
        %add3A_474 = arith.addf %get3A_401, %get3A_409 : vector<16xf32>
        %add3A_475 = arith.addf %get3A_417, %get3A_425 : vector<16xf32>
        %add3A_476 = arith.addf %get3A_433, %get3A_441 : vector<16xf32>
        %add3A_477 = arith.addf %get3A_449, %get3A_457 : vector<16xf32>
        %add3A_478 = arith.addf %get3A_465, %get3A_473 : vector<16xf32>
        %add3A_479 = arith.addf %add3A_474, %add3A_475 : vector<16xf32>
        %add3A_480 = arith.addf %add3A_476, %add3A_477 : vector<16xf32>
        %add3A_481 = arith.addf %add3A_479, %add3A_480 : vector<16xf32>
        %add3A_482 = arith.addf %add3A_481, %add3A_478 : vector<16xf32>
        %swap3A = arith.constant 0 : i32
        %swap3A_483 = arith.index_cast %swap3A : i32 to index
        %swap3A_484 = arith.index_cast %scan3A_392 : i32 to index
        %swap3A_485 = arith.constant 0 : index
        %swap3A_486 = tpu.vector_load %arg11[%swap3A_483, %swap3A_484, %swap3A_485] {strides = array<i32>} : memref<2x32x128xf32, #tpu.memory_space<vmem>>, vector<1x1x16xf32>,
        %swap3A_487 = vector.shape_cast %swap3A_486 : vector<1x1x16xf32> to vector<16xf32>
        %swap3A_488 = vector.shape_cast %add3A_482 : vector<16xf32> to vector<1x1x16xf32>
        tpu.vector_store %arg11[%swap3A_483, %swap3A_484, %swap3A_485], %swap3A_488 {strides = array<i32>} : memref<2x32x128xf32, #tpu.memory_space<vmem>>, vector<1x1x16xf32>,
        %add3A_489 = arith.constant 0 : i32
        %add3A_490 = arith.addi %mul3A_394, %add3A_489 : i32
        %get3A_491 = arith.constant 0 : i32
        %get3A_492 = arith.index_cast %get3A_491 : i32 to index
        %get3A_493 = arith.index_cast %add3A_490 : i32 to index
        %get3A_494 = arith.constant 16 : index
        %get3A_495 = tpu.vector_load %arg10[%get3A_492, %get3A_493, %get3A_494] {strides = array<i32>} : memref<2x320x128xf32, #tpu.memory_space<vmem>>, vector<1x1x16xf32>,
        %get3A_496 = vector.shape_cast %get3A_495 : vector<1x1x16xf32> to vector<16xf32>
        %add3A_497 = arith.constant 1 : i32
        %add3A_498 = arith.addi %mul3A_394, %add3A_497 : i32
        %get3A_499 = arith.constant 0 : i32
        %get3A_500 = arith.index_cast %get3A_499 : i32 to index
        %get3A_501 = arith.index_cast %add3A_498 : i32 to index
        %get3A_502 = arith.constant 16 : index
        %get3A_503 = tpu.vector_load %arg10[%get3A_500, %get3A_501, %get3A_502] {strides = array<i32>} : memref<2x320x128xf32, #tpu.memory_space<vmem>>, vector<1x1x16xf32>,
        %get3A_504 = vector.shape_cast %get3A_503 : vector<1x1x16xf32> to vector<16xf32>
        %add3A_505 = arith.constant 2 : i32
        %add3A_506 = arith.addi %mul3A_394, %add3A_505 : i32
        %get3A_507 = arith.constant 0 : i32
        %get3A_508 = arith.index_cast %get3A_507 : i32 to index
        %get3A_509 = arith.index_cast %add3A_506 : i32 to index
        %get3A_510 = arith.constant 16 : index
        %get3A_511 = tpu.vector_load %arg10[%get3A_508, %get3A_509, %get3A_510] {strides = array<i32>} : memref<2x320x128xf32, #tpu.memory_space<vmem>>, vector<1x1x16xf32>,
        %get3A_512 = vector.shape_cast %get3A_511 : vector<1x1x16xf32> to vector<16xf32>
        %add3A_513 = arith.constant 3 : i32
        %add3A_514 = arith.addi %mul3A_394, %add3A_513 : i32
        %get3A_515 = arith.constant 0 : i32
        %get3A_516 = arith.index_cast %get3A_515 : i32 to index
        %get3A_517 = arith.index_cast %add3A_514 : i32 to index
        %get3A_518 = arith.constant 16 : index
        %get3A_519 = tpu.vector_load %arg10[%get3A_516, %get3A_517, %get3A_518] {strides = array<i32>} : memref<2x320x128xf32, #tpu.memory_space<vmem>>, vector<1x1x16xf32>,
        %get3A_520 = vector.shape_cast %get3A_519 : vector<1x1x16xf32> to vector<16xf32>
        %add3A_521 = arith.constant 4 : i32
        %add3A_522 = arith.addi %mul3A_394, %add3A_521 : i32
        %get3A_523 = arith.constant 0 : i32
        %get3A_524 = arith.index_cast %get3A_523 : i32 to index
        %get3A_525 = arith.index_cast %add3A_522 : i32 to index
        %get3A_526 = arith.constant 16 : index
        %get3A_527 = tpu.vector_load %arg10[%get3A_524, %get3A_525, %get3A_526] {strides = array<i32>} : memref<2x320x128xf32, #tpu.memory_space<vmem>>, vector<1x1x16xf32>,
        %get3A_528 = vector.shape_cast %get3A_527 : vector<1x1x16xf32> to vector<16xf32>
        %add3A_529 = arith.constant 5 : i32
        %add3A_530 = arith.addi %mul3A_394, %add3A_529 : i32
        %get3A_531 = arith.constant 0 : i32
        %get3A_532 = arith.index_cast %get3A_531 : i32 to index
        %get3A_533 = arith.index_cast %add3A_530 : i32 to index
        %get3A_534 = arith.constant 16 : index
        %get3A_535 = tpu.vector_load %arg10[%get3A_532, %get3A_533, %get3A_534] {strides = array<i32>} : memref<2x320x128xf32, #tpu.memory_space<vmem>>, vector<1x1x16xf32>,
        %get3A_536 = vector.shape_cast %get3A_535 : vector<1x1x16xf32> to vector<16xf32>
        %add3A_537 = arith.constant 6 : i32
        %add3A_538 = arith.addi %mul3A_394, %add3A_537 : i32
        %get3A_539 = arith.constant 0 : i32
        %get3A_540 = arith.index_cast %get3A_539 : i32 to index
        %get3A_541 = arith.index_cast %add3A_538 : i32 to index
        %get3A_542 = arith.constant 16 : index
        %get3A_543 = tpu.vector_load %arg10[%get3A_540, %get3A_541, %get3A_542] {strides = array<i32>} : memref<2x320x128xf32, #tpu.memory_space<vmem>>, vector<1x1x16xf32>,
        %get3A_544 = vector.shape_cast %get3A_543 : vector<1x1x16xf32> to vector<16xf32>
        %add3A_545 = arith.constant 7 : i32
        %add3A_546 = arith.addi %mul3A_394, %add3A_545 : i32
        %get3A_547 = arith.constant 0 : i32
        %get3A_548 = arith.index_cast %get3A_547 : i32 to index
        %get3A_549 = arith.index_cast %add3A_546 : i32 to index
        %get3A_550 = arith.constant 16 : index
        %get3A_551 = tpu.vector_load %arg10[%get3A_548, %get3A_549, %get3A_550] {strides = array<i32>} : memref<2x320x128xf32, #tpu.memory_space<vmem>>, vector<1x1x16xf32>,
        %get3A_552 = vector.shape_cast %get3A_551 : vector<1x1x16xf32> to vector<16xf32>
        %add3A_553 = arith.constant 8 : i32
        %add3A_554 = arith.addi %mul3A_394, %add3A_553 : i32
        %get3A_555 = arith.constant 0 : i32
        %get3A_556 = arith.index_cast %get3A_555 : i32 to index
        %get3A_557 = arith.index_cast %add3A_554 : i32 to index
        %get3A_558 = arith.constant 16 : index
        %get3A_559 = tpu.vector_load %arg10[%get3A_556, %get3A_557, %get3A_558] {strides = array<i32>} : memref<2x320x128xf32, #tpu.memory_space<vmem>>, vector<1x1x16xf32>,
        %get3A_560 = vector.shape_cast %get3A_559 : vector<1x1x16xf32> to vector<16xf32>
        %add3A_561 = arith.constant 9 : i32
        %add3A_562 = arith.addi %mul3A_394, %add3A_561 : i32
        %get3A_563 = arith.constant 0 : i32
        %get3A_564 = arith.index_cast %get3A_563 : i32 to index
        %get3A_565 = arith.index_cast %add3A_562 : i32 to index
        %get3A_566 = arith.constant 16 : index
        %get3A_567 = tpu.vector_load %arg10[%get3A_564, %get3A_565, %get3A_566] {strides = array<i32>} : memref<2x320x128xf32, #tpu.memory_space<vmem>>, vector<1x1x16xf32>,
        %get3A_568 = vector.shape_cast %get3A_567 : vector<1x1x16xf32> to vector<16xf32>
        %add3A_569 = arith.addf %get3A_496, %get3A_504 : vector<16xf32>
        %add3A_570 = arith.addf %get3A_512, %get3A_520 : vector<16xf32>
        %add3A_571 = arith.addf %get3A_528, %get3A_536 : vector<16xf32>
        %add3A_572 = arith.addf %get3A_544, %get3A_552 : vector<16xf32>
        %add3A_573 = arith.addf %get3A_560, %get3A_568 : vector<16xf32>
        %add3A_574 = arith.addf %add3A_569, %add3A_570 : vector<16xf32>
        %add3A_575 = arith.addf %add3A_571, %add3A_572 : vector<16xf32>
        %add3A_576 = arith.addf %add3A_574, %add3A_575 : vector<16xf32>
        %add3A_577 = arith.addf %add3A_576, %add3A_573 : vector<16xf32>
        %swap3A_578 = arith.constant 0 : i32
        %swap3A_579 = arith.index_cast %swap3A_578 : i32 to index
        %swap3A_580 = arith.index_cast %scan3A_392 : i32 to index
        %swap3A_581 = arith.constant 16 : index
        %swap3A_582 = tpu.vector_load %arg11[%swap3A_579, %swap3A_580, %swap3A_581] {strides = array<i32>} : memref<2x32x128xf32, #tpu.memory_space<vmem>>, vector<1x1x16xf32>,
        %swap3A_583 = vector.shape_cast %swap3A_582 : vector<1x1x16xf32> to vector<16xf32>
        %swap3A_584 = vector.shape_cast %add3A_577 : vector<16xf32> to vector<1x1x16xf32>
        tpu.vector_store %arg11[%swap3A_579, %swap3A_580, %swap3A_581], %swap3A_584 {strides = array<i32>} : memref<2x32x128xf32, #tpu.memory_space<vmem>>, vector<1x1x16xf32>,
        %add3A_585 = arith.constant 0 : i32
        %add3A_586 = arith.addi %mul3A_394, %add3A_585 : i32
        %get3A_587 = arith.constant 0 : i32
        %get3A_588 = arith.index_cast %get3A_587 : i32 to index
        %get3A_589 = arith.index_cast %add3A_586 : i32 to index
        %get3A_590 = arith.constant 32 : index
        %get3A_591 = tpu.vector_load %arg10[%get3A_588, %get3A_589, %get3A_590] {strides = array<i32>} : memref<2x320x128xf32, #tpu.memory_space<vmem>>, vector<1x1x16xf32>,
        %get3A_592 = vector.shape_cast %get3A_591 : vector<1x1x16xf32> to vector<16xf32>
        %add3A_593 = arith.constant 1 : i32
        %add3A_594 = arith.addi %mul3A_394, %add3A_593 : i32
        %get3A_595 = arith.constant 0 : i32
        %get3A_596 = arith.index_cast %get3A_595 : i32 to index
        %get3A_597 = arith.index_cast %add3A_594 : i32 to index
        %get3A_598 = arith.constant 32 : index
        %get3A_599 = tpu.vector_load %arg10[%get3A_596, %get3A_597, %get3A_598] {strides = array<i32>} : memref<2x320x128xf32, #tpu.memory_space<vmem>>, vector<1x1x16xf32>,
        %get3A_600 = vector.shape_cast %get3A_599 : vector<1x1x16xf32> to vector<16xf32>
        %add3A_601 = arith.constant 2 : i32
        %add3A_602 = arith.addi %mul3A_394, %add3A_601 : i32
        %get3A_603 = arith.constant 0 : i32
        %get3A_604 = arith.index_cast %get3A_603 : i32 to index
        %get3A_605 = arith.index_cast %add3A_602 : i32 to index
        %get3A_606 = arith.constant 32 : index
        %get3A_607 = tpu.vector_load %arg10[%get3A_604, %get3A_605, %get3A_606] {strides = array<i32>} : memref<2x320x128xf32, #tpu.memory_space<vmem>>, vector<1x1x16xf32>,
        %get3A_608 = vector.shape_cast %get3A_607 : vector<1x1x16xf32> to vector<16xf32>
        %add3A_609 = arith.constant 3 : i32
        %add3A_610 = arith.addi %mul3A_394, %add3A_609 : i32
        %get3A_611 = arith.constant 0 : i32
        %get3A_612 = arith.index_cast %get3A_611 : i32 to index
        %get3A_613 = arith.index_cast %add3A_610 : i32 to index
        %get3A_614 = arith.constant 32 : index
        %get3A_615 = tpu.vector_load %arg10[%get3A_612, %get3A_613, %get3A_614] {strides = array<i32>} : memref<2x320x128xf32, #tpu.memory_space<vmem>>, vector<1x1x16xf32>,
        %get3A_616 = vector.shape_cast %get3A_615 : vector<1x1x16xf32> to vector<16xf32>
        %add3A_617 = arith.constant 4 : i32
        %add3A_618 = arith.addi %mul3A_394, %add3A_617 : i32
        %get3A_619 = arith.constant 0 : i32
        %get3A_620 = arith.index_cast %get3A_619 : i32 to index
        %get3A_621 = arith.index_cast %add3A_618 : i32 to index
        %get3A_622 = arith.constant 32 : index
        %get3A_623 = tpu.vector_load %arg10[%get3A_620, %get3A_621, %get3A_622] {strides = array<i32>} : memref<2x320x128xf32, #tpu.memory_space<vmem>>, vector<1x1x16xf32>,
        %get3A_624 = vector.shape_cast %get3A_623 : vector<1x1x16xf32> to vector<16xf32>
        %add3A_625 = arith.constant 5 : i32
        %add3A_626 = arith.addi %mul3A_394, %add3A_625 : i32
        %get3A_627 = arith.constant 0 : i32
        %get3A_628 = arith.index_cast %get3A_627 : i32 to index
        %get3A_629 = arith.index_cast %add3A_626 : i32 to index
        %get3A_630 = arith.constant 32 : index
        %get3A_631 = tpu.vector_load %arg10[%get3A_628, %get3A_629, %get3A_630] {strides = array<i32>} : memref<2x320x128xf32, #tpu.memory_space<vmem>>, vector<1x1x16xf32>,
        %get3A_632 = vector.shape_cast %get3A_631 : vector<1x1x16xf32> to vector<16xf32>
        %add3A_633 = arith.constant 6 : i32
        %add3A_634 = arith.addi %mul3A_394, %add3A_633 : i32
        %get3A_635 = arith.constant 0 : i32
        %get3A_636 = arith.index_cast %get3A_635 : i32 to index
        %get3A_637 = arith.index_cast %add3A_634 : i32 to index
        %get3A_638 = arith.constant 32 : index
        %get3A_639 = tpu.vector_load %arg10[%get3A_636, %get3A_637, %get3A_638] {strides = array<i32>} : memref<2x320x128xf32, #tpu.memory_space<vmem>>, vector<1x1x16xf32>,
        %get3A_640 = vector.shape_cast %get3A_639 : vector<1x1x16xf32> to vector<16xf32>
        %add3A_641 = arith.constant 7 : i32
        %add3A_642 = arith.addi %mul3A_394, %add3A_641 : i32
        %get3A_643 = arith.constant 0 : i32
        %get3A_644 = arith.index_cast %get3A_643 : i32 to index
        %get3A_645 = arith.index_cast %add3A_642 : i32 to index
        %get3A_646 = arith.constant 32 : index
        %get3A_647 = tpu.vector_load %arg10[%get3A_644, %get3A_645, %get3A_646] {strides = array<i32>} : memref<2x320x128xf32, #tpu.memory_space<vmem>>, vector<1x1x16xf32>,
        %get3A_648 = vector.shape_cast %get3A_647 : vector<1x1x16xf32> to vector<16xf32>
        %add3A_649 = arith.constant 8 : i32
        %add3A_650 = arith.addi %mul3A_394, %add3A_649 : i32
        %get3A_651 = arith.constant 0 : i32
        %get3A_652 = arith.index_cast %get3A_651 : i32 to index
        %get3A_653 = arith.index_cast %add3A_650 : i32 to index
        %get3A_654 = arith.constant 32 : index
        %get3A_655 = tpu.vector_load %arg10[%get3A_652, %get3A_653, %get3A_654] {strides = array<i32>} : memref<2x320x128xf32, #tpu.memory_space<vmem>>, vector<1x1x16xf32>,
        %get3A_656 = vector.shape_cast %get3A_655 : vector<1x1x16xf32> to vector<16xf32>
        %add3A_657 = arith.constant 9 : i32
        %add3A_658 = arith.addi %mul3A_394, %add3A_657 : i32
        %get3A_659 = arith.constant 0 : i32
        %get3A_660 = arith.index_cast %get3A_659 : i32 to index
        %get3A_661 = arith.index_cast %add3A_658 : i32 to index
        %get3A_662 = arith.constant 32 : index
        %get3A_663 = tpu.vector_load %arg10[%get3A_660, %get3A_661, %get3A_662] {strides = array<i32>} : memref<2x320x128xf32, #tpu.memory_space<vmem>>, vector<1x1x16xf32>,
        %get3A_664 = vector.shape_cast %get3A_663 : vector<1x1x16xf32> to vector<16xf32>
        %add3A_665 = arith.addf %get3A_592, %get3A_600 : vector<16xf32>
        %add3A_666 = arith.addf %get3A_608, %get3A_616 : vector<16xf32>
        %add3A_667 = arith.addf %get3A_624, %get3A_632 : vector<16xf32>
        %add3A_668 = arith.addf %get3A_640, %get3A_648 : vector<16xf32>
        %add3A_669 = arith.addf %get3A_656, %get3A_664 : vector<16xf32>
        %add3A_670 = arith.addf %add3A_665, %add3A_666 : vector<16xf32>
        %add3A_671 = arith.addf %add3A_667, %add3A_668 : vector<16xf32>
        %add3A_672 = arith.addf %add3A_670, %add3A_671 : vector<16xf32>
        %add3A_673 = arith.addf %add3A_672, %add3A_669 : vector<16xf32>
        %swap3A_674 = arith.constant 0 : i32
        %swap3A_675 = arith.index_cast %swap3A_674 : i32 to index
        %swap3A_676 = arith.index_cast %scan3A_392 : i32 to index
        %swap3A_677 = arith.constant 32 : index
        %swap3A_678 = tpu.vector_load %arg11[%swap3A_675, %swap3A_676, %swap3A_677] {strides = array<i32>} : memref<2x32x128xf32, #tpu.memory_space<vmem>>, vector<1x1x16xf32>,
        %swap3A_679 = vector.shape_cast %swap3A_678 : vector<1x1x16xf32> to vector<16xf32>
        %swap3A_680 = vector.shape_cast %add3A_673 : vector<16xf32> to vector<1x1x16xf32>
        tpu.vector_store %arg11[%swap3A_675, %swap3A_676, %swap3A_677], %swap3A_680 {strides = array<i32>} : memref<2x32x128xf32, #tpu.memory_space<vmem>>, vector<1x1x16xf32>,
        %add3A_681 = arith.constant 0 : i32
        %add3A_682 = arith.addi %mul3A_394, %add3A_681 : i32
        %get3A_683 = arith.constant 0 : i32
        %get3A_684 = arith.index_cast %get3A_683 : i32 to index
        %get3A_685 = arith.index_cast %add3A_682 : i32 to index
        %get3A_686 = arith.constant 48 : index
        %get3A_687 = tpu.vector_load %arg10[%get3A_684, %get3A_685, %get3A_686] {strides = array<i32>} : memref<2x320x128xf32, #tpu.memory_space<vmem>>, vector<1x1x16xf32>,
        %get3A_688 = vector.shape_cast %get3A_687 : vector<1x1x16xf32> to vector<16xf32>
        %add3A_689 = arith.constant 1 : i32
        %add3A_690 = arith.addi %mul3A_394, %add3A_689 : i32
        %get3A_691 = arith.constant 0 : i32
        %get3A_692 = arith.index_cast %get3A_691 : i32 to index
        %get3A_693 = arith.index_cast %add3A_690 : i32 to index
        %get3A_694 = arith.constant 48 : index
        %get3A_695 = tpu.vector_load %arg10[%get3A_692, %get3A_693, %get3A_694] {strides = array<i32>} : memref<2x320x128xf32, #tpu.memory_space<vmem>>, vector<1x1x16xf32>,
        %get3A_696 = vector.shape_cast %get3A_695 : vector<1x1x16xf32> to vector<16xf32>
        %add3A_697 = arith.constant 2 : i32
        %add3A_698 = arith.addi %mul3A_394, %add3A_697 : i32
        %get3A_699 = arith.constant 0 : i32
        %get3A_700 = arith.index_cast %get3A_699 : i32 to index
        %get3A_701 = arith.index_cast %add3A_698 : i32 to index
        %get3A_702 = arith.constant 48 : index
        %get3A_703 = tpu.vector_load %arg10[%get3A_700, %get3A_701, %get3A_702] {strides = array<i32>} : memref<2x320x128xf32, #tpu.memory_space<vmem>>, vector<1x1x16xf32>,
        %get3A_704 = vector.shape_cast %get3A_703 : vector<1x1x16xf32> to vector<16xf32>
        %add3A_705 = arith.constant 3 : i32
        %add3A_706 = arith.addi %mul3A_394, %add3A_705 : i32
        %get3A_707 = arith.constant 0 : i32
        %get3A_708 = arith.index_cast %get3A_707 : i32 to index
        %get3A_709 = arith.index_cast %add3A_706 : i32 to index
        %get3A_710 = arith.constant 48 : index
        %get3A_711 = tpu.vector_load %arg10[%get3A_708, %get3A_709, %get3A_710] {strides = array<i32>} : memref<2x320x128xf32, #tpu.memory_space<vmem>>, vector<1x1x16xf32>,
        %get3A_712 = vector.shape_cast %get3A_711 : vector<1x1x16xf32> to vector<16xf32>
        %add3A_713 = arith.constant 4 : i32
        %add3A_714 = arith.addi %mul3A_394, %add3A_713 : i32
        %get3A_715 = arith.constant 0 : i32
        %get3A_716 = arith.index_cast %get3A_715 : i32 to index
        %get3A_717 = arith.index_cast %add3A_714 : i32 to index
        %get3A_718 = arith.constant 48 : index
        %get3A_719 = tpu.vector_load %arg10[%get3A_716, %get3A_717, %get3A_718] {strides = array<i32>} : memref<2x320x128xf32, #tpu.memory_space<vmem>>, vector<1x1x16xf32>,
        %get3A_720 = vector.shape_cast %get3A_719 : vector<1x1x16xf32> to vector<16xf32>
        %add3A_721 = arith.constant 5 : i32
        %add3A_722 = arith.addi %mul3A_394, %add3A_721 : i32
        %get3A_723 = arith.constant 0 : i32
        %get3A_724 = arith.index_cast %get3A_723 : i32 to index
        %get3A_725 = arith.index_cast %add3A_722 : i32 to index
        %get3A_726 = arith.constant 48 : index
        %get3A_727 = tpu.vector_load %arg10[%get3A_724, %get3A_725, %get3A_726] {strides = array<i32>} : memref<2x320x128xf32, #tpu.memory_space<vmem>>, vector<1x1x16xf32>,
        %get3A_728 = vector.shape_cast %get3A_727 : vector<1x1x16xf32> to vector<16xf32>
        %add3A_729 = arith.constant 6 : i32
        %add3A_730 = arith.addi %mul3A_394, %add3A_729 : i32
        %get3A_731 = arith.constant 0 : i32
        %get3A_732 = arith.index_cast %get3A_731 : i32 to index
        %get3A_733 = arith.index_cast %add3A_730 : i32 to index
        %get3A_734 = arith.constant 48 : index
        %get3A_735 = tpu.vector_load %arg10[%get3A_732, %get3A_733, %get3A_734] {strides = array<i32>} : memref<2x320x128xf32, #tpu.memory_space<vmem>>, vector<1x1x16xf32>,
        %get3A_736 = vector.shape_cast %get3A_735 : vector<1x1x16xf32> to vector<16xf32>
        %add3A_737 = arith.constant 7 : i32
        %add3A_738 = arith.addi %mul3A_394, %add3A_737 : i32
        %get3A_739 = arith.constant 0 : i32
        %get3A_740 = arith.index_cast %get3A_739 : i32 to index
        %get3A_741 = arith.index_cast %add3A_738 : i32 to index
        %get3A_742 = arith.constant 48 : index
        %get3A_743 = tpu.vector_load %arg10[%get3A_740, %get3A_741, %get3A_742] {strides = array<i32>} : memref<2x320x128xf32, #tpu.memory_space<vmem>>, vector<1x1x16xf32>,
        %get3A_744 = vector.shape_cast %get3A_743 : vector<1x1x16xf32> to vector<16xf32>
        %add3A_745 = arith.constant 8 : i32
        %add3A_746 = arith.addi %mul3A_394, %add3A_745 : i32
        %get3A_747 = arith.constant 0 : i32
        %get3A_748 = arith.index_cast %get3A_747 : i32 to index
        %get3A_749 = arith.index_cast %add3A_746 : i32 to index
        %get3A_750 = arith.constant 48 : index
        %get3A_751 = tpu.vector_load %arg10[%get3A_748, %get3A_749, %get3A_750] {strides = array<i32>} : memref<2x320x128xf32, #tpu.memory_space<vmem>>, vector<1x1x16xf32>,
        %get3A_752 = vector.shape_cast %get3A_751 : vector<1x1x16xf32> to vector<16xf32>
        %add3A_753 = arith.constant 9 : i32
        %add3A_754 = arith.addi %mul3A_394, %add3A_753 : i32
        %get3A_755 = arith.constant 0 : i32
        %get3A_756 = arith.index_cast %get3A_755 : i32 to index
        %get3A_757 = arith.index_cast %add3A_754 : i32 to index
        %get3A_758 = arith.constant 48 : index
        %get3A_759 = tpu.vector_load %arg10[%get3A_756, %get3A_757, %get3A_758] {strides = array<i32>} : memref<2x320x128xf32, #tpu.memory_space<vmem>>, vector<1x1x16xf32>,
        %get3A_760 = vector.shape_cast %get3A_759 : vector<1x1x16xf32> to vector<16xf32>
        %add3A_761 = arith.addf %get3A_688, %get3A_696 : vector<16xf32>
        %add3A_762 = arith.addf %get3A_704, %get3A_712 : vector<16xf32>
        %add3A_763 = arith.addf %get3A_720, %get3A_728 : vector<16xf32>
        %add3A_764 = arith.addf %get3A_736, %get3A_744 : vector<16xf32>
        %add3A_765 = arith.addf %get3A_752, %get3A_760 : vector<16xf32>
        %add3A_766 = arith.addf %add3A_761, %add3A_762 : vector<16xf32>
        %add3A_767 = arith.addf %add3A_763, %add3A_764 : vector<16xf32>
        %add3A_768 = arith.addf %add3A_766, %add3A_767 : vector<16xf32>
        %add3A_769 = arith.addf %add3A_768, %add3A_765 : vector<16xf32>
        %swap3A_770 = arith.constant 0 : i32
        %swap3A_771 = arith.index_cast %swap3A_770 : i32 to index
        %swap3A_772 = arith.index_cast %scan3A_392 : i32 to index
        %swap3A_773 = arith.constant 48 : index
        %swap3A_774 = tpu.vector_load %arg11[%swap3A_771, %swap3A_772, %swap3A_773] {strides = array<i32>} : memref<2x32x128xf32, #tpu.memory_space<vmem>>, vector<1x1x16xf32>,
        %swap3A_775 = vector.shape_cast %swap3A_774 : vector<1x1x16xf32> to vector<16xf32>
        %swap3A_776 = vector.shape_cast %add3A_769 : vector<16xf32> to vector<1x1x16xf32>
        tpu.vector_store %arg11[%swap3A_771, %swap3A_772, %swap3A_773], %swap3A_776 {strides = array<i32>} : memref<2x32x128xf32, #tpu.memory_space<vmem>>, vector<1x1x16xf32>,
        %add3A_777 = arith.constant 0 : i32
        %add3A_778 = arith.addi %mul3A_394, %add3A_777 : i32
        %get3A_779 = arith.constant 0 : i32
        %get3A_780 = arith.index_cast %get3A_779 : i32 to index
        %get3A_781 = arith.index_cast %add3A_778 : i32 to index
        %get3A_782 = arith.constant 64 : index
        %get3A_783 = tpu.vector_load %arg10[%get3A_780, %get3A_781, %get3A_782] {strides = array<i32>} : memref<2x320x128xf32, #tpu.memory_space<vmem>>, vector<1x1x16xf32>,
        %get3A_784 = vector.shape_cast %get3A_783 : vector<1x1x16xf32> to vector<16xf32>
        %add3A_785 = arith.constant 1 : i32
        %add3A_786 = arith.addi %mul3A_394, %add3A_785 : i32
        %get3A_787 = arith.constant 0 : i32
        %get3A_788 = arith.index_cast %get3A_787 : i32 to index
        %get3A_789 = arith.index_cast %add3A_786 : i32 to index
        %get3A_790 = arith.constant 64 : index
        %get3A_791 = tpu.vector_load %arg10[%get3A_788, %get3A_789, %get3A_790] {strides = array<i32>} : memref<2x320x128xf32, #tpu.memory_space<vmem>>, vector<1x1x16xf32>,
        %get3A_792 = vector.shape_cast %get3A_791 : vector<1x1x16xf32> to vector<16xf32>
        %add3A_793 = arith.constant 2 : i32
        %add3A_794 = arith.addi %mul3A_394, %add3A_793 : i32
        %get3A_795 = arith.constant 0 : i32
        %get3A_796 = arith.index_cast %get3A_795 : i32 to index
        %get3A_797 = arith.index_cast %add3A_794 : i32 to index
        %get3A_798 = arith.constant 64 : index
        %get3A_799 = tpu.vector_load %arg10[%get3A_796, %get3A_797, %get3A_798] {strides = array<i32>} : memref<2x320x128xf32, #tpu.memory_space<vmem>>, vector<1x1x16xf32>,
        %get3A_800 = vector.shape_cast %get3A_799 : vector<1x1x16xf32> to vector<16xf32>
        %add3A_801 = arith.constant 3 : i32
        %add3A_802 = arith.addi %mul3A_394, %add3A_801 : i32
        %get3A_803 = arith.constant 0 : i32
        %get3A_804 = arith.index_cast %get3A_803 : i32 to index
        %get3A_805 = arith.index_cast %add3A_802 : i32 to index
        %get3A_806 = arith.constant 64 : index
        %get3A_807 = tpu.vector_load %arg10[%get3A_804, %get3A_805, %get3A_806] {strides = array<i32>} : memref<2x320x128xf32, #tpu.memory_space<vmem>>, vector<1x1x16xf32>,
        %get3A_808 = vector.shape_cast %get3A_807 : vector<1x1x16xf32> to vector<16xf32>
        %add3A_809 = arith.constant 4 : i32
        %add3A_810 = arith.addi %mul3A_394, %add3A_809 : i32
        %get3A_811 = arith.constant 0 : i32
        %get3A_812 = arith.index_cast %get3A_811 : i32 to index
        %get3A_813 = arith.index_cast %add3A_810 : i32 to index
        %get3A_814 = arith.constant 64 : index
        %get3A_815 = tpu.vector_load %arg10[%get3A_812, %get3A_813, %get3A_814] {strides = array<i32>} : memref<2x320x128xf32, #tpu.memory_space<vmem>>, vector<1x1x16xf32>,
        %get3A_816 = vector.shape_cast %get3A_815 : vector<1x1x16xf32> to vector<16xf32>
        %add3A_817 = arith.constant 5 : i32
        %add3A_818 = arith.addi %mul3A_394, %add3A_817 : i32
        %get3A_819 = arith.constant 0 : i32
        %get3A_820 = arith.index_cast %get3A_819 : i32 to index
        %get3A_821 = arith.index_cast %add3A_818 : i32 to index
        %get3A_822 = arith.constant 64 : index
        %get3A_823 = tpu.vector_load %arg10[%get3A_820, %get3A_821, %get3A_822] {strides = array<i32>} : memref<2x320x128xf32, #tpu.memory_space<vmem>>, vector<1x1x16xf32>,
        %get3A_824 = vector.shape_cast %get3A_823 : vector<1x1x16xf32> to vector<16xf32>
        %add3A_825 = arith.constant 6 : i32
        %add3A_826 = arith.addi %mul3A_394, %add3A_825 : i32
        %get3A_827 = arith.constant 0 : i32
        %get3A_828 = arith.index_cast %get3A_827 : i32 to index
        %get3A_829 = arith.index_cast %add3A_826 : i32 to index
        %get3A_830 = arith.constant 64 : index
        %get3A_831 = tpu.vector_load %arg10[%get3A_828, %get3A_829, %get3A_830] {strides = array<i32>} : memref<2x320x128xf32, #tpu.memory_space<vmem>>, vector<1x1x16xf32>,
        %get3A_832 = vector.shape_cast %get3A_831 : vector<1x1x16xf32> to vector<16xf32>
        %add3A_833 = arith.constant 7 : i32
        %add3A_834 = arith.addi %mul3A_394, %add3A_833 : i32
        %get3A_835 = arith.constant 0 : i32
        %get3A_836 = arith.index_cast %get3A_835 : i32 to index
        %get3A_837 = arith.index_cast %add3A_834 : i32 to index
        %get3A_838 = arith.constant 64 : index
        %get3A_839 = tpu.vector_load %arg10[%get3A_836, %get3A_837, %get3A_838] {strides = array<i32>} : memref<2x320x128xf32, #tpu.memory_space<vmem>>, vector<1x1x16xf32>,
        %get3A_840 = vector.shape_cast %get3A_839 : vector<1x1x16xf32> to vector<16xf32>
        %add3A_841 = arith.constant 8 : i32
        %add3A_842 = arith.addi %mul3A_394, %add3A_841 : i32
        %get3A_843 = arith.constant 0 : i32
        %get3A_844 = arith.index_cast %get3A_843 : i32 to index
        %get3A_845 = arith.index_cast %add3A_842 : i32 to index
        %get3A_846 = arith.constant 64 : index
        %get3A_847 = tpu.vector_load %arg10[%get3A_844, %get3A_845, %get3A_846] {strides = array<i32>} : memref<2x320x128xf32, #tpu.memory_space<vmem>>, vector<1x1x16xf32>,
        %get3A_848 = vector.shape_cast %get3A_847 : vector<1x1x16xf32> to vector<16xf32>
        %add3A_849 = arith.constant 9 : i32
        %add3A_850 = arith.addi %mul3A_394, %add3A_849 : i32
        %get3A_851 = arith.constant 0 : i32
        %get3A_852 = arith.index_cast %get3A_851 : i32 to index
        %get3A_853 = arith.index_cast %add3A_850 : i32 to index
        %get3A_854 = arith.constant 64 : index
        %get3A_855 = tpu.vector_load %arg10[%get3A_852, %get3A_853, %get3A_854] {strides = array<i32>} : memref<2x320x128xf32, #tpu.memory_space<vmem>>, vector<1x1x16xf32>,
        %get3A_856 = vector.shape_cast %get3A_855 : vector<1x1x16xf32> to vector<16xf32>
        %add3A_857 = arith.addf %get3A_784, %get3A_792 : vector<16xf32>
        %add3A_858 = arith.addf %get3A_800, %get3A_808 : vector<16xf32>
        %add3A_859 = arith.addf %get3A_816, %get3A_824 : vector<16xf32>
        %add3A_860 = arith.addf %get3A_832, %get3A_840 : vector<16xf32>
        %add3A_861 = arith.addf %get3A_848, %get3A_856 : vector<16xf32>
        %add3A_862 = arith.addf %add3A_857, %add3A_858 : vector<16xf32>
        %add3A_863 = arith.addf %add3A_859, %add3A_860 : vector<16xf32>
        %add3A_864 = arith.addf %add3A_862, %add3A_863 : vector<16xf32>
        %add3A_865 = arith.addf %add3A_864, %add3A_861 : vector<16xf32>
        %swap3A_866 = arith.constant 0 : i32
        %swap3A_867 = arith.index_cast %swap3A_866 : i32 to index
        %swap3A_868 = arith.index_cast %scan3A_392 : i32 to index
        %swap3A_869 = arith.constant 64 : index
        %swap3A_870 = tpu.vector_load %arg11[%swap3A_867, %swap3A_868, %swap3A_869] {strides = array<i32>} : memref<2x32x128xf32, #tpu.memory_space<vmem>>, vector<1x1x16xf32>,
        %swap3A_871 = vector.shape_cast %swap3A_870 : vector<1x1x16xf32> to vector<16xf32>
        %swap3A_872 = vector.shape_cast %add3A_865 : vector<16xf32> to vector<1x1x16xf32>
        tpu.vector_store %arg11[%swap3A_867, %swap3A_868, %swap3A_869], %swap3A_872 {strides = array<i32>} : memref<2x32x128xf32, #tpu.memory_space<vmem>>, vector<1x1x16xf32>,
        %add3A_873 = arith.constant 0 : i32
        %add3A_874 = arith.addi %mul3A_394, %add3A_873 : i32
        %get3A_875 = arith.constant 0 : i32
        %get3A_876 = arith.index_cast %get3A_875 : i32 to index
        %get3A_877 = arith.index_cast %add3A_874 : i32 to index
        %get3A_878 = arith.constant 80 : index
        %get3A_879 = tpu.vector_load %arg10[%get3A_876, %get3A_877, %get3A_878] {strides = array<i32>} : memref<2x320x128xf32, #tpu.memory_space<vmem>>, vector<1x1x16xf32>,
        %get3A_880 = vector.shape_cast %get3A_879 : vector<1x1x16xf32> to vector<16xf32>
        %add3A_881 = arith.constant 1 : i32
        %add3A_882 = arith.addi %mul3A_394, %add3A_881 : i32
        %get3A_883 = arith.constant 0 : i32
        %get3A_884 = arith.index_cast %get3A_883 : i32 to index
        %get3A_885 = arith.index_cast %add3A_882 : i32 to index
        %get3A_886 = arith.constant 80 : index
        %get3A_887 = tpu.vector_load %arg10[%get3A_884, %get3A_885, %get3A_886] {strides = array<i32>} : memref<2x320x128xf32, #tpu.memory_space<vmem>>, vector<1x1x16xf32>,
        %get3A_888 = vector.shape_cast %get3A_887 : vector<1x1x16xf32> to vector<16xf32>
        %add3A_889 = arith.constant 2 : i32
        %add3A_890 = arith.addi %mul3A_394, %add3A_889 : i32
        %get3A_891 = arith.constant 0 : i32
        %get3A_892 = arith.index_cast %get3A_891 : i32 to index
        %get3A_893 = arith.index_cast %add3A_890 : i32 to index
        %get3A_894 = arith.constant 80 : index
        %get3A_895 = tpu.vector_load %arg10[%get3A_892, %get3A_893, %get3A_894] {strides = array<i32>} : memref<2x320x128xf32, #tpu.memory_space<vmem>>, vector<1x1x16xf32>,
        %get3A_896 = vector.shape_cast %get3A_895 : vector<1x1x16xf32> to vector<16xf32>
        %add3A_897 = arith.constant 3 : i32
        %add3A_898 = arith.addi %mul3A_394, %add3A_897 : i32
        %get3A_899 = arith.constant 0 : i32
        %get3A_900 = arith.index_cast %get3A_899 : i32 to index
        %get3A_901 = arith.index_cast %add3A_898 : i32 to index
        %get3A_902 = arith.constant 80 : index
        %get3A_903 = tpu.vector_load %arg10[%get3A_900, %get3A_901, %get3A_902] {strides = array<i32>} : memref<2x320x128xf32, #tpu.memory_space<vmem>>, vector<1x1x16xf32>,
        %get3A_904 = vector.shape_cast %get3A_903 : vector<1x1x16xf32> to vector<16xf32>
        %add3A_905 = arith.constant 4 : i32
        %add3A_906 = arith.addi %mul3A_394, %add3A_905 : i32
        %get3A_907 = arith.constant 0 : i32
        %get3A_908 = arith.index_cast %get3A_907 : i32 to index
        %get3A_909 = arith.index_cast %add3A_906 : i32 to index
        %get3A_910 = arith.constant 80 : index
        %get3A_911 = tpu.vector_load %arg10[%get3A_908, %get3A_909, %get3A_910] {strides = array<i32>} : memref<2x320x128xf32, #tpu.memory_space<vmem>>, vector<1x1x16xf32>,
        %get3A_912 = vector.shape_cast %get3A_911 : vector<1x1x16xf32> to vector<16xf32>
        %add3A_913 = arith.constant 5 : i32
        %add3A_914 = arith.addi %mul3A_394, %add3A_913 : i32
        %get3A_915 = arith.constant 0 : i32
        %get3A_916 = arith.index_cast %get3A_915 : i32 to index
        %get3A_917 = arith.index_cast %add3A_914 : i32 to index
        %get3A_918 = arith.constant 80 : index
        %get3A_919 = tpu.vector_load %arg10[%get3A_916, %get3A_917, %get3A_918] {strides = array<i32>} : memref<2x320x128xf32, #tpu.memory_space<vmem>>, vector<1x1x16xf32>,
        %get3A_920 = vector.shape_cast %get3A_919 : vector<1x1x16xf32> to vector<16xf32>
        %add3A_921 = arith.constant 6 : i32
        %add3A_922 = arith.addi %mul3A_394, %add3A_921 : i32
        %get3A_923 = arith.constant 0 : i32
        %get3A_924 = arith.index_cast %get3A_923 : i32 to index
        %get3A_925 = arith.index_cast %add3A_922 : i32 to index
        %get3A_926 = arith.constant 80 : index
        %get3A_927 = tpu.vector_load %arg10[%get3A_924, %get3A_925, %get3A_926] {strides = array<i32>} : memref<2x320x128xf32, #tpu.memory_space<vmem>>, vector<1x1x16xf32>,
        %get3A_928 = vector.shape_cast %get3A_927 : vector<1x1x16xf32> to vector<16xf32>
        %add3A_929 = arith.constant 7 : i32
        %add3A_930 = arith.addi %mul3A_394, %add3A_929 : i32
        %get3A_931 = arith.constant 0 : i32
        %get3A_932 = arith.index_cast %get3A_931 : i32 to index
        %get3A_933 = arith.index_cast %add3A_930 : i32 to index
        %get3A_934 = arith.constant 80 : index
        %get3A_935 = tpu.vector_load %arg10[%get3A_932, %get3A_933, %get3A_934] {strides = array<i32>} : memref<2x320x128xf32, #tpu.memory_space<vmem>>, vector<1x1x16xf32>,
        %get3A_936 = vector.shape_cast %get3A_935 : vector<1x1x16xf32> to vector<16xf32>
        %add3A_937 = arith.constant 8 : i32
        %add3A_938 = arith.addi %mul3A_394, %add3A_937 : i32
        %get3A_939 = arith.constant 0 : i32
        %get3A_940 = arith.index_cast %get3A_939 : i32 to index
        %get3A_941 = arith.index_cast %add3A_938 : i32 to index
        %get3A_942 = arith.constant 80 : index
        %get3A_943 = tpu.vector_load %arg10[%get3A_940, %get3A_941, %get3A_942] {strides = array<i32>} : memref<2x320x128xf32, #tpu.memory_space<vmem>>, vector<1x1x16xf32>,
        %get3A_944 = vector.shape_cast %get3A_943 : vector<1x1x16xf32> to vector<16xf32>
        %add3A_945 = arith.constant 9 : i32
        %add3A_946 = arith.addi %mul3A_394, %add3A_945 : i32
        %get3A_947 = arith.constant 0 : i32
        %get3A_948 = arith.index_cast %get3A_947 : i32 to index
        %get3A_949 = arith.index_cast %add3A_946 : i32 to index
        %get3A_950 = arith.constant 80 : index
        %get3A_951 = tpu.vector_load %arg10[%get3A_948, %get3A_949, %get3A_950] {strides = array<i32>} : memref<2x320x128xf32, #tpu.memory_space<vmem>>, vector<1x1x16xf32>,
        %get3A_952 = vector.shape_cast %get3A_951 : vector<1x1x16xf32> to vector<16xf32>
        %add3A_953 = arith.addf %get3A_880, %get3A_888 : vector<16xf32>
        %add3A_954 = arith.addf %get3A_896, %get3A_904 : vector<16xf32>
        %add3A_955 = arith.addf %get3A_912, %get3A_920 : vector<16xf32>
        %add3A_956 = arith.addf %get3A_928, %get3A_936 : vector<16xf32>
        %add3A_957 = arith.addf %get3A_944, %get3A_952 : vector<16xf32>
        %add3A_958 = arith.addf %add3A_953, %add3A_954 : vector<16xf32>
        %add3A_959 = arith.addf %add3A_955, %add3A_956 : vector<16xf32>
        %add3A_960 = arith.addf %add3A_958, %add3A_959 : vector<16xf32>
        %add3A_961 = arith.addf %add3A_960, %add3A_957 : vector<16xf32>
        %swap3A_962 = arith.constant 0 : i32
        %swap3A_963 = arith.index_cast %swap3A_962 : i32 to index
        %swap3A_964 = arith.index_cast %scan3A_392 : i32 to index
        %swap3A_965 = arith.constant 80 : index
        %swap3A_966 = tpu.vector_load %arg11[%swap3A_963, %swap3A_964, %swap3A_965] {strides = array<i32>} : memref<2x32x128xf32, #tpu.memory_space<vmem>>, vector<1x1x16xf32>,
        %swap3A_967 = vector.shape_cast %swap3A_966 : vector<1x1x16xf32> to vector<16xf32>
        %swap3A_968 = vector.shape_cast %add3A_961 : vector<16xf32> to vector<1x1x16xf32>
        tpu.vector_store %arg11[%swap3A_963, %swap3A_964, %swap3A_965], %swap3A_968 {strides = array<i32>} : memref<2x32x128xf32, #tpu.memory_space<vmem>>, vector<1x1x16xf32>,
        %add3A_969 = arith.constant 0 : i32
        %add3A_970 = arith.addi %mul3A_394, %add3A_969 : i32
        %get3A_971 = arith.constant 0 : i32
        %get3A_972 = arith.index_cast %get3A_971 : i32 to index
        %get3A_973 = arith.index_cast %add3A_970 : i32 to index
        %get3A_974 = arith.constant 96 : index
        %get3A_975 = tpu.vector_load %arg10[%get3A_972, %get3A_973, %get3A_974] {strides = array<i32>} : memref<2x320x128xf32, #tpu.memory_space<vmem>>, vector<1x1x16xf32>,
        %get3A_976 = vector.shape_cast %get3A_975 : vector<1x1x16xf32> to vector<16xf32>
        %add3A_977 = arith.constant 1 : i32
        %add3A_978 = arith.addi %mul3A_394, %add3A_977 : i32
        %get3A_979 = arith.constant 0 : i32
        %get3A_980 = arith.index_cast %get3A_979 : i32 to index
        %get3A_981 = arith.index_cast %add3A_978 : i32 to index
        %get3A_982 = arith.constant 96 : index
        %get3A_983 = tpu.vector_load %arg10[%get3A_980, %get3A_981, %get3A_982] {strides = array<i32>} : memref<2x320x128xf32, #tpu.memory_space<vmem>>, vector<1x1x16xf32>,
        %get3A_984 = vector.shape_cast %get3A_983 : vector<1x1x16xf32> to vector<16xf32>
        %add3A_985 = arith.constant 2 : i32
        %add3A_986 = arith.addi %mul3A_394, %add3A_985 : i32
        %get3A_987 = arith.constant 0 : i32
        %get3A_988 = arith.index_cast %get3A_987 : i32 to index
        %get3A_989 = arith.index_cast %add3A_986 : i32 to index
        %get3A_990 = arith.constant 96 : index
        %get3A_991 = tpu.vector_load %arg10[%get3A_988, %get3A_989, %get3A_990] {strides = array<i32>} : memref<2x320x128xf32, #tpu.memory_space<vmem>>, vector<1x1x16xf32>,
        %get3A_992 = vector.shape_cast %get3A_991 : vector<1x1x16xf32> to vector<16xf32>
        %add3A_993 = arith.constant 3 : i32
        %add3A_994 = arith.addi %mul3A_394, %add3A_993 : i32
        %get3A_995 = arith.constant 0 : i32
        %get3A_996 = arith.index_cast %get3A_995 : i32 to index
        %get3A_997 = arith.index_cast %add3A_994 : i32 to index
        %get3A_998 = arith.constant 96 : index
        %get3A_999 = tpu.vector_load %arg10[%get3A_996, %get3A_997, %get3A_998] {strides = array<i32>} : memref<2x320x128xf32, #tpu.memory_space<vmem>>, vector<1x1x16xf32>,
        %get3A_1000 = vector.shape_cast %get3A_999 : vector<1x1x16xf32> to vector<16xf32>
        %add3A_1001 = arith.constant 4 : i32
        %add3A_1002 = arith.addi %mul3A_394, %add3A_1001 : i32
        %get3A_1003 = arith.constant 0 : i32
        %get3A_1004 = arith.index_cast %get3A_1003 : i32 to index
        %get3A_1005 = arith.index_cast %add3A_1002 : i32 to index
        %get3A_1006 = arith.constant 96 : index
        %get3A_1007 = tpu.vector_load %arg10[%get3A_1004, %get3A_1005, %get3A_1006] {strides = array<i32>} : memref<2x320x128xf32, #tpu.memory_space<vmem>>, vector<1x1x16xf32>,
        %get3A_1008 = vector.shape_cast %get3A_1007 : vector<1x1x16xf32> to vector<16xf32>
        %add3A_1009 = arith.constant 5 : i32
        %add3A_1010 = arith.addi %mul3A_394, %add3A_1009 : i32
        %get3A_1011 = arith.constant 0 : i32
        %get3A_1012 = arith.index_cast %get3A_1011 : i32 to index
        %get3A_1013 = arith.index_cast %add3A_1010 : i32 to index
        %get3A_1014 = arith.constant 96 : index
        %get3A_1015 = tpu.vector_load %arg10[%get3A_1012, %get3A_1013, %get3A_1014] {strides = array<i32>} : memref<2x320x128xf32, #tpu.memory_space<vmem>>, vector<1x1x16xf32>,
        %get3A_1016 = vector.shape_cast %get3A_1015 : vector<1x1x16xf32> to vector<16xf32>
        %add3A_1017 = arith.constant 6 : i32
        %add3A_1018 = arith.addi %mul3A_394, %add3A_1017 : i32
        %get3A_1019 = arith.constant 0 : i32
        %get3A_1020 = arith.index_cast %get3A_1019 : i32 to index
        %get3A_1021 = arith.index_cast %add3A_1018 : i32 to index
        %get3A_1022 = arith.constant 96 : index
        %get3A_1023 = tpu.vector_load %arg10[%get3A_1020, %get3A_1021, %get3A_1022] {strides = array<i32>} : memref<2x320x128xf32, #tpu.memory_space<vmem>>, vector<1x1x16xf32>,
        %get3A_1024 = vector.shape_cast %get3A_1023 : vector<1x1x16xf32> to vector<16xf32>
        %add3A_1025 = arith.constant 7 : i32
        %add3A_1026 = arith.addi %mul3A_394, %add3A_1025 : i32
        %get3A_1027 = arith.constant 0 : i32
        %get3A_1028 = arith.index_cast %get3A_1027 : i32 to index
        %get3A_1029 = arith.index_cast %add3A_1026 : i32 to index
        %get3A_1030 = arith.constant 96 : index
        %get3A_1031 = tpu.vector_load %arg10[%get3A_1028, %get3A_1029, %get3A_1030] {strides = array<i32>} : memref<2x320x128xf32, #tpu.memory_space<vmem>>, vector<1x1x16xf32>,
        %get3A_1032 = vector.shape_cast %get3A_1031 : vector<1x1x16xf32> to vector<16xf32>
        %add3A_1033 = arith.constant 8 : i32
        %add3A_1034 = arith.addi %mul3A_394, %add3A_1033 : i32
        %get3A_1035 = arith.constant 0 : i32
        %get3A_1036 = arith.index_cast %get3A_1035 : i32 to index
        %get3A_1037 = arith.index_cast %add3A_1034 : i32 to index
        %get3A_1038 = arith.constant 96 : index
        %get3A_1039 = tpu.vector_load %arg10[%get3A_1036, %get3A_1037, %get3A_1038] {strides = array<i32>} : memref<2x320x128xf32, #tpu.memory_space<vmem>>, vector<1x1x16xf32>,
        %get3A_1040 = vector.shape_cast %get3A_1039 : vector<1x1x16xf32> to vector<16xf32>
        %add3A_1041 = arith.constant 9 : i32
        %add3A_1042 = arith.addi %mul3A_394, %add3A_1041 : i32
        %get3A_1043 = arith.constant 0 : i32
        %get3A_1044 = arith.index_cast %get3A_1043 : i32 to index
        %get3A_1045 = arith.index_cast %add3A_1042 : i32 to index
        %get3A_1046 = arith.constant 96 : index
        %get3A_1047 = tpu.vector_load %arg10[%get3A_1044, %get3A_1045, %get3A_1046] {strides = array<i32>} : memref<2x320x128xf32, #tpu.memory_space<vmem>>, vector<1x1x16xf32>,
        %get3A_1048 = vector.shape_cast %get3A_1047 : vector<1x1x16xf32> to vector<16xf32>
        %add3A_1049 = arith.addf %get3A_976, %get3A_984 : vector<16xf32>
        %add3A_1050 = arith.addf %get3A_992, %get3A_1000 : vector<16xf32>
        %add3A_1051 = arith.addf %get3A_1008, %get3A_1016 : vector<16xf32>
        %add3A_1052 = arith.addf %get3A_1024, %get3A_1032 : vector<16xf32>
        %add3A_1053 = arith.addf %get3A_1040, %get3A_1048 : vector<16xf32>
        %add3A_1054 = arith.addf %add3A_1049, %add3A_1050 : vector<16xf32>
        %add3A_1055 = arith.addf %add3A_1051, %add3A_1052 : vector<16xf32>
        %add3A_1056 = arith.addf %add3A_1054, %add3A_1055 : vector<16xf32>
        %add3A_1057 = arith.addf %add3A_1056, %add3A_1053 : vector<16xf32>
        %swap3A_1058 = arith.constant 0 : i32
        %swap3A_1059 = arith.index_cast %swap3A_1058 : i32 to index
        %swap3A_1060 = arith.index_cast %scan3A_392 : i32 to index
        %swap3A_1061 = arith.constant 96 : index
        %swap3A_1062 = tpu.vector_load %arg11[%swap3A_1059, %swap3A_1060, %swap3A_1061] {strides = array<i32>} : memref<2x32x128xf32, #tpu.memory_space<vmem>>, vector<1x1x16xf32>,
        %swap3A_1063 = vector.shape_cast %swap3A_1062 : vector<1x1x16xf32> to vector<16xf32>
        %swap3A_1064 = vector.shape_cast %add3A_1057 : vector<16xf32> to vector<1x1x16xf32>
        tpu.vector_store %arg11[%swap3A_1059, %swap3A_1060, %swap3A_1061], %swap3A_1064 {strides = array<i32>} : memref<2x32x128xf32, #tpu.memory_space<vmem>>, vector<1x1x16xf32>,
        %add3A_1065 = arith.constant 0 : i32
        %add3A_1066 = arith.addi %mul3A_394, %add3A_1065 : i32
        %get3A_1067 = arith.constant 0 : i32
        %get3A_1068 = arith.index_cast %get3A_1067 : i32 to index
        %get3A_1069 = arith.index_cast %add3A_1066 : i32 to index
        %get3A_1070 = arith.constant 112 : index
        %get3A_1071 = tpu.vector_load %arg10[%get3A_1068, %get3A_1069, %get3A_1070] {strides = array<i32>} : memref<2x320x128xf32, #tpu.memory_space<vmem>>, vector<1x1x16xf32>,
        %get3A_1072 = vector.shape_cast %get3A_1071 : vector<1x1x16xf32> to vector<16xf32>
        %add3A_1073 = arith.constant 1 : i32
        %add3A_1074 = arith.addi %mul3A_394, %add3A_1073 : i32
        %get3A_1075 = arith.constant 0 : i32
        %get3A_1076 = arith.index_cast %get3A_1075 : i32 to index
        %get3A_1077 = arith.index_cast %add3A_1074 : i32 to index
        %get3A_1078 = arith.constant 112 : index
        %get3A_1079 = tpu.vector_load %arg10[%get3A_1076, %get3A_1077, %get3A_1078] {strides = array<i32>} : memref<2x320x128xf32, #tpu.memory_space<vmem>>, vector<1x1x16xf32>,
        %get3A_1080 = vector.shape_cast %get3A_1079 : vector<1x1x16xf32> to vector<16xf32>
        %add3A_1081 = arith.constant 2 : i32
        %add3A_1082 = arith.addi %mul3A_394, %add3A_1081 : i32
        %get3A_1083 = arith.constant 0 : i32
        %get3A_1084 = arith.index_cast %get3A_1083 : i32 to index
        %get3A_1085 = arith.index_cast %add3A_1082 : i32 to index
        %get3A_1086 = arith.constant 112 : index
        %get3A_1087 = tpu.vector_load %arg10[%get3A_1084, %get3A_1085, %get3A_1086] {strides = array<i32>} : memref<2x320x128xf32, #tpu.memory_space<vmem>>, vector<1x1x16xf32>,
        %get3A_1088 = vector.shape_cast %get3A_1087 : vector<1x1x16xf32> to vector<16xf32>
        %add3A_1089 = arith.constant 3 : i32
        %add3A_1090 = arith.addi %mul3A_394, %add3A_1089 : i32
        %get3A_1091 = arith.constant 0 : i32
        %get3A_1092 = arith.index_cast %get3A_1091 : i32 to index
        %get3A_1093 = arith.index_cast %add3A_1090 : i32 to index
        %get3A_1094 = arith.constant 112 : index
        %get3A_1095 = tpu.vector_load %arg10[%get3A_1092, %get3A_1093, %get3A_1094] {strides = array<i32>} : memref<2x320x128xf32, #tpu.memory_space<vmem>>, vector<1x1x16xf32>,
        %get3A_1096 = vector.shape_cast %get3A_1095 : vector<1x1x16xf32> to vector<16xf32>
        %add3A_1097 = arith.constant 4 : i32
        %add3A_1098 = arith.addi %mul3A_394, %add3A_1097 : i32
        %get3A_1099 = arith.constant 0 : i32
        %get3A_1100 = arith.index_cast %get3A_1099 : i32 to index
        %get3A_1101 = arith.index_cast %add3A_1098 : i32 to index
        %get3A_1102 = arith.constant 112 : index
        %get3A_1103 = tpu.vector_load %arg10[%get3A_1100, %get3A_1101, %get3A_1102] {strides = array<i32>} : memref<2x320x128xf32, #tpu.memory_space<vmem>>, vector<1x1x16xf32>,
        %get3A_1104 = vector.shape_cast %get3A_1103 : vector<1x1x16xf32> to vector<16xf32>
        %add3A_1105 = arith.constant 5 : i32
        %add3A_1106 = arith.addi %mul3A_394, %add3A_1105 : i32
        %get3A_1107 = arith.constant 0 : i32
        %get3A_1108 = arith.index_cast %get3A_1107 : i32 to index
        %get3A_1109 = arith.index_cast %add3A_1106 : i32 to index
        %get3A_1110 = arith.constant 112 : index
        %get3A_1111 = tpu.vector_load %arg10[%get3A_1108, %get3A_1109, %get3A_1110] {strides = array<i32>} : memref<2x320x128xf32, #tpu.memory_space<vmem>>, vector<1x1x16xf32>,
        %get3A_1112 = vector.shape_cast %get3A_1111 : vector<1x1x16xf32> to vector<16xf32>
        %add3A_1113 = arith.constant 6 : i32
        %add3A_1114 = arith.addi %mul3A_394, %add3A_1113 : i32
        %get3A_1115 = arith.constant 0 : i32
        %get3A_1116 = arith.index_cast %get3A_1115 : i32 to index
        %get3A_1117 = arith.index_cast %add3A_1114 : i32 to index
        %get3A_1118 = arith.constant 112 : index
        %get3A_1119 = tpu.vector_load %arg10[%get3A_1116, %get3A_1117, %get3A_1118] {strides = array<i32>} : memref<2x320x128xf32, #tpu.memory_space<vmem>>, vector<1x1x16xf32>,
        %get3A_1120 = vector.shape_cast %get3A_1119 : vector<1x1x16xf32> to vector<16xf32>
        %add3A_1121 = arith.constant 7 : i32
        %add3A_1122 = arith.addi %mul3A_394, %add3A_1121 : i32
        %get3A_1123 = arith.constant 0 : i32
        %get3A_1124 = arith.index_cast %get3A_1123 : i32 to index
        %get3A_1125 = arith.index_cast %add3A_1122 : i32 to index
        %get3A_1126 = arith.constant 112 : index
        %get3A_1127 = tpu.vector_load %arg10[%get3A_1124, %get3A_1125, %get3A_1126] {strides = array<i32>} : memref<2x320x128xf32, #tpu.memory_space<vmem>>, vector<1x1x16xf32>,
        %get3A_1128 = vector.shape_cast %get3A_1127 : vector<1x1x16xf32> to vector<16xf32>
        %add3A_1129 = arith.constant 8 : i32
        %add3A_1130 = arith.addi %mul3A_394, %add3A_1129 : i32
        %get3A_1131 = arith.constant 0 : i32
        %get3A_1132 = arith.index_cast %get3A_1131 : i32 to index
        %get3A_1133 = arith.index_cast %add3A_1130 : i32 to index
        %get3A_1134 = arith.constant 112 : index
        %get3A_1135 = tpu.vector_load %arg10[%get3A_1132, %get3A_1133, %get3A_1134] {strides = array<i32>} : memref<2x320x128xf32, #tpu.memory_space<vmem>>, vector<1x1x16xf32>,
        %get3A_1136 = vector.shape_cast %get3A_1135 : vector<1x1x16xf32> to vector<16xf32>
        %add3A_1137 = arith.constant 9 : i32
        %add3A_1138 = arith.addi %mul3A_394, %add3A_1137 : i32
        %get3A_1139 = arith.constant 0 : i32
        %get3A_1140 = arith.index_cast %get3A_1139 : i32 to index
        %get3A_1141 = arith.index_cast %add3A_1138 : i32 to index
        %get3A_1142 = arith.constant 112 : index
        %get3A_1143 = tpu.vector_load %arg10[%get3A_1140, %get3A_1141, %get3A_1142] {strides = array<i32>} : memref<2x320x128xf32, #tpu.memory_space<vmem>>, vector<1x1x16xf32>,
        %get3A_1144 = vector.shape_cast %get3A_1143 : vector<1x1x16xf32> to vector<16xf32>
        %add3A_1145 = arith.addf %get3A_1072, %get3A_1080 : vector<16xf32>
        %add3A_1146 = arith.addf %get3A_1088, %get3A_1096 : vector<16xf32>
        %add3A_1147 = arith.addf %get3A_1104, %get3A_1112 : vector<16xf32>
        %add3A_1148 = arith.addf %get3A_1120, %get3A_1128 : vector<16xf32>
        %add3A_1149 = arith.addf %get3A_1136, %get3A_1144 : vector<16xf32>
        %add3A_1150 = arith.addf %add3A_1145, %add3A_1146 : vector<16xf32>
        %add3A_1151 = arith.addf %add3A_1147, %add3A_1148 : vector<16xf32>
        %add3A_1152 = arith.addf %add3A_1150, %add3A_1151 : vector<16xf32>
        %add3A_1153 = arith.addf %add3A_1152, %add3A_1149 : vector<16xf32>
        %swap3A_1154 = arith.constant 0 : i32
        %swap3A_1155 = arith.index_cast %swap3A_1154 : i32 to index
        %swap3A_1156 = arith.index_cast %scan3A_392 : i32 to index
        %swap3A_1157 = arith.constant 112 : index
        %swap3A_1158 = tpu.vector_load %arg11[%swap3A_1155, %swap3A_1156, %swap3A_1157] {strides = array<i32>} : memref<2x32x128xf32, #tpu.memory_space<vmem>>, vector<1x1x16xf32>,
        %swap3A_1159 = vector.shape_cast %swap3A_1158 : vector<1x1x16xf32> to vector<16xf32>
        %swap3A_1160 = vector.shape_cast %add3A_1153 : vector<16xf32> to vector<1x1x16xf32>
        tpu.vector_store %arg11[%swap3A_1155, %swap3A_1156, %swap3A_1157], %swap3A_1160 {strides = array<i32>} : memref<2x32x128xf32, #tpu.memory_space<vmem>>, vector<1x1x16xf32>,
      }
      %scan3A_270 = arith.constant 32 : i32
      %mul3A_271 = arith.constant 32 : i32
      %mul3A_272 = arith.muli %mul3A_167, %mul3A_271 : i32
      %add3A_273 = arith.addi %multiple_of3A, %mul3A_272 : i32
      %multiple_of3A_274 = tpu.assume_multiple %add3A_273, 8 : i32
      %dma_start3A_275 = arith.constant 0 : i32
      %dma_start3A_276 = arith.constant 0 : i32
      %dma_start3A_277 = arith.constant 0 : i32
      %dma_start3A_278 = arith.constant 0 : i32
      %dma_start3A_279 = tpu.memref_slice %arg9[%dma_start3A_275, %dma_start3A_277, %dma_start3A_278] : memref<2x32x128xf32, #tpu.memory_space<vmem>> -> memref<1x32x128xf32, #tpu.memory_space<vmem>>
      %dma_start3A_280 = tpu.memref_squeeze %dma_start3A_279 : memref<1x32x128xf32, #tpu.memory_space<vmem>> -> memref<32x128xf32, #tpu.memory_space<vmem>>
      %dma_start3A_281 = arith.constant 0 : i32
      %dma_start3A_282 = tpu.memref_slice %arg5[%multiple_of3A_274, %dma_start3A_281] : memref<51200x128xf32, #tpu.memory_space<hbm>> -> memref<32x128xf32, #tpu.memory_space<hbm>>
      %dma_start3A_283 = tpu.memref_slice %arg13[%dma_start3A_276] : memref<2x!tpu.dma_semaphore, #tpu.memory_space<semaphore_mem>> -> memref<1x!tpu.dma_semaphore, #tpu.memory_space<semaphore_mem>>
      %dma_start3A_284 = tpu.memref_squeeze %dma_start3A_283 : memref<1x!tpu.dma_semaphore, #tpu.memory_space<semaphore_mem>> -> memref<!tpu.dma_semaphore, #tpu.memory_space<semaphore_mem>>
      %dma_start3A_285 = arith.constant 0 : i32
      %dma_start3A_286 = tpu.memref_slice %arg5[%multiple_of3A_274, %dma_start3A_285] : memref<51200x128xf32, #tpu.memory_space<hbm>> -> memref<32x128xf32, #tpu.memory_space<hbm>>
      %dma_start3A_287 = arith.constant 0 : i32
      %dma_start3A_288 = arith.constant 0 : i32
      %dma_start3A_289 = tpu.memref_slice %arg9[%dma_start3A_275, %dma_start3A_287, %dma_start3A_288] : memref<2x32x128xf32, #tpu.memory_space<vmem>> -> memref<1x32x128xf32, #tpu.memory_space<vmem>>
      %dma_start3A_290 = tpu.memref_squeeze %dma_start3A_289 : memref<1x32x128xf32, #tpu.memory_space<vmem>> -> memref<32x128xf32, #tpu.memory_space<vmem>>
      tpu.enqueue_dma source(%dma_start3A_290 : memref<32x128xf32, #tpu.memory_space<vmem>>) target(%dma_start3A_286 : memref<32x128xf32, #tpu.memory_space<hbm>>) target_semaphore(%dma_start3A_284 : memref<!tpu.dma_semaphore, #tpu.memory_space<semaphore_mem>>)
      %dma_start3A_291 = arith.constant 0 : i32
      %dma_start3A_292 = arith.constant 0 : i32
      %dma_start3A_293 = arith.constant 0 : i32
      %dma_start3A_294 = arith.constant 0 : i32
      %dma_start3A_295 = tpu.memref_slice %arg11[%dma_start3A_291, %dma_start3A_293, %dma_start3A_294] : memref<2x32x128xf32, #tpu.memory_space<vmem>> -> memref<1x32x128xf32, #tpu.memory_space<vmem>>
      %dma_start3A_296 = tpu.memref_squeeze %dma_start3A_295 : memref<1x32x128xf32, #tpu.memory_space<vmem>> -> memref<32x128xf32, #tpu.memory_space<vmem>>
      %dma_start3A_297 = arith.constant 0 : i32
      %dma_start3A_298 = tpu.memref_slice %arg6[%multiple_of3A_274, %dma_start3A_297] : memref<51200x128xf32, #tpu.memory_space<hbm>> -> memref<32x128xf32, #tpu.memory_space<hbm>>
      %dma_start3A_299 = tpu.memref_slice %arg13[%dma_start3A_292] : memref<2x!tpu.dma_semaphore, #tpu.memory_space<semaphore_mem>> -> memref<1x!tpu.dma_semaphore, #tpu.memory_space<semaphore_mem>>
      %dma_start3A_300 = tpu.memref_squeeze %dma_start3A_299 : memref<1x!tpu.dma_semaphore, #tpu.memory_space<semaphore_mem>> -> memref<!tpu.dma_semaphore, #tpu.memory_space<semaphore_mem>>
      %dma_start3A_301 = arith.constant 0 : i32
      %dma_start3A_302 = tpu.memref_slice %arg6[%multiple_of3A_274, %dma_start3A_301] : memref<51200x128xf32, #tpu.memory_space<hbm>> -> memref<32x128xf32, #tpu.memory_space<hbm>>
      %dma_start3A_303 = arith.constant 0 : i32
      %dma_start3A_304 = arith.constant 0 : i32
      %dma_start3A_305 = tpu.memref_slice %arg11[%dma_start3A_291, %dma_start3A_303, %dma_start3A_304] : memref<2x32x128xf32, #tpu.memory_space<vmem>> -> memref<1x32x128xf32, #tpu.memory_space<vmem>>
      %dma_start3A_306 = tpu.memref_squeeze %dma_start3A_305 : memref<1x32x128xf32, #tpu.memory_space<vmem>> -> memref<32x128xf32, #tpu.memory_space<vmem>>
      tpu.enqueue_dma source(%dma_start3A_306 : memref<32x128xf32, #tpu.memory_space<vmem>>) target(%dma_start3A_302 : memref<32x128xf32, #tpu.memory_space<hbm>>) target_semaphore(%dma_start3A_300 : memref<!tpu.dma_semaphore, #tpu.memory_space<semaphore_mem>>)
      %dma_wait3A_307 = arith.constant 1 : i32
      %dma_wait3A_308 = arith.constant 1 : i32
      %dma_wait3A_309 = arith.constant 0 : i32
      %dma_wait3A_310 = arith.constant 0 : i32
      %dma_wait3A_311 = tpu.memref_slice %arg10[%dma_wait3A_307, %dma_wait3A_309, %dma_wait3A_310] : memref<2x320x128xf32, #tpu.memory_space<vmem>> -> memref<1x320x128xf32, #tpu.memory_space<vmem>>
      %dma_wait3A_312 = tpu.memref_squeeze %dma_wait3A_311 : memref<1x320x128xf32, #tpu.memory_space<vmem>> -> memref<320x128xf32, #tpu.memory_space<vmem>>
      %dma_wait3A_313 = arith.constant 0 : i32
      %dma_wait3A_314 = arith.constant 0 : i32
      %dma_wait3A_315 = tpu.memref_slice %arg2[%dma_wait3A_313, %dma_wait3A_314] : memref<100000x128xf32, #tpu.memory_space<hbm>> -> memref<320x128xf32, #tpu.memory_space<hbm>>
      %dma_wait3A_316 = tpu.memref_slice %arg12[%dma_wait3A_308] : memref<2x!tpu.dma_semaphore, #tpu.memory_space<semaphore_mem>> -> memref<1x!tpu.dma_semaphore, #tpu.memory_space<semaphore_mem>>
      %dma_wait3A_317 = tpu.memref_squeeze %dma_wait3A_316 : memref<1x!tpu.dma_semaphore, #tpu.memory_space<semaphore_mem>> -> memref<!tpu.dma_semaphore, #tpu.memory_space<semaphore_mem>>
      %dma_wait3A_318 = arith.constant 0 : i32
      %dma_wait3A_319 = arith.constant 0 : i32
      %dma_wait3A_320 = tpu.memref_slice %arg10[%dma_wait3A_307, %dma_wait3A_318, %dma_wait3A_319] : memref<2x320x128xf32, #tpu.memory_space<vmem>> -> memref<1x320x128xf32, #tpu.memory_space<vmem>>
      %dma_wait3A_321 = tpu.memref_squeeze %dma_wait3A_320 : memref<1x320x128xf32, #tpu.memory_space<vmem>> -> memref<320x128xf32, #tpu.memory_space<vmem>>
      %dma_wait3A_322 = arith.constant 0 : i32
      %dma_wait3A_323 = arith.constant 0 : i32
      %dma_wait3A_324 = tpu.memref_slice %arg2[%dma_wait3A_322, %dma_wait3A_323] : memref<100000x128xf32, #tpu.memory_space<hbm>> -> memref<320x128xf32, #tpu.memory_space<hbm>>
      tpu.wait_dma2 semaphore(%dma_wait3A_317 : memref<!tpu.dma_semaphore, #tpu.memory_space<semaphore_mem>>) src(%dma_wait3A_324 : memref<320x128xf32, #tpu.memory_space<hbm>>) dst(%dma_wait3A_321 : memref<320x128xf32, #tpu.memory_space<vmem>>)
      %dma_wait3A_325 = arith.constant 1 : i32
      %dma_wait3A_326 = arith.constant 1 : i32
      %dma_wait3A_327 = arith.constant 0 : i32
      %dma_wait3A_328 = arith.constant 0 : i32
      %dma_wait3A_329 = tpu.memref_slice %arg9[%dma_wait3A_325, %dma_wait3A_327, %dma_wait3A_328] : memref<2x32x128xf32, #tpu.memory_space<vmem>> -> memref<1x32x128xf32, #tpu.memory_space<vmem>>
      %dma_wait3A_330 = tpu.memref_squeeze %dma_wait3A_329 : memref<1x32x128xf32, #tpu.memory_space<vmem>> -> memref<32x128xf32, #tpu.memory_space<vmem>>
      %dma_wait3A_331 = arith.constant 0 : i32
      %dma_wait3A_332 = arith.constant 0 : i32
      %dma_wait3A_333 = tpu.memref_slice %arg2[%dma_wait3A_331, %dma_wait3A_332] : memref<100000x128xf32, #tpu.memory_space<hbm>> -> memref<32x128xf32, #tpu.memory_space<hbm>>
      %dma_wait3A_334 = tpu.memref_slice %arg12[%dma_wait3A_326] : memref<2x!tpu.dma_semaphore, #tpu.memory_space<semaphore_mem>> -> memref<1x!tpu.dma_semaphore, #tpu.memory_space<semaphore_mem>>
      %dma_wait3A_335 = tpu.memref_squeeze %dma_wait3A_334 : memref<1x!tpu.dma_semaphore, #tpu.memory_space<semaphore_mem>> -> memref<!tpu.dma_semaphore, #tpu.memory_space<semaphore_mem>>
      %dma_wait3A_336 = arith.constant 0 : i32
      %dma_wait3A_337 = arith.constant 0 : i32
      %dma_wait3A_338 = tpu.memref_slice %arg9[%dma_wait3A_325, %dma_wait3A_336, %dma_wait3A_337] : memref<2x32x128xf32, #tpu.memory_space<vmem>> -> memref<1x32x128xf32, #tpu.memory_space<vmem>>
      %dma_wait3A_339 = tpu.memref_squeeze %dma_wait3A_338 : memref<1x32x128xf32, #tpu.memory_space<vmem>> -> memref<32x128xf32, #tpu.memory_space<vmem>>
      %dma_wait3A_340 = arith.constant 0 : i32
      %dma_wait3A_341 = arith.constant 0 : i32
      %dma_wait3A_342 = tpu.memref_slice %arg2[%dma_wait3A_340, %dma_wait3A_341] : memref<100000x128xf32, #tpu.memory_space<hbm>> -> memref<32x128xf32, #tpu.memory_space<hbm>>
      tpu.wait_dma2 semaphore(%dma_wait3A_335 : memref<!tpu.dma_semaphore, #tpu.memory_space<semaphore_mem>>) src(%dma_wait3A_342 : memref<32x128xf32, #tpu.memory_space<hbm>>) dst(%dma_wait3A_339 : memref<32x128xf32, #tpu.memory_space<vmem>>)
      %sub3A_343 = arith.constant 1 : i32
      %sub3A_344 = arith.subi %select_n3A_29, %sub3A_343 : i32
      %lt3A = arith.cmpi slt, %while3A_165, %sub3A_344 : i32
      %convert_element_type3A_345 = arith.extui %lt3A : i1 to i32
      %cond3A_346 = arith.constant 0 : i32
      %cond3A_347 = arith.cmpi ne, %convert_element_type3A_345, %cond3A_346 : i32
      scf.if %cond3A_347 {
        %dma_wait3A_392 = arith.constant 0 : i32
        %dma_wait3A_393 = arith.constant 0 : i32
        %dma_wait3A_394 = arith.constant 0 : i32
        %dma_wait3A_395 = arith.constant 0 : i32
        %dma_wait3A_396 = tpu.memref_slice %arg9[%dma_wait3A_392, %dma_wait3A_394, %dma_wait3A_395] : memref<2x32x128xf32, #tpu.memory_space<vmem>> -> memref<1x32x128xf32, #tpu.memory_space<vmem>>
        %dma_wait3A_397 = tpu.memref_squeeze %dma_wait3A_396 : memref<1x32x128xf32, #tpu.memory_space<vmem>> -> memref<32x128xf32, #tpu.memory_space<vmem>>
        %dma_wait3A_398 = arith.constant 0 : i32
        %dma_wait3A_399 = arith.constant 0 : i32
        %dma_wait3A_400 = tpu.memref_slice %arg5[%dma_wait3A_398, %dma_wait3A_399] : memref<51200x128xf32, #tpu.memory_space<hbm>> -> memref<32x128xf32, #tpu.memory_space<hbm>>
        %dma_wait3A_401 = tpu.memref_slice %arg13[%dma_wait3A_393] : memref<2x!tpu.dma_semaphore, #tpu.memory_space<semaphore_mem>> -> memref<1x!tpu.dma_semaphore, #tpu.memory_space<semaphore_mem>>
        %dma_wait3A_402 = tpu.memref_squeeze %dma_wait3A_401 : memref<1x!tpu.dma_semaphore, #tpu.memory_space<semaphore_mem>> -> memref<!tpu.dma_semaphore, #tpu.memory_space<semaphore_mem>>
        %dma_wait3A_403 = arith.constant 0 : i32
        %dma_wait3A_404 = arith.constant 0 : i32
        %dma_wait3A_405 = tpu.memref_slice %arg5[%dma_wait3A_403, %dma_wait3A_404] : memref<51200x128xf32, #tpu.memory_space<hbm>> -> memref<32x128xf32, #tpu.memory_space<hbm>>
        %dma_wait3A_406 = arith.constant 0 : i32
        %dma_wait3A_407 = arith.constant 0 : i32
        %dma_wait3A_408 = tpu.memref_slice %arg9[%dma_wait3A_392, %dma_wait3A_406, %dma_wait3A_407] : memref<2x32x128xf32, #tpu.memory_space<vmem>> -> memref<1x32x128xf32, #tpu.memory_space<vmem>>
        %dma_wait3A_409 = tpu.memref_squeeze %dma_wait3A_408 : memref<1x32x128xf32, #tpu.memory_space<vmem>> -> memref<32x128xf32, #tpu.memory_space<vmem>>
        tpu.wait_dma2 semaphore(%dma_wait3A_402 : memref<!tpu.dma_semaphore, #tpu.memory_space<semaphore_mem>>) src(%dma_wait3A_409 : memref<32x128xf32, #tpu.memory_space<vmem>>) dst(%dma_wait3A_405 : memref<32x128xf32, #tpu.memory_space<hbm>>)
        %dma_wait3A_410 = arith.constant 0 : i32
        %dma_wait3A_411 = arith.constant 0 : i32
        %dma_wait3A_412 = arith.constant 0 : i32
        %dma_wait3A_413 = arith.constant 0 : i32
        %dma_wait3A_414 = tpu.memref_slice %arg11[%dma_wait3A_410, %dma_wait3A_412, %dma_wait3A_413] : memref<2x32x128xf32, #tpu.memory_space<vmem>> -> memref<1x32x128xf32, #tpu.memory_space<vmem>>
        %dma_wait3A_415 = tpu.memref_squeeze %dma_wait3A_414 : memref<1x32x128xf32, #tpu.memory_space<vmem>> -> memref<32x128xf32, #tpu.memory_space<vmem>>
        %dma_wait3A_416 = arith.constant 0 : i32
        %dma_wait3A_417 = arith.constant 0 : i32
        %dma_wait3A_418 = tpu.memref_slice %arg6[%dma_wait3A_416, %dma_wait3A_417] : memref<51200x128xf32, #tpu.memory_space<hbm>> -> memref<32x128xf32, #tpu.memory_space<hbm>>
        %dma_wait3A_419 = tpu.memref_slice %arg13[%dma_wait3A_411] : memref<2x!tpu.dma_semaphore, #tpu.memory_space<semaphore_mem>> -> memref<1x!tpu.dma_semaphore, #tpu.memory_space<semaphore_mem>>
        %dma_wait3A_420 = tpu.memref_squeeze %dma_wait3A_419 : memref<1x!tpu.dma_semaphore, #tpu.memory_space<semaphore_mem>> -> memref<!tpu.dma_semaphore, #tpu.memory_space<semaphore_mem>>
        %dma_wait3A_421 = arith.constant 0 : i32
        %dma_wait3A_422 = arith.constant 0 : i32
        %dma_wait3A_423 = tpu.memref_slice %arg6[%dma_wait3A_421, %dma_wait3A_422] : memref<51200x128xf32, #tpu.memory_space<hbm>> -> memref<32x128xf32, #tpu.memory_space<hbm>>
        %dma_wait3A_424 = arith.constant 0 : i32
        %dma_wait3A_425 = arith.constant 0 : i32
        %dma_wait3A_426 = tpu.memref_slice %arg11[%dma_wait3A_410, %dma_wait3A_424, %dma_wait3A_425] : memref<2x32x128xf32, #tpu.memory_space<vmem>> -> memref<1x32x128xf32, #tpu.memory_space<vmem>>
        %dma_wait3A_427 = tpu.memref_squeeze %dma_wait3A_426 : memref<1x32x128xf32, #tpu.memory_space<vmem>> -> memref<32x128xf32, #tpu.memory_space<vmem>>
        tpu.wait_dma2 semaphore(%dma_wait3A_420 : memref<!tpu.dma_semaphore, #tpu.memory_space<semaphore_mem>>) src(%dma_wait3A_427 : memref<32x128xf32, #tpu.memory_space<vmem>>) dst(%dma_wait3A_423 : memref<32x128xf32, #tpu.memory_space<hbm>>)
        %add3A_428 = arith.constant 2 : i32
        %add3A_429 = arith.addi %mul3A_167, %add3A_428 : i32
        %mul3A_430 = arith.constant 32 : i32
        %mul3A_431 = arith.muli %add3A_429, %mul3A_430 : i32
        %multiple_of3A_432 = tpu.assume_multiple %mul3A_431, 8 : i32
        %mul3A_433 = arith.constant 320 : i32
        %mul3A_434 = arith.muli %add3A_429, %mul3A_433 : i32
        %multiple_of3A_435 = tpu.assume_multiple %mul3A_434, 8 : i32
        %dma_start3A_436 = arith.constant 0 : i32
        %dma_start3A_437 = arith.constant 0 : i32
        %dma_start3A_438 = arith.constant 0 : i32
        %dma_start3A_439 = arith.constant 0 : i32
        %dma_start3A_440 = tpu.memref_slice %arg9[%dma_start3A_436, %dma_start3A_438, %dma_start3A_439] : memref<2x32x128xf32, #tpu.memory_space<vmem>> -> memref<1x32x128xf32, #tpu.memory_space<vmem>>
        %dma_start3A_441 = tpu.memref_squeeze %dma_start3A_440 : memref<1x32x128xf32, #tpu.memory_space<vmem>> -> memref<32x128xf32, #tpu.memory_space<vmem>>
        %dma_start3A_442 = tpu.memref_slice %arg7[%multiple_of3A_432] : memref<2432xi32, #tpu.memory_space<vmem>> -> memref<32xi32, #tpu.memory_space<vmem>>
        %dma_start3A_443 = arith.constant 0 : i32
        %dma_start3A_444 = arith.constant 0 : i32
        %dma_start3A_445 = tpu.memref_slice %arg2[%dma_start3A_443, %dma_start3A_444] : memref<100000x128xf32, #tpu.memory_space<hbm>> -> memref<100000x128xf32, #tpu.memory_space<hbm>>
        %dma_start3A_446 = tpu.memref_slice %arg12[%dma_start3A_437] : memref<2x!tpu.dma_semaphore, #tpu.memory_space<semaphore_mem>> -> memref<1x!tpu.dma_semaphore, #tpu.memory_space<semaphore_mem>>
        %dma_start3A_447 = tpu.memref_squeeze %dma_start3A_446 : memref<1x!tpu.dma_semaphore, #tpu.memory_space<semaphore_mem>> -> memref<!tpu.dma_semaphore, #tpu.memory_space<semaphore_mem>>
        tpu.enqueue_indirect_dma source(%dma_start3A_445 : memref<100000x128xf32, #tpu.memory_space<hbm>>) target(%dma_start3A_441 : memref<32x128xf32, #tpu.memory_space<vmem>>) offsets(%dma_start3A_442 : memref<32xi32, #tpu.memory_space<vmem>>) semaphore(%dma_start3A_447 : memref<!tpu.dma_semaphore, #tpu.memory_space<semaphore_mem>>)
        %dma_start3A_448 = arith.constant 0 : i32
        %dma_start3A_449 = arith.constant 0 : i32
        %dma_start3A_450 = arith.constant 0 : i32
        %dma_start3A_451 = arith.constant 0 : i32
        %dma_start3A_452 = tpu.memref_slice %arg10[%dma_start3A_448, %dma_start3A_450, %dma_start3A_451] : memref<2x320x128xf32, #tpu.memory_space<vmem>> -> memref<1x128x128xf32, #tpu.memory_space<vmem>>
        %dma_start3A_453 = tpu.memref_squeeze %dma_start3A_452 : memref<1x128x128xf32, #tpu.memory_space<vmem>> -> memref<128x128xf32, #tpu.memory_space<vmem>>
        %dma_start3A_454 = tpu.memref_slice %arg8[%multiple_of3A_435] : memref<24320xi32, #tpu.memory_space<vmem>> -> memref<128xi32, #tpu.memory_space<vmem>>
        %dma_start3A_455 = arith.constant 0 : i32
        %dma_start3A_456 = arith.constant 0 : i32
        %dma_start3A_457 = tpu.memref_slice %arg2[%dma_start3A_455, %dma_start3A_456] : memref<100000x128xf32, #tpu.memory_space<hbm>> -> memref<100000x128xf32, #tpu.memory_space<hbm>>
        %dma_start3A_458 = tpu.memref_slice %arg12[%dma_start3A_449] : memref<2x!tpu.dma_semaphore, #tpu.memory_space<semaphore_mem>> -> memref<1x!tpu.dma_semaphore, #tpu.memory_space<semaphore_mem>>
        %dma_start3A_459 = tpu.memref_squeeze %dma_start3A_458 : memref<1x!tpu.dma_semaphore, #tpu.memory_space<semaphore_mem>> -> memref<!tpu.dma_semaphore, #tpu.memory_space<semaphore_mem>>
        tpu.enqueue_indirect_dma source(%dma_start3A_457 : memref<100000x128xf32, #tpu.memory_space<hbm>>) target(%dma_start3A_453 : memref<128x128xf32, #tpu.memory_space<vmem>>) offsets(%dma_start3A_454 : memref<128xi32, #tpu.memory_space<vmem>>) semaphore(%dma_start3A_459 : memref<!tpu.dma_semaphore, #tpu.memory_space<semaphore_mem>>)
        %add3A_460 = arith.constant 128 : i32
        %add3A_461 = arith.addi %multiple_of3A_435, %add3A_460 : i32
        %dma_start3A_462 = arith.constant 0 : i32
        %dma_start3A_463 = arith.constant 0 : i32
        %dma_start3A_464 = arith.constant 128 : i32
        %dma_start3A_465 = arith.constant 0 : i32
        %dma_start3A_466 = tpu.memref_slice %arg10[%dma_start3A_462, %dma_start3A_464, %dma_start3A_465] : memref<2x320x128xf32, #tpu.memory_space<vmem>> -> memref<1x128x128xf32, #tpu.memory_space<vmem>>
        %dma_start3A_467 = tpu.memref_squeeze %dma_start3A_466 : memref<1x128x128xf32, #tpu.memory_space<vmem>> -> memref<128x128xf32, #tpu.memory_space<vmem>>
        %dma_start3A_468 = tpu.memref_slice %arg8[%add3A_461] : memref<24320xi32, #tpu.memory_space<vmem>> -> memref<128xi32, #tpu.memory_space<vmem>>
        %dma_start3A_469 = arith.constant 0 : i32
        %dma_start3A_470 = arith.constant 0 : i32
        %dma_start3A_471 = tpu.memref_slice %arg2[%dma_start3A_469, %dma_start3A_470] : memref<100000x128xf32, #tpu.memory_space<hbm>> -> memref<100000x128xf32, #tpu.memory_space<hbm>>
        %dma_start3A_472 = tpu.memref_slice %arg12[%dma_start3A_463] : memref<2x!tpu.dma_semaphore, #tpu.memory_space<semaphore_mem>> -> memref<1x!tpu.dma_semaphore, #tpu.memory_space<semaphore_mem>>
        %dma_start3A_473 = tpu.memref_squeeze %dma_start3A_472 : memref<1x!tpu.dma_semaphore, #tpu.memory_space<semaphore_mem>> -> memref<!tpu.dma_semaphore, #tpu.memory_space<semaphore_mem>>
        tpu.enqueue_indirect_dma source(%dma_start3A_471 : memref<100000x128xf32, #tpu.memory_space<hbm>>) target(%dma_start3A_467 : memref<128x128xf32, #tpu.memory_space<vmem>>) offsets(%dma_start3A_468 : memref<128xi32, #tpu.memory_space<vmem>>) semaphore(%dma_start3A_473 : memref<!tpu.dma_semaphore, #tpu.memory_space<semaphore_mem>>)
        %add3A_474 = arith.constant 256 : i32
        %add3A_475 = arith.addi %multiple_of3A_435, %add3A_474 : i32
        %dma_start3A_476 = arith.constant 0 : i32
        %dma_start3A_477 = arith.constant 0 : i32
        %dma_start3A_478 = arith.constant 256 : i32
        %dma_start3A_479 = arith.constant 0 : i32
        %dma_start3A_480 = tpu.memref_slice %arg10[%dma_start3A_476, %dma_start3A_478, %dma_start3A_479] : memref<2x320x128xf32, #tpu.memory_space<vmem>> -> memref<1x64x128xf32, #tpu.memory_space<vmem>>
        %dma_start3A_481 = tpu.memref_squeeze %dma_start3A_480 : memref<1x64x128xf32, #tpu.memory_space<vmem>> -> memref<64x128xf32, #tpu.memory_space<vmem>>
        %dma_start3A_482 = tpu.memref_slice %arg8[%add3A_475] : memref<24320xi32, #tpu.memory_space<vmem>> -> memref<64xi32, #tpu.memory_space<vmem>>
        %dma_start3A_483 = arith.constant 0 : i32
        %dma_start3A_484 = arith.constant 0 : i32
        %dma_start3A_485 = tpu.memref_slice %arg2[%dma_start3A_483, %dma_start3A_484] : memref<100000x128xf32, #tpu.memory_space<hbm>> -> memref<100000x128xf32, #tpu.memory_space<hbm>>
        %dma_start3A_486 = tpu.memref_slice %arg12[%dma_start3A_477] : memref<2x!tpu.dma_semaphore, #tpu.memory_space<semaphore_mem>> -> memref<1x!tpu.dma_semaphore, #tpu.memory_space<semaphore_mem>>
        %dma_start3A_487 = tpu.memref_squeeze %dma_start3A_486 : memref<1x!tpu.dma_semaphore, #tpu.memory_space<semaphore_mem>> -> memref<!tpu.dma_semaphore, #tpu.memory_space<semaphore_mem>>
        tpu.enqueue_indirect_dma source(%dma_start3A_485 : memref<100000x128xf32, #tpu.memory_space<hbm>>) target(%dma_start3A_481 : memref<64x128xf32, #tpu.memory_space<vmem>>) offsets(%dma_start3A_482 : memref<64xi32, #tpu.memory_space<vmem>>) semaphore(%dma_start3A_487 : memref<!tpu.dma_semaphore, #tpu.memory_space<semaphore_mem>>)
      } else {
      }
      %scan3A_348 = arith.constant 0 : i32
      %scan3A_349 = arith.constant 0 : i32
      %scan3A_350 = arith.constant 32 : i32
      %scan3A_351 = arith.addi %scan3A_349, %scan3A_350 : i32
      %scan3A_352 = arith.constant 1 : i32
      scf.for %scan3A_392 = %scan3A_349 to %scan3A_351 step %scan3A_352  : i32 {
        %mul3A_393 = arith.constant 10 : i32
        %mul3A_394 = arith.muli %scan3A_392, %mul3A_393 : i32
        %add3A_395 = arith.constant 0 : i32
        %add3A_396 = arith.addi %mul3A_394, %add3A_395 : i32
        %get3A = arith.constant 1 : i32
        %get3A_397 = arith.index_cast %get3A : i32 to index
        %get3A_398 = arith.index_cast %add3A_396 : i32 to index
        %get3A_399 = arith.constant 0 : index
        %get3A_400 = tpu.vector_load %arg10[%get3A_397, %get3A_398, %get3A_399] {strides = array<i32>} : memref<2x320x128xf32, #tpu.memory_space<vmem>>, vector<1x1x16xf32>,
        %get3A_401 = vector.shape_cast %get3A_400 : vector<1x1x16xf32> to vector<16xf32>
        %add3A_402 = arith.constant 1 : i32
        %add3A_403 = arith.addi %mul3A_394, %add3A_402 : i32
        %get3A_404 = arith.constant 1 : i32
        %get3A_405 = arith.index_cast %get3A_404 : i32 to index
        %get3A_406 = arith.index_cast %add3A_403 : i32 to index
        %get3A_407 = arith.constant 0 : index
        %get3A_408 = tpu.vector_load %arg10[%get3A_405, %get3A_406, %get3A_407] {strides = array<i32>} : memref<2x320x128xf32, #tpu.memory_space<vmem>>, vector<1x1x16xf32>,
        %get3A_409 = vector.shape_cast %get3A_408 : vector<1x1x16xf32> to vector<16xf32>
        %add3A_410 = arith.constant 2 : i32
        %add3A_411 = arith.addi %mul3A_394, %add3A_410 : i32
        %get3A_412 = arith.constant 1 : i32
        %get3A_413 = arith.index_cast %get3A_412 : i32 to index
        %get3A_414 = arith.index_cast %add3A_411 : i32 to index
        %get3A_415 = arith.constant 0 : index
        %get3A_416 = tpu.vector_load %arg10[%get3A_413, %get3A_414, %get3A_415] {strides = array<i32>} : memref<2x320x128xf32, #tpu.memory_space<vmem>>, vector<1x1x16xf32>,
        %get3A_417 = vector.shape_cast %get3A_416 : vector<1x1x16xf32> to vector<16xf32>
        %add3A_418 = arith.constant 3 : i32
        %add3A_419 = arith.addi %mul3A_394, %add3A_418 : i32
        %get3A_420 = arith.constant 1 : i32
        %get3A_421 = arith.index_cast %get3A_420 : i32 to index
        %get3A_422 = arith.index_cast %add3A_419 : i32 to index
        %get3A_423 = arith.constant 0 : index
        %get3A_424 = tpu.vector_load %arg10[%get3A_421, %get3A_422, %get3A_423] {strides = array<i32>} : memref<2x320x128xf32, #tpu.memory_space<vmem>>, vector<1x1x16xf32>,
        %get3A_425 = vector.shape_cast %get3A_424 : vector<1x1x16xf32> to vector<16xf32>
        %add3A_426 = arith.constant 4 : i32
        %add3A_427 = arith.addi %mul3A_394, %add3A_426 : i32
        %get3A_428 = arith.constant 1 : i32
        %get3A_429 = arith.index_cast %get3A_428 : i32 to index
        %get3A_430 = arith.index_cast %add3A_427 : i32 to index
        %get3A_431 = arith.constant 0 : index
        %get3A_432 = tpu.vector_load %arg10[%get3A_429, %get3A_430, %get3A_431] {strides = array<i32>} : memref<2x320x128xf32, #tpu.memory_space<vmem>>, vector<1x1x16xf32>,
        %get3A_433 = vector.shape_cast %get3A_432 : vector<1x1x16xf32> to vector<16xf32>
        %add3A_434 = arith.constant 5 : i32
        %add3A_435 = arith.addi %mul3A_394, %add3A_434 : i32
        %get3A_436 = arith.constant 1 : i32
        %get3A_437 = arith.index_cast %get3A_436 : i32 to index
        %get3A_438 = arith.index_cast %add3A_435 : i32 to index
        %get3A_439 = arith.constant 0 : index
        %get3A_440 = tpu.vector_load %arg10[%get3A_437, %get3A_438, %get3A_439] {strides = array<i32>} : memref<2x320x128xf32, #tpu.memory_space<vmem>>, vector<1x1x16xf32>,
        %get3A_441 = vector.shape_cast %get3A_440 : vector<1x1x16xf32> to vector<16xf32>
        %add3A_442 = arith.constant 6 : i32
        %add3A_443 = arith.addi %mul3A_394, %add3A_442 : i32
        %get3A_444 = arith.constant 1 : i32
        %get3A_445 = arith.index_cast %get3A_444 : i32 to index
        %get3A_446 = arith.index_cast %add3A_443 : i32 to index
        %get3A_447 = arith.constant 0 : index
        %get3A_448 = tpu.vector_load %arg10[%get3A_445, %get3A_446, %get3A_447] {strides = array<i32>} : memref<2x320x128xf32, #tpu.memory_space<vmem>>, vector<1x1x16xf32>,
        %get3A_449 = vector.shape_cast %get3A_448 : vector<1x1x16xf32> to vector<16xf32>
        %add3A_450 = arith.constant 7 : i32
        %add3A_451 = arith.addi %mul3A_394, %add3A_450 : i32
        %get3A_452 = arith.constant 1 : i32
        %get3A_453 = arith.index_cast %get3A_452 : i32 to index
        %get3A_454 = arith.index_cast %add3A_451 : i32 to index
        %get3A_455 = arith.constant 0 : index
        %get3A_456 = tpu.vector_load %arg10[%get3A_453, %get3A_454, %get3A_455] {strides = array<i32>} : memref<2x320x128xf32, #tpu.memory_space<vmem>>, vector<1x1x16xf32>,
        %get3A_457 = vector.shape_cast %get3A_456 : vector<1x1x16xf32> to vector<16xf32>
        %add3A_458 = arith.constant 8 : i32
        %add3A_459 = arith.addi %mul3A_394, %add3A_458 : i32
        %get3A_460 = arith.constant 1 : i32
        %get3A_461 = arith.index_cast %get3A_460 : i32 to index
        %get3A_462 = arith.index_cast %add3A_459 : i32 to index
        %get3A_463 = arith.constant 0 : index
        %get3A_464 = tpu.vector_load %arg10[%get3A_461, %get3A_462, %get3A_463] {strides = array<i32>} : memref<2x320x128xf32, #tpu.memory_space<vmem>>, vector<1x1x16xf32>,
        %get3A_465 = vector.shape_cast %get3A_464 : vector<1x1x16xf32> to vector<16xf32>
        %add3A_466 = arith.constant 9 : i32
        %add3A_467 = arith.addi %mul3A_394, %add3A_466 : i32
        %get3A_468 = arith.constant 1 : i32
        %get3A_469 = arith.index_cast %get3A_468 : i32 to index
        %get3A_470 = arith.index_cast %add3A_467 : i32 to index
        %get3A_471 = arith.constant 0 : index
        %get3A_472 = tpu.vector_load %arg10[%get3A_469, %get3A_470, %get3A_471] {strides = array<i32>} : memref<2x320x128xf32, #tpu.memory_space<vmem>>, vector<1x1x16xf32>,
        %get3A_473 = vector.shape_cast %get3A_472 : vector<1x1x16xf32> to vector<16xf32>
        %add3A_474 = arith.addf %get3A_401, %get3A_409 : vector<16xf32>
        %add3A_475 = arith.addf %get3A_417, %get3A_425 : vector<16xf32>
        %add3A_476 = arith.addf %get3A_433, %get3A_441 : vector<16xf32>
        %add3A_477 = arith.addf %get3A_449, %get3A_457 : vector<16xf32>
        %add3A_478 = arith.addf %get3A_465, %get3A_473 : vector<16xf32>
        %add3A_479 = arith.addf %add3A_474, %add3A_475 : vector<16xf32>
        %add3A_480 = arith.addf %add3A_476, %add3A_477 : vector<16xf32>
        %add3A_481 = arith.addf %add3A_479, %add3A_480 : vector<16xf32>
        %add3A_482 = arith.addf %add3A_481, %add3A_478 : vector<16xf32>
        %swap3A = arith.constant 1 : i32
        %swap3A_483 = arith.index_cast %swap3A : i32 to index
        %swap3A_484 = arith.index_cast %scan3A_392 : i32 to index
        %swap3A_485 = arith.constant 0 : index
        %swap3A_486 = tpu.vector_load %arg11[%swap3A_483, %swap3A_484, %swap3A_485] {strides = array<i32>} : memref<2x32x128xf32, #tpu.memory_space<vmem>>, vector<1x1x16xf32>,
        %swap3A_487 = vector.shape_cast %swap3A_486 : vector<1x1x16xf32> to vector<16xf32>
        %swap3A_488 = vector.shape_cast %add3A_482 : vector<16xf32> to vector<1x1x16xf32>
        tpu.vector_store %arg11[%swap3A_483, %swap3A_484, %swap3A_485], %swap3A_488 {strides = array<i32>} : memref<2x32x128xf32, #tpu.memory_space<vmem>>, vector<1x1x16xf32>,
        %add3A_489 = arith.constant 0 : i32
        %add3A_490 = arith.addi %mul3A_394, %add3A_489 : i32
        %get3A_491 = arith.constant 1 : i32
        %get3A_492 = arith.index_cast %get3A_491 : i32 to index
        %get3A_493 = arith.index_cast %add3A_490 : i32 to index
        %get3A_494 = arith.constant 16 : index
        %get3A_495 = tpu.vector_load %arg10[%get3A_492, %get3A_493, %get3A_494] {strides = array<i32>} : memref<2x320x128xf32, #tpu.memory_space<vmem>>, vector<1x1x16xf32>,
        %get3A_496 = vector.shape_cast %get3A_495 : vector<1x1x16xf32> to vector<16xf32>
        %add3A_497 = arith.constant 1 : i32
        %add3A_498 = arith.addi %mul3A_394, %add3A_497 : i32
        %get3A_499 = arith.constant 1 : i32
        %get3A_500 = arith.index_cast %get3A_499 : i32 to index
        %get3A_501 = arith.index_cast %add3A_498 : i32 to index
        %get3A_502 = arith.constant 16 : index
        %get3A_503 = tpu.vector_load %arg10[%get3A_500, %get3A_501, %get3A_502] {strides = array<i32>} : memref<2x320x128xf32, #tpu.memory_space<vmem>>, vector<1x1x16xf32>,
        %get3A_504 = vector.shape_cast %get3A_503 : vector<1x1x16xf32> to vector<16xf32>
        %add3A_505 = arith.constant 2 : i32
        %add3A_506 = arith.addi %mul3A_394, %add3A_505 : i32
        %get3A_507 = arith.constant 1 : i32
        %get3A_508 = arith.index_cast %get3A_507 : i32 to index
        %get3A_509 = arith.index_cast %add3A_506 : i32 to index
        %get3A_510 = arith.constant 16 : index
        %get3A_511 = tpu.vector_load %arg10[%get3A_508, %get3A_509, %get3A_510] {strides = array<i32>} : memref<2x320x128xf32, #tpu.memory_space<vmem>>, vector<1x1x16xf32>,
        %get3A_512 = vector.shape_cast %get3A_511 : vector<1x1x16xf32> to vector<16xf32>
        %add3A_513 = arith.constant 3 : i32
        %add3A_514 = arith.addi %mul3A_394, %add3A_513 : i32
        %get3A_515 = arith.constant 1 : i32
        %get3A_516 = arith.index_cast %get3A_515 : i32 to index
        %get3A_517 = arith.index_cast %add3A_514 : i32 to index
        %get3A_518 = arith.constant 16 : index
        %get3A_519 = tpu.vector_load %arg10[%get3A_516, %get3A_517, %get3A_518] {strides = array<i32>} : memref<2x320x128xf32, #tpu.memory_space<vmem>>, vector<1x1x16xf32>,
        %get3A_520 = vector.shape_cast %get3A_519 : vector<1x1x16xf32> to vector<16xf32>
        %add3A_521 = arith.constant 4 : i32
        %add3A_522 = arith.addi %mul3A_394, %add3A_521 : i32
        %get3A_523 = arith.constant 1 : i32
        %get3A_524 = arith.index_cast %get3A_523 : i32 to index
        %get3A_525 = arith.index_cast %add3A_522 : i32 to index
        %get3A_526 = arith.constant 16 : index
        %get3A_527 = tpu.vector_load %arg10[%get3A_524, %get3A_525, %get3A_526] {strides = array<i32>} : memref<2x320x128xf32, #tpu.memory_space<vmem>>, vector<1x1x16xf32>,
        %get3A_528 = vector.shape_cast %get3A_527 : vector<1x1x16xf32> to vector<16xf32>
        %add3A_529 = arith.constant 5 : i32
        %add3A_530 = arith.addi %mul3A_394, %add3A_529 : i32
        %get3A_531 = arith.constant 1 : i32
        %get3A_532 = arith.index_cast %get3A_531 : i32 to index
        %get3A_533 = arith.index_cast %add3A_530 : i32 to index
        %get3A_534 = arith.constant 16 : index
        %get3A_535 = tpu.vector_load %arg10[%get3A_532, %get3A_533, %get3A_534] {strides = array<i32>} : memref<2x320x128xf32, #tpu.memory_space<vmem>>, vector<1x1x16xf32>,
        %get3A_536 = vector.shape_cast %get3A_535 : vector<1x1x16xf32> to vector<16xf32>
        %add3A_537 = arith.constant 6 : i32
        %add3A_538 = arith.addi %mul3A_394, %add3A_537 : i32
        %get3A_539 = arith.constant 1 : i32
        %get3A_540 = arith.index_cast %get3A_539 : i32 to index
        %get3A_541 = arith.index_cast %add3A_538 : i32 to index
        %get3A_542 = arith.constant 16 : index
        %get3A_543 = tpu.vector_load %arg10[%get3A_540, %get3A_541, %get3A_542] {strides = array<i32>} : memref<2x320x128xf32, #tpu.memory_space<vmem>>, vector<1x1x16xf32>,
        %get3A_544 = vector.shape_cast %get3A_543 : vector<1x1x16xf32> to vector<16xf32>
        %add3A_545 = arith.constant 7 : i32
        %add3A_546 = arith.addi %mul3A_394, %add3A_545 : i32
        %get3A_547 = arith.constant 1 : i32
        %get3A_548 = arith.index_cast %get3A_547 : i32 to index
        %get3A_549 = arith.index_cast %add3A_546 : i32 to index
        %get3A_550 = arith.constant 16 : index
        %get3A_551 = tpu.vector_load %arg10[%get3A_548, %get3A_549, %get3A_550] {strides = array<i32>} : memref<2x320x128xf32, #tpu.memory_space<vmem>>, vector<1x1x16xf32>,
        %get3A_552 = vector.shape_cast %get3A_551 : vector<1x1x16xf32> to vector<16xf32>
        %add3A_553 = arith.constant 8 : i32
        %add3A_554 = arith.addi %mul3A_394, %add3A_553 : i32
        %get3A_555 = arith.constant 1 : i32
        %get3A_556 = arith.index_cast %get3A_555 : i32 to index
        %get3A_557 = arith.index_cast %add3A_554 : i32 to index
        %get3A_558 = arith.constant 16 : index
        %get3A_559 = tpu.vector_load %arg10[%get3A_556, %get3A_557, %get3A_558] {strides = array<i32>} : memref<2x320x128xf32, #tpu.memory_space<vmem>>, vector<1x1x16xf32>,
        %get3A_560 = vector.shape_cast %get3A_559 : vector<1x1x16xf32> to vector<16xf32>
        %add3A_561 = arith.constant 9 : i32
        %add3A_562 = arith.addi %mul3A_394, %add3A_561 : i32
        %get3A_563 = arith.constant 1 : i32
        %get3A_564 = arith.index_cast %get3A_563 : i32 to index
        %get3A_565 = arith.index_cast %add3A_562 : i32 to index
        %get3A_566 = arith.constant 16 : index
        %get3A_567 = tpu.vector_load %arg10[%get3A_564, %get3A_565, %get3A_566] {strides = array<i32>} : memref<2x320x128xf32, #tpu.memory_space<vmem>>, vector<1x1x16xf32>,
        %get3A_568 = vector.shape_cast %get3A_567 : vector<1x1x16xf32> to vector<16xf32>
        %add3A_569 = arith.addf %get3A_496, %get3A_504 : vector<16xf32>
        %add3A_570 = arith.addf %get3A_512, %get3A_520 : vector<16xf32>
        %add3A_571 = arith.addf %get3A_528, %get3A_536 : vector<16xf32>
        %add3A_572 = arith.addf %get3A_544, %get3A_552 : vector<16xf32>
        %add3A_573 = arith.addf %get3A_560, %get3A_568 : vector<16xf32>
        %add3A_574 = arith.addf %add3A_569, %add3A_570 : vector<16xf32>
        %add3A_575 = arith.addf %add3A_571, %add3A_572 : vector<16xf32>
        %add3A_576 = arith.addf %add3A_574, %add3A_575 : vector<16xf32>
        %add3A_577 = arith.addf %add3A_576, %add3A_573 : vector<16xf32>
        %swap3A_578 = arith.constant 1 : i32
        %swap3A_579 = arith.index_cast %swap3A_578 : i32 to index
        %swap3A_580 = arith.index_cast %scan3A_392 : i32 to index
        %swap3A_581 = arith.constant 16 : index
        %swap3A_582 = tpu.vector_load %arg11[%swap3A_579, %swap3A_580, %swap3A_581] {strides = array<i32>} : memref<2x32x128xf32, #tpu.memory_space<vmem>>, vector<1x1x16xf32>,
        %swap3A_583 = vector.shape_cast %swap3A_582 : vector<1x1x16xf32> to vector<16xf32>
        %swap3A_584 = vector.shape_cast %add3A_577 : vector<16xf32> to vector<1x1x16xf32>
        tpu.vector_store %arg11[%swap3A_579, %swap3A_580, %swap3A_581], %swap3A_584 {strides = array<i32>} : memref<2x32x128xf32, #tpu.memory_space<vmem>>, vector<1x1x16xf32>,
        %add3A_585 = arith.constant 0 : i32
        %add3A_586 = arith.addi %mul3A_394, %add3A_585 : i32
        %get3A_587 = arith.constant 1 : i32
        %get3A_588 = arith.index_cast %get3A_587 : i32 to index
        %get3A_589 = arith.index_cast %add3A_586 : i32 to index
        %get3A_590 = arith.constant 32 : index
        %get3A_591 = tpu.vector_load %arg10[%get3A_588, %get3A_589, %get3A_590] {strides = array<i32>} : memref<2x320x128xf32, #tpu.memory_space<vmem>>, vector<1x1x16xf32>,
        %get3A_592 = vector.shape_cast %get3A_591 : vector<1x1x16xf32> to vector<16xf32>
        %add3A_593 = arith.constant 1 : i32
        %add3A_594 = arith.addi %mul3A_394, %add3A_593 : i32
        %get3A_595 = arith.constant 1 : i32
        %get3A_596 = arith.index_cast %get3A_595 : i32 to index
        %get3A_597 = arith.index_cast %add3A_594 : i32 to index
        %get3A_598 = arith.constant 32 : index
        %get3A_599 = tpu.vector_load %arg10[%get3A_596, %get3A_597, %get3A_598] {strides = array<i32>} : memref<2x320x128xf32, #tpu.memory_space<vmem>>, vector<1x1x16xf32>,
        %get3A_600 = vector.shape_cast %get3A_599 : vector<1x1x16xf32> to vector<16xf32>
        %add3A_601 = arith.constant 2 : i32
        %add3A_602 = arith.addi %mul3A_394, %add3A_601 : i32
        %get3A_603 = arith.constant 1 : i32
        %get3A_604 = arith.index_cast %get3A_603 : i32 to index
        %get3A_605 = arith.index_cast %add3A_602 : i32 to index
        %get3A_606 = arith.constant 32 : index
        %get3A_607 = tpu.vector_load %arg10[%get3A_604, %get3A_605, %get3A_606] {strides = array<i32>} : memref<2x320x128xf32, #tpu.memory_space<vmem>>, vector<1x1x16xf32>,
        %get3A_608 = vector.shape_cast %get3A_607 : vector<1x1x16xf32> to vector<16xf32>
        %add3A_609 = arith.constant 3 : i32
        %add3A_610 = arith.addi %mul3A_394, %add3A_609 : i32
        %get3A_611 = arith.constant 1 : i32
        %get3A_612 = arith.index_cast %get3A_611 : i32 to index
        %get3A_613 = arith.index_cast %add3A_610 : i32 to index
        %get3A_614 = arith.constant 32 : index
        %get3A_615 = tpu.vector_load %arg10[%get3A_612, %get3A_613, %get3A_614] {strides = array<i32>} : memref<2x320x128xf32, #tpu.memory_space<vmem>>, vector<1x1x16xf32>,
        %get3A_616 = vector.shape_cast %get3A_615 : vector<1x1x16xf32> to vector<16xf32>
        %add3A_617 = arith.constant 4 : i32
        %add3A_618 = arith.addi %mul3A_394, %add3A_617 : i32
        %get3A_619 = arith.constant 1 : i32
        %get3A_620 = arith.index_cast %get3A_619 : i32 to index
        %get3A_621 = arith.index_cast %add3A_618 : i32 to index
        %get3A_622 = arith.constant 32 : index
        %get3A_623 = tpu.vector_load %arg10[%get3A_620, %get3A_621, %get3A_622] {strides = array<i32>} : memref<2x320x128xf32, #tpu.memory_space<vmem>>, vector<1x1x16xf32>,
        %get3A_624 = vector.shape_cast %get3A_623 : vector<1x1x16xf32> to vector<16xf32>
        %add3A_625 = arith.constant 5 : i32
        %add3A_626 = arith.addi %mul3A_394, %add3A_625 : i32
        %get3A_627 = arith.constant 1 : i32
        %get3A_628 = arith.index_cast %get3A_627 : i32 to index
        %get3A_629 = arith.index_cast %add3A_626 : i32 to index
        %get3A_630 = arith.constant 32 : index
        %get3A_631 = tpu.vector_load %arg10[%get3A_628, %get3A_629, %get3A_630] {strides = array<i32>} : memref<2x320x128xf32, #tpu.memory_space<vmem>>, vector<1x1x16xf32>,
        %get3A_632 = vector.shape_cast %get3A_631 : vector<1x1x16xf32> to vector<16xf32>
        %add3A_633 = arith.constant 6 : i32
        %add3A_634 = arith.addi %mul3A_394, %add3A_633 : i32
        %get3A_635 = arith.constant 1 : i32
        %get3A_636 = arith.index_cast %get3A_635 : i32 to index
        %get3A_637 = arith.index_cast %add3A_634 : i32 to index
        %get3A_638 = arith.constant 32 : index
        %get3A_639 = tpu.vector_load %arg10[%get3A_636, %get3A_637, %get3A_638] {strides = array<i32>} : memref<2x320x128xf32, #tpu.memory_space<vmem>>, vector<1x1x16xf32>,
        %get3A_640 = vector.shape_cast %get3A_639 : vector<1x1x16xf32> to vector<16xf32>
        %add3A_641 = arith.constant 7 : i32
        %add3A_642 = arith.addi %mul3A_394, %add3A_641 : i32
        %get3A_643 = arith.constant 1 : i32
        %get3A_644 = arith.index_cast %get3A_643 : i32 to index
        %get3A_645 = arith.index_cast %add3A_642 : i32 to index
        %get3A_646 = arith.constant 32 : index
        %get3A_647 = tpu.vector_load %arg10[%get3A_644, %get3A_645, %get3A_646] {strides = array<i32>} : memref<2x320x128xf32, #tpu.memory_space<vmem>>, vector<1x1x16xf32>,
        %get3A_648 = vector.shape_cast %get3A_647 : vector<1x1x16xf32> to vector<16xf32>
        %add3A_649 = arith.constant 8 : i32
        %add3A_650 = arith.addi %mul3A_394, %add3A_649 : i32
        %get3A_651 = arith.constant 1 : i32
        %get3A_652 = arith.index_cast %get3A_651 : i32 to index
        %get3A_653 = arith.index_cast %add3A_650 : i32 to index
        %get3A_654 = arith.constant 32 : index
        %get3A_655 = tpu.vector_load %arg10[%get3A_652, %get3A_653, %get3A_654] {strides = array<i32>} : memref<2x320x128xf32, #tpu.memory_space<vmem>>, vector<1x1x16xf32>,
        %get3A_656 = vector.shape_cast %get3A_655 : vector<1x1x16xf32> to vector<16xf32>
        %add3A_657 = arith.constant 9 : i32
        %add3A_658 = arith.addi %mul3A_394, %add3A_657 : i32
        %get3A_659 = arith.constant 1 : i32
        %get3A_660 = arith.index_cast %get3A_659 : i32 to index
        %get3A_661 = arith.index_cast %add3A_658 : i32 to index
        %get3A_662 = arith.constant 32 : index
        %get3A_663 = tpu.vector_load %arg10[%get3A_660, %get3A_661, %get3A_662] {strides = array<i32>} : memref<2x320x128xf32, #tpu.memory_space<vmem>>, vector<1x1x16xf32>,
        %get3A_664 = vector.shape_cast %get3A_663 : vector<1x1x16xf32> to vector<16xf32>
        %add3A_665 = arith.addf %get3A_592, %get3A_600 : vector<16xf32>
        %add3A_666 = arith.addf %get3A_608, %get3A_616 : vector<16xf32>
        %add3A_667 = arith.addf %get3A_624, %get3A_632 : vector<16xf32>
        %add3A_668 = arith.addf %get3A_640, %get3A_648 : vector<16xf32>
        %add3A_669 = arith.addf %get3A_656, %get3A_664 : vector<16xf32>
        %add3A_670 = arith.addf %add3A_665, %add3A_666 : vector<16xf32>
        %add3A_671 = arith.addf %add3A_667, %add3A_668 : vector<16xf32>
        %add3A_672 = arith.addf %add3A_670, %add3A_671 : vector<16xf32>
        %add3A_673 = arith.addf %add3A_672, %add3A_669 : vector<16xf32>
        %swap3A_674 = arith.constant 1 : i32
        %swap3A_675 = arith.index_cast %swap3A_674 : i32 to index
        %swap3A_676 = arith.index_cast %scan3A_392 : i32 to index
        %swap3A_677 = arith.constant 32 : index
        %swap3A_678 = tpu.vector_load %arg11[%swap3A_675, %swap3A_676, %swap3A_677] {strides = array<i32>} : memref<2x32x128xf32, #tpu.memory_space<vmem>>, vector<1x1x16xf32>,
        %swap3A_679 = vector.shape_cast %swap3A_678 : vector<1x1x16xf32> to vector<16xf32>
        %swap3A_680 = vector.shape_cast %add3A_673 : vector<16xf32> to vector<1x1x16xf32>
        tpu.vector_store %arg11[%swap3A_675, %swap3A_676, %swap3A_677], %swap3A_680 {strides = array<i32>} : memref<2x32x128xf32, #tpu.memory_space<vmem>>, vector<1x1x16xf32>,
        %add3A_681 = arith.constant 0 : i32
        %add3A_682 = arith.addi %mul3A_394, %add3A_681 : i32
        %get3A_683 = arith.constant 1 : i32
        %get3A_684 = arith.index_cast %get3A_683 : i32 to index
        %get3A_685 = arith.index_cast %add3A_682 : i32 to index
        %get3A_686 = arith.constant 48 : index
        %get3A_687 = tpu.vector_load %arg10[%get3A_684, %get3A_685, %get3A_686] {strides = array<i32>} : memref<2x320x128xf32, #tpu.memory_space<vmem>>, vector<1x1x16xf32>,
        %get3A_688 = vector.shape_cast %get3A_687 : vector<1x1x16xf32> to vector<16xf32>
        %add3A_689 = arith.constant 1 : i32
        %add3A_690 = arith.addi %mul3A_394, %add3A_689 : i32
        %get3A_691 = arith.constant 1 : i32
        %get3A_692 = arith.index_cast %get3A_691 : i32 to index
        %get3A_693 = arith.index_cast %add3A_690 : i32 to index
        %get3A_694 = arith.constant 48 : index
        %get3A_695 = tpu.vector_load %arg10[%get3A_692, %get3A_693, %get3A_694] {strides = array<i32>} : memref<2x320x128xf32, #tpu.memory_space<vmem>>, vector<1x1x16xf32>,
        %get3A_696 = vector.shape_cast %get3A_695 : vector<1x1x16xf32> to vector<16xf32>
        %add3A_697 = arith.constant 2 : i32
        %add3A_698 = arith.addi %mul3A_394, %add3A_697 : i32
        %get3A_699 = arith.constant 1 : i32
        %get3A_700 = arith.index_cast %get3A_699 : i32 to index
        %get3A_701 = arith.index_cast %add3A_698 : i32 to index
        %get3A_702 = arith.constant 48 : index
        %get3A_703 = tpu.vector_load %arg10[%get3A_700, %get3A_701, %get3A_702] {strides = array<i32>} : memref<2x320x128xf32, #tpu.memory_space<vmem>>, vector<1x1x16xf32>,
        %get3A_704 = vector.shape_cast %get3A_703 : vector<1x1x16xf32> to vector<16xf32>
        %add3A_705 = arith.constant 3 : i32
        %add3A_706 = arith.addi %mul3A_394, %add3A_705 : i32
        %get3A_707 = arith.constant 1 : i32
        %get3A_708 = arith.index_cast %get3A_707 : i32 to index
        %get3A_709 = arith.index_cast %add3A_706 : i32 to index
        %get3A_710 = arith.constant 48 : index
        %get3A_711 = tpu.vector_load %arg10[%get3A_708, %get3A_709, %get3A_710] {strides = array<i32>} : memref<2x320x128xf32, #tpu.memory_space<vmem>>, vector<1x1x16xf32>,
        %get3A_712 = vector.shape_cast %get3A_711 : vector<1x1x16xf32> to vector<16xf32>
        %add3A_713 = arith.constant 4 : i32
        %add3A_714 = arith.addi %mul3A_394, %add3A_713 : i32
        %get3A_715 = arith.constant 1 : i32
        %get3A_716 = arith.index_cast %get3A_715 : i32 to index
        %get3A_717 = arith.index_cast %add3A_714 : i32 to index
        %get3A_718 = arith.constant 48 : index
        %get3A_719 = tpu.vector_load %arg10[%get3A_716, %get3A_717, %get3A_718] {strides = array<i32>} : memref<2x320x128xf32, #tpu.memory_space<vmem>>, vector<1x1x16xf32>,
        %get3A_720 = vector.shape_cast %get3A_719 : vector<1x1x16xf32> to vector<16xf32>
        %add3A_721 = arith.constant 5 : i32
        %add3A_722 = arith.addi %mul3A_394, %add3A_721 : i32
        %get3A_723 = arith.constant 1 : i32
        %get3A_724 = arith.index_cast %get3A_723 : i32 to index
        %get3A_725 = arith.index_cast %add3A_722 : i32 to index
        %get3A_726 = arith.constant 48 : index
        %get3A_727 = tpu.vector_load %arg10[%get3A_724, %get3A_725, %get3A_726] {strides = array<i32>} : memref<2x320x128xf32, #tpu.memory_space<vmem>>, vector<1x1x16xf32>,
        %get3A_728 = vector.shape_cast %get3A_727 : vector<1x1x16xf32> to vector<16xf32>
        %add3A_729 = arith.constant 6 : i32
        %add3A_730 = arith.addi %mul3A_394, %add3A_729 : i32
        %get3A_731 = arith.constant 1 : i32
        %get3A_732 = arith.index_cast %get3A_731 : i32 to index
        %get3A_733 = arith.index_cast %add3A_730 : i32 to index
        %get3A_734 = arith.constant 48 : index
        %get3A_735 = tpu.vector_load %arg10[%get3A_732, %get3A_733, %get3A_734] {strides = array<i32>} : memref<2x320x128xf32, #tpu.memory_space<vmem>>, vector<1x1x16xf32>,
        %get3A_736 = vector.shape_cast %get3A_735 : vector<1x1x16xf32> to vector<16xf32>
        %add3A_737 = arith.constant 7 : i32
        %add3A_738 = arith.addi %mul3A_394, %add3A_737 : i32
        %get3A_739 = arith.constant 1 : i32
        %get3A_740 = arith.index_cast %get3A_739 : i32 to index
        %get3A_741 = arith.index_cast %add3A_738 : i32 to index
        %get3A_742 = arith.constant 48 : index
        %get3A_743 = tpu.vector_load %arg10[%get3A_740, %get3A_741, %get3A_742] {strides = array<i32>} : memref<2x320x128xf32, #tpu.memory_space<vmem>>, vector<1x1x16xf32>,
        %get3A_744 = vector.shape_cast %get3A_743 : vector<1x1x16xf32> to vector<16xf32>
        %add3A_745 = arith.constant 8 : i32
        %add3A_746 = arith.addi %mul3A_394, %add3A_745 : i32
        %get3A_747 = arith.constant 1 : i32
        %get3A_748 = arith.index_cast %get3A_747 : i32 to index
        %get3A_749 = arith.index_cast %add3A_746 : i32 to index
        %get3A_750 = arith.constant 48 : index
        %get3A_751 = tpu.vector_load %arg10[%get3A_748, %get3A_749, %get3A_750] {strides = array<i32>} : memref<2x320x128xf32, #tpu.memory_space<vmem>>, vector<1x1x16xf32>,
        %get3A_752 = vector.shape_cast %get3A_751 : vector<1x1x16xf32> to vector<16xf32>
        %add3A_753 = arith.constant 9 : i32
        %add3A_754 = arith.addi %mul3A_394, %add3A_753 : i32
        %get3A_755 = arith.constant 1 : i32
        %get3A_756 = arith.index_cast %get3A_755 : i32 to index
        %get3A_757 = arith.index_cast %add3A_754 : i32 to index
        %get3A_758 = arith.constant 48 : index
        %get3A_759 = tpu.vector_load %arg10[%get3A_756, %get3A_757, %get3A_758] {strides = array<i32>} : memref<2x320x128xf32, #tpu.memory_space<vmem>>, vector<1x1x16xf32>,
        %get3A_760 = vector.shape_cast %get3A_759 : vector<1x1x16xf32> to vector<16xf32>
        %add3A_761 = arith.addf %get3A_688, %get3A_696 : vector<16xf32>
        %add3A_762 = arith.addf %get3A_704, %get3A_712 : vector<16xf32>
        %add3A_763 = arith.addf %get3A_720, %get3A_728 : vector<16xf32>
        %add3A_764 = arith.addf %get3A_736, %get3A_744 : vector<16xf32>
        %add3A_765 = arith.addf %get3A_752, %get3A_760 : vector<16xf32>
        %add3A_766 = arith.addf %add3A_761, %add3A_762 : vector<16xf32>
        %add3A_767 = arith.addf %add3A_763, %add3A_764 : vector<16xf32>
        %add3A_768 = arith.addf %add3A_766, %add3A_767 : vector<16xf32>
        %add3A_769 = arith.addf %add3A_768, %add3A_765 : vector<16xf32>
        %swap3A_770 = arith.constant 1 : i32
        %swap3A_771 = arith.index_cast %swap3A_770 : i32 to index
        %swap3A_772 = arith.index_cast %scan3A_392 : i32 to index
        %swap3A_773 = arith.constant 48 : index
        %swap3A_774 = tpu.vector_load %arg11[%swap3A_771, %swap3A_772, %swap3A_773] {strides = array<i32>} : memref<2x32x128xf32, #tpu.memory_space<vmem>>, vector<1x1x16xf32>,
        %swap3A_775 = vector.shape_cast %swap3A_774 : vector<1x1x16xf32> to vector<16xf32>
        %swap3A_776 = vector.shape_cast %add3A_769 : vector<16xf32> to vector<1x1x16xf32>
        tpu.vector_store %arg11[%swap3A_771, %swap3A_772, %swap3A_773], %swap3A_776 {strides = array<i32>} : memref<2x32x128xf32, #tpu.memory_space<vmem>>, vector<1x1x16xf32>,
        %add3A_777 = arith.constant 0 : i32
        %add3A_778 = arith.addi %mul3A_394, %add3A_777 : i32
        %get3A_779 = arith.constant 1 : i32
        %get3A_780 = arith.index_cast %get3A_779 : i32 to index
        %get3A_781 = arith.index_cast %add3A_778 : i32 to index
        %get3A_782 = arith.constant 64 : index
        %get3A_783 = tpu.vector_load %arg10[%get3A_780, %get3A_781, %get3A_782] {strides = array<i32>} : memref<2x320x128xf32, #tpu.memory_space<vmem>>, vector<1x1x16xf32>,
        %get3A_784 = vector.shape_cast %get3A_783 : vector<1x1x16xf32> to vector<16xf32>
        %add3A_785 = arith.constant 1 : i32
        %add3A_786 = arith.addi %mul3A_394, %add3A_785 : i32
        %get3A_787 = arith.constant 1 : i32
        %get3A_788 = arith.index_cast %get3A_787 : i32 to index
        %get3A_789 = arith.index_cast %add3A_786 : i32 to index
        %get3A_790 = arith.constant 64 : index
        %get3A_791 = tpu.vector_load %arg10[%get3A_788, %get3A_789, %get3A_790] {strides = array<i32>} : memref<2x320x128xf32, #tpu.memory_space<vmem>>, vector<1x1x16xf32>,
        %get3A_792 = vector.shape_cast %get3A_791 : vector<1x1x16xf32> to vector<16xf32>
        %add3A_793 = arith.constant 2 : i32
        %add3A_794 = arith.addi %mul3A_394, %add3A_793 : i32
        %get3A_795 = arith.constant 1 : i32
        %get3A_796 = arith.index_cast %get3A_795 : i32 to index
        %get3A_797 = arith.index_cast %add3A_794 : i32 to index
        %get3A_798 = arith.constant 64 : index
        %get3A_799 = tpu.vector_load %arg10[%get3A_796, %get3A_797, %get3A_798] {strides = array<i32>} : memref<2x320x128xf32, #tpu.memory_space<vmem>>, vector<1x1x16xf32>,
        %get3A_800 = vector.shape_cast %get3A_799 : vector<1x1x16xf32> to vector<16xf32>
        %add3A_801 = arith.constant 3 : i32
        %add3A_802 = arith.addi %mul3A_394, %add3A_801 : i32
        %get3A_803 = arith.constant 1 : i32
        %get3A_804 = arith.index_cast %get3A_803 : i32 to index
        %get3A_805 = arith.index_cast %add3A_802 : i32 to index
        %get3A_806 = arith.constant 64 : index
        %get3A_807 = tpu.vector_load %arg10[%get3A_804, %get3A_805, %get3A_806] {strides = array<i32>} : memref<2x320x128xf32, #tpu.memory_space<vmem>>, vector<1x1x16xf32>,
        %get3A_808 = vector.shape_cast %get3A_807 : vector<1x1x16xf32> to vector<16xf32>
        %add3A_809 = arith.constant 4 : i32
        %add3A_810 = arith.addi %mul3A_394, %add3A_809 : i32
        %get3A_811 = arith.constant 1 : i32
        %get3A_812 = arith.index_cast %get3A_811 : i32 to index
        %get3A_813 = arith.index_cast %add3A_810 : i32 to index
        %get3A_814 = arith.constant 64 : index
        %get3A_815 = tpu.vector_load %arg10[%get3A_812, %get3A_813, %get3A_814] {strides = array<i32>} : memref<2x320x128xf32, #tpu.memory_space<vmem>>, vector<1x1x16xf32>,
        %get3A_816 = vector.shape_cast %get3A_815 : vector<1x1x16xf32> to vector<16xf32>
        %add3A_817 = arith.constant 5 : i32
        %add3A_818 = arith.addi %mul3A_394, %add3A_817 : i32
        %get3A_819 = arith.constant 1 : i32
        %get3A_820 = arith.index_cast %get3A_819 : i32 to index
        %get3A_821 = arith.index_cast %add3A_818 : i32 to index
        %get3A_822 = arith.constant 64 : index
        %get3A_823 = tpu.vector_load %arg10[%get3A_820, %get3A_821, %get3A_822] {strides = array<i32>} : memref<2x320x128xf32, #tpu.memory_space<vmem>>, vector<1x1x16xf32>,
        %get3A_824 = vector.shape_cast %get3A_823 : vector<1x1x16xf32> to vector<16xf32>
        %add3A_825 = arith.constant 6 : i32
        %add3A_826 = arith.addi %mul3A_394, %add3A_825 : i32
        %get3A_827 = arith.constant 1 : i32
        %get3A_828 = arith.index_cast %get3A_827 : i32 to index
        %get3A_829 = arith.index_cast %add3A_826 : i32 to index
        %get3A_830 = arith.constant 64 : index
        %get3A_831 = tpu.vector_load %arg10[%get3A_828, %get3A_829, %get3A_830] {strides = array<i32>} : memref<2x320x128xf32, #tpu.memory_space<vmem>>, vector<1x1x16xf32>,
        %get3A_832 = vector.shape_cast %get3A_831 : vector<1x1x16xf32> to vector<16xf32>
        %add3A_833 = arith.constant 7 : i32
        %add3A_834 = arith.addi %mul3A_394, %add3A_833 : i32
        %get3A_835 = arith.constant 1 : i32
        %get3A_836 = arith.index_cast %get3A_835 : i32 to index
        %get3A_837 = arith.index_cast %add3A_834 : i32 to index
        %get3A_838 = arith.constant 64 : index
        %get3A_839 = tpu.vector_load %arg10[%get3A_836, %get3A_837, %get3A_838] {strides = array<i32>} : memref<2x320x128xf32, #tpu.memory_space<vmem>>, vector<1x1x16xf32>,
        %get3A_840 = vector.shape_cast %get3A_839 : vector<1x1x16xf32> to vector<16xf32>
        %add3A_841 = arith.constant 8 : i32
        %add3A_842 = arith.addi %mul3A_394, %add3A_841 : i32
        %get3A_843 = arith.constant 1 : i32
        %get3A_844 = arith.index_cast %get3A_843 : i32 to index
        %get3A_845 = arith.index_cast %add3A_842 : i32 to index
        %get3A_846 = arith.constant 64 : index
        %get3A_847 = tpu.vector_load %arg10[%get3A_844, %get3A_845, %get3A_846] {strides = array<i32>} : memref<2x320x128xf32, #tpu.memory_space<vmem>>, vector<1x1x16xf32>,
        %get3A_848 = vector.shape_cast %get3A_847 : vector<1x1x16xf32> to vector<16xf32>
        %add3A_849 = arith.constant 9 : i32
        %add3A_850 = arith.addi %mul3A_394, %add3A_849 : i32
        %get3A_851 = arith.constant 1 : i32
        %get3A_852 = arith.index_cast %get3A_851 : i32 to index
        %get3A_853 = arith.index_cast %add3A_850 : i32 to index
        %get3A_854 = arith.constant 64 : index
        %get3A_855 = tpu.vector_load %arg10[%get3A_852, %get3A_853, %get3A_854] {strides = array<i32>} : memref<2x320x128xf32, #tpu.memory_space<vmem>>, vector<1x1x16xf32>,
        %get3A_856 = vector.shape_cast %get3A_855 : vector<1x1x16xf32> to vector<16xf32>
        %add3A_857 = arith.addf %get3A_784, %get3A_792 : vector<16xf32>
        %add3A_858 = arith.addf %get3A_800, %get3A_808 : vector<16xf32>
        %add3A_859 = arith.addf %get3A_816, %get3A_824 : vector<16xf32>
        %add3A_860 = arith.addf %get3A_832, %get3A_840 : vector<16xf32>
        %add3A_861 = arith.addf %get3A_848, %get3A_856 : vector<16xf32>
        %add3A_862 = arith.addf %add3A_857, %add3A_858 : vector<16xf32>
        %add3A_863 = arith.addf %add3A_859, %add3A_860 : vector<16xf32>
        %add3A_864 = arith.addf %add3A_862, %add3A_863 : vector<16xf32>
        %add3A_865 = arith.addf %add3A_864, %add3A_861 : vector<16xf32>
        %swap3A_866 = arith.constant 1 : i32
        %swap3A_867 = arith.index_cast %swap3A_866 : i32 to index
        %swap3A_868 = arith.index_cast %scan3A_392 : i32 to index
        %swap3A_869 = arith.constant 64 : index
        %swap3A_870 = tpu.vector_load %arg11[%swap3A_867, %swap3A_868, %swap3A_869] {strides = array<i32>} : memref<2x32x128xf32, #tpu.memory_space<vmem>>, vector<1x1x16xf32>,
        %swap3A_871 = vector.shape_cast %swap3A_870 : vector<1x1x16xf32> to vector<16xf32>
        %swap3A_872 = vector.shape_cast %add3A_865 : vector<16xf32> to vector<1x1x16xf32>
        tpu.vector_store %arg11[%swap3A_867, %swap3A_868, %swap3A_869], %swap3A_872 {strides = array<i32>} : memref<2x32x128xf32, #tpu.memory_space<vmem>>, vector<1x1x16xf32>,
        %add3A_873 = arith.constant 0 : i32
        %add3A_874 = arith.addi %mul3A_394, %add3A_873 : i32
        %get3A_875 = arith.constant 1 : i32
        %get3A_876 = arith.index_cast %get3A_875 : i32 to index
        %get3A_877 = arith.index_cast %add3A_874 : i32 to index
        %get3A_878 = arith.constant 80 : index
        %get3A_879 = tpu.vector_load %arg10[%get3A_876, %get3A_877, %get3A_878] {strides = array<i32>} : memref<2x320x128xf32, #tpu.memory_space<vmem>>, vector<1x1x16xf32>,
        %get3A_880 = vector.shape_cast %get3A_879 : vector<1x1x16xf32> to vector<16xf32>
        %add3A_881 = arith.constant 1 : i32
        %add3A_882 = arith.addi %mul3A_394, %add3A_881 : i32
        %get3A_883 = arith.constant 1 : i32
        %get3A_884 = arith.index_cast %get3A_883 : i32 to index
        %get3A_885 = arith.index_cast %add3A_882 : i32 to index
        %get3A_886 = arith.constant 80 : index
        %get3A_887 = tpu.vector_load %arg10[%get3A_884, %get3A_885, %get3A_886] {strides = array<i32>} : memref<2x320x128xf32, #tpu.memory_space<vmem>>, vector<1x1x16xf32>,
        %get3A_888 = vector.shape_cast %get3A_887 : vector<1x1x16xf32> to vector<16xf32>
        %add3A_889 = arith.constant 2 : i32
        %add3A_890 = arith.addi %mul3A_394, %add3A_889 : i32
        %get3A_891 = arith.constant 1 : i32
        %get3A_892 = arith.index_cast %get3A_891 : i32 to index
        %get3A_893 = arith.index_cast %add3A_890 : i32 to index
        %get3A_894 = arith.constant 80 : index
        %get3A_895 = tpu.vector_load %arg10[%get3A_892, %get3A_893, %get3A_894] {strides = array<i32>} : memref<2x320x128xf32, #tpu.memory_space<vmem>>, vector<1x1x16xf32>,
        %get3A_896 = vector.shape_cast %get3A_895 : vector<1x1x16xf32> to vector<16xf32>
        %add3A_897 = arith.constant 3 : i32
        %add3A_898 = arith.addi %mul3A_394, %add3A_897 : i32
        %get3A_899 = arith.constant 1 : i32
        %get3A_900 = arith.index_cast %get3A_899 : i32 to index
        %get3A_901 = arith.index_cast %add3A_898 : i32 to index
        %get3A_902 = arith.constant 80 : index
        %get3A_903 = tpu.vector_load %arg10[%get3A_900, %get3A_901, %get3A_902] {strides = array<i32>} : memref<2x320x128xf32, #tpu.memory_space<vmem>>, vector<1x1x16xf32>,
        %get3A_904 = vector.shape_cast %get3A_903 : vector<1x1x16xf32> to vector<16xf32>
        %add3A_905 = arith.constant 4 : i32
        %add3A_906 = arith.addi %mul3A_394, %add3A_905 : i32
        %get3A_907 = arith.constant 1 : i32
        %get3A_908 = arith.index_cast %get3A_907 : i32 to index
        %get3A_909 = arith.index_cast %add3A_906 : i32 to index
        %get3A_910 = arith.constant 80 : index
        %get3A_911 = tpu.vector_load %arg10[%get3A_908, %get3A_909, %get3A_910] {strides = array<i32>} : memref<2x320x128xf32, #tpu.memory_space<vmem>>, vector<1x1x16xf32>,
        %get3A_912 = vector.shape_cast %get3A_911 : vector<1x1x16xf32> to vector<16xf32>
        %add3A_913 = arith.constant 5 : i32
        %add3A_914 = arith.addi %mul3A_394, %add3A_913 : i32
        %get3A_915 = arith.constant 1 : i32
        %get3A_916 = arith.index_cast %get3A_915 : i32 to index
        %get3A_917 = arith.index_cast %add3A_914 : i32 to index
        %get3A_918 = arith.constant 80 : index
        %get3A_919 = tpu.vector_load %arg10[%get3A_916, %get3A_917, %get3A_918] {strides = array<i32>} : memref<2x320x128xf32, #tpu.memory_space<vmem>>, vector<1x1x16xf32>,
        %get3A_920 = vector.shape_cast %get3A_919 : vector<1x1x16xf32> to vector<16xf32>
        %add3A_921 = arith.constant 6 : i32
        %add3A_922 = arith.addi %mul3A_394, %add3A_921 : i32
        %get3A_923 = arith.constant 1 : i32
        %get3A_924 = arith.index_cast %get3A_923 : i32 to index
        %get3A_925 = arith.index_cast %add3A_922 : i32 to index
        %get3A_926 = arith.constant 80 : index
        %get3A_927 = tpu.vector_load %arg10[%get3A_924, %get3A_925, %get3A_926] {strides = array<i32>} : memref<2x320x128xf32, #tpu.memory_space<vmem>>, vector<1x1x16xf32>,
        %get3A_928 = vector.shape_cast %get3A_927 : vector<1x1x16xf32> to vector<16xf32>
        %add3A_929 = arith.constant 7 : i32
        %add3A_930 = arith.addi %mul3A_394, %add3A_929 : i32
        %get3A_931 = arith.constant 1 : i32
        %get3A_932 = arith.index_cast %get3A_931 : i32 to index
        %get3A_933 = arith.index_cast %add3A_930 : i32 to index
        %get3A_934 = arith.constant 80 : index
        %get3A_935 = tpu.vector_load %arg10[%get3A_932, %get3A_933, %get3A_934] {strides = array<i32>} : memref<2x320x128xf32, #tpu.memory_space<vmem>>, vector<1x1x16xf32>,
        %get3A_936 = vector.shape_cast %get3A_935 : vector<1x1x16xf32> to vector<16xf32>
        %add3A_937 = arith.constant 8 : i32
        %add3A_938 = arith.addi %mul3A_394, %add3A_937 : i32
        %get3A_939 = arith.constant 1 : i32
        %get3A_940 = arith.index_cast %get3A_939 : i32 to index
        %get3A_941 = arith.index_cast %add3A_938 : i32 to index
        %get3A_942 = arith.constant 80 : index
        %get3A_943 = tpu.vector_load %arg10[%get3A_940, %get3A_941, %get3A_942] {strides = array<i32>} : memref<2x320x128xf32, #tpu.memory_space<vmem>>, vector<1x1x16xf32>,
        %get3A_944 = vector.shape_cast %get3A_943 : vector<1x1x16xf32> to vector<16xf32>
        %add3A_945 = arith.constant 9 : i32
        %add3A_946 = arith.addi %mul3A_394, %add3A_945 : i32
        %get3A_947 = arith.constant 1 : i32
        %get3A_948 = arith.index_cast %get3A_947 : i32 to index
        %get3A_949 = arith.index_cast %add3A_946 : i32 to index
        %get3A_950 = arith.constant 80 : index
        %get3A_951 = tpu.vector_load %arg10[%get3A_948, %get3A_949, %get3A_950] {strides = array<i32>} : memref<2x320x128xf32, #tpu.memory_space<vmem>>, vector<1x1x16xf32>,
        %get3A_952 = vector.shape_cast %get3A_951 : vector<1x1x16xf32> to vector<16xf32>
        %add3A_953 = arith.addf %get3A_880, %get3A_888 : vector<16xf32>
        %add3A_954 = arith.addf %get3A_896, %get3A_904 : vector<16xf32>
        %add3A_955 = arith.addf %get3A_912, %get3A_920 : vector<16xf32>
        %add3A_956 = arith.addf %get3A_928, %get3A_936 : vector<16xf32>
        %add3A_957 = arith.addf %get3A_944, %get3A_952 : vector<16xf32>
        %add3A_958 = arith.addf %add3A_953, %add3A_954 : vector<16xf32>
        %add3A_959 = arith.addf %add3A_955, %add3A_956 : vector<16xf32>
        %add3A_960 = arith.addf %add3A_958, %add3A_959 : vector<16xf32>
        %add3A_961 = arith.addf %add3A_960, %add3A_957 : vector<16xf32>
        %swap3A_962 = arith.constant 1 : i32
        %swap3A_963 = arith.index_cast %swap3A_962 : i32 to index
        %swap3A_964 = arith.index_cast %scan3A_392 : i32 to index
        %swap3A_965 = arith.constant 80 : index
        %swap3A_966 = tpu.vector_load %arg11[%swap3A_963, %swap3A_964, %swap3A_965] {strides = array<i32>} : memref<2x32x128xf32, #tpu.memory_space<vmem>>, vector<1x1x16xf32>,
        %swap3A_967 = vector.shape_cast %swap3A_966 : vector<1x1x16xf32> to vector<16xf32>
        %swap3A_968 = vector.shape_cast %add3A_961 : vector<16xf32> to vector<1x1x16xf32>
        tpu.vector_store %arg11[%swap3A_963, %swap3A_964, %swap3A_965], %swap3A_968 {strides = array<i32>} : memref<2x32x128xf32, #tpu.memory_space<vmem>>, vector<1x1x16xf32>,
        %add3A_969 = arith.constant 0 : i32
        %add3A_970 = arith.addi %mul3A_394, %add3A_969 : i32
        %get3A_971 = arith.constant 1 : i32
        %get3A_972 = arith.index_cast %get3A_971 : i32 to index
        %get3A_973 = arith.index_cast %add3A_970 : i32 to index
        %get3A_974 = arith.constant 96 : index
        %get3A_975 = tpu.vector_load %arg10[%get3A_972, %get3A_973, %get3A_974] {strides = array<i32>} : memref<2x320x128xf32, #tpu.memory_space<vmem>>, vector<1x1x16xf32>,
        %get3A_976 = vector.shape_cast %get3A_975 : vector<1x1x16xf32> to vector<16xf32>
        %add3A_977 = arith.constant 1 : i32
        %add3A_978 = arith.addi %mul3A_394, %add3A_977 : i32
        %get3A_979 = arith.constant 1 : i32
        %get3A_980 = arith.index_cast %get3A_979 : i32 to index
        %get3A_981 = arith.index_cast %add3A_978 : i32 to index
        %get3A_982 = arith.constant 96 : index
        %get3A_983 = tpu.vector_load %arg10[%get3A_980, %get3A_981, %get3A_982] {strides = array<i32>} : memref<2x320x128xf32, #tpu.memory_space<vmem>>, vector<1x1x16xf32>,
        %get3A_984 = vector.shape_cast %get3A_983 : vector<1x1x16xf32> to vector<16xf32>
        %add3A_985 = arith.constant 2 : i32
        %add3A_986 = arith.addi %mul3A_394, %add3A_985 : i32
        %get3A_987 = arith.constant 1 : i32
        %get3A_988 = arith.index_cast %get3A_987 : i32 to index
        %get3A_989 = arith.index_cast %add3A_986 : i32 to index
        %get3A_990 = arith.constant 96 : index
        %get3A_991 = tpu.vector_load %arg10[%get3A_988, %get3A_989, %get3A_990] {strides = array<i32>} : memref<2x320x128xf32, #tpu.memory_space<vmem>>, vector<1x1x16xf32>,
        %get3A_992 = vector.shape_cast %get3A_991 : vector<1x1x16xf32> to vector<16xf32>
        %add3A_993 = arith.constant 3 : i32
        %add3A_994 = arith.addi %mul3A_394, %add3A_993 : i32
        %get3A_995 = arith.constant 1 : i32
        %get3A_996 = arith.index_cast %get3A_995 : i32 to index
        %get3A_997 = arith.index_cast %add3A_994 : i32 to index
        %get3A_998 = arith.constant 96 : index
        %get3A_999 = tpu.vector_load %arg10[%get3A_996, %get3A_997, %get3A_998] {strides = array<i32>} : memref<2x320x128xf32, #tpu.memory_space<vmem>>, vector<1x1x16xf32>,
        %get3A_1000 = vector.shape_cast %get3A_999 : vector<1x1x16xf32> to vector<16xf32>
        %add3A_1001 = arith.constant 4 : i32
        %add3A_1002 = arith.addi %mul3A_394, %add3A_1001 : i32
        %get3A_1003 = arith.constant 1 : i32
        %get3A_1004 = arith.index_cast %get3A_1003 : i32 to index
        %get3A_1005 = arith.index_cast %add3A_1002 : i32 to index
        %get3A_1006 = arith.constant 96 : index
        %get3A_1007 = tpu.vector_load %arg10[%get3A_1004, %get3A_1005, %get3A_1006] {strides = array<i32>} : memref<2x320x128xf32, #tpu.memory_space<vmem>>, vector<1x1x16xf32>,
        %get3A_1008 = vector.shape_cast %get3A_1007 : vector<1x1x16xf32> to vector<16xf32>
        %add3A_1009 = arith.constant 5 : i32
        %add3A_1010 = arith.addi %mul3A_394, %add3A_1009 : i32
        %get3A_1011 = arith.constant 1 : i32
        %get3A_1012 = arith.index_cast %get3A_1011 : i32 to index
        %get3A_1013 = arith.index_cast %add3A_1010 : i32 to index
        %get3A_1014 = arith.constant 96 : index
        %get3A_1015 = tpu.vector_load %arg10[%get3A_1012, %get3A_1013, %get3A_1014] {strides = array<i32>} : memref<2x320x128xf32, #tpu.memory_space<vmem>>, vector<1x1x16xf32>,
        %get3A_1016 = vector.shape_cast %get3A_1015 : vector<1x1x16xf32> to vector<16xf32>
        %add3A_1017 = arith.constant 6 : i32
        %add3A_1018 = arith.addi %mul3A_394, %add3A_1017 : i32
        %get3A_1019 = arith.constant 1 : i32
        %get3A_1020 = arith.index_cast %get3A_1019 : i32 to index
        %get3A_1021 = arith.index_cast %add3A_1018 : i32 to index
        %get3A_1022 = arith.constant 96 : index
        %get3A_1023 = tpu.vector_load %arg10[%get3A_1020, %get3A_1021, %get3A_1022] {strides = array<i32>} : memref<2x320x128xf32, #tpu.memory_space<vmem>>, vector<1x1x16xf32>,
        %get3A_1024 = vector.shape_cast %get3A_1023 : vector<1x1x16xf32> to vector<16xf32>
        %add3A_1025 = arith.constant 7 : i32
        %add3A_1026 = arith.addi %mul3A_394, %add3A_1025 : i32
        %get3A_1027 = arith.constant 1 : i32
        %get3A_1028 = arith.index_cast %get3A_1027 : i32 to index
        %get3A_1029 = arith.index_cast %add3A_1026 : i32 to index
        %get3A_1030 = arith.constant 96 : index
        %get3A_1031 = tpu.vector_load %arg10[%get3A_1028, %get3A_1029, %get3A_1030] {strides = array<i32>} : memref<2x320x128xf32, #tpu.memory_space<vmem>>, vector<1x1x16xf32>,
        %get3A_1032 = vector.shape_cast %get3A_1031 : vector<1x1x16xf32> to vector<16xf32>
        %add3A_1033 = arith.constant 8 : i32
        %add3A_1034 = arith.addi %mul3A_394, %add3A_1033 : i32
        %get3A_1035 = arith.constant 1 : i32
        %get3A_1036 = arith.index_cast %get3A_1035 : i32 to index
        %get3A_1037 = arith.index_cast %add3A_1034 : i32 to index
        %get3A_1038 = arith.constant 96 : index
        %get3A_1039 = tpu.vector_load %arg10[%get3A_1036, %get3A_1037, %get3A_1038] {strides = array<i32>} : memref<2x320x128xf32, #tpu.memory_space<vmem>>, vector<1x1x16xf32>,
        %get3A_1040 = vector.shape_cast %get3A_1039 : vector<1x1x16xf32> to vector<16xf32>
        %add3A_1041 = arith.constant 9 : i32
        %add3A_1042 = arith.addi %mul3A_394, %add3A_1041 : i32
        %get3A_1043 = arith.constant 1 : i32
        %get3A_1044 = arith.index_cast %get3A_1043 : i32 to index
        %get3A_1045 = arith.index_cast %add3A_1042 : i32 to index
        %get3A_1046 = arith.constant 96 : index
        %get3A_1047 = tpu.vector_load %arg10[%get3A_1044, %get3A_1045, %get3A_1046] {strides = array<i32>} : memref<2x320x128xf32, #tpu.memory_space<vmem>>, vector<1x1x16xf32>,
        %get3A_1048 = vector.shape_cast %get3A_1047 : vector<1x1x16xf32> to vector<16xf32>
        %add3A_1049 = arith.addf %get3A_976, %get3A_984 : vector<16xf32>
        %add3A_1050 = arith.addf %get3A_992, %get3A_1000 : vector<16xf32>
        %add3A_1051 = arith.addf %get3A_1008, %get3A_1016 : vector<16xf32>
        %add3A_1052 = arith.addf %get3A_1024, %get3A_1032 : vector<16xf32>
        %add3A_1053 = arith.addf %get3A_1040, %get3A_1048 : vector<16xf32>
        %add3A_1054 = arith.addf %add3A_1049, %add3A_1050 : vector<16xf32>
        %add3A_1055 = arith.addf %add3A_1051, %add3A_1052 : vector<16xf32>
        %add3A_1056 = arith.addf %add3A_1054, %add3A_1055 : vector<16xf32>
        %add3A_1057 = arith.addf %add3A_1056, %add3A_1053 : vector<16xf32>
        %swap3A_1058 = arith.constant 1 : i32
        %swap3A_1059 = arith.index_cast %swap3A_1058 : i32 to index
        %swap3A_1060 = arith.index_cast %scan3A_392 : i32 to index
        %swap3A_1061 = arith.constant 96 : index
        %swap3A_1062 = tpu.vector_load %arg11[%swap3A_1059, %swap3A_1060, %swap3A_1061] {strides = array<i32>} : memref<2x32x128xf32, #tpu.memory_space<vmem>>, vector<1x1x16xf32>,
        %swap3A_1063 = vector.shape_cast %swap3A_1062 : vector<1x1x16xf32> to vector<16xf32>
        %swap3A_1064 = vector.shape_cast %add3A_1057 : vector<16xf32> to vector<1x1x16xf32>
        tpu.vector_store %arg11[%swap3A_1059, %swap3A_1060, %swap3A_1061], %swap3A_1064 {strides = array<i32>} : memref<2x32x128xf32, #tpu.memory_space<vmem>>, vector<1x1x16xf32>,
        %add3A_1065 = arith.constant 0 : i32
        %add3A_1066 = arith.addi %mul3A_394, %add3A_1065 : i32
        %get3A_1067 = arith.constant 1 : i32
        %get3A_1068 = arith.index_cast %get3A_1067 : i32 to index
        %get3A_1069 = arith.index_cast %add3A_1066 : i32 to index
        %get3A_1070 = arith.constant 112 : index
        %get3A_1071 = tpu.vector_load %arg10[%get3A_1068, %get3A_1069, %get3A_1070] {strides = array<i32>} : memref<2x320x128xf32, #tpu.memory_space<vmem>>, vector<1x1x16xf32>,
        %get3A_1072 = vector.shape_cast %get3A_1071 : vector<1x1x16xf32> to vector<16xf32>
        %add3A_1073 = arith.constant 1 : i32
        %add3A_1074 = arith.addi %mul3A_394, %add3A_1073 : i32
        %get3A_1075 = arith.constant 1 : i32
        %get3A_1076 = arith.index_cast %get3A_1075 : i32 to index
        %get3A_1077 = arith.index_cast %add3A_1074 : i32 to index
        %get3A_1078 = arith.constant 112 : index
        %get3A_1079 = tpu.vector_load %arg10[%get3A_1076, %get3A_1077, %get3A_1078] {strides = array<i32>} : memref<2x320x128xf32, #tpu.memory_space<vmem>>, vector<1x1x16xf32>,
        %get3A_1080 = vector.shape_cast %get3A_1079 : vector<1x1x16xf32> to vector<16xf32>
        %add3A_1081 = arith.constant 2 : i32
        %add3A_1082 = arith.addi %mul3A_394, %add3A_1081 : i32
        %get3A_1083 = arith.constant 1 : i32
        %get3A_1084 = arith.index_cast %get3A_1083 : i32 to index
        %get3A_1085 = arith.index_cast %add3A_1082 : i32 to index
        %get3A_1086 = arith.constant 112 : index
        %get3A_1087 = tpu.vector_load %arg10[%get3A_1084, %get3A_1085, %get3A_1086] {strides = array<i32>} : memref<2x320x128xf32, #tpu.memory_space<vmem>>, vector<1x1x16xf32>,
        %get3A_1088 = vector.shape_cast %get3A_1087 : vector<1x1x16xf32> to vector<16xf32>
        %add3A_1089 = arith.constant 3 : i32
        %add3A_1090 = arith.addi %mul3A_394, %add3A_1089 : i32
        %get3A_1091 = arith.constant 1 : i32
        %get3A_1092 = arith.index_cast %get3A_1091 : i32 to index
        %get3A_1093 = arith.index_cast %add3A_1090 : i32 to index
        %get3A_1094 = arith.constant 112 : index
        %get3A_1095 = tpu.vector_load %arg10[%get3A_1092, %get3A_1093, %get3A_1094] {strides = array<i32>} : memref<2x320x128xf32, #tpu.memory_space<vmem>>, vector<1x1x16xf32>,
        %get3A_1096 = vector.shape_cast %get3A_1095 : vector<1x1x16xf32> to vector<16xf32>
        %add3A_1097 = arith.constant 4 : i32
        %add3A_1098 = arith.addi %mul3A_394, %add3A_1097 : i32
        %get3A_1099 = arith.constant 1 : i32
        %get3A_1100 = arith.index_cast %get3A_1099 : i32 to index
        %get3A_1101 = arith.index_cast %add3A_1098 : i32 to index
        %get3A_1102 = arith.constant 112 : index
        %get3A_1103 = tpu.vector_load %arg10[%get3A_1100, %get3A_1101, %get3A_1102] {strides = array<i32>} : memref<2x320x128xf32, #tpu.memory_space<vmem>>, vector<1x1x16xf32>,
        %get3A_1104 = vector.shape_cast %get3A_1103 : vector<1x1x16xf32> to vector<16xf32>
        %add3A_1105 = arith.constant 5 : i32
        %add3A_1106 = arith.addi %mul3A_394, %add3A_1105 : i32
        %get3A_1107 = arith.constant 1 : i32
        %get3A_1108 = arith.index_cast %get3A_1107 : i32 to index
        %get3A_1109 = arith.index_cast %add3A_1106 : i32 to index
        %get3A_1110 = arith.constant 112 : index
        %get3A_1111 = tpu.vector_load %arg10[%get3A_1108, %get3A_1109, %get3A_1110] {strides = array<i32>} : memref<2x320x128xf32, #tpu.memory_space<vmem>>, vector<1x1x16xf32>,
        %get3A_1112 = vector.shape_cast %get3A_1111 : vector<1x1x16xf32> to vector<16xf32>
        %add3A_1113 = arith.constant 6 : i32
        %add3A_1114 = arith.addi %mul3A_394, %add3A_1113 : i32
        %get3A_1115 = arith.constant 1 : i32
        %get3A_1116 = arith.index_cast %get3A_1115 : i32 to index
        %get3A_1117 = arith.index_cast %add3A_1114 : i32 to index
        %get3A_1118 = arith.constant 112 : index
        %get3A_1119 = tpu.vector_load %arg10[%get3A_1116, %get3A_1117, %get3A_1118] {strides = array<i32>} : memref<2x320x128xf32, #tpu.memory_space<vmem>>, vector<1x1x16xf32>,
        %get3A_1120 = vector.shape_cast %get3A_1119 : vector<1x1x16xf32> to vector<16xf32>
        %add3A_1121 = arith.constant 7 : i32
        %add3A_1122 = arith.addi %mul3A_394, %add3A_1121 : i32
        %get3A_1123 = arith.constant 1 : i32
        %get3A_1124 = arith.index_cast %get3A_1123 : i32 to index
        %get3A_1125 = arith.index_cast %add3A_1122 : i32 to index
        %get3A_1126 = arith.constant 112 : index
        %get3A_1127 = tpu.vector_load %arg10[%get3A_1124, %get3A_1125, %get3A_1126] {strides = array<i32>} : memref<2x320x128xf32, #tpu.memory_space<vmem>>, vector<1x1x16xf32>,
        %get3A_1128 = vector.shape_cast %get3A_1127 : vector<1x1x16xf32> to vector<16xf32>
        %add3A_1129 = arith.constant 8 : i32
        %add3A_1130 = arith.addi %mul3A_394, %add3A_1129 : i32
        %get3A_1131 = arith.constant 1 : i32
        %get3A_1132 = arith.index_cast %get3A_1131 : i32 to index
        %get3A_1133 = arith.index_cast %add3A_1130 : i32 to index
        %get3A_1134 = arith.constant 112 : index
        %get3A_1135 = tpu.vector_load %arg10[%get3A_1132, %get3A_1133, %get3A_1134] {strides = array<i32>} : memref<2x320x128xf32, #tpu.memory_space<vmem>>, vector<1x1x16xf32>,
        %get3A_1136 = vector.shape_cast %get3A_1135 : vector<1x1x16xf32> to vector<16xf32>
        %add3A_1137 = arith.constant 9 : i32
        %add3A_1138 = arith.addi %mul3A_394, %add3A_1137 : i32
        %get3A_1139 = arith.constant 1 : i32
        %get3A_1140 = arith.index_cast %get3A_1139 : i32 to index
        %get3A_1141 = arith.index_cast %add3A_1138 : i32 to index
        %get3A_1142 = arith.constant 112 : index
        %get3A_1143 = tpu.vector_load %arg10[%get3A_1140, %get3A_1141, %get3A_1142] {strides = array<i32>} : memref<2x320x128xf32, #tpu.memory_space<vmem>>, vector<1x1x16xf32>,
        %get3A_1144 = vector.shape_cast %get3A_1143 : vector<1x1x16xf32> to vector<16xf32>
        %add3A_1145 = arith.addf %get3A_1072, %get3A_1080 : vector<16xf32>
        %add3A_1146 = arith.addf %get3A_1088, %get3A_1096 : vector<16xf32>
        %add3A_1147 = arith.addf %get3A_1104, %get3A_1112 : vector<16xf32>
        %add3A_1148 = arith.addf %get3A_1120, %get3A_1128 : vector<16xf32>
        %add3A_1149 = arith.addf %get3A_1136, %get3A_1144 : vector<16xf32>
        %add3A_1150 = arith.addf %add3A_1145, %add3A_1146 : vector<16xf32>
        %add3A_1151 = arith.addf %add3A_1147, %add3A_1148 : vector<16xf32>
        %add3A_1152 = arith.addf %add3A_1150, %add3A_1151 : vector<16xf32>
        %add3A_1153 = arith.addf %add3A_1152, %add3A_1149 : vector<16xf32>
        %swap3A_1154 = arith.constant 1 : i32
        %swap3A_1155 = arith.index_cast %swap3A_1154 : i32 to index
        %swap3A_1156 = arith.index_cast %scan3A_392 : i32 to index
        %swap3A_1157 = arith.constant 112 : index
        %swap3A_1158 = tpu.vector_load %arg11[%swap3A_1155, %swap3A_1156, %swap3A_1157] {strides = array<i32>} : memref<2x32x128xf32, #tpu.memory_space<vmem>>, vector<1x1x16xf32>,
        %swap3A_1159 = vector.shape_cast %swap3A_1158 : vector<1x1x16xf32> to vector<16xf32>
        %swap3A_1160 = vector.shape_cast %add3A_1153 : vector<16xf32> to vector<1x1x16xf32>
        tpu.vector_store %arg11[%swap3A_1155, %swap3A_1156, %swap3A_1157], %swap3A_1160 {strides = array<i32>} : memref<2x32x128xf32, #tpu.memory_space<vmem>>, vector<1x1x16xf32>,
      }
      %scan3A_353 = arith.constant 32 : i32
      %add3A_354 = arith.constant 1 : i32
      %add3A_355 = arith.addi %mul3A_167, %add3A_354 : i32
      %mul3A_356 = arith.constant 32 : i32
      %mul3A_357 = arith.muli %add3A_355, %mul3A_356 : i32
      %add3A_358 = arith.addi %multiple_of3A, %mul3A_357 : i32
      %multiple_of3A_359 = tpu.assume_multiple %add3A_358, 8 : i32
      %dma_start3A_360 = arith.constant 1 : i32
      %dma_start3A_361 = arith.constant 1 : i32
      %dma_start3A_362 = arith.constant 0 : i32
      %dma_start3A_363 = arith.constant 0 : i32
      %dma_start3A_364 = tpu.memref_slice %arg9[%dma_start3A_360, %dma_start3A_362, %dma_start3A_363] : memref<2x32x128xf32, #tpu.memory_space<vmem>> -> memref<1x32x128xf32, #tpu.memory_space<vmem>>
      %dma_start3A_365 = tpu.memref_squeeze %dma_start3A_364 : memref<1x32x128xf32, #tpu.memory_space<vmem>> -> memref<32x128xf32, #tpu.memory_space<vmem>>
      %dma_start3A_366 = arith.constant 0 : i32
      %dma_start3A_367 = tpu.memref_slice %arg5[%multiple_of3A_359, %dma_start3A_366] : memref<51200x128xf32, #tpu.memory_space<hbm>> -> memref<32x128xf32, #tpu.memory_space<hbm>>
      %dma_start3A_368 = tpu.memref_slice %arg13[%dma_start3A_361] : memref<2x!tpu.dma_semaphore, #tpu.memory_space<semaphore_mem>> -> memref<1x!tpu.dma_semaphore, #tpu.memory_space<semaphore_mem>>
      %dma_start3A_369 = tpu.memref_squeeze %dma_start3A_368 : memref<1x!tpu.dma_semaphore, #tpu.memory_space<semaphore_mem>> -> memref<!tpu.dma_semaphore, #tpu.memory_space<semaphore_mem>>
      %dma_start3A_370 = arith.constant 0 : i32
      %dma_start3A_371 = tpu.memref_slice %arg5[%multiple_of3A_359, %dma_start3A_370] : memref<51200x128xf32, #tpu.memory_space<hbm>> -> memref<32x128xf32, #tpu.memory_space<hbm>>
      %dma_start3A_372 = arith.constant 0 : i32
      %dma_start3A_373 = arith.constant 0 : i32
      %dma_start3A_374 = tpu.memref_slice %arg9[%dma_start3A_360, %dma_start3A_372, %dma_start3A_373] : memref<2x32x128xf32, #tpu.memory_space<vmem>> -> memref<1x32x128xf32, #tpu.memory_space<vmem>>
      %dma_start3A_375 = tpu.memref_squeeze %dma_start3A_374 : memref<1x32x128xf32, #tpu.memory_space<vmem>> -> memref<32x128xf32, #tpu.memory_space<vmem>>
      tpu.enqueue_dma source(%dma_start3A_375 : memref<32x128xf32, #tpu.memory_space<vmem>>) target(%dma_start3A_371 : memref<32x128xf32, #tpu.memory_space<hbm>>) target_semaphore(%dma_start3A_369 : memref<!tpu.dma_semaphore, #tpu.memory_space<semaphore_mem>>)
      %dma_start3A_376 = arith.constant 1 : i32
      %dma_start3A_377 = arith.constant 1 : i32
      %dma_start3A_378 = arith.constant 0 : i32
      %dma_start3A_379 = arith.constant 0 : i32
      %dma_start3A_380 = tpu.memref_slice %arg11[%dma_start3A_376, %dma_start3A_378, %dma_start3A_379] : memref<2x32x128xf32, #tpu.memory_space<vmem>> -> memref<1x32x128xf32, #tpu.memory_space<vmem>>
      %dma_start3A_381 = tpu.memref_squeeze %dma_start3A_380 : memref<1x32x128xf32, #tpu.memory_space<vmem>> -> memref<32x128xf32, #tpu.memory_space<vmem>>
      %dma_start3A_382 = arith.constant 0 : i32
      %dma_start3A_383 = tpu.memref_slice %arg6[%multiple_of3A_359, %dma_start3A_382] : memref<51200x128xf32, #tpu.memory_space<hbm>> -> memref<32x128xf32, #tpu.memory_space<hbm>>
      %dma_start3A_384 = tpu.memref_slice %arg13[%dma_start3A_377] : memref<2x!tpu.dma_semaphore, #tpu.memory_space<semaphore_mem>> -> memref<1x!tpu.dma_semaphore, #tpu.memory_space<semaphore_mem>>
      %dma_start3A_385 = tpu.memref_squeeze %dma_start3A_384 : memref<1x!tpu.dma_semaphore, #tpu.memory_space<semaphore_mem>> -> memref<!tpu.dma_semaphore, #tpu.memory_space<semaphore_mem>>
      %dma_start3A_386 = arith.constant 0 : i32
      %dma_start3A_387 = tpu.memref_slice %arg6[%multiple_of3A_359, %dma_start3A_386] : memref<51200x128xf32, #tpu.memory_space<hbm>> -> memref<32x128xf32, #tpu.memory_space<hbm>>
      %dma_start3A_388 = arith.constant 0 : i32
      %dma_start3A_389 = arith.constant 0 : i32
      %dma_start3A_390 = tpu.memref_slice %arg11[%dma_start3A_376, %dma_start3A_388, %dma_start3A_389] : memref<2x32x128xf32, #tpu.memory_space<vmem>> -> memref<1x32x128xf32, #tpu.memory_space<vmem>>
      %dma_start3A_391 = tpu.memref_squeeze %dma_start3A_390 : memref<1x32x128xf32, #tpu.memory_space<vmem>> -> memref<32x128xf32, #tpu.memory_space<vmem>>
      tpu.enqueue_dma source(%dma_start3A_391 : memref<32x128xf32, #tpu.memory_space<vmem>>) target(%dma_start3A_387 : memref<32x128xf32, #tpu.memory_space<hbm>>) target_semaphore(%dma_start3A_385 : memref<!tpu.dma_semaphore, #tpu.memory_space<semaphore_mem>>)
    }
    %dma_wait3A = arith.constant 0 : i32
    %dma_wait3A_94 = arith.constant 0 : i32
    %dma_wait3A_95 = arith.constant 0 : i32
    %dma_wait3A_96 = arith.constant 0 : i32
    %dma_wait3A_97 = tpu.memref_slice %arg9[%dma_wait3A, %dma_wait3A_95, %dma_wait3A_96] : memref<2x32x128xf32, #tpu.memory_space<vmem>> -> memref<1x32x128xf32, #tpu.memory_space<vmem>>
    %dma_wait3A_98 = tpu.memref_squeeze %dma_wait3A_97 : memref<1x32x128xf32, #tpu.memory_space<vmem>> -> memref<32x128xf32, #tpu.memory_space<vmem>>
    %dma_wait3A_99 = arith.constant 0 : i32
    %dma_wait3A_100 = arith.constant 0 : i32
    %dma_wait3A_101 = tpu.memref_slice %arg5[%dma_wait3A_99, %dma_wait3A_100] : memref<51200x128xf32, #tpu.memory_space<hbm>> -> memref<32x128xf32, #tpu.memory_space<hbm>>
    %dma_wait3A_102 = tpu.memref_slice %arg13[%dma_wait3A_94] : memref<2x!tpu.dma_semaphore, #tpu.memory_space<semaphore_mem>> -> memref<1x!tpu.dma_semaphore, #tpu.memory_space<semaphore_mem>>
    %dma_wait3A_103 = tpu.memref_squeeze %dma_wait3A_102 : memref<1x!tpu.dma_semaphore, #tpu.memory_space<semaphore_mem>> -> memref<!tpu.dma_semaphore, #tpu.memory_space<semaphore_mem>>
    %dma_wait3A_104 = arith.constant 0 : i32
    %dma_wait3A_105 = arith.constant 0 : i32
    %dma_wait3A_106 = tpu.memref_slice %arg5[%dma_wait3A_104, %dma_wait3A_105] : memref<51200x128xf32, #tpu.memory_space<hbm>> -> memref<32x128xf32, #tpu.memory_space<hbm>>
    %dma_wait3A_107 = arith.constant 0 : i32
    %dma_wait3A_108 = arith.constant 0 : i32
    %dma_wait3A_109 = tpu.memref_slice %arg9[%dma_wait3A, %dma_wait3A_107, %dma_wait3A_108] : memref<2x32x128xf32, #tpu.memory_space<vmem>> -> memref<1x32x128xf32, #tpu.memory_space<vmem>>
    %dma_wait3A_110 = tpu.memref_squeeze %dma_wait3A_109 : memref<1x32x128xf32, #tpu.memory_space<vmem>> -> memref<32x128xf32, #tpu.memory_space<vmem>>
    tpu.wait_dma2 semaphore(%dma_wait3A_103 : memref<!tpu.dma_semaphore, #tpu.memory_space<semaphore_mem>>) src(%dma_wait3A_110 : memref<32x128xf32, #tpu.memory_space<vmem>>) dst(%dma_wait3A_106 : memref<32x128xf32, #tpu.memory_space<hbm>>)
    %dma_wait3A_111 = arith.constant 0 : i32
    %dma_wait3A_112 = arith.constant 0 : i32
    %dma_wait3A_113 = arith.constant 0 : i32
    %dma_wait3A_114 = arith.constant 0 : i32
    %dma_wait3A_115 = tpu.memref_slice %arg11[%dma_wait3A_111, %dma_wait3A_113, %dma_wait3A_114] : memref<2x32x128xf32, #tpu.memory_space<vmem>> -> memref<1x32x128xf32, #tpu.memory_space<vmem>>
    %dma_wait3A_116 = tpu.memref_squeeze %dma_wait3A_115 : memref<1x32x128xf32, #tpu.memory_space<vmem>> -> memref<32x128xf32, #tpu.memory_space<vmem>>
    %dma_wait3A_117 = arith.constant 0 : i32
    %dma_wait3A_118 = arith.constant 0 : i32
    %dma_wait3A_119 = tpu.memref_slice %arg6[%dma_wait3A_117, %dma_wait3A_118] : memref<51200x128xf32, #tpu.memory_space<hbm>> -> memref<32x128xf32, #tpu.memory_space<hbm>>
    %dma_wait3A_120 = tpu.memref_slice %arg13[%dma_wait3A_112] : memref<2x!tpu.dma_semaphore, #tpu.memory_space<semaphore_mem>> -> memref<1x!tpu.dma_semaphore, #tpu.memory_space<semaphore_mem>>
    %dma_wait3A_121 = tpu.memref_squeeze %dma_wait3A_120 : memref<1x!tpu.dma_semaphore, #tpu.memory_space<semaphore_mem>> -> memref<!tpu.dma_semaphore, #tpu.memory_space<semaphore_mem>>
    %dma_wait3A_122 = arith.constant 0 : i32
    %dma_wait3A_123 = arith.constant 0 : i32
    %dma_wait3A_124 = tpu.memref_slice %arg6[%dma_wait3A_122, %dma_wait3A_123] : memref<51200x128xf32, #tpu.memory_space<hbm>> -> memref<32x128xf32, #tpu.memory_space<hbm>>
    %dma_wait3A_125 = arith.constant 0 : i32
    %dma_wait3A_126 = arith.constant 0 : i32
    %dma_wait3A_127 = tpu.memref_slice %arg11[%dma_wait3A_111, %dma_wait3A_125, %dma_wait3A_126] : memref<2x32x128xf32, #tpu.memory_space<vmem>> -> memref<1x32x128xf32, #tpu.memory_space<vmem>>
    %dma_wait3A_128 = tpu.memref_squeeze %dma_wait3A_127 : memref<1x32x128xf32, #tpu.memory_space<vmem>> -> memref<32x128xf32, #tpu.memory_space<vmem>>
    tpu.wait_dma2 semaphore(%dma_wait3A_121 : memref<!tpu.dma_semaphore, #tpu.memory_space<semaphore_mem>>) src(%dma_wait3A_128 : memref<32x128xf32, #tpu.memory_space<vmem>>) dst(%dma_wait3A_124 : memref<32x128xf32, #tpu.memory_space<hbm>>)
    %dma_wait3A_129 = arith.constant 1 : i32
    %dma_wait3A_130 = arith.constant 1 : i32
    %dma_wait3A_131 = arith.constant 0 : i32
    %dma_wait3A_132 = arith.constant 0 : i32
    %dma_wait3A_133 = tpu.memref_slice %arg9[%dma_wait3A_129, %dma_wait3A_131, %dma_wait3A_132] : memref<2x32x128xf32, #tpu.memory_space<vmem>> -> memref<1x32x128xf32, #tpu.memory_space<vmem>>
    %dma_wait3A_134 = tpu.memref_squeeze %dma_wait3A_133 : memref<1x32x128xf32, #tpu.memory_space<vmem>> -> memref<32x128xf32, #tpu.memory_space<vmem>>
    %dma_wait3A_135 = arith.constant 0 : i32
    %dma_wait3A_136 = arith.constant 0 : i32
    %dma_wait3A_137 = tpu.memref_slice %arg5[%dma_wait3A_135, %dma_wait3A_136] : memref<51200x128xf32, #tpu.memory_space<hbm>> -> memref<32x128xf32, #tpu.memory_space<hbm>>
    %dma_wait3A_138 = tpu.memref_slice %arg13[%dma_wait3A_130] : memref<2x!tpu.dma_semaphore, #tpu.memory_space<semaphore_mem>> -> memref<1x!tpu.dma_semaphore, #tpu.memory_space<semaphore_mem>>
    %dma_wait3A_139 = tpu.memref_squeeze %dma_wait3A_138 : memref<1x!tpu.dma_semaphore, #tpu.memory_space<semaphore_mem>> -> memref<!tpu.dma_semaphore, #tpu.memory_space<semaphore_mem>>
    %dma_wait3A_140 = arith.constant 0 : i32
    %dma_wait3A_141 = arith.constant 0 : i32
    %dma_wait3A_142 = tpu.memref_slice %arg5[%dma_wait3A_140, %dma_wait3A_141] : memref<51200x128xf32, #tpu.memory_space<hbm>> -> memref<32x128xf32, #tpu.memory_space<hbm>>
    %dma_wait3A_143 = arith.constant 0 : i32
    %dma_wait3A_144 = arith.constant 0 : i32
    %dma_wait3A_145 = tpu.memref_slice %arg9[%dma_wait3A_129, %dma_wait3A_143, %dma_wait3A_144] : memref<2x32x128xf32, #tpu.memory_space<vmem>> -> memref<1x32x128xf32, #tpu.memory_space<vmem>>
    %dma_wait3A_146 = tpu.memref_squeeze %dma_wait3A_145 : memref<1x32x128xf32, #tpu.memory_space<vmem>> -> memref<32x128xf32, #tpu.memory_space<vmem>>
    tpu.wait_dma2 semaphore(%dma_wait3A_139 : memref<!tpu.dma_semaphore, #tpu.memory_space<semaphore_mem>>) src(%dma_wait3A_146 : memref<32x128xf32, #tpu.memory_space<vmem>>) dst(%dma_wait3A_142 : memref<32x128xf32, #tpu.memory_space<hbm>>)
    %dma_wait3A_147 = arith.constant 1 : i32
    %dma_wait3A_148 = arith.constant 1 : i32
    %dma_wait3A_149 = arith.constant 0 : i32
    %dma_wait3A_150 = arith.constant 0 : i32
    %dma_wait3A_151 = tpu.memref_slice %arg11[%dma_wait3A_147, %dma_wait3A_149, %dma_wait3A_150] : memref<2x32x128xf32, #tpu.memory_space<vmem>> -> memref<1x32x128xf32, #tpu.memory_space<vmem>>
    %dma_wait3A_152 = tpu.memref_squeeze %dma_wait3A_151 : memref<1x32x128xf32, #tpu.memory_space<vmem>> -> memref<32x128xf32, #tpu.memory_space<vmem>>
    %dma_wait3A_153 = arith.constant 0 : i32
    %dma_wait3A_154 = arith.constant 0 : i32
    %dma_wait3A_155 = tpu.memref_slice %arg6[%dma_wait3A_153, %dma_wait3A_154] : memref<51200x128xf32, #tpu.memory_space<hbm>> -> memref<32x128xf32, #tpu.memory_space<hbm>>
    %dma_wait3A_156 = tpu.memref_slice %arg13[%dma_wait3A_148] : memref<2x!tpu.dma_semaphore, #tpu.memory_space<semaphore_mem>> -> memref<1x!tpu.dma_semaphore, #tpu.memory_space<semaphore_mem>>
    %dma_wait3A_157 = tpu.memref_squeeze %dma_wait3A_156 : memref<1x!tpu.dma_semaphore, #tpu.memory_space<semaphore_mem>> -> memref<!tpu.dma_semaphore, #tpu.memory_space<semaphore_mem>>
    %dma_wait3A_158 = arith.constant 0 : i32
    %dma_wait3A_159 = arith.constant 0 : i32
    %dma_wait3A_160 = tpu.memref_slice %arg6[%dma_wait3A_158, %dma_wait3A_159] : memref<51200x128xf32, #tpu.memory_space<hbm>> -> memref<32x128xf32, #tpu.memory_space<hbm>>
    %dma_wait3A_161 = arith.constant 0 : i32
    %dma_wait3A_162 = arith.constant 0 : i32
    %dma_wait3A_163 = tpu.memref_slice %arg11[%dma_wait3A_147, %dma_wait3A_161, %dma_wait3A_162] : memref<2x32x128xf32, #tpu.memory_space<vmem>> -> memref<1x32x128xf32, #tpu.memory_space<vmem>>
    %dma_wait3A_164 = tpu.memref_squeeze %dma_wait3A_163 : memref<1x32x128xf32, #tpu.memory_space<vmem>> -> memref<32x128xf32, #tpu.memory_space<vmem>>
    tpu.wait_dma2 semaphore(%dma_wait3A_157 : memref<!tpu.dma_semaphore, #tpu.memory_space<semaphore_mem>>) src(%dma_wait3A_164 : memref<32x128xf32, #tpu.memory_space<vmem>>) dst(%dma_wait3A_160 : memref<32x128xf32, #tpu.memory_space<hbm>>)
    return
  }
}

module attributes {stable_mosaic.version = 14 : i64} {
  func.func @_tc_matmul_body(%arg0: i32, %arg1: memref<128x128xf32, #tpu.memory_space<vmem>>, %arg2: memref<128x128xf32, #tpu.memory_space<vmem>>, %arg3: memref<1024x128xf32, #tpu.memory_space<vmem>>, %arg4: memref<1024x128xf32, #tpu.memory_space<vmem>>, %arg5: memref<128x1024xf32, #tpu.memory_space<vmem>>) attributes {dimension_semantics = [#tpu.dimension_semantics<arbitrary>], iteration_bounds = array<i64: 49>, scalar_prefetch = 0 : i64, scratch_operands = 0 : i64, tpu.core_type = #tpu.core_type<tc>, window_params = [{pipeline_mode = #tpu.pipeline_mode<synchronous>, transform_indices = @transform_0, window_bounds = array<i64: 128, 128>}, {pipeline_mode = #tpu.pipeline_mode<synchronous>, transform_indices = @transform_1, window_bounds = array<i64: 128, 128>}, {transform_indices = @transform_2, window_bounds = array<i64: 1024, 128>}, {transform_indices = @transform_3, window_bounds = array<i64: 1024, 128>}, {transform_indices = @transform_4, window_bounds = array<i64: 128, 1024>}]} {
    %get3A = arith.constant 0 : index
    %get3A_0 = arith.constant 0 : index
    %get3A_1 = vector.load %arg1[%get3A, %get3A_0] : memref<128x128xf32, #tpu.memory_space<vmem>>, vector<128x128xf32>
    %get3A_2 = arith.constant 0 : index
    %get3A_3 = arith.constant 0 : index
    %get3A_4 = vector.load %arg3[%get3A_2, %get3A_3] : memref<1024x128xf32, #tpu.memory_space<vmem>>, vector<1024x128xf32>
    %dot_general3A = arith.constant dense<0.000000e+00> : vector<128x1024xf32>
    %dot_general3A_5 = tpu.matmul %get3A_1, %get3A_4, %dot_general3A {dimension_numbers = #tpu.dot_dimension_numbers<[1], [1], [0], [0], [0, 0, 1, 0], [], []>, transpose_lhs_hint = false} : vector<128x128xf32>, vector<1024x128xf32>, vector<128x1024xf32> -> vector<128x1024xf32>
    %get3A_6 = arith.constant 0 : index
    %get3A_7 = arith.constant 0 : index
    %get3A_8 = vector.load %arg2[%get3A_6, %get3A_7] : memref<128x128xf32, #tpu.memory_space<vmem>>, vector<128x128xf32>
    %get3A_9 = arith.constant 0 : index
    %get3A_10 = arith.constant 0 : index
    %get3A_11 = vector.load %arg4[%get3A_9, %get3A_10] : memref<1024x128xf32, #tpu.memory_space<vmem>>, vector<1024x128xf32>
    %dot_general3A_12 = arith.constant dense<0.000000e+00> : vector<128x1024xf32>
    %dot_general3A_13 = tpu.matmul %get3A_8, %get3A_11, %dot_general3A_12 {dimension_numbers = #tpu.dot_dimension_numbers<[1], [1], [0], [0], [0, 0, 1, 0], [], []>, transpose_lhs_hint = false} : vector<128x128xf32>, vector<1024x128xf32>, vector<128x1024xf32> -> vector<128x1024xf32>
    %add3A = arith.addf %dot_general3A_5, %dot_general3A_13 : vector<128x1024xf32>
    %max3A = arith.constant 0.000000e+00 : f32
    %max3A_14 = vector.broadcast %max3A : f32 to vector<128x1024xf32>
    %max3A_15 = arith.maximumf %add3A, %max3A_14 : vector<128x1024xf32>
    %swap3A = arith.constant 0 : index
    %swap3A_16 = arith.constant 0 : index
    %swap3A_17 = vector.load %arg5[%swap3A, %swap3A_16] : memref<128x1024xf32, #tpu.memory_space<vmem>>, vector<128x1024xf32>
    tpu.vector_store %arg5[%swap3A, %swap3A_16], %max3A_15 {strides = array<i32>} : memref<128x1024xf32, #tpu.memory_space<vmem>>, vector<128x1024xf32>,
    return
  }
  func.func @transform_0(%arg0: i32) -> (i32, i32) {
    %c0_i32 = arith.constant 0 : i32
    %c0_i32_0 = arith.constant 0 : i32
    %c0_i32_1 = arith.constant 0 : i32
    return %c0_i32, %c0_i32_0 : i32, i32
  }
  func.func @transform_1(%arg0: i32) -> (i32, i32) {
    %c0_i32 = arith.constant 0 : i32
    %c0_i32_0 = arith.constant 0 : i32
    %c0_i32_1 = arith.constant 0 : i32
    return %c0_i32, %c0_i32_0 : i32, i32
  }
  func.func @transform_2(%arg0: i32) -> (i32, i32) {
    %c0_i32 = arith.constant 0 : i32
    %c0_i32_0 = arith.constant 0 : i32
    return %arg0, %c0_i32 : i32, i32
  }
  func.func @transform_3(%arg0: i32) -> (i32, i32) {
    %c0_i32 = arith.constant 0 : i32
    %c0_i32_0 = arith.constant 0 : i32
    return %arg0, %c0_i32 : i32, i32
  }
  func.func @transform_4(%arg0: i32) -> (i32, i32) {
    %c0_i32 = arith.constant 0 : i32
    %c0_i32_0 = arith.constant 0 : i32
    return %c0_i32, %arg0 : i32, i32
  }
}

</mosaic_0001>

<sc_bundles>
// kernel: kernel.4.cloned.1.call-start
scs
__scs_entry_jumppad:
0x0: {  	(pc) =	sbr.rel $0x88, $3  }
0x1: {  	(tag) =	ssettag $0x0;
	lr =	simm.s32 $0x1  }
0x2: {  	[smem:$0x3F9D] =	sst lr;
	_ =	strace $0xD0000000  }
0x3: {  	_ = 	snop  }
0x4: {  	_ = 	snop  }
0x5: {  	_ = 	snop  }
0x6: {  	_ = 	snop  }
0x7: {  	_ = 	snop  }
__scs_overlays_trampoline_lowered:
0x8: {  	[smem:$0x3FAC] =	sst s0  }
0x9: {  	[smem:$0x3FAD] =	sst s1  }
0xa: {  	[smem:$0x3FAE] =	sst s2  }
0xb: {  	[smem:$0x3FAF] =	sst s3  }
0xc: {  	[smem:$0x3FB0] =	sst s4  }
0xd: {  	[smem:$0x3FB1] =	sst s5  }
0xe: {  	[smem:$0x3FB2] =	sst s6  }
0xf: {  	[smem:$0x3FB3] =	sst s7  }
0x10: {  	[smem:$0x3FB4] =	sst s8  }
0x11: {  	[smem:$0x3FB5] =	sst s9;
	s0 =	simm.s32 @!p0 $0x0  }
0x12: {  	s1 =	sld [smem:$0x3F9B];
	s0 =	simm.s32 @p0 $0x1  }
0x13: {  	[smem:$0x3FB6] =	sst s0;
	s0 =	simm.s32 @!p1 $0x0  }
0x14: {  	s2 =	sld [smem:$0x3F9A];
	s0 =	simm.s32 @p1 $0x1  }
0x15: {  	[smem:$0x3FB7] =	sst s0;
	s0 =	simm.s32 @!p2 $0x0  }
0x16: {  	s3 =	sld [smem:$0x3FDB];
	s0 =	simm.s32 @p2 $0x1  }
0x17: {  	s4 =	simm.s32 $0x1BF5;
	[smem:$0x3FB9] =	sst s0  }
0x18: {  	s0 =	sld [smem:$0x3F9C];
	_ =	swait.ge [sflag:s4], $0x0  }
0x19: {  	s7 =	sld [smem:$0x3F9D]  }
0x1a: {  	s8 =	sadd.s32 $0xFFFFE003, lr  }
0x1b: {  	s9 =	sadd.s32 $0xFFFFFEF7, lr;
	s5 =	simm.s32 $0xFFFFFFFF;
	p2 =	slt.u32 s8, $0xFFFFF086  }
0x1c: {  	p1 =	slt.u32 s9, $0xF7A;
	s5 =	simm.s32 @!p2 $0x0  }
0x1d: {  	s5 =	simm.s32 @p1 $0x1;
	p0 =	seq.s32 s7, s2  }
0x1e: {  	s7 =	smul.u32 @!p0 $0xF7A, s2;
	p2 =	seq.s32 @!p0 s5, $0x0  }
0x1f: {  	s9 =	smul.u32 $0xF7A, s1;
	s8 =	simm.s32 @!p0 $0x1BF5;
	p2 =	por !p2, p0  }
0x20: {  	[sflag:s8] =	ssyncset.s32 @!p0 $0xFFFFF086;
	s6 =	sadd.s32 @!p0 s3, s7;
	s7 =	simm.s32 @!p0 $0x108  }
0x21: {  	s3 =	sadd.s32 s3, s9;
	s6 =	sadd.s32 @!p0 $0x88, s6;
	s7 =	simm.s32 @p2 $0x1082  }
0x22: {  	[simem:s7], [sflag:s8] =	dma.local @!p0 [hbm:s6], $0xF7A  }
0x23: {  	s9 =	sor.u32 $0xD0000000, s2;
	s6 =	simm.s32 $0x108;
	_ =	swait.ge @!p0 [sflag:s8], $0x0  }
0x24: {  	s3 =	sadd.s32 $0x88, s3;
	s6 =	simm.s32 @!p1 $0x1082;
	[sflag:s4] =	ssyncset.s32 $0xFFFFF086  }
0x25: {  	[simem:s6], [sflag:s4] =	dma.local [hbm:s3], $0xF7A  }
0x26: {  	[smem:$0x3F9D] =	sst s1;
	(tag) =	ssettag s2;
	_ =	strace s9  }
0x27: {  	s1 =	sld [smem:$0x3FAD]  }
0x28: {  	s2 =	sld [smem:$0x3FAE]  }
0x29: {  	s4 =	sld [smem:$0x3FB0]  }
0x2a: {  	p0 =	seq.s32 s5, $0x0;
	s5 =	sld [smem:$0x3FB1]  }
0x2b: {  	s6 =	sld [smem:$0x3FB2]  }
0x2c: {  	s7 =	sld [smem:$0x3FB3]  }
0x2d: {  	s3 =	simm.s32 $0x108;
	s8 =	sld [smem:$0x3FB4]  }
0x2e: {  	s3 =	simm.s32 @!p0 $0x1082;
	s9 =	sld [smem:$0x3FB5]  }
0x2f: {  	lr =	sadd.s32 s0, s3;
	s0 =	sld [smem:$0x3FAC]  }
0x30: {  	s3 =	sld [smem:$0x3FAF]  }
0x31: {  	[smem:$0x3FB8] =	sst s10  }
0x32: {  	s10 =	sld [smem:$0x3FB6];
	_ =	sdelay $0x3  }
0x33: {  	p0 =	seq.s32 s10, $0x1;
	s10 =	sld [smem:$0x3FB8];
	_ =	sdelay $0x3  }
0x34: {  	[smem:$0x3FB8] =	sst s10  }
0x35: {  	s10 =	sld [smem:$0x3FB7];
	_ =	sdelay $0x3  }
0x36: {  	p1 =	seq.s32 s10, $0x1;
	s10 =	sld [smem:$0x3FB8];
	_ =	sdelay $0x3  }
0x37: {  	[smem:$0x3FB8] =	sst s10  }
0x38: {  	s10 =	sld [smem:$0x3FB9]  }
0x39: {  	_ = 	snop;
	(pc) =	sbr.ind lr, $3  }
0x3a: {  	_ = 	snop  }
0x3b: {  	_ = 	snop  }
0x3c: {  	p2 =	seq.s32 s10, $0x1;
	s10 =	sld [smem:$0x3FB8]  }
0x3d: {  	_ =	shalt  }
0x3e: {  	_ =	shalt  }
0x3f: {  	_ =	shalt  }
0x40: {  	_ =	shalt  }
0x41: {  	_ =	shalt  }
0x42: {  	_ =	shalt  }
0x43: {  	_ =	shalt  }
0x44: {  	_ =	shalt  }
0x45: {  	_ =	shalt  }
0x46: {  	_ =	shalt  }
0x47: {  	_ =	shalt  }
0x48: {  	_ =	shalt  }
0x49: {  	_ =	shalt  }
0x4a: {  	_ =	shalt  }
0x4b: {  	_ =	shalt  }
0x4c: {  	_ =	shalt  }
0x4d: {  	_ =	shalt  }
0x4e: {  	_ =	shalt  }
0x4f: {  	_ =	shalt  }
0x50: {  	_ =	shalt  }
0x51: {  	_ =	shalt  }
0x52: {  	_ =	shalt  }
0x53: {  	_ =	shalt  }
0x54: {  	_ =	shalt  }
0x55: {  	_ =	shalt  }
0x56: {  	_ =	shalt  }
0x57: {  	_ =	shalt  }
0x58: {  	_ =	shalt  }
0x59: {  	_ =	shalt  }
0x5a: {  	_ =	shalt  }
0x5b: {  	_ =	shalt  }
0x5c: {  	_ =	shalt  }
0x5d: {  	_ =	shalt  }
0x5e: {  	_ =	shalt  }
0x5f: {  	_ =	shalt  }
0x60: {  	_ =	shalt  }
0x61: {  	_ =	shalt  }
0x62: {  	_ =	shalt  }
0x63: {  	_ =	shalt  }
0x64: {  	_ =	shalt  }
0x65: {  	_ =	shalt  }
0x66: {  	_ =	shalt  }
0x67: {  	_ =	shalt  }
0x68: {  	_ =	shalt  }
0x69: {  	_ =	shalt  }
0x6a: {  	_ =	shalt  }
0x6b: {  	_ =	shalt  }
0x6c: {  	_ =	shalt  }
0x6d: {  	_ =	shalt  }
0x6e: {  	_ =	shalt  }
0x6f: {  	_ =	shalt  }
0x70: {  	_ =	shalt  }
0x71: {  	_ =	shalt  }
0x72: {  	_ =	shalt  }
0x73: {  	_ =	shalt  }
0x74: {  	_ =	shalt  }
0x75: {  	_ =	shalt  }
0x76: {  	_ =	shalt  }
0x77: {  	_ =	shalt  }
0x78: {  	_ =	shalt  }
0x79: {  	_ =	shalt  }
0x7a: {  	_ =	shalt  }
0x7b: {  	_ =	shalt  }
0x7c: {  	_ =	shalt  }
0x7d: {  	_ =	shalt  }
0x7e: {  	_ =	shalt  }
0x7f: {  	_ =	shalt  }
0x80: {  	_ =	shalt  }
0x81: {  	_ =	shalt  }
0x82: {  	_ =	shalt  }
0x83: {  	_ =	shalt  }
0x84: {  	_ =	shalt  }
0x85: {  	_ =	shalt  }
0x86: {  	_ =	shalt  }
0x87: {  	_ =	shalt  }
.Lfunc_end0:
.L_simem_size_0:
called_computation_lowered:
.L_overlay_start_0:
0x88: {  	s2 =	sld [smem:$0x3FD9]  }
0x89: {  	s3 =	sld [smem:$0x3FFE];
	_ =	sdelay $0x1  }
0x8a: {  	s1 =	srdreg.scid  }
0x8b: {  	s0 =	sand.u32 $0x1, s1  }
0x8c: {  	s17 =	sshll.u32 s0, $0xA;
	s2 =	sadd.s32 s3, s2  }
0x8d: {  	s2 =	sadd.s32 s2, s17  }
0x8e: {  	[smem:$0x3FC4] =	sst s2  }
0x8f: {  	_ = 	snop  }
0x90: {  	s2 =	sld [smem:$0x3FC7]  }
0x91: {  	s18 =	sld [smem:$0x3FD0];
	(tm) =	ssettm $0x1  }
0x92: {  	s4 =	sld [smem:$0x3FFB];
	_ =	sdelay $0x3  }
0x93: {  	_ =	strace s4  }
0x94: {  	s4 =	sld [smem:$0x3FFC];
	_ =	sdelay $0x3  }
0x95: {  	_ =	strace s4  }
0x96: {  	s4 =	sld [smem:$0x3FFD];
	_ =	sdelay $0x3  }
0x97: {  	_ =	strace s4  }
0x98: {  	_ =	strace $0x8FFFFFFF  }
0x99: {  	s19 =	sld [smem:$0x3FDB];
	_ =	sdelay $0x1  }
0x9a: {  	s5 =	simm.s32 $_scs_section_size  }
0x9b: {  	s6 =	simm.s32 $_size__tile_overlayer_lowered;
	s7 =	simm.s32 $_tile_overlayer_lowered  }
0x9c: {  	s22 =	simm.s32 $0x1BFF;
	s21 =	sshll.u32 s7, $0x1;
	s4 =	sadd.s32 s5, s19  }
0x9d: {  	s8 =	simm.s32 $0x0;
	s20 =	sshll.u32 s6, $0x1;
	s6 =	sadd.s32 s21, s4  }
0x9e: {  	[timem:s8], [sflag:s22] =	dma.local [hbm:s6], s20  }
0x9f: {  	_ =	swait.ge [sflag:s22], s20  }
0xa0: {  	s5 =	ssub.s32 $0x0, s20;
	[sflag:s22] =	ssyncset.done $0x0  }
0xa1: {  	[sflag:s22] =	ssyncadd.s32 s5;
	_ =	sdelay $0x1  }
0xa2: {  	s23 =	simm.s32 $0x1B8B  }
0xa3: {  	_ =	swait.ge [sflag:s23], $0x1  }
0xa4: {  	[sflag:s23] =	ssyncset.done $0x0  }
0xa5: {  	s25 =	simm.s32 $0x1B8E;
	s24 =	sld [smem:$0x3FFE];
	[sflag:s23] =	ssyncadd.s32 $0xFFFFFFFF  }
0xa6: {  	s26 =	simm.s32 $execute0_lowered;
	[smem:$0x3FD2] =	sst s25  }
0xa7: {  	s6 =	sshll.u32 s26, $0x1;
	_ =	strace $0x80000046;
	[dreg:$0x1] =	wrdreg $0xFFFFFFFF  }
0xa8: {  	s28 =	simm.s32 $_size_execute0_lowered;
	s4 =	sadd.s32 s4, s6;
	[dreg:$0x0] =	wrdreg $0x0  }
0xa9: {  	s6 =	sshll.u32 s28, $0x1;
	[dreg:$0x2] =	wrdreg s4  }
0xaa: {  	[dreg:$0x3] =	wrdreg s6  }
0xab: {  	[dreg:$0x4] =	wrdreg $0xC0  }
0xac: {  	_ =	task [dreg:s8], $0x5FFFF  }
0xad: {  	[dreg:$0x1] =	wrdreg $0xFFFFFFFF  }
0xae: {  	[dreg:$0x0] =	wrdreg $0x60  }
0xaf: {  	[dreg:$0x2] =	wrdreg s2  }
0xb0: {  	[dreg:$0x3] =	wrdreg s24  }
0xb1: {  	[dreg:$0x4] =	wrdreg s18  }
0xb2: {  	[dreg:$0x5] =	wrdreg $0x9  }
0xb3: {  	_ =	task.clear_ibuf [dreg:s8], $0x6FFFF;
	_ =	strace $0x90000046  }
0xb4: {  	s29 =	simm.s32 $0x9;
	_ =	strace $0x80000048  }
0xb5: {  	_ =	swait.ge [sflag:s29], $0x1  }
0xb6: {  	[sflag:s29] =	ssyncadd.s32 $0xFFFFFFFF  }
0xb7: {  	_ =	strace $0x90000048  }
0xb8: {  	_ =	sfence  }
0xb9: {  	s30 =	sld [smem:$0x0];
	_ =	sdelay $0x2  }
0xba: {  	s31 =	sshll.u32 s1, $0xD;
	s1 =	sshrl.u32 s1, $0x2  }
0xbb: {  	s3 =	sand.u32 $0x4000, s31;
	s1 =	sadd.s32 s1, s30  }
0xbc: {  	s0 =	sor.u32 s3, s0;
	s1 =	sshll.u32 s1, $0x11  }
0xbd: {  	s0 =	sor.u32 s1, s0  }
0xbe: {  	s0 =	sadd.s32 $0x8F2B, s0  }
0xbf: {  	[sflag:s0] =	ssyncadd.remote.s32 $0x1  }
0xc0: {  	_ =	sfence.sel $0xFFFF  }
0xc1: {  	[dreg:$0x0] =	wrdreg $0xFFFFFFFF;
	(pc) =	sbr.abs _section_cstart, $3  }
0xc2: {  	[dreg:$0x1] =	wrdreg $0xFFFFFFFF  }
0xc3: {  	_ =	task.clear_ibuf [dreg:s8], $0x2FFFF;
	_ =	strace $0x9FFFFFFF  }
0xc4: {  	(tm) =	ssettm $0x7FFFFFFF  }
0xc5: {  	_ =	shalt  }
tec
execute0_lowered:
.L_overlay_start_1:
0x0: {  	(tag) =	ssettag $0x1  }
0x1: {  	s1 =	rddreg [dreg:$0x0]  }
0x2: {  	s0 =	srdreg.scid;
	s2 =	rddreg [dreg:$0x1]  }
0x3: {  	s3 =	stileid.u32;
	s8 =	rddreg [dreg:$0x2]  }
0x4: {  	s6 =	simm.s32 $0x26;
	s15 =	simm.s32 $0x20;
	s16 =	simm.s32 $0x6880  }
0x5: {  	s17 =	simm.s32 $0x80;
	s21 =	simm.s32 $0x40;
	s28 =	simm.s32 $0x1A880  }
0x6: {  	s29 =	simm.s32 $0x1;
	s30 =	simm.s32 $0x1C880;
	s31 =	simm.s32 $0x2  }
0x7: {  	s18 =	simm.s32 $0x4;
	s19 =	simm.s32 $0x0;
	s0 =	sand.u32 $0x1, s0  }
0x8: {  	s5 =	smul.u32 $0x64, s3;
	s3 =	simm.s32 $0x0;
	s7 =	sadd.s32 $0xCAA00, s2  }
0x9: {  	s4 =	ssub.s32 $0x0, s0;
	[smem:$0x7FF] =	sst s3;
	s9 =	ssub.s32 $0x2, s0  }
0xa: {  	p0 =	seq.s32 s0, $0x0;
	s4 =	sand.u32 $0x4C, s4;
	_ =	strace $0x80000047  }
0xb: {  	s11 =	sshrl.u32 s9, $0x1;
	s6 =	simm.s32 @!p0 $0xC;
	s4 =	sadd.s32 s5, s4  }
0xc: {  	s24 =	ssub.s32 s9, s11;
	s5 =	sshll.u32 s4, $0x2;
	s23 =	smul.u32 $0x28, s4  }
0xd: {  	s11 =	sshll.u32 s4, $0xC;
	s26 =	smax.u32 s24, $0x1;
	s24 =	simm.s32 $0x7880  }
0xe: {  	s10 =	sadd.s32 s5, s2;
	s5 =	sadd.s32 $0x2A00, s2;
	[dreg:$0x6] =	wrdreg s26  }
0xf: {  	s26 =	simm.s32 $0x16880;
	s2 =	simm.s32 $0x1D880;
	s25 =	sadd.s32 $0xE00, s10  }
0x10: {  	s0 =	sadd.s32 s8, s23;
	s10 =	sadd.s32 $0xFFFFFFFF, s6;
	[dreg:$0x4] =	wrdreg s25  }
0x11: {  	[dreg:$0x5] =	wrdreg s0;
	s25 =	simm.s32 $0x12880;
	s0 =	simm.s32 $0x3  }
.LBB2_1:
0x12: {  	s8 =	rddreg [dreg:$0x4];
	s9 =	simm.s32 $0x5  }
0x13: {  	[tilespmem:s3], [sflag:$0x5] =	stream.linear.gather [hbm4b:s8+s3], $0x980, $0x38;
	[tilespmem:$0x1E880] =	vst v63  }
0x14: {  	_ =	swait.ge [sflag:s9], $0x980  }
0x15: {  	[sflag:s9] =	ssyncset.done $0x0  }
0x16: {  	s12 =	simm.s32 $0x980;
	s23 =	rddreg [dreg:$0x5];
	[sflag:s9] =	ssyncadd.s32 $0xFFFFF680  }
0x17: {  	[tilespmem:s12], [sflag:$0x5] =	stream.linear.gather [hbm4b:s23+s3], $0x5F00, $0x38;
	[tilespmem:$0x1E880] =	vst v63  }
0x18: {  	_ =	swait.ge [sflag:s9], $0x5F00  }
0x19: {  	[sflag:s9] =	ssyncset.done $0x0  }
0x1a: {  	[sflag:s9] =	ssyncadd.s32 $0xFFFFA100  }
0x1b: {  	[tilespmem:s16], [sflag:$0x1] =	stream.indirect.gather [hbm4b:s1+s15], $0x80, s3, s15, $0xb8;
	[tilespmem:$0x1E880] =	vst v63  }
0x1c: {  	s13 =	simm.s32 $0x8880  }
0x1d: {  	[tilespmem:s13], [sflag:$0x1] =	stream.indirect.gather [hbm4b:s1+s17], $0x80, s12, s17, $0xb8;
	[tilespmem:$0x1E880] =	vst v63  }
0x1e: {  	s14 =	simm.s32 $0xA00;
	s20 =	simm.s32 $0xC880  }
0x1f: {  	[tilespmem:s20], [sflag:$0x1] =	stream.indirect.gather [hbm4b:s1+s17], $0x80, s14, s17, $0xb8;
	[tilespmem:$0x1E880] =	vst v63  }
0x20: {  	s22 =	simm.s32 $0xA80;
	s23 =	simm.s32 $0x10880;
	s20 =	simm.s32 $0x0  }
0x21: {  	[tilespmem:s23], [sflag:$0x1] =	stream.indirect.gather [hbm4b:s1+s21], $0x80, s22, s21, $0xb8;
	[tilespmem:$0x1E880] =	vst v63  }
.LBB2_2:
0x22: {  	p0 =	seq.s32 s20, $0x0  }
0x23: {  	s8 =	simm.s32 @!p0 $0x4  }
0x24: {  	_ =	swait.ge @!p0 [sflag:s8], $0x1000  }
0x25: {  	s23 =	sshll.u32 s20, $0x1;
	[sflag:s8] =	ssyncset.done @!p0 $0x0  }
0x26: {  	s22 =	sor.u32 $0x1, s23;
	[sflag:s8] =	ssyncadd.s32 @!p0 $0xFFFFF000  }
0x27: {  	s12 =	smul.u32 $0x500, s22;
	_ =	swait.ge @!p0 [sflag:s8], $0x1000  }
0x28: {  	s9 =	sshll.u32 s22, $0x7;
	[sflag:s8] =	ssyncset.done @!p0 $0x0  }
0x29: {  	s9 =	sshra.s32 s9, $0x2;
	s13 =	sshra.s32 s12, $0x2;
	[sflag:s8] =	ssyncadd.s32 @!p0 $0xFFFFF000  }
0x2a: {  	[tilespmem:s24], [sflag:$0x2] =	stream.indirect.gather [hbm4b:s1+s15], $0x80, s9, s15, $0xb8;
	[tilespmem:$0x1E880] =	vst v63  }
0x2b: {  	s9 =	sadd.s32 $0x980, s13  }
0x2c: {  	[tilespmem:s25], [sflag:$0x2] =	stream.indirect.gather [hbm4b:s1+s17], $0x80, s9, s17, $0xb8;
	[tilespmem:$0x1E880] =	vst v63  }
0x2d: {  	s14 =	sadd.s32 $0xA00, s13  }
0x2e: {  	[tilespmem:s26], [sflag:$0x2] =	stream.indirect.gather [hbm4b:s1+s17], $0x80, s14, s17, $0xb8;
	[tilespmem:$0x1E880] =	vst v63  }
0x2f: {  	s8 =	sadd.s32 $0xA80, s13  }
0x30: {  	[tilespmem:s28], [sflag:$0x2] =	stream.indirect.gather [hbm4b:s1+s21], $0x80, s8, s21, $0xb8;
	[tilespmem:$0x1E880] =	vst v63  }
0x31: {  	_ =	swait.ge [sflag:s29], $0xA000  }
0x32: {  	[sflag:s29] =	ssyncset.done $0x0  }
0x33: {  	[sflag:s29] =	ssyncadd.s32 $0xFFFF6000  }
0x34: {  	_ =	swait.ge [sflag:s29], $0x1000  }
0x35: {  	[sflag:s29] =	ssyncset.done $0x0  }
0x36: {  	s14 =	simm.s32 $0x8B00;
	[sflag:s29] =	ssyncadd.s32 $0xFFFFF000  }
0x37: {  	v0 =	vld [tilespmem:s14+$0xFFFFFD80]  }
0x38: {  	v1 =	vld [tilespmem:s14+$0x100]  }
0x39: {  	v2 =	vld [tilespmem:s14+$0x80]  }
0x3a: {  	v3 =	vld [tilespmem:s14+$0x0]  }
0x3b: {  	v4 =	vld [tilespmem:s14+$0xFFFFFF80]  }
0x3c: {  	v5 =	vld [tilespmem:s14+$0xFFFFFF00]  }
0x3d: {  	v6 =	vld [tilespmem:s14+$0xFFFFFE80]  }
0x3e: {  	v7 =	vld [tilespmem:s14+$0xFFFFFE00];
	_ =	sdelay $0x2  }
0x3f: {  	v8 =	vld [tilespmem:s14+$0x200]  }
0x40: {  	v1 =	vadd.f32 v1, v2;
	v2 =	vadd.f32 v3, v4;
	v3 =	vld [tilespmem:s14+$0x180]  }
0x41: {  	v4 =	vadd.f32 v5, v6;
	v0 =	vadd.f32 v7, v0;
	_ =	sdelay $0x1  }
0x42: {  	v0 =	vadd.f32 v4, v0;
	v1 =	vadd.f32 v1, v2;
	_ =	sdelay $0x1  }
0x43: {  	v0 =	vadd.f32 v1, v0;
	v2 =	vadd.f32 v8, v3;
	_ =	sdelay $0x1  }
0x44: {  	v0 =	vadd.f32 v2, v0  }
0x45: {  	s8 =	simm.s32 $0x0  }
0x46: {  	[tilespmem:s8+$0x1C880] =	vst v0  }
0x47: {  	v0 =	vld [tilespmem:s14+$0x110]  }
0x48: {  	v1 =	vld [tilespmem:s14+$0xFFFFFF10]  }
0x49: {  	v2 =	vld [tilespmem:s14+$0x10]  }
0x4a: {  	v3 =	vld [tilespmem:s14+$0xFFFFFE90]  }
0x4b: {  	v4 =	vld [tilespmem:s14+$0xFFFFFD90]  }
0x4c: {  	v5 =	vld [tilespmem:s14+$0x90]  }
0x4d: {  	v6 =	vld [tilespmem:s14+$0xFFFFFE10]  }
0x4e: {  	v7 =	vld [tilespmem:s14+$0xFFFFFF90];
	_ =	sdelay $0x2  }
0x4f: {  	v59 =	vld [tilespmem:s14+$0x210]  }
0x50: {  	v1 =	vadd.f32 v1, v3;
	v0 =	vadd.f32 v0, v5;
	v3 =	vld [tilespmem:s14+$0x190]  }
0x51: {  	v4 =	vadd.f32 v6, v4;
	v2 =	vadd.f32 v2, v7;
	_ =	sdelay $0x1  }
0x52: {  	v1 =	vadd.f32 v1, v4;
	v0 =	vadd.f32 v0, v2;
	_ =	sdelay $0x1  }
0x53: {  	v0 =	vadd.f32 v0, v1;
	v2 =	vadd.f32 v59, v3;
	_ =	sdelay $0x1  }
0x54: {  	v0 =	vadd.f32 v2, v0;
	_ =	sdelay $0x1  }
0x55: {  	[tilespmem:s8+$0x1C890] =	vst v0  }
0x56: {  	v0 =	vld [tilespmem:s14+$0x120]  }
0x57: {  	v1 =	vld [tilespmem:s14+$0xA0]  }
0x58: {  	v2 =	vld [tilespmem:s14+$0xFFFFFFA0]  }
0x59: {  	v3 =	vld [tilespmem:s14+$0x20]  }
0x5a: {  	v4 =	vld [tilespmem:s14+$0xFFFFFF20]  }
0x5b: {  	v5 =	vld [tilespmem:s14+$0xFFFFFDA0]  }
0x5c: {  	v6 =	vld [tilespmem:s14+$0xFFFFFEA0]  }
0x5d: {  	v7 =	vld [tilespmem:s14+$0xFFFFFE20];
	_ =	sdelay $0x2  }
0x5e: {  	v60 =	vld [tilespmem:s14+$0x1A0]  }
0x5f: {  	v0 =	vadd.f32 v0, v1;
	v1 =	vadd.f32 v3, v2;
	v2 =	vld [tilespmem:s14+$0x220]  }
0x60: {  	v3 =	vadd.f32 v4, v6;
	v4 =	vadd.f32 v7, v5;
	_ =	sdelay $0x1  }
0x61: {  	v0 =	vadd.f32 v0, v1;
	v1 =	vadd.f32 v3, v4;
	_ =	sdelay $0x1  }
0x62: {  	v0 =	vadd.f32 v0, v1;
	v2 =	vadd.f32 v2, v60;
	_ =	sdelay $0x1  }
0x63: {  	v0 =	vadd.f32 v2, v0;
	_ =	sdelay $0x1  }
0x64: {  	[tilespmem:s8+$0x1C8A0] =	vst v0  }
0x65: {  	v0 =	vld [tilespmem:s14+$0x130]  }
0x66: {  	v1 =	vld [tilespmem:s14+$0xB0]  }
0x67: {  	v2 =	vld [tilespmem:s14+$0xFFFFFE30]  }
0x68: {  	v3 =	vld [tilespmem:s14+$0xFFFFFEB0]  }
0x69: {  	v4 =	vld [tilespmem:s14+$0x30]  }
0x6a: {  	v5 =	vld [tilespmem:s14+$0xFFFFFFB0]  }
0x6b: {  	v6 =	vld [tilespmem:s14+$0xFFFFFF30]  }
0x6c: {  	v7 =	vld [tilespmem:s14+$0xFFFFFDB0];
	_ =	sdelay $0x2  }
0x6d: {  	v61 =	vld [tilespmem:s14+$0x230]  }
0x6e: {  	v0 =	vadd.f32 v0, v1;
	v1 =	vld [tilespmem:s14+$0x1B0];
	v3 =	vadd.f32 v6, v3  }
0x6f: {  	v4 =	vadd.f32 v4, v5;
	v2 =	vadd.f32 v2, v7;
	_ =	sdelay $0x1  }
0x70: {  	v0 =	vadd.f32 v0, v4;
	v2 =	vadd.f32 v3, v2;
	_ =	sdelay $0x1  }
0x71: {  	v0 =	vadd.f32 v0, v2;
	v1 =	vadd.f32 v61, v1;
	_ =	sdelay $0x1  }
0x72: {  	v0 =	vadd.f32 v1, v0;
	_ =	sdelay $0x1  }
0x73: {  	[tilespmem:s8+$0x1C8B0] =	vst v0  }
0x74: {  	v0 =	vld [tilespmem:s14+$0xFFFFFE40]  }
0x75: {  	v1 =	vld [tilespmem:s14+$0x140]  }
0x76: {  	v2 =	vld [tilespmem:s14+$0xC0]  }
0x77: {  	v3 =	vld [tilespmem:s14+$0xFFFFFF40]  }
0x78: {  	v4 =	vld [tilespmem:s14+$0xFFFFFDC0]  }
0x79: {  	v5 =	vld [tilespmem:s14+$0xFFFFFFC0]  }
0x7a: {  	v6 =	vld [tilespmem:s14+$0x40]  }
0x7b: {  	v7 =	vld [tilespmem:s14+$0xFFFFFEC0];
	_ =	sdelay $0x2  }
0x7c: {  	v62 =	vld [tilespmem:s14+$0x240]  }
0x7d: {  	v1 =	vadd.f32 v1, v2;
	v0 =	vadd.f32 v0, v4;
	v2 =	vld [tilespmem:s14+$0x1C0]  }
0x7e: {  	v4 =	vadd.f32 v6, v5;
	v3 =	vadd.f32 v3, v7;
	_ =	sdelay $0x1  }
0x7f: {  	v1 =	vadd.f32 v1, v4;
	v0 =	vadd.f32 v3, v0;
	_ =	sdelay $0x1  }
0x80: {  	v0 =	vadd.f32 v1, v0;
	v2 =	vadd.f32 v62, v2;
	_ =	sdelay $0x1  }
0x81: {  	v0 =	vadd.f32 v2, v0;
	_ =	sdelay $0x1  }
0x82: {  	[tilespmem:s8+$0x1C8C0] =	vst v0  }
0x83: {  	v1 =	vld [tilespmem:s14+$0x50]  }
0x84: {  	v0 =	vld [tilespmem:s14+$0xFFFFFE50]  }
0x85: {  	v2 =	vld [tilespmem:s14+$0xFFFFFED0]  }
0x86: {  	v3 =	vld [tilespmem:s14+$0xFFFFFDD0]  }
0x87: {  	v4 =	vld [tilespmem:s14+$0xFFFFFF50]  }
0x88: {  	v5 =	vld [tilespmem:s14+$0xFFFFFFD0]  }
0x89: {  	v6 =	vld [tilespmem:s14+$0xD0]  }
0x8a: {  	v7 =	vld [tilespmem:s14+$0x150];
	_ =	sdelay $0x2  }
0x8b: {  	v63 =	vadd.f32 v0, v3;
	v2 =	vadd.f32 v4, v2  }
0x8c: {  	v0 =	vld [tilespmem:s14+$0x1D0];
	v3 =	vadd.f32 v1, v5  }
0x8d: {  	s12 =	simm.s32 $0x200;
	s9 =	simm.s32 $0x8B00;
	v1 =	vld [tilespmem:s14+$0x250];
	v4 =	vadd.f32 v7, v6;
	v2 =	vadd.f32 v2, v63  }
.LBB2_3:
0x8e: {  	p0 =	sne.s32 s12, $0x3E00  }
0x8f: {  	s14 =	sadd.s32 $0x500, s14;
	s13 =	smov.u32 s12;
	s12 =	sadd.s32 $0x200, s12  }
0x90: {  	_ =	sdelay $0x1  }
0x91: {  	v3 =	vadd.f32 v4, v3;
	_ =	sdelay $0x1  }
0x92: {  	v0 =	vadd.f32 v1, v0;
	v1 =	vadd.f32 v3, v2;
	_ =	sdelay $0x1  }
0x93: {  	v0 =	vadd.f32 v0, v1;
	_ =	sdelay $0x1  }
0x94: {  	[tilespmem:s8+$0x1C8D0] =	vst v0  }
0x95: {  	v0 =	vld [tilespmem:s9+$0x160]  }
0x96: {  	v1 =	vld [tilespmem:s9+$0xFFFFFF60]  }
0x97: {  	v2 =	vld [tilespmem:s9+$0x60]  }
0x98: {  	v3 =	vld [tilespmem:s9+$0xFFFFFEE0]  }
0x99: {  	v4 =	vld [tilespmem:s9+$0xFFFFFDE0]  }
0x9a: {  	v5 =	vld [tilespmem:s9+$0xE0]  }
0x9b: {  	v6 =	vld [tilespmem:s9+$0xFFFFFFE0]  }
0x9c: {  	v7 =	vld [tilespmem:s9+$0xFFFFFE60]  }
0x9d: {  	v8 =	vld [tilespmem:s9+$0x1E0]  }
0x9e: {  	v9 =	vld [tilespmem:s9+$0x260]  }
0x9f: {  	v1 =	vadd.f32 v1, v3;
	v0 =	vadd.f32 v0, v5  }
0xa0: {  	v2 =	vadd.f32 v2, v6  }
0xa1: {  	v3 =	vadd.f32 v7, v4;
	_ =	sdelay $0x1  }
0xa2: {  	v0 =	vadd.f32 v0, v2;
	v1 =	vadd.f32 v1, v3;
	_ =	sdelay $0x1  }
0xa3: {  	v2 =	vadd.f32 v9, v8;
	v0 =	vadd.f32 v0, v1;
	_ =	sdelay $0x1  }
0xa4: {  	v0 =	vadd.f32 v2, v0;
	_ =	sdelay $0x1  }
0xa5: {  	[tilespmem:s8+$0x1C8E0] =	vst v0  }
0xa6: {  	v0 =	vld [tilespmem:s9+$0x170]  }
0xa7: {  	v1 =	vld [tilespmem:s9+$0xFFFFFE70]  }
0xa8: {  	v2 =	vld [tilespmem:s9+$0xFFFFFDF0]  }
0xa9: {  	v3 =	vld [tilespmem:s9+$0xFFFFFF70]  }
0xaa: {  	v4 =	vld [tilespmem:s9+$0xF0]  }
0xab: {  	v5 =	vld [tilespmem:s9+$0x70]  }
0xac: {  	v6 =	vld [tilespmem:s9+$0xFFFFFEF0]  }
0xad: {  	v7 =	vld [tilespmem:s9+$0xFFFFFFF0];
	v1 =	vadd.f32 v1, v2  }
0xae: {  	v2 =	vld [tilespmem:s9+$0x1F0]  }
0xaf: {  	v8 =	vld [tilespmem:s9+$0x270];
	s9 =	smov.u32 s14  }
0xb0: {  	v0 =	vadd.f32 v0, v4  }
0xb1: {  	v3 =	vadd.f32 v3, v6  }
0xb2: {  	v4 =	vadd.f32 v5, v7  }
0xb3: {  	v1 =	vadd.f32 v3, v1  }
0xb4: {  	v2 =	vadd.f32 v8, v2;
	v0 =	vadd.f32 v0, v4;
	_ =	sdelay $0x1  }
0xb5: {  	v0 =	vadd.f32 v0, v1;
	_ =	sdelay $0x1  }
0xb6: {  	v0 =	vadd.f32 v2, v0;
	_ =	sdelay $0x1  }
0xb7: {  	[tilespmem:s8+$0x1C8F0] =	vst v0  }
0xb8: {  	v0 =	vld [tilespmem:s14+$0xFFFFFD80]  }
0xb9: {  	v1 =	vld [tilespmem:s14+$0x100]  }
0xba: {  	v2 =	vld [tilespmem:s14+$0x80]  }
0xbb: {  	v3 =	vld [tilespmem:s14+$0x0]  }
0xbc: {  	v4 =	vld [tilespmem:s14+$0xFFFFFF80]  }
0xbd: {  	v5 =	vld [tilespmem:s14+$0xFFFFFF00]  }
0xbe: {  	v6 =	vld [tilespmem:s14+$0xFFFFFE80]  }
0xbf: {  	v7 =	vld [tilespmem:s14+$0xFFFFFE00];
	v1 =	vadd.f32 v1, v2;
	_ =	sdelay $0x1  }
0xc0: {  	v2 =	vadd.f32 v3, v4  }
0xc1: {  	v3 =	vld [tilespmem:s14+$0x200]  }
0xc2: {  	v4 =	vld [tilespmem:s14+$0x180];
	v5 =	vadd.f32 v5, v6  }
0xc3: {  	v0 =	vadd.f32 v7, v0;
	_ =	sdelay $0x1  }
0xc4: {  	v1 =	vadd.f32 v1, v2;
	v0 =	vadd.f32 v5, v0;
	_ =	sdelay $0x1  }
0xc5: {  	v2 =	vadd.f32 v3, v4;
	v0 =	vadd.f32 v1, v0;
	_ =	sdelay $0x1  }
0xc6: {  	v0 =	vadd.f32 v2, v0  }
0xc7: {  	s8 =	sshra.s32 s13, $0x2  }
0xc8: {  	[tilespmem:s8+$0x1C880] =	vst v0  }
0xc9: {  	v0 =	vld [tilespmem:s14+$0x110]  }
0xca: {  	v1 =	vld [tilespmem:s14+$0xFFFFFF10]  }
0xcb: {  	v2 =	vld [tilespmem:s14+$0x10]  }
0xcc: {  	v3 =	vld [tilespmem:s14+$0xFFFFFE90]  }
0xcd: {  	v4 =	vld [tilespmem:s14+$0xFFFFFD90]  }
0xce: {  	v5 =	vld [tilespmem:s14+$0x90]  }
0xcf: {  	v6 =	vld [tilespmem:s14+$0xFFFFFE10]  }
0xd0: {  	v7 =	vld [tilespmem:s14+$0xFFFFFF90];
	_ =	sdelay $0x2  }
0xd1: {  	v1 =	vadd.f32 v1, v3;
	v8 =	vld [tilespmem:s14+$0x210];
	v0 =	vadd.f32 v0, v5  }
0xd2: {  	v3 =	vld [tilespmem:s14+$0x190];
	v4 =	vadd.f32 v6, v4  }
0xd3: {  	v2 =	vadd.f32 v2, v7  }
0xd4: {  	v1 =	vadd.f32 v1, v4  }
0xd5: {  	v0 =	vadd.f32 v0, v2;
	_ =	sdelay $0x1  }
0xd6: {  	v2 =	vadd.f32 v8, v3;
	v0 =	vadd.f32 v0, v1;
	_ =	sdelay $0x1  }
0xd7: {  	v0 =	vadd.f32 v2, v0;
	_ =	sdelay $0x1  }
0xd8: {  	[tilespmem:s8+$0x1C890] =	vst v0  }
0xd9: {  	v0 =	vld [tilespmem:s14+$0x120]  }
0xda: {  	v1 =	vld [tilespmem:s14+$0xA0]  }
0xdb: {  	v2 =	vld [tilespmem:s14+$0xFFFFFFA0]  }
0xdc: {  	v3 =	vld [tilespmem:s14+$0x20]  }
0xdd: {  	v4 =	vld [tilespmem:s14+$0xFFFFFF20]  }
0xde: {  	v5 =	vld [tilespmem:s14+$0xFFFFFDA0]  }
0xdf: {  	v6 =	vld [tilespmem:s14+$0xFFFFFEA0];
	v0 =	vadd.f32 v0, v1  }
0xe0: {  	v1 =	vld [tilespmem:s14+$0xFFFFFE20]  }
0xe1: {  	v7 =	vld [tilespmem:s14+$0x1A0];
	v2 =	vadd.f32 v3, v2  }
0xe2: {  	v3 =	vld [tilespmem:s14+$0x220];
	_ =	sdelay $0x1  }
0xe3: {  	v4 =	vadd.f32 v4, v6  }
0xe4: {  	v1 =	vadd.f32 v1, v5  }
0xe5: {  	v0 =	vadd.f32 v0, v2  }
0xe6: {  	v2 =	vadd.f32 v3, v7;
	v1 =	vadd.f32 v4, v1;
	_ =	sdelay $0x1  }
0xe7: {  	v0 =	vadd.f32 v0, v1;
	_ =	sdelay $0x1  }
0xe8: {  	v0 =	vadd.f32 v2, v0;
	_ =	sdelay $0x1  }
0xe9: {  	[tilespmem:s8+$0x1C8A0] =	vst v0  }
0xea: {  	v0 =	vld [tilespmem:s14+$0x130]  }
0xeb: {  	v1 =	vld [tilespmem:s14+$0xB0]  }
0xec: {  	v2 =	vld [tilespmem:s14+$0xFFFFFE30]  }
0xed: {  	v3 =	vld [tilespmem:s14+$0xFFFFFEB0]  }
0xee: {  	v4 =	vld [tilespmem:s14+$0x30]  }
0xef: {  	v5 =	vld [tilespmem:s14+$0xFFFFFFB0]  }
0xf0: {  	v6 =	vld [tilespmem:s14+$0xFFFFFF30];
	v0 =	vadd.f32 v0, v1  }
0xf1: {  	v1 =	vld [tilespmem:s14+$0xFFFFFDB0];
	_ =	sdelay $0x2  }
0xf2: {  	v7 =	vld [tilespmem:s14+$0x230]  }
0xf3: {  	v4 =	vadd.f32 v4, v5;
	v8 =	vld [tilespmem:s14+$0x1B0];
	v3 =	vadd.f32 v6, v3  }
0xf4: {  	v1 =	vadd.f32 v2, v1  }
0xf5: {  	v0 =	vadd.f32 v0, v4  }
0xf6: {  	v1 =	vadd.f32 v3, v1;
	_ =	sdelay $0x1  }
0xf7: {  	v2 =	vadd.f32 v7, v8;
	v0 =	vadd.f32 v0, v1;
	_ =	sdelay $0x1  }
0xf8: {  	v0 =	vadd.f32 v2, v0;
	_ =	sdelay $0x1  }
0xf9: {  	[tilespmem:s8+$0x1C8B0] =	vst v0  }
0xfa: {  	v0 =	vld [tilespmem:s14+$0xFFFFFE40]  }
0xfb: {  	v1 =	vld [tilespmem:s14+$0x140]  }
0xfc: {  	v2 =	vld [tilespmem:s14+$0xC0]  }
0xfd: {  	v3 =	vld [tilespmem:s14+$0xFFFFFF40]  }
0xfe: {  	v4 =	vld [tilespmem:s14+$0xFFFFFDC0]  }
0xff: {  	v5 =	vld [tilespmem:s14+$0xFFFFFFC0]  }
0x100: {  	v6 =	vld [tilespmem:s14+$0x40]  }
0x101: {  	v7 =	vld [tilespmem:s14+$0xFFFFFEC0]  }
0x102: {  	v1 =	vadd.f32 v1, v2;
	_ =	sdelay $0x1  }
0x103: {  	v0 =	vadd.f32 v0, v4;
	v2 =	vld [tilespmem:s14+$0x240]  }
0x104: {  	v4 =	vld [tilespmem:s14+$0x1C0];
	v5 =	vadd.f32 v6, v5  }
0x105: {  	v3 =	vadd.f32 v3, v7  }
0x106: {  	v1 =	vadd.f32 v1, v5  }
0x107: {  	v0 =	vadd.f32 v3, v0;
	_ =	sdelay $0x1  }
0x108: {  	v2 =	vadd.f32 v2, v4;
	v0 =	vadd.f32 v1, v0;
	_ =	sdelay $0x1  }
0x109: {  	v0 =	vadd.f32 v2, v0;
	_ =	sdelay $0x1  }
0x10a: {  	[tilespmem:s8+$0x1C8C0] =	vst v0  }
0x10b: {  	v2 =	vld [tilespmem:s14+$0x50]  }
0x10c: {  	v1 =	vld [tilespmem:s14+$0xFFFFFE50]  }
0x10d: {  	v3 =	vld [tilespmem:s14+$0xFFFFFED0]  }
0x10e: {  	v4 =	vld [tilespmem:s14+$0xFFFFFDD0]  }
0x10f: {  	v5 =	vld [tilespmem:s14+$0xFFFFFF50]  }
0x110: {  	v6 =	vld [tilespmem:s14+$0xFFFFFFD0]  }
0x111: {  	v7 =	vld [tilespmem:s14+$0xD0]  }
0x112: {  	v8 =	vld [tilespmem:s14+$0x150]  }
.Ltmp0:
0x113: {  	v0 =	vld [tilespmem:s14+$0x1D0];
	v4 =	vadd.f32 v1, v4;
	(pc) =	sbr.rel @p0 .LBB2_3-.Ltmp0, $4  }
0x114: {  	v1 =	vld [tilespmem:s14+$0x250];
	v5 =	vadd.f32 v5, v3  }
0x115: {  	v3 =	vadd.f32 v2, v6  }
0x116: {  	v2 =	vadd.f32 v5, v4  }
0x117: {  	v4 =	vadd.f32 v8, v7  }
0x118: {  	_ = 	snop  }
0x119: {  	v3 =	vadd.f32 v4, v3;
	_ =	sdelay $0x1  }
0x11a: {  	v0 =	vadd.f32 v1, v0;
	v1 =	vadd.f32 v3, v2;
	_ =	sdelay $0x1  }
0x11b: {  	v0 =	vadd.f32 v0, v1;
	_ =	sdelay $0x1  }
0x11c: {  	[tilespmem:s8+$0x1C8D0] =	vst v0  }
0x11d: {  	v0 =	vld [tilespmem:s9+$0x160]  }
0x11e: {  	v1 =	vld [tilespmem:s9+$0xFFFFFF60]  }
0x11f: {  	v2 =	vld [tilespmem:s9+$0x60]  }
0x120: {  	v3 =	vld [tilespmem:s9+$0xFFFFFEE0]  }
0x121: {  	v4 =	vld [tilespmem:s9+$0xFFFFFDE0]  }
0x122: {  	v5 =	vld [tilespmem:s9+$0xE0]  }
0x123: {  	v6 =	vld [tilespmem:s9+$0xFFFFFFE0]  }
0x124: {  	v7 =	vld [tilespmem:s9+$0xFFFFFE60];
	_ =	sdelay $0x2  }
0x125: {  	v8 =	vld [tilespmem:s9+$0x1E0]  }
0x126: {  	v9 =	vld [tilespmem:s9+$0x260];
	v1 =	vadd.f32 v1, v3;
	v0 =	vadd.f32 v0, v5  }
0x127: {  	v2 =	vadd.f32 v2, v6;
	v3 =	vadd.f32 v7, v4;
	_ =	sdelay $0x1  }
0x128: {  	v1 =	vadd.f32 v1, v3;
	v0 =	vadd.f32 v0, v2;
	_ =	sdelay $0x1  }
0x129: {  	v2 =	vadd.f32 v9, v8;
	v0 =	vadd.f32 v0, v1;
	_ =	sdelay $0x1  }
0x12a: {  	v0 =	vadd.f32 v2, v0;
	_ =	sdelay $0x1  }
0x12b: {  	[tilespmem:s8+$0x1C8E0] =	vst v0  }
0x12c: {  	v0 =	vld [tilespmem:s9+$0x170]  }
0x12d: {  	v1 =	vld [tilespmem:s9+$0xFFFFFE70]  }
0x12e: {  	v2 =	vld [tilespmem:s9+$0xFFFFFDF0]  }
0x12f: {  	v3 =	vld [tilespmem:s9+$0xFFFFFF70]  }
0x130: {  	v4 =	vld [tilespmem:s9+$0xF0]  }
0x131: {  	v5 =	vld [tilespmem:s9+$0x70]  }
0x132: {  	v6 =	vld [tilespmem:s9+$0xFFFFFEF0]  }
0x133: {  	v7 =	vld [tilespmem:s9+$0xFFFFFFF0];
	_ =	sdelay $0x2  }
0x134: {  	v58 =	vld [tilespmem:s9+$0x1F0]  }
0x135: {  	v1 =	vadd.f32 v1, v2;
	v2 =	vld [tilespmem:s9+$0x270];
	v0 =	vadd.f32 v0, v4  }
0x136: {  	v3 =	vadd.f32 v3, v6;
	v4 =	vadd.f32 v5, v7;
	_ =	sdelay $0x1  }
0x137: {  	v1 =	vadd.f32 v3, v1;
	v0 =	vadd.f32 v0, v4;
	_ =	sdelay $0x1  }
0x138: {  	v0 =	vadd.f32 v0, v1;
	v2 =	vadd.f32 v2, v58  }
0x139: {  	s12 =	sshll.u32 s20, $0xD  }
0x13a: {  	s9 =	sadd.s32 s11, s12;
	v0 =	vadd.f32 v2, v0  }
0x13b: {  	s9 =	sshrl.u32 s9, $0x3  }
0x13c: {  	s13 =	sadd.s32 s5, s9;
	[tilespmem:s8+$0x1C8F0] =	vst v0  }
0x13d: {  	[hbm4b:s13+s3] =	stream.linear.scatter [tilespmem:s16], [sflag:$0x3], $0x1000, $0x38;
	[tilespmem:$0x1E880] =	vst v63  }
0x13e: {  	s14 =	sadd.s32 s7, s9  }
0x13f: {  	[hbm4b:s14+s3] =	stream.linear.scatter [tilespmem:s30], [sflag:$0x3], $0x1000, $0x38;
	[tilespmem:$0x1E880] =	vst v63  }
0x140: {  	_ =	swait.ge [sflag:s31], $0xA000  }
0x141: {  	[sflag:s31] =	ssyncset.done $0x0  }
0x142: {  	[sflag:s31] =	ssyncadd.s32 $0xFFFF6000  }
0x143: {  	_ =	swait.ge [sflag:s31], $0x1000  }
0x144: {  	p0 =	sge.u32 s20, s10;
	[sflag:s31] =	ssyncset.done $0x0  }
0x145: {  	s8 =	simm.s32 @!p0 $0x3;
	[sflag:s31] =	ssyncadd.s32 $0xFFFFF000  }
0x146: {  	_ =	swait.ge @!p0 [sflag:s8], $0x1000  }
0x147: {  	[sflag:s8] =	ssyncset.done @!p0 $0x0  }
0x148: {  	s9 =	sadd.s32 @!p0 $0x2, s23;
	[sflag:s8] =	ssyncadd.s32 @!p0 $0xFFFFF000  }
0x149: {  	s12 =	sshll.u32 @!p0 s9, $0x7;
	_ =	swait.ge @!p0 [sflag:s8], $0x1000  }
0x14a: {  	s9 =	smul.u32 @!p0 $0x500, s9;
	s13 =	simm.s32 @!p0 $0x6880;
	[sflag:s8] =	ssyncset.done @!p0 $0x0  }
0x14b: {  	[sflag:s8] =	ssyncadd.s32 @!p0 $0xFFFFF000;
	s8 =	sshra.s32 @!p0 s12, $0x2;
	s12 =	simm.s32 @!p0 $0x20  }
0x14c: {  	[tilespmem:s13], [sflag:$0x1] =	stream.indirect.gather @!p0 [hbm4b:s1+s12], $0x80, s8, s12, $0xb8;
	[tilespmem:$0x1E880] =	vst v63  }
0x14d: {  	s8 =	sshra.s32 @!p0 s9, $0x2  }
0x14e: {  	s12 =	simm.s32 @!p0 $0x80;
	s13 =	simm.s32 @!p0 $0x8880;
	s9 =	sadd.s32 @!p0 $0x980, s8  }
0x14f: {  	[tilespmem:s13], [sflag:$0x1] =	stream.indirect.gather @!p0 [hbm4b:s1+s12], $0x80, s9, s12, $0xb8;
	[tilespmem:$0x1E880] =	vst v63  }
0x150: {  	s23 =	simm.s32 $0x0;
	s9 =	sadd.s32 @!p0 $0xA00, s8;
	s13 =	simm.s32 @!p0 $0xC880  }
0x151: {  	[tilespmem:s13], [sflag:$0x1] =	stream.indirect.gather @!p0 [hbm4b:s1+s12], $0x80, s9, s12, $0xb8;
	[tilespmem:$0x1E880] =	vst v63  }
0x152: {  	s8 =	sadd.s32 @!p0 $0xA80, s8;
	s9 =	simm.s32 @!p0 $0x40;
	s12 =	simm.s32 @!p0 $0x10880  }
0x153: {  	[tilespmem:s12], [sflag:$0x1] =	stream.indirect.gather @!p0 [hbm4b:s1+s9], $0x80, s8, s9, $0xb8;
	[tilespmem:$0x1E880] =	vst v63  }
0x154: {  	v0 =	vld [tilespmem:s23+$0x12C00]  }
0x155: {  	v1 =	vld [tilespmem:s23+$0x12A00]  }
0x156: {  	v2 =	vld [tilespmem:s23+$0x12B00]  }
0x157: {  	v3 =	vld [tilespmem:s23+$0x12980]  }
0x158: {  	v4 =	vld [tilespmem:s23+$0x12880]  }
0x159: {  	v5 =	vld [tilespmem:s23+$0x12B80]  }
0x15a: {  	v6 =	vld [tilespmem:s23+$0x12A80]  }
0x15b: {  	v7 =	vld [tilespmem:s23+$0x12900];
	_ =	sdelay $0x2  }
0x15c: {  	v59 =	vld [tilespmem:s23+$0x12D00]  }
0x15d: {  	v1 =	vadd.f32 v1, v3;
	v0 =	vadd.f32 v0, v5;
	v3 =	vld [tilespmem:s23+$0x12C80]  }
0x15e: {  	v2 =	vadd.f32 v2, v6;
	v4 =	vadd.f32 v7, v4;
	_ =	sdelay $0x1  }
0x15f: {  	v1 =	vadd.f32 v1, v4;
	v0 =	vadd.f32 v0, v2;
	_ =	sdelay $0x1  }
0x160: {  	v0 =	vadd.f32 v0, v1;
	v2 =	vadd.f32 v59, v3;
	_ =	sdelay $0x1  }
0x161: {  	v0 =	vadd.f32 v2, v0  }
0x162: {  	s8 =	simm.s32 $0x1D8F0  }
0x163: {  	[tilespmem:s8+$0xFFFFFF90] =	vst v0  }
0x164: {  	v0 =	vld [tilespmem:s23+$0x12C10]  }
0x165: {  	v1 =	vld [tilespmem:s23+$0x12910]  }
0x166: {  	v2 =	vld [tilespmem:s23+$0x12B90]  }
0x167: {  	v3 =	vld [tilespmem:s23+$0x12B10]  }
0x168: {  	v4 =	vld [tilespmem:s23+$0x12990]  }
0x169: {  	v5 =	vld [tilespmem:s23+$0x12A10]  }
0x16a: {  	v6 =	vld [tilespmem:s23+$0x12A90]  }
0x16b: {  	v7 =	vld [tilespmem:s23+$0x12890];
	_ =	sdelay $0x2  }
0x16c: {  	v60 =	vld [tilespmem:s23+$0x12C90]  }
0x16d: {  	v4 =	vadd.f32 v5, v4;
	v5 =	vld [tilespmem:s23+$0x12D10];
	v3 =	vadd.f32 v3, v6  }
0x16e: {  	v0 =	vadd.f32 v0, v2;
	v1 =	vadd.f32 v1, v7;
	_ =	sdelay $0x1  }
0x16f: {  	v0 =	vadd.f32 v0, v3;
	v1 =	vadd.f32 v4, v1;
	_ =	sdelay $0x1  }
0x170: {  	v0 =	vadd.f32 v0, v1;
	v2 =	vadd.f32 v5, v60;
	_ =	sdelay $0x1  }
0x171: {  	v0 =	vadd.f32 v2, v0;
	_ =	sdelay $0x1  }
0x172: {  	[tilespmem:s8+$0xFFFFFFA0] =	vst v0  }
0x173: {  	v0 =	vld [tilespmem:s23+$0x12920]  }
0x174: {  	v1 =	vld [tilespmem:s23+$0x12AA0]  }
0x175: {  	v2 =	vld [tilespmem:s23+$0x12C20]  }
0x176: {  	v3 =	vld [tilespmem:s23+$0x128A0]  }
0x177: {  	v4 =	vld [tilespmem:s23+$0x129A0]  }
0x178: {  	v5 =	vld [tilespmem:s23+$0x12BA0]  }
0x179: {  	v6 =	vld [tilespmem:s23+$0x12B20]  }
0x17a: {  	v7 =	vld [tilespmem:s23+$0x12A20];
	_ =	sdelay $0x2  }
0x17b: {  	v61 =	vld [tilespmem:s23+$0x12CA0]  }
0x17c: {  	v0 =	vadd.f32 v0, v3;
	v3 =	vld [tilespmem:s23+$0x12D20];
	v2 =	vadd.f32 v2, v5  }
0x17d: {  	v1 =	vadd.f32 v6, v1;
	v4 =	vadd.f32 v7, v4;
	_ =	sdelay $0x1  }
0x17e: {  	v1 =	vadd.f32 v2, v1;
	v0 =	vadd.f32 v4, v0;
	_ =	sdelay $0x1  }
0x17f: {  	v0 =	vadd.f32 v1, v0;
	v2 =	vadd.f32 v3, v61;
	_ =	sdelay $0x1  }
0x180: {  	v0 =	vadd.f32 v2, v0;
	_ =	sdelay $0x1  }
0x181: {  	[tilespmem:s8+$0xFFFFFFB0] =	vst v0  }
0x182: {  	v0 =	vld [tilespmem:s23+$0x12C30]  }
0x183: {  	v1 =	vld [tilespmem:s23+$0x12B30]  }
0x184: {  	v2 =	vld [tilespmem:s23+$0x12BB0]  }
0x185: {  	v3 =	vld [tilespmem:s23+$0x12930]  }
0x186: {  	v4 =	vld [tilespmem:s23+$0x129B0]  }
0x187: {  	v5 =	vld [tilespmem:s23+$0x12AB0]  }
0x188: {  	v6 =	vld [tilespmem:s23+$0x128B0]  }
0x189: {  	v7 =	vld [tilespmem:s23+$0x12A30];
	_ =	sdelay $0x2  }
0x18a: {  	v62 =	vld [tilespmem:s23+$0x12CB0]  }
0x18b: {  	v0 =	vadd.f32 v0, v2;
	v2 =	vld [tilespmem:s23+$0x12D30];
	v1 =	vadd.f32 v1, v5  }
0x18c: {  	v3 =	vadd.f32 v3, v6;
	v4 =	vadd.f32 v7, v4;
	_ =	sdelay $0x1  }
0x18d: {  	v0 =	vadd.f32 v0, v1;
	v1 =	vadd.f32 v4, v3;
	_ =	sdelay $0x1  }
0x18e: {  	v0 =	vadd.f32 v0, v1;
	v2 =	vadd.f32 v2, v62;
	_ =	sdelay $0x1  }
0x18f: {  	v0 =	vadd.f32 v2, v0;
	_ =	sdelay $0x1  }
0x190: {  	[tilespmem:s8+$0xFFFFFFC0] =	vst v0  }
0x191: {  	v0 =	vld [tilespmem:s23+$0x12C40]  }
0x192: {  	v1 =	vld [tilespmem:s23+$0x12BC0]  }
0x193: {  	v2 =	vld [tilespmem:s23+$0x12B40]  }
0x194: {  	v3 =	vld [tilespmem:s23+$0x129C0]  }
0x195: {  	v4 =	vld [tilespmem:s23+$0x12AC0]  }
0x196: {  	v5 =	vld [tilespmem:s23+$0x128C0]  }
0x197: {  	v6 =	vld [tilespmem:s23+$0x12A40]  }
0x198: {  	v7 =	vld [tilespmem:s23+$0x12940];
	_ =	sdelay $0x2  }
0x199: {  	v63 =	vld [tilespmem:s23+$0x12CC0]  }
0x19a: {  	v0 =	vadd.f32 v0, v1;
	v1 =	vld [tilespmem:s23+$0x12D40];
	v2 =	vadd.f32 v2, v4  }
0x19b: {  	v3 =	vadd.f32 v6, v3;
	v4 =	vadd.f32 v7, v5;
	_ =	sdelay $0x1  }
0x19c: {  	v0 =	vadd.f32 v0, v2;
	v2 =	vadd.f32 v3, v4;
	_ =	sdelay $0x1  }
0x19d: {  	v0 =	vadd.f32 v0, v2;
	v1 =	vadd.f32 v1, v63;
	_ =	sdelay $0x1  }
0x19e: {  	v0 =	vadd.f32 v1, v0;
	_ =	sdelay $0x1  }
0x19f: {  	[tilespmem:s8+$0xFFFFFFD0] =	vst v0  }
0x1a0: {  	v1 =	vld [tilespmem:s23+$0x12C50]  }
0x1a1: {  	v0 =	vld [tilespmem:s23+$0x12950]  }
0x1a2: {  	v3 =	vld [tilespmem:s23+$0x12BD0]  }
0x1a3: {  	v2 =	vld [tilespmem:s23+$0x12A50]  }
0x1a4: {  	v4 =	vld [tilespmem:s23+$0x12B50]  }
0x1a5: {  	s14 =	simm.s32 $0x1D8F0;
	s9 =	simm.s32 $0x1400;
	v5 =	vld [tilespmem:s23+$0x12AD0]  }
.LBB2_5:
0x1a6: {  	p0 =	sne.s32 s9, $0x26C00  }
0x1a7: {  	v6 =	vld [tilespmem:s23+$0x129D0];
	s8 =	sadd.s32 $0x80, s8;
	s12 =	smov.u32 s9;
	s9 =	sadd.s32 $0x1400, s9  }
0x1a8: {  	v7 =	vld [tilespmem:s23+$0x128D0]  }
0x1a9: {  	v8 =	vld [tilespmem:s23+$0x12CD0]  }
0x1aa: {  	v1 =	vadd.f32 v1, v3;
	v9 =	vld [tilespmem:s23+$0x12D50]  }
0x1ab: {  	v3 =	vadd.f32 v4, v5  }
0x1ac: {  	v2 =	vadd.f32 v2, v6  }
0x1ad: {  	v0 =	vadd.f32 v0, v7;
	_ =	sdelay $0x1  }
0x1ae: {  	v1 =	vadd.f32 v1, v3;
	v0 =	vadd.f32 v2, v0  }
0x1af: {  	v2 =	vadd.f32 v9, v8  }
0x1b0: {  	v0 =	vadd.f32 v1, v0;
	_ =	sdelay $0x1  }
0x1b1: {  	v0 =	vadd.f32 v2, v0;
	_ =	sdelay $0x1  }
0x1b2: {  	[tilespmem:s14+$0xFFFFFFE0] =	vst v0  }
0x1b3: {  	v0 =	vld [tilespmem:s23+$0x128E0]  }
0x1b4: {  	v1 =	vld [tilespmem:s23+$0x12960]  }
0x1b5: {  	v2 =	vld [tilespmem:s23+$0x129E0]  }
0x1b6: {  	v3 =	vld [tilespmem:s23+$0x12A60]  }
0x1b7: {  	v4 =	vld [tilespmem:s23+$0x12AE0]  }
0x1b8: {  	v5 =	vld [tilespmem:s23+$0x12BE0]  }
0x1b9: {  	v6 =	vld [tilespmem:s23+$0x12C60];
	v0 =	vadd.f32 v1, v0  }
0x1ba: {  	v1 =	vld [tilespmem:s23+$0x12CE0]  }
0x1bb: {  	v7 =	vld [tilespmem:s23+$0x12D60];
	v2 =	vadd.f32 v3, v2;
	_ =	sdelay $0x3  }
0x1bc: {  	v3 =	vld [tilespmem:s23+$0x12B60]  }
0x1bd: {  	v1 =	vadd.f32 v7, v1;
	_ =	sdelay $0x3  }
0x1be: {  	v3 =	vadd.f32 v3, v4;
	v4 =	vadd.f32 v6, v5;
	_ =	sdelay $0x1  }
0x1bf: {  	v0 =	vadd.f32 v2, v0;
	v2 =	vadd.f32 v4, v3;
	_ =	sdelay $0x1  }
0x1c0: {  	v0 =	vadd.f32 v2, v0;
	_ =	sdelay $0x1  }
0x1c1: {  	v0 =	vadd.f32 v1, v0;
	_ =	sdelay $0x1  }
0x1c2: {  	[tilespmem:s14+$0xFFFFFFF0] =	vst v0  }
0x1c3: {  	v0 =	vld [tilespmem:s23+$0x128F0]  }
0x1c4: {  	v1 =	vld [tilespmem:s23+$0x12970]  }
0x1c5: {  	v2 =	vld [tilespmem:s23+$0x129F0]  }
0x1c6: {  	v3 =	vld [tilespmem:s23+$0x12AF0]  }
0x1c7: {  	v4 =	vld [tilespmem:s23+$0x12C70]  }
0x1c8: {  	v5 =	vld [tilespmem:s23+$0x12BF0]  }
0x1c9: {  	v6 =	vld [tilespmem:s23+$0x12B70];
	v0 =	vadd.f32 v1, v0  }
0x1ca: {  	v1 =	vld [tilespmem:s23+$0x12A70]  }
0x1cb: {  	v7 =	vld [tilespmem:s23+$0x12D70]  }
0x1cc: {  	v8 =	vld [tilespmem:s23+$0x12CF0]  }
0x1cd: {  	v4 =	vadd.f32 v4, v5  }
0x1ce: {  	v3 =	vadd.f32 v6, v3  }
0x1cf: {  	v1 =	vadd.f32 v1, v2  }
0x1d0: {  	v2 =	vadd.f32 v4, v3  }
0x1d1: {  	v0 =	vadd.f32 v1, v0;
	_ =	sdelay $0x1  }
0x1d2: {  	v1 =	vadd.f32 v7, v8;
	v0 =	vadd.f32 v2, v0;
	_ =	sdelay $0x1  }
0x1d3: {  	v0 =	vadd.f32 v1, v0;
	_ =	sdelay $0x1  }
0x1d4: {  	[tilespmem:s14+$0x0] =	vst v0;
	s14 =	smov.u32 s8  }
0x1d5: {  	s23 =	sshra.s32 s12, $0x2  }
0x1d6: {  	v0 =	vld [tilespmem:s23+$0x12C00]  }
0x1d7: {  	v1 =	vld [tilespmem:s23+$0x12A00]  }
0x1d8: {  	v2 =	vld [tilespmem:s23+$0x12B00]  }
0x1d9: {  	v3 =	vld [tilespmem:s23+$0x12980]  }
0x1da: {  	v4 =	vld [tilespmem:s23+$0x12880]  }
0x1db: {  	v5 =	vld [tilespmem:s23+$0x12B80]  }
0x1dc: {  	v6 =	vld [tilespmem:s23+$0x12A80]  }
0x1dd: {  	v7 =	vld [tilespmem:s23+$0x12900];
	_ =	sdelay $0x2  }
0x1de: {  	v1 =	vadd.f32 v1, v3;
	v8 =	vld [tilespmem:s23+$0x12D00];
	v0 =	vadd.f32 v0, v5  }
0x1df: {  	v3 =	vld [tilespmem:s23+$0x12C80];
	v2 =	vadd.f32 v2, v6  }
0x1e0: {  	v4 =	vadd.f32 v7, v4;
	_ =	sdelay $0x1  }
0x1e1: {  	v0 =	vadd.f32 v0, v2;
	v1 =	vadd.f32 v1, v4;
	_ =	sdelay $0x1  }
0x1e2: {  	v2 =	vadd.f32 v8, v3;
	v0 =	vadd.f32 v0, v1;
	_ =	sdelay $0x1  }
0x1e3: {  	v0 =	vadd.f32 v2, v0;
	_ =	sdelay $0x1  }
0x1e4: {  	[tilespmem:s8+$0xFFFFFF90] =	vst v0  }
0x1e5: {  	v0 =	vld [tilespmem:s23+$0x12C10]  }
0x1e6: {  	v1 =	vld [tilespmem:s23+$0x12910]  }
0x1e7: {  	v2 =	vld [tilespmem:s23+$0x12B90]  }
0x1e8: {  	v3 =	vld [tilespmem:s23+$0x12B10]  }
0x1e9: {  	v4 =	vld [tilespmem:s23+$0x12990]  }
0x1ea: {  	v5 =	vld [tilespmem:s23+$0x12A10]  }
0x1eb: {  	v6 =	vld [tilespmem:s23+$0x12A90]  }
0x1ec: {  	v7 =	vld [tilespmem:s23+$0x12890]  }
0x1ed: {  	v8 =	vld [tilespmem:s23+$0x12C90];
	_ =	sdelay $0x1  }
0x1ee: {  	v4 =	vadd.f32 v5, v4  }
0x1ef: {  	v0 =	vadd.f32 v0, v2;
	v5 =	vld [tilespmem:s23+$0x12D10];
	v3 =	vadd.f32 v3, v6  }
0x1f0: {  	v1 =	vadd.f32 v1, v7  }
0x1f1: {  	v0 =	vadd.f32 v0, v3  }
0x1f2: {  	v1 =	vadd.f32 v4, v1;
	_ =	sdelay $0x1  }
0x1f3: {  	v2 =	vadd.f32 v5, v8;
	v0 =	vadd.f32 v0, v1;
	_ =	sdelay $0x1  }
0x1f4: {  	v0 =	vadd.f32 v2, v0;
	_ =	sdelay $0x1  }
0x1f5: {  	[tilespmem:s8+$0xFFFFFFA0] =	vst v0  }
0x1f6: {  	v0 =	vld [tilespmem:s23+$0x12920]  }
0x1f7: {  	v1 =	vld [tilespmem:s23+$0x12AA0]  }
0x1f8: {  	v2 =	vld [tilespmem:s23+$0x12C20]  }
0x1f9: {  	v3 =	vld [tilespmem:s23+$0x128A0]  }
0x1fa: {  	v4 =	vld [tilespmem:s23+$0x129A0]  }
0x1fb: {  	v5 =	vld [tilespmem:s23+$0x12BA0]  }
0x1fc: {  	v6 =	vld [tilespmem:s23+$0x12B20]  }
0x1fd: {  	v7 =	vld [tilespmem:s23+$0x12A20]  }
0x1fe: {  	v8 =	vld [tilespmem:s23+$0x12CA0];
	v0 =	vadd.f32 v0, v3  }
0x1ff: {  	v3 =	vld [tilespmem:s23+$0x12D20]  }
0x200: {  	v2 =	vadd.f32 v2, v5  }
0x201: {  	v1 =	vadd.f32 v6, v1  }
0x202: {  	v4 =	vadd.f32 v7, v4  }
0x203: {  	v1 =	vadd.f32 v2, v1  }
0x204: {  	v0 =	vadd.f32 v4, v0;
	_ =	sdelay $0x1  }
0x205: {  	v2 =	vadd.f32 v3, v8;
	v0 =	vadd.f32 v1, v0;
	_ =	sdelay $0x1  }
0x206: {  	v0 =	vadd.f32 v2, v0;
	_ =	sdelay $0x1  }
0x207: {  	[tilespmem:s8+$0xFFFFFFB0] =	vst v0  }
0x208: {  	v0 =	vld [tilespmem:s23+$0x12C30]  }
0x209: {  	v1 =	vld [tilespmem:s23+$0x12B30]  }
0x20a: {  	v2 =	vld [tilespmem:s23+$0x12BB0]  }
0x20b: {  	v3 =	vld [tilespmem:s23+$0x12930]  }
0x20c: {  	v4 =	vld [tilespmem:s23+$0x129B0]  }
0x20d: {  	v5 =	vld [tilespmem:s23+$0x12AB0]  }
0x20e: {  	v6 =	vld [tilespmem:s23+$0x128B0]  }
0x20f: {  	v7 =	vld [tilespmem:s23+$0x12A30];
	v0 =	vadd.f32 v0, v2  }
0x210: {  	v2 =	vld [tilespmem:s23+$0x12CB0]  }
0x211: {  	v8 =	vld [tilespmem:s23+$0x12D30]  }
0x212: {  	v1 =	vadd.f32 v1, v5  }
0x213: {  	v3 =	vadd.f32 v3, v6  }
0x214: {  	v4 =	vadd.f32 v7, v4;
	v0 =	vadd.f32 v0, v1;
	_ =	sdelay $0x1  }
0x215: {  	v1 =	vadd.f32 v4, v3;
	_ =	sdelay $0x1  }
0x216: {  	v2 =	vadd.f32 v8, v2;
	v0 =	vadd.f32 v0, v1;
	_ =	sdelay $0x1  }
0x217: {  	v0 =	vadd.f32 v2, v0;
	_ =	sdelay $0x1  }
0x218: {  	[tilespmem:s8+$0xFFFFFFC0] =	vst v0  }
0x219: {  	v0 =	vld [tilespmem:s23+$0x12C40]  }
0x21a: {  	v1 =	vld [tilespmem:s23+$0x12BC0]  }
0x21b: {  	v2 =	vld [tilespmem:s23+$0x12B40]  }
0x21c: {  	v3 =	vld [tilespmem:s23+$0x129C0]  }
0x21d: {  	v4 =	vld [tilespmem:s23+$0x12AC0]  }
0x21e: {  	v5 =	vld [tilespmem:s23+$0x128C0]  }
0x21f: {  	v6 =	vld [tilespmem:s23+$0x12A40];
	v0 =	vadd.f32 v0, v1  }
0x220: {  	v1 =	vld [tilespmem:s23+$0x12940]  }
0x221: {  	v7 =	vld [tilespmem:s23+$0x12CC0]  }
0x222: {  	v8 =	vld [tilespmem:s23+$0x12D40];
	v2 =	vadd.f32 v2, v4;
	_ =	sdelay $0x1  }
0x223: {  	v3 =	vadd.f32 v6, v3;
	v0 =	vadd.f32 v0, v2  }
0x224: {  	v1 =	vadd.f32 v1, v5;
	_ =	sdelay $0x1  }
0x225: {  	v1 =	vadd.f32 v3, v1;
	_ =	sdelay $0x1  }
0x226: {  	v2 =	vadd.f32 v8, v7;
	v0 =	vadd.f32 v0, v1;
	_ =	sdelay $0x1  }
0x227: {  	v0 =	vadd.f32 v2, v0;
	_ =	sdelay $0x1  }
0x228: {  	[tilespmem:s8+$0xFFFFFFD0] =	vst v0  }
0x229: {  	v1 =	vld [tilespmem:s23+$0x12C50]  }
.Ltmp1:
0x22a: {  	v0 =	vld [tilespmem:s23+$0x12950];
	(pc) =	sbr.rel @p0 .LBB2_5-.Ltmp1, $4  }
0x22b: {  	v3 =	vld [tilespmem:s23+$0x12BD0]  }
0x22c: {  	v2 =	vld [tilespmem:s23+$0x12A50]  }
0x22d: {  	v4 =	vld [tilespmem:s23+$0x12B50]  }
0x22e: {  	v5 =	vld [tilespmem:s23+$0x12AD0]  }
0x22f: {  	v6 =	vld [tilespmem:s23+$0x129D0]  }
0x230: {  	v7 =	vld [tilespmem:s23+$0x128D0];
	_ =	sdelay $0x2  }
0x231: {  	v8 =	vld [tilespmem:s23+$0x12CD0]  }
0x232: {  	v9 =	vld [tilespmem:s23+$0x12D50];
	v1 =	vadd.f32 v1, v3;
	v41 =	vadd.f32 v4, v5  }
0x233: {  	v2 =	vadd.f32 v2, v6;
	v0 =	vadd.f32 v0, v7;
	_ =	sdelay $0x1  }
0x234: {  	v1 =	vadd.f32 v1, v41;
	v0 =	vadd.f32 v2, v0;
	_ =	sdelay $0x1  }
0x235: {  	v42 =	vadd.f32 v9, v8;
	v0 =	vadd.f32 v1, v0;
	_ =	sdelay $0x1  }
0x236: {  	v0 =	vadd.f32 v42, v0;
	_ =	sdelay $0x1  }
0x237: {  	[tilespmem:s14+$0xFFFFFFE0] =	vst v0  }
0x238: {  	v0 =	vld [tilespmem:s23+$0x128E0]  }
0x239: {  	v43 =	vld [tilespmem:s23+$0x12960]  }
0x23a: {  	v44 =	vld [tilespmem:s23+$0x129E0]  }
0x23b: {  	v45 =	vld [tilespmem:s23+$0x12A60]  }
0x23c: {  	v46 =	vld [tilespmem:s23+$0x12AE0]  }
0x23d: {  	v47 =	vld [tilespmem:s23+$0x12BE0]  }
0x23e: {  	v48 =	vld [tilespmem:s23+$0x12C60]  }
0x23f: {  	v49 =	vld [tilespmem:s23+$0x12B60];
	_ =	sdelay $0x2  }
0x240: {  	v50 =	vld [tilespmem:s23+$0x12CE0]  }
0x241: {  	v51 =	vld [tilespmem:s23+$0x12D60];
	v0 =	vadd.f32 v43, v0;
	v2 =	vadd.f32 v45, v44  }
0x242: {  	v52 =	vadd.f32 v49, v46;
	v53 =	vadd.f32 v48, v47;
	_ =	sdelay $0x1  }
0x243: {  	v0 =	vadd.f32 v2, v0;
	v54 =	vadd.f32 v53, v52;
	_ =	sdelay $0x1  }
0x244: {  	v1 =	vadd.f32 v51, v50;
	v0 =	vadd.f32 v54, v0;
	_ =	sdelay $0x1  }
0x245: {  	v0 =	vadd.f32 v1, v0;
	_ =	sdelay $0x1  }
0x246: {  	[tilespmem:s14+$0xFFFFFFF0] =	vst v0  }
0x247: {  	v0 =	vld [tilespmem:s23+$0x128F0]  }
0x248: {  	v55 =	vld [tilespmem:s23+$0x12970]  }
0x249: {  	v56 =	vld [tilespmem:s23+$0x129F0]  }
0x24a: {  	v57 =	vld [tilespmem:s23+$0x12AF0]  }
0x24b: {  	v58 =	vld [tilespmem:s23+$0x12C70]  }
0x24c: {  	v59 =	vld [tilespmem:s23+$0x12BF0]  }
0x24d: {  	v60 =	vld [tilespmem:s23+$0x12B70]  }
0x24e: {  	v61 =	vld [tilespmem:s23+$0x12A70];
	_ =	sdelay $0x2  }
0x24f: {  	v62 =	vld [tilespmem:s23+$0x12D70]  }
0x250: {  	v63 =	vld [tilespmem:s23+$0x12CF0];
	v0 =	vadd.f32 v55, v0;
	v4 =	vadd.f32 v58, v59  }
0x251: {  	v3 =	vadd.f32 v60, v57;
	v2 =	vadd.f32 v61, v56;
	_ =	sdelay $0x1  }
0x252: {  	v3 =	vadd.f32 v4, v3;
	v0 =	vadd.f32 v2, v0;
	_ =	sdelay $0x1  }
0x253: {  	v1 =	vadd.f32 v62, v63;
	v0 =	vadd.f32 v3, v0  }
0x254: {  	s20 =	sadd.s32 $0x1, s20  }
0x255: {  	s8 =	sadd.s32 s4, s22;
	p0 =	sne.s32 s20, s6;
	v0 =	vadd.f32 v1, v0  }
.Ltmp2:
0x256: {  	s8 =	sshll.u32 s8, $0x9;
	(pc) =	sbr.rel @p0 .LBB2_2-.Ltmp2, $4  }
0x257: {  	s9 =	sadd.s32 s5, s8;
	[tilespmem:s14+$0x0] =	vst v0  }
0x258: {  	[hbm4b:s9+s3] =	stream.linear.scatter [tilespmem:s24], [sflag:$0x4], $0x1000, $0x38;
	[tilespmem:$0x1E880] =	vst v63  }
0x259: {  	s8 =	sadd.s32 s7, s8  }
0x25a: {  	[hbm4b:s8+s3] =	stream.linear.scatter [tilespmem:s2], [sflag:$0x4], $0x1000, $0x38;
	[tilespmem:$0x1E880] =	vst v63  }
0x25b: {  	_ =	swait.ge [sflag:s0], $0x1000  }
0x25c: {  	[sflag:s0] =	ssyncset.done $0x0  }
0x25d: {  	[sflag:s0] =	ssyncadd.s32 $0xFFFFF000  }
0x25e: {  	_ =	swait.ge [sflag:s0], $0x1000  }
0x25f: {  	[sflag:s0] =	ssyncset.done $0x0  }
0x260: {  	[sflag:s0] =	ssyncadd.s32 $0xFFFFF000  }
0x261: {  	_ =	swait.ge [sflag:s18], $0x1000  }
0x262: {  	[sflag:s18] =	ssyncset.done $0x0  }
0x263: {  	[sflag:s18] =	ssyncadd.s32 $0xFFFFF000  }
0x264: {  	_ =	swait.ge [sflag:s18], $0x1000  }
0x265: {  	s19 =	sadd.s32 $0x1, s19;
	s8 =	rddreg [dreg:$0x6]  }
0x266: {  	p0 =	sne.s32 s19, s8  }
.Ltmp3:
0x267: {  	_ = 	snop;
	(pc) =	sbr.rel @p0 .LBB2_1-.Ltmp3, $3  }
0x268: {  	_ =	sdelay $0x1  }
0x269: {  	[sflag:s18] =	ssyncset.done $0x0  }
0x26a: {  	[sflag:s18] =	ssyncadd.s32 $0xFFFFF000  }
0x26b: {  	_ =	sfence.sel $0x180000  }
0x26c: {  	[bflag:$0x0] =	sbarrier.arrive $0xFFFF  }
0x26d: {  	_ =	strace $0x90000047  }
0x26e: {  	s0 =	stileid.u32;
	[bflag:$0x2] =	sbarrier.arrive $0xFFFF  }
0x26f: {  	p0 =	sne.s32 s0, $0x0;
	s0 =	rddreg [dreg:$0x3]  }
0x270: {  	s0 =	sadd.s32 @!p0 $0x100000, s0  }
0x271: {  	[sflag:s0] =	ssyncadd.tile.s32 @!p0 $0x1;
	_ =	shalt  }
.Lfunc_end2:
_tile_overlayer_lowered:
.L_overlay_start_2:
0x272: {  	(tag) =	ssettag $0x2  }
0x273: {  	s0 =	rddreg [dreg:$0x0];
	s2 =	stileid.u32  }
0x274: {  	s1 =	rddreg [dreg:$0x1];
	p0 =	sne.s32 s2, $0x0  }
0x275: {  	s3 =	rddreg [dreg:$0x2];
	[bflag:$0x3] =	sbarrier.arrive $0xFFFF;
	s2 =	simm.s32 @!p0 $0x1C05  }
0x276: {  	[timem:s3], [sflag:s2] =	dma.local @!p0 [hbm:s0], s1  }
0x277: {  	s0 =	simm.s32 @!p0 $0x5  }
0x278: {  	_ =	swait.ge @!p0 [sflag:s0], s1  }
0x279: {  	s1 =	ssub.s32 @!p0 $0x0, s1;
	[sflag:s0] =	ssyncset.done @!p0 $0x0  }
0x27a: {  	[sflag:s0] =	ssyncadd.s32 @!p0 s1  }
0x27b: {  	[bflag:$0x3] =	sbarrier.arrive $0xFFFF  }
0x27c: {  	_ =	shalt  }

</sc_bundles>
